<compile_context>
chip_gen: v7x
topology: tpu7x:2x2x1
jax: 0.10.2.dev20260603
libtpu: 0.0.44.dev20260713+nightly
codegen_flags: <defaults>
</compile_context>

<pallas_src>
import jax
import jax.numpy as jnp
from jax import lax
from jax.experimental import pallas as pl
from jax.experimental.pallas import tpu as pltpu, tpu_sc as plsc

N = 10000
D = 128
H = D // 2
E = 320000

NC = 2
NS = 16
NW = NC * NS

C = 125
NCH = E // NS // C
NBUF = 4
NIB = 8
NGRP = NCH // NIB
NPAD = 10240
RPT = NPAD // NS
CO = 128
NCO = RPT // CO

_mesh = plsc.VectorSubcoreMesh(
    core_axis_name="c", subcore_axis_name="s", num_cores=NC, num_subcores=NS
)


def _sc_agg_body(with_deg, *refs):
    if with_deg:
        (zs, srcr, dstr, zeros_a, zeros_d, ones_h, outp, outd,
         cbuf, acc, ones_v, dbuf, dacc) = refs[:13]
        rest = refs[13:]
    else:
        (zs, srcr, dstr, zeros_a, outp, cbuf, acc) = refs[:7]
        rest = refs[7:]
    sib = rest[:NIB]
    dib = rest[NIB:2 * NIB]
    rows = rest[2 * NIB:2 * NIB + NBUF]
    ssem = rest[2 * NIB + NBUF:3 * NIB + NBUF]
    dsem = rest[3 * NIB + NBUF:4 * NIB + NBUF]
    gsem = rest[4 * NIB + NBUF:]

    c = lax.axis_index("c")
    s = lax.axis_index("s")

    tbl = zs.at[pl.ds(c, 2 * N - 1)]
    srcs = srcr.at[s]
    dsts = dstr.at[s]
    for ib in range(NIB):
        pltpu.make_async_copy(srcs.at[ib], sib[ib], ssem[ib]).start()
        pltpu.make_async_copy(dsts.at[ib], dib[ib], dsem[ib]).start()
    for b in range(NBUF):
        pltpu.make_async_copy(srcs.at[b], sib[b], ssem[b]).wait()
        pltpu.make_async_copy(tbl.at[sib[b]], rows[b], gsem[b]).start()

    pltpu.sync_copy(zeros_a, cbuf)
    for t in range(NCO):
        pltpu.sync_copy(cbuf, acc.at[pl.ds(s * RPT + t * CO, CO)])
    if with_deg:
        pltpu.sync_copy(ones_h, ones_v)
        pltpu.sync_copy(zeros_d, dbuf)
        pltpu.sync_copy(dbuf, dacc.at[pl.ds(s * RPT, RPT)])
    plsc.subcore_barrier()

    def group(g, carry):
        for k in range(NIB):
            j = g * NIB + k
            b = k % NBUF
            pltpu.make_async_copy(
                tbl.at[sib[k]], rows[b], gsem[b]).wait()
            pltpu.make_async_copy(dsts.at[j], dib[k], dsem[k]).wait()
            pltpu.sync_copy(rows[b], acc.at[dib[k]], add=True)
            if with_deg:
                @pl.when(c == (k % 2))
                def _():
                    pltpu.sync_copy(ones_v, dacc.at[dib[k]], add=True)

            @pl.when(g < NGRP - 1)
            def _():
                pltpu.make_async_copy(
                    srcs.at[j + NIB], sib[k], ssem[k]).start()
                pltpu.make_async_copy(
                    dsts.at[j + NIB], dib[k], dsem[k]).start()

            kn = (k + NBUF) % NIB

            @pl.when(j + NBUF < NCH)
            def _():
                pltpu.make_async_copy(
                    srcs.at[j + NBUF], sib[kn], ssem[kn]).wait()
                pltpu.make_async_copy(
                    tbl.at[sib[kn]], rows[b], gsem[b]).start()
        return carry

    lax.fori_loop(0, NGRP, group, 0)
    plsc.subcore_barrier()

    for t in range(NCO):
        row0 = s * RPT + t * CO
        pltpu.sync_copy(acc.at[pl.ds(row0, CO)], cbuf)
        pltpu.sync_copy(cbuf, outp.at[pl.ds(row0, CO), pl.ds(c * H, H)])
    if with_deg:
        pltpu.sync_copy(dacc.at[pl.ds(s * RPT, RPT)], dbuf)
        pltpu.sync_copy(dbuf, outd.at[c, pl.ds(s * RPT, RPT)])


_ring_scratch = (
    [pltpu.VMEM((C,), jnp.int32)] * (2 * NIB)
    + [pltpu.VMEM((C, H), jnp.bfloat16)] * NBUF
    + [pltpu.SemaphoreType.DMA] * (2 * NIB + NBUF)
)

_common_scratch = [
    pltpu.VMEM((CO, H), jnp.bfloat16),
    pltpu.VMEM_SHARED((NPAD, H), jnp.bfloat16),
]


def _agg_deg_body(*refs):
    _sc_agg_body(True, *refs)


def _agg_body(*refs):
    _sc_agg_body(False, *refs)


_sc_params = pltpu.CompilerParams(use_tc_tiling_on_sc=False)


_agg_deg = pl.kernel(
    _agg_deg_body,
    compiler_params=_sc_params,
    out_type=[
        jax.ShapeDtypeStruct((NPAD, D), jnp.bfloat16),
        jax.ShapeDtypeStruct((NC, NPAD, 8), jnp.float32),
    ],
    mesh=_mesh,
    scratch_types=_common_scratch + [
        pltpu.VMEM((C, 8), jnp.float32),
        pltpu.VMEM((RPT, 8), jnp.float32),
        pltpu.VMEM_SHARED((NPAD, 8), jnp.float32),
    ] + _ring_scratch,
)

_agg = pl.kernel(
    _agg_body,
    compiler_params=_sc_params,
    out_type=jax.ShapeDtypeStruct((NPAD, D), jnp.bfloat16),
    mesh=_mesh,
    scratch_types=_common_scratch + _ring_scratch,
)


BR = 2000


def _dense_body(z_ref, p_ref, d0_ref, d1_ref, w_ref, *o_refs):
    deg = jnp.maximum((d0_ref[...] + d1_ref[...])[:, 0:1], 1.0)
    zn = p_ref[...].astype(jnp.float32) / deg
    zl = z_ref[...]
    wl = w_ref[:, :D]
    wr = w_ref[:, D:]
    dn = (((1,), (1,)), ((), ()))
    acc = lax.dot_general(zl, wl, dn, preferred_element_type=jnp.float32)
    acc = acc + lax.dot_general(zn, wr, dn, preferred_element_type=jnp.float32)
    h = jax.nn.sigmoid(acc)
    norm = jnp.sqrt(jnp.sum(h * h, axis=1, keepdims=True)) + 1e-12
    zout = h / norm
    o_refs[0][...] = zout
    if len(o_refs) > 1:
        o_refs[1][...] = zout.astype(jnp.bfloat16)


def _dense(z, p, d, W, bf_out):
    def body(z_ref, p_ref, d0_ref, d1_ref, w_ref, *o_refs):
        _dense_body(z_ref, p_ref, d0_ref.at[0], d1_ref.at[0], w_ref, *o_refs)

    out_specs = [pl.BlockSpec((BR, D), lambda i: (i, 0))]
    out_shape = [jax.ShapeDtypeStruct((N, D), jnp.float32)]
    if bf_out:
        out_specs.append(pl.BlockSpec((BR, D), lambda i: (i, 0)))
        out_shape.append(jax.ShapeDtypeStruct((N, D), jnp.bfloat16))
    return pl.pallas_call(
        body,
        grid=(N // BR,),
        in_specs=[
            pl.BlockSpec((BR, D), lambda i: (i, 0)),
            pl.BlockSpec((BR, D), lambda i: (i, 0)),
            pl.BlockSpec((1, BR, 8), lambda i: (0, i, 0)),
            pl.BlockSpec((1, BR, 8), lambda i: (1, i, 0)),
            pl.BlockSpec((D, 2 * D), lambda i: (0, 0)),
        ],
        out_specs=out_specs,
        out_shape=out_shape,
        compiler_params=pltpu.CompilerParams(
            dimension_semantics=("parallel",)),
    )(z, p, d, d, W)


@jax.jit
def kernel(x, edge_index, W1, W2):
    srcr = (edge_index[0].astype(jnp.int32) * 2).reshape(NS, NCH, C)
    dstr = edge_index[1].astype(jnp.int32).reshape(NS, NCH, C)
    zeros_a = jnp.zeros((CO, H), jnp.bfloat16)
    zeros_d = jnp.zeros((RPT, 8), jnp.float32)
    ones_h = jnp.ones((C, 8), jnp.float32)

    xflat = x.astype(jnp.bfloat16).reshape(2 * N, H)
    p, dp = _agg_deg(xflat, srcr, dstr, zeros_a, zeros_d, ones_h)
    z1, z1b = _dense(x, p, dp, W1, True)
    p2 = _agg(z1b.reshape(2 * N, H), srcr, dstr, zeros_a)
    (z2,) = _dense(z1, p2, dp, W2, False)
    return z2

# --- scband reference (transcript-rebuilt; emitter-appended) ---
"""Pipeline reference for scband-graph-sage-21981642621367 (READ-ONLY COPY).

The authoritative reference and input builder live on the scoring server;
editing this copy changes nothing except your own understanding.
"""

import jax, jax.numpy as jnp
import numpy as np

N_NODES = 10000
N_EDGES = 320000
D = 128


def setup_inputs(seed: int = 0) -> dict:
    key = jax.random.key(seed)
    k1, k2, k3, k4 = jax.random.split(key, 4)
    x = jax.random.normal(k1, (N_NODES, D), dtype=jnp.float32)
    edge_index = jax.random.randint(k2, (2, N_EDGES), 0, N_NODES, dtype=jnp.int64)
    # Xavier-ish init for W[k] of shape (D, 2D), matching init_param(D, 2*D)
    W1 = jax.random.normal(k3, (D, 2 * D), dtype=jnp.float32) * (1.0 / np.sqrt(2 * D))
    W2 = jax.random.normal(k4, (D, 2 * D), dtype=jnp.float32) * (1.0 / np.sqrt(2 * D))
    return {"x": x, "edge_index": edge_index, "W1": W1, "W2": W2}


def reference(x, edge_index, W1, W2):
    # GraphSAGE with mean aggregator, K=2 layers.
    # Per layer k: z_v = sigma(W_k @ concat(z_v, mean_{u in N(v)} z_u)); z_v /= ||z_v||
    src = edge_index[0]
    dst = edge_index[1]
    N = x.shape[0]
    ones = jnp.ones((src.shape[0],), dtype=x.dtype)
    deg = jax.ops.segment_sum(ones, dst, num_segments=N)
    deg = jnp.clip(deg, 1.0, None)[:, None]
    z = x
    for W in (W1, W2):
        gathered = jnp.take(z, src, axis=0)                      # gather (SparseCore)
        neigh_sum = jax.ops.segment_sum(gathered, dst, num_segments=N)  # scatter-add
        zn = neigh_sum / deg                                     # mean aggregation
        h = jax.nn.sigmoid(jnp.concatenate([z, zn], axis=1) @ W.T)
        norm = jnp.sqrt(jnp.sum(h * h, axis=1, keepdims=True)) + 1e-12
        z = h / norm
    return z

if __name__ == "__main__":
    import jax
    _d = setup_inputs()
    print(jax.jit(kernel)(*tuple(_d.values())))

</pallas_src>

<mosaic_0001>
#map = affine_map<(d0, d1) -> (0, 0)>
#map1 = affine_map<(d0, d1) -> (0, 0, 0)>
module attributes {stable_mosaic.version = 14 : i64} {
  func.func @_agg_deg_body(%arg0: i32, %arg1: i32, %arg2: memref<20000x64xbf16, #tpu.memory_space<hbm>>, %arg3: memref<16x160x125xi32, #tpu.memory_space<hbm>>, %arg4: memref<16x160x125xi32, #tpu.memory_space<hbm>>, %arg5: memref<128x64xbf16, #tpu.memory_space<hbm>>, %arg6: memref<640x8xf32, #tpu.memory_space<hbm>>, %arg7: memref<125x8xf32, #tpu.memory_space<hbm>>, %arg8: memref<10240x128xbf16, #tpu.memory_space<hbm>>, %arg9: memref<2x10240x8xf32, #tpu.memory_space<hbm>>, %arg10: memref<128x64xbf16, #tpu.memory_space<vmem>>, %arg11: memref<10240x64xbf16, #tpu.memory_space<vmem_shared>>, %arg12: memref<125x8xf32, #tpu.memory_space<vmem>>, %arg13: memref<640x8xf32, #tpu.memory_space<vmem>>, %arg14: memref<10240x8xf32, #tpu.memory_space<vmem_shared>>, %arg15: memref<125xi32, #tpu.memory_space<vmem>>, %arg16: memref<125xi32, #tpu.memory_space<vmem>>, %arg17: memref<125xi32, #tpu.memory_space<vmem>>, %arg18: memref<125xi32, #tpu.memory_space<vmem>>, %arg19: memref<125xi32, #tpu.memory_space<vmem>>, %arg20: memref<125xi32, #tpu.memory_space<vmem>>, %arg21: memref<125xi32, #tpu.memory_space<vmem>>, %arg22: memref<125xi32, #tpu.memory_space<vmem>>, %arg23: memref<125xi32, #tpu.memory_space<vmem>>, %arg24: memref<125xi32, #tpu.memory_space<vmem>>, %arg25: memref<125xi32, #tpu.memory_space<vmem>>, %arg26: memref<125xi32, #tpu.memory_space<vmem>>, %arg27: memref<125xi32, #tpu.memory_space<vmem>>, %arg28: memref<125xi32, #tpu.memory_space<vmem>>, %arg29: memref<125xi32, #tpu.memory_space<vmem>>, %arg30: memref<125xi32, #tpu.memory_space<vmem>>, %arg31: memref<125x64xbf16, #tpu.memory_space<vmem>>, %arg32: memref<125x64xbf16, #tpu.memory_space<vmem>>, %arg33: memref<125x64xbf16, #tpu.memory_space<vmem>>, %arg34: memref<125x64xbf16, #tpu.memory_space<vmem>>, %arg35: memref<!tpu.dma_semaphore, #tpu.memory_space<semaphore_mem>>, %arg36: memref<!tpu.dma_semaphore, #tpu.memory_space<semaphore_mem>>, %arg37: memref<!tpu.dma_semaphore, #tpu.memory_space<semaphore_mem>>, %arg38: memref<!tpu.dma_semaphore, #tpu.memory_space<semaphore_mem>>, %arg39: memref<!tpu.dma_semaphore, #tpu.memory_space<semaphore_mem>>, %arg40: memref<!tpu.dma_semaphore, #tpu.memory_space<semaphore_mem>>, %arg41: memref<!tpu.dma_semaphore, #tpu.memory_space<semaphore_mem>>, %arg42: memref<!tpu.dma_semaphore, #tpu.memory_space<semaphore_mem>>, %arg43: memref<!tpu.dma_semaphore, #tpu.memory_space<semaphore_mem>>, %arg44: memref<!tpu.dma_semaphore, #tpu.memory_space<semaphore_mem>>, %arg45: memref<!tpu.dma_semaphore, #tpu.memory_space<semaphore_mem>>, %arg46: memref<!tpu.dma_semaphore, #tpu.memory_space<semaphore_mem>>, %arg47: memref<!tpu.dma_semaphore, #tpu.memory_space<semaphore_mem>>, %arg48: memref<!tpu.dma_semaphore, #tpu.memory_space<semaphore_mem>>, %arg49: memref<!tpu.dma_semaphore, #tpu.memory_space<semaphore_mem>>, %arg50: memref<!tpu.dma_semaphore, #tpu.memory_space<semaphore_mem>>, %arg51: memref<!tpu.dma_semaphore, #tpu.memory_space<semaphore_mem>>, %arg52: memref<!tpu.dma_semaphore, #tpu.memory_space<semaphore_mem>>, %arg53: memref<!tpu.dma_semaphore, #tpu.memory_space<semaphore_mem>>, %arg54: memref<!tpu.dma_semaphore, #tpu.memory_space<semaphore_mem>>) attributes {dimension_semantics = [#tpu.dimension_semantics<core_parallel>, #tpu.dimension_semantics<subcore_parallel>], iteration_bounds = array<i64: 2, 16>, scalar_prefetch = 0 : i64, scratch_operands = 45 : i64, tpu.core_type = #tpu.core_type<sc_vector_subcore>, window_params = [{transform_indices = #map}, {transform_indices = #map1}, {transform_indices = #map1}, {transform_indices = #map}, {transform_indices = #map}, {transform_indices = #map}, {transform_indices = #map}, {transform_indices = #map1}]} {
    %dma_start3A = arith.constant 0 : i32
    %dma_start3A_0 = arith.constant 0 : i32
    %dma_start3A_1 = arith.constant 0 : i32
    %dma_start3A_2 = tpu.memref_slice %arg3[%arg1, %dma_start3A_0, %dma_start3A_1] : memref<16x160x125xi32, #tpu.memory_space<hbm>> -> memref<1x160x125xi32, #tpu.memory_space<hbm>>
    %dma_start3A_3 = tpu.memref_squeeze %dma_start3A_2 : memref<1x160x125xi32, #tpu.memory_space<hbm>> -> memref<160x125xi32, #tpu.memory_space<hbm>>
    %dma_start3A_4 = arith.constant 0 : i32
    %dma_start3A_5 = tpu.memref_slice %dma_start3A_3[%dma_start3A, %dma_start3A_4] : memref<160x125xi32, #tpu.memory_space<hbm>> -> memref<1x125xi32, #tpu.memory_space<hbm>>
    %dma_start3A_6 = tpu.memref_squeeze %dma_start3A_5 : memref<1x125xi32, #tpu.memory_space<hbm>> -> memref<125xi32, #tpu.memory_space<hbm>>
    %dma_start3A_7 = arith.constant 0 : i32
    %dma_start3A_8 = arith.constant 0 : i32
    %dma_start3A_9 = tpu.memref_slice %arg3[%arg1, %dma_start3A_7, %dma_start3A_8] : memref<16x160x125xi32, #tpu.memory_space<hbm>> -> memref<1x160x125xi32, #tpu.memory_space<hbm>>
    %dma_start3A_10 = tpu.memref_squeeze %dma_start3A_9 : memref<1x160x125xi32, #tpu.memory_space<hbm>> -> memref<160x125xi32, #tpu.memory_space<hbm>>
    %dma_start3A_11 = arith.constant 0 : i32
    %dma_start3A_12 = tpu.memref_slice %dma_start3A_10[%dma_start3A, %dma_start3A_11] : memref<160x125xi32, #tpu.memory_space<hbm>> -> memref<1x125xi32, #tpu.memory_space<hbm>>
    %dma_start3A_13 = tpu.memref_squeeze %dma_start3A_12 : memref<1x125xi32, #tpu.memory_space<hbm>> -> memref<125xi32, #tpu.memory_space<hbm>>
    tpu.enqueue_dma source(%dma_start3A_13 : memref<125xi32, #tpu.memory_space<hbm>>) target(%arg15 : memref<125xi32, #tpu.memory_space<vmem>>) target_semaphore(%arg35 : memref<!tpu.dma_semaphore, #tpu.memory_space<semaphore_mem>>)
    %dma_start3A_14 = arith.constant 0 : i32
    %dma_start3A_15 = arith.constant 0 : i32
    %dma_start3A_16 = arith.constant 0 : i32
    %dma_start3A_17 = tpu.memref_slice %arg4[%arg1, %dma_start3A_15, %dma_start3A_16] : memref<16x160x125xi32, #tpu.memory_space<hbm>> -> memref<1x160x125xi32, #tpu.memory_space<hbm>>
    %dma_start3A_18 = tpu.memref_squeeze %dma_start3A_17 : memref<1x160x125xi32, #tpu.memory_space<hbm>> -> memref<160x125xi32, #tpu.memory_space<hbm>>
    %dma_start3A_19 = arith.constant 0 : i32
    %dma_start3A_20 = tpu.memref_slice %dma_start3A_18[%dma_start3A_14, %dma_start3A_19] : memref<160x125xi32, #tpu.memory_space<hbm>> -> memref<1x125xi32, #tpu.memory_space<hbm>>
    %dma_start3A_21 = tpu.memref_squeeze %dma_start3A_20 : memref<1x125xi32, #tpu.memory_space<hbm>> -> memref<125xi32, #tpu.memory_space<hbm>>
    %dma_start3A_22 = arith.constant 0 : i32
    %dma_start3A_23 = arith.constant 0 : i32
    %dma_start3A_24 = tpu.memref_slice %arg4[%arg1, %dma_start3A_22, %dma_start3A_23] : memref<16x160x125xi32, #tpu.memory_space<hbm>> -> memref<1x160x125xi32, #tpu.memory_space<hbm>>
    %dma_start3A_25 = tpu.memref_squeeze %dma_start3A_24 : memref<1x160x125xi32, #tpu.memory_space<hbm>> -> memref<160x125xi32, #tpu.memory_space<hbm>>
    %dma_start3A_26 = arith.constant 0 : i32
    %dma_start3A_27 = tpu.memref_slice %dma_start3A_25[%dma_start3A_14, %dma_start3A_26] : memref<160x125xi32, #tpu.memory_space<hbm>> -> memref<1x125xi32, #tpu.memory_space<hbm>>
    %dma_start3A_28 = tpu.memref_squeeze %dma_start3A_27 : memref<1x125xi32, #tpu.memory_space<hbm>> -> memref<125xi32, #tpu.memory_space<hbm>>
    tpu.enqueue_dma source(%dma_start3A_28 : memref<125xi32, #tpu.memory_space<hbm>>) target(%arg23 : memref<125xi32, #tpu.memory_space<vmem>>) target_semaphore(%arg43 : memref<!tpu.dma_semaphore, #tpu.memory_space<semaphore_mem>>)
    %dma_start3A_29 = arith.constant 1 : i32
    %dma_start3A_30 = arith.constant 0 : i32
    %dma_start3A_31 = arith.constant 0 : i32
    %dma_start3A_32 = tpu.memref_slice %arg3[%arg1, %dma_start3A_30, %dma_start3A_31] : memref<16x160x125xi32, #tpu.memory_space<hbm>> -> memref<1x160x125xi32, #tpu.memory_space<hbm>>
    %dma_start3A_33 = tpu.memref_squeeze %dma_start3A_32 : memref<1x160x125xi32, #tpu.memory_space<hbm>> -> memref<160x125xi32, #tpu.memory_space<hbm>>
    %dma_start3A_34 = arith.constant 0 : i32
    %dma_start3A_35 = tpu.memref_slice %dma_start3A_33[%dma_start3A_29, %dma_start3A_34] : memref<160x125xi32, #tpu.memory_space<hbm>> -> memref<1x125xi32, #tpu.memory_space<hbm>>
    %dma_start3A_36 = tpu.memref_squeeze %dma_start3A_35 : memref<1x125xi32, #tpu.memory_space<hbm>> -> memref<125xi32, #tpu.memory_space<hbm>>
    %dma_start3A_37 = arith.constant 0 : i32
    %dma_start3A_38 = arith.constant 0 : i32
    %dma_start3A_39 = tpu.memref_slice %arg3[%arg1, %dma_start3A_37, %dma_start3A_38] : memref<16x160x125xi32, #tpu.memory_space<hbm>> -> memref<1x160x125xi32, #tpu.memory_space<hbm>>
    %dma_start3A_40 = tpu.memref_squeeze %dma_start3A_39 : memref<1x160x125xi32, #tpu.memory_space<hbm>> -> memref<160x125xi32, #tpu.memory_space<hbm>>
    %dma_start3A_41 = arith.constant 0 : i32
    %dma_start3A_42 = tpu.memref_slice %dma_start3A_40[%dma_start3A_29, %dma_start3A_41] : memref<160x125xi32, #tpu.memory_space<hbm>> -> memref<1x125xi32, #tpu.memory_space<hbm>>
    %dma_start3A_43 = tpu.memref_squeeze %dma_start3A_42 : memref<1x125xi32, #tpu.memory_space<hbm>> -> memref<125xi32, #tpu.memory_space<hbm>>
    tpu.enqueue_dma source(%dma_start3A_43 : memref<125xi32, #tpu.memory_space<hbm>>) target(%arg16 : memref<125xi32, #tpu.memory_space<vmem>>) target_semaphore(%arg36 : memref<!tpu.dma_semaphore, #tpu.memory_space<semaphore_mem>>)
    %dma_start3A_44 = arith.constant 1 : i32
    %dma_start3A_45 = arith.constant 0 : i32
    %dma_start3A_46 = arith.constant 0 : i32
    %dma_start3A_47 = tpu.memref_slice %arg4[%arg1, %dma_start3A_45, %dma_start3A_46] : memref<16x160x125xi32, #tpu.memory_space<hbm>> -> memref<1x160x125xi32, #tpu.memory_space<hbm>>
    %dma_start3A_48 = tpu.memref_squeeze %dma_start3A_47 : memref<1x160x125xi32, #tpu.memory_space<hbm>> -> memref<160x125xi32, #tpu.memory_space<hbm>>
    %dma_start3A_49 = arith.constant 0 : i32
    %dma_start3A_50 = tpu.memref_slice %dma_start3A_48[%dma_start3A_44, %dma_start3A_49] : memref<160x125xi32, #tpu.memory_space<hbm>> -> memref<1x125xi32, #tpu.memory_space<hbm>>
    %dma_start3A_51 = tpu.memref_squeeze %dma_start3A_50 : memref<1x125xi32, #tpu.memory_space<hbm>> -> memref<125xi32, #tpu.memory_space<hbm>>
    %dma_start3A_52 = arith.constant 0 : i32
    %dma_start3A_53 = arith.constant 0 : i32
    %dma_start3A_54 = tpu.memref_slice %arg4[%arg1, %dma_start3A_52, %dma_start3A_53] : memref<16x160x125xi32, #tpu.memory_space<hbm>> -> memref<1x160x125xi32, #tpu.memory_space<hbm>>
    %dma_start3A_55 = tpu.memref_squeeze %dma_start3A_54 : memref<1x160x125xi32, #tpu.memory_space<hbm>> -> memref<160x125xi32, #tpu.memory_space<hbm>>
    %dma_start3A_56 = arith.constant 0 : i32
    %dma_start3A_57 = tpu.memref_slice %dma_start3A_55[%dma_start3A_44, %dma_start3A_56] : memref<160x125xi32, #tpu.memory_space<hbm>> -> memref<1x125xi32, #tpu.memory_space<hbm>>
    %dma_start3A_58 = tpu.memref_squeeze %dma_start3A_57 : memref<1x125xi32, #tpu.memory_space<hbm>> -> memref<125xi32, #tpu.memory_space<hbm>>
    tpu.enqueue_dma source(%dma_start3A_58 : memref<125xi32, #tpu.memory_space<hbm>>) target(%arg24 : memref<125xi32, #tpu.memory_space<vmem>>) target_semaphore(%arg44 : memref<!tpu.dma_semaphore, #tpu.memory_space<semaphore_mem>>)
    %dma_start3A_59 = arith.constant 2 : i32
    %dma_start3A_60 = arith.constant 0 : i32
    %dma_start3A_61 = arith.constant 0 : i32
    %dma_start3A_62 = tpu.memref_slice %arg3[%arg1, %dma_start3A_60, %dma_start3A_61] : memref<16x160x125xi32, #tpu.memory_space<hbm>> -> memref<1x160x125xi32, #tpu.memory_space<hbm>>
    %dma_start3A_63 = tpu.memref_squeeze %dma_start3A_62 : memref<1x160x125xi32, #tpu.memory_space<hbm>> -> memref<160x125xi32, #tpu.memory_space<hbm>>
    %dma_start3A_64 = arith.constant 0 : i32
    %dma_start3A_65 = tpu.memref_slice %dma_start3A_63[%dma_start3A_59, %dma_start3A_64] : memref<160x125xi32, #tpu.memory_space<hbm>> -> memref<1x125xi32, #tpu.memory_space<hbm>>
    %dma_start3A_66 = tpu.memref_squeeze %dma_start3A_65 : memref<1x125xi32, #tpu.memory_space<hbm>> -> memref<125xi32, #tpu.memory_space<hbm>>
    %dma_start3A_67 = arith.constant 0 : i32
    %dma_start3A_68 = arith.constant 0 : i32
    %dma_start3A_69 = tpu.memref_slice %arg3[%arg1, %dma_start3A_67, %dma_start3A_68] : memref<16x160x125xi32, #tpu.memory_space<hbm>> -> memref<1x160x125xi32, #tpu.memory_space<hbm>>
    %dma_start3A_70 = tpu.memref_squeeze %dma_start3A_69 : memref<1x160x125xi32, #tpu.memory_space<hbm>> -> memref<160x125xi32, #tpu.memory_space<hbm>>
    %dma_start3A_71 = arith.constant 0 : i32
    %dma_start3A_72 = tpu.memref_slice %dma_start3A_70[%dma_start3A_59, %dma_start3A_71] : memref<160x125xi32, #tpu.memory_space<hbm>> -> memref<1x125xi32, #tpu.memory_space<hbm>>
    %dma_start3A_73 = tpu.memref_squeeze %dma_start3A_72 : memref<1x125xi32, #tpu.memory_space<hbm>> -> memref<125xi32, #tpu.memory_space<hbm>>
    tpu.enqueue_dma source(%dma_start3A_73 : memref<125xi32, #tpu.memory_space<hbm>>) target(%arg17 : memref<125xi32, #tpu.memory_space<vmem>>) target_semaphore(%arg37 : memref<!tpu.dma_semaphore, #tpu.memory_space<semaphore_mem>>)
    %dma_start3A_74 = arith.constant 2 : i32
    %dma_start3A_75 = arith.constant 0 : i32
    %dma_start3A_76 = arith.constant 0 : i32
    %dma_start3A_77 = tpu.memref_slice %arg4[%arg1, %dma_start3A_75, %dma_start3A_76] : memref<16x160x125xi32, #tpu.memory_space<hbm>> -> memref<1x160x125xi32, #tpu.memory_space<hbm>>
    %dma_start3A_78 = tpu.memref_squeeze %dma_start3A_77 : memref<1x160x125xi32, #tpu.memory_space<hbm>> -> memref<160x125xi32, #tpu.memory_space<hbm>>
    %dma_start3A_79 = arith.constant 0 : i32
    %dma_start3A_80 = tpu.memref_slice %dma_start3A_78[%dma_start3A_74, %dma_start3A_79] : memref<160x125xi32, #tpu.memory_space<hbm>> -> memref<1x125xi32, #tpu.memory_space<hbm>>
    %dma_start3A_81 = tpu.memref_squeeze %dma_start3A_80 : memref<1x125xi32, #tpu.memory_space<hbm>> -> memref<125xi32, #tpu.memory_space<hbm>>
    %dma_start3A_82 = arith.constant 0 : i32
    %dma_start3A_83 = arith.constant 0 : i32
    %dma_start3A_84 = tpu.memref_slice %arg4[%arg1, %dma_start3A_82, %dma_start3A_83] : memref<16x160x125xi32, #tpu.memory_space<hbm>> -> memref<1x160x125xi32, #tpu.memory_space<hbm>>
    %dma_start3A_85 = tpu.memref_squeeze %dma_start3A_84 : memref<1x160x125xi32, #tpu.memory_space<hbm>> -> memref<160x125xi32, #tpu.memory_space<hbm>>
    %dma_start3A_86 = arith.constant 0 : i32
    %dma_start3A_87 = tpu.memref_slice %dma_start3A_85[%dma_start3A_74, %dma_start3A_86] : memref<160x125xi32, #tpu.memory_space<hbm>> -> memref<1x125xi32, #tpu.memory_space<hbm>>
    %dma_start3A_88 = tpu.memref_squeeze %dma_start3A_87 : memref<1x125xi32, #tpu.memory_space<hbm>> -> memref<125xi32, #tpu.memory_space<hbm>>
    tpu.enqueue_dma source(%dma_start3A_88 : memref<125xi32, #tpu.memory_space<hbm>>) target(%arg25 : memref<125xi32, #tpu.memory_space<vmem>>) target_semaphore(%arg45 : memref<!tpu.dma_semaphore, #tpu.memory_space<semaphore_mem>>)
    %dma_start3A_89 = arith.constant 3 : i32
    %dma_start3A_90 = arith.constant 0 : i32
    %dma_start3A_91 = arith.constant 0 : i32
    %dma_start3A_92 = tpu.memref_slice %arg3[%arg1, %dma_start3A_90, %dma_start3A_91] : memref<16x160x125xi32, #tpu.memory_space<hbm>> -> memref<1x160x125xi32, #tpu.memory_space<hbm>>
    %dma_start3A_93 = tpu.memref_squeeze %dma_start3A_92 : memref<1x160x125xi32, #tpu.memory_space<hbm>> -> memref<160x125xi32, #tpu.memory_space<hbm>>
    %dma_start3A_94 = arith.constant 0 : i32
    %dma_start3A_95 = tpu.memref_slice %dma_start3A_93[%dma_start3A_89, %dma_start3A_94] : memref<160x125xi32, #tpu.memory_space<hbm>> -> memref<1x125xi32, #tpu.memory_space<hbm>>
    %dma_start3A_96 = tpu.memref_squeeze %dma_start3A_95 : memref<1x125xi32, #tpu.memory_space<hbm>> -> memref<125xi32, #tpu.memory_space<hbm>>
    %dma_start3A_97 = arith.constant 0 : i32
    %dma_start3A_98 = arith.constant 0 : i32
    %dma_start3A_99 = tpu.memref_slice %arg3[%arg1, %dma_start3A_97, %dma_start3A_98] : memref<16x160x125xi32, #tpu.memory_space<hbm>> -> memref<1x160x125xi32, #tpu.memory_space<hbm>>
    %dma_start3A_100 = tpu.memref_squeeze %dma_start3A_99 : memref<1x160x125xi32, #tpu.memory_space<hbm>> -> memref<160x125xi32, #tpu.memory_space<hbm>>
    %dma_start3A_101 = arith.constant 0 : i32
    %dma_start3A_102 = tpu.memref_slice %dma_start3A_100[%dma_start3A_89, %dma_start3A_101] : memref<160x125xi32, #tpu.memory_space<hbm>> -> memref<1x125xi32, #tpu.memory_space<hbm>>
    %dma_start3A_103 = tpu.memref_squeeze %dma_start3A_102 : memref<1x125xi32, #tpu.memory_space<hbm>> -> memref<125xi32, #tpu.memory_space<hbm>>
    tpu.enqueue_dma source(%dma_start3A_103 : memref<125xi32, #tpu.memory_space<hbm>>) target(%arg18 : memref<125xi32, #tpu.memory_space<vmem>>) target_semaphore(%arg38 : memref<!tpu.dma_semaphore, #tpu.memory_space<semaphore_mem>>)
    %dma_start3A_104 = arith.constant 3 : i32
    %dma_start3A_105 = arith.constant 0 : i32
    %dma_start3A_106 = arith.constant 0 : i32
    %dma_start3A_107 = tpu.memref_slice %arg4[%arg1, %dma_start3A_105, %dma_start3A_106] : memref<16x160x125xi32, #tpu.memory_space<hbm>> -> memref<1x160x125xi32, #tpu.memory_space<hbm>>
    %dma_start3A_108 = tpu.memref_squeeze %dma_start3A_107 : memref<1x160x125xi32, #tpu.memory_space<hbm>> -> memref<160x125xi32, #tpu.memory_space<hbm>>
    %dma_start3A_109 = arith.constant 0 : i32
    %dma_start3A_110 = tpu.memref_slice %dma_start3A_108[%dma_start3A_104, %dma_start3A_109] : memref<160x125xi32, #tpu.memory_space<hbm>> -> memref<1x125xi32, #tpu.memory_space<hbm>>
    %dma_start3A_111 = tpu.memref_squeeze %dma_start3A_110 : memref<1x125xi32, #tpu.memory_space<hbm>> -> memref<125xi32, #tpu.memory_space<hbm>>
    %dma_start3A_112 = arith.constant 0 : i32
    %dma_start3A_113 = arith.constant 0 : i32
    %dma_start3A_114 = tpu.memref_slice %arg4[%arg1, %dma_start3A_112, %dma_start3A_113] : memref<16x160x125xi32, #tpu.memory_space<hbm>> -> memref<1x160x125xi32, #tpu.memory_space<hbm>>
    %dma_start3A_115 = tpu.memref_squeeze %dma_start3A_114 : memref<1x160x125xi32, #tpu.memory_space<hbm>> -> memref<160x125xi32, #tpu.memory_space<hbm>>
    %dma_start3A_116 = arith.constant 0 : i32
    %dma_start3A_117 = tpu.memref_slice %dma_start3A_115[%dma_start3A_104, %dma_start3A_116] : memref<160x125xi32, #tpu.memory_space<hbm>> -> memref<1x125xi32, #tpu.memory_space<hbm>>
    %dma_start3A_118 = tpu.memref_squeeze %dma_start3A_117 : memref<1x125xi32, #tpu.memory_space<hbm>> -> memref<125xi32, #tpu.memory_space<hbm>>
    tpu.enqueue_dma source(%dma_start3A_118 : memref<125xi32, #tpu.memory_space<hbm>>) target(%arg26 : memref<125xi32, #tpu.memory_space<vmem>>) target_semaphore(%arg46 : memref<!tpu.dma_semaphore, #tpu.memory_space<semaphore_mem>>)
    %dma_start3A_119 = arith.constant 4 : i32
    %dma_start3A_120 = arith.constant 0 : i32
    %dma_start3A_121 = arith.constant 0 : i32
    %dma_start3A_122 = tpu.memref_slice %arg3[%arg1, %dma_start3A_120, %dma_start3A_121] : memref<16x160x125xi32, #tpu.memory_space<hbm>> -> memref<1x160x125xi32, #tpu.memory_space<hbm>>
    %dma_start3A_123 = tpu.memref_squeeze %dma_start3A_122 : memref<1x160x125xi32, #tpu.memory_space<hbm>> -> memref<160x125xi32, #tpu.memory_space<hbm>>
    %dma_start3A_124 = arith.constant 0 : i32
    %dma_start3A_125 = tpu.memref_slice %dma_start3A_123[%dma_start3A_119, %dma_start3A_124] : memref<160x125xi32, #tpu.memory_space<hbm>> -> memref<1x125xi32, #tpu.memory_space<hbm>>
    %dma_start3A_126 = tpu.memref_squeeze %dma_start3A_125 : memref<1x125xi32, #tpu.memory_space<hbm>> -> memref<125xi32, #tpu.memory_space<hbm>>
    %dma_start3A_127 = arith.constant 0 : i32
    %dma_start3A_128 = arith.constant 0 : i32
    %dma_start3A_129 = tpu.memref_slice %arg3[%arg1, %dma_start3A_127, %dma_start3A_128] : memref<16x160x125xi32, #tpu.memory_space<hbm>> -> memref<1x160x125xi32, #tpu.memory_space<hbm>>
    %dma_start3A_130 = tpu.memref_squeeze %dma_start3A_129 : memref<1x160x125xi32, #tpu.memory_space<hbm>> -> memref<160x125xi32, #tpu.memory_space<hbm>>
    %dma_start3A_131 = arith.constant 0 : i32
    %dma_start3A_132 = tpu.memref_slice %dma_start3A_130[%dma_start3A_119, %dma_start3A_131] : memref<160x125xi32, #tpu.memory_space<hbm>> -> memref<1x125xi32, #tpu.memory_space<hbm>>
    %dma_start3A_133 = tpu.memref_squeeze %dma_start3A_132 : memref<1x125xi32, #tpu.memory_space<hbm>> -> memref<125xi32, #tpu.memory_space<hbm>>
    tpu.enqueue_dma source(%dma_start3A_133 : memref<125xi32, #tpu.memory_space<hbm>>) target(%arg19 : memref<125xi32, #tpu.memory_space<vmem>>) target_semaphore(%arg39 : memref<!tpu.dma_semaphore, #tpu.memory_space<semaphore_mem>>)
    %dma_start3A_134 = arith.constant 4 : i32
    %dma_start3A_135 = arith.constant 0 : i32
    %dma_start3A_136 = arith.constant 0 : i32
    %dma_start3A_137 = tpu.memref_slice %arg4[%arg1, %dma_start3A_135, %dma_start3A_136] : memref<16x160x125xi32, #tpu.memory_space<hbm>> -> memref<1x160x125xi32, #tpu.memory_space<hbm>>
    %dma_start3A_138 = tpu.memref_squeeze %dma_start3A_137 : memref<1x160x125xi32, #tpu.memory_space<hbm>> -> memref<160x125xi32, #tpu.memory_space<hbm>>
    %dma_start3A_139 = arith.constant 0 : i32
    %dma_start3A_140 = tpu.memref_slice %dma_start3A_138[%dma_start3A_134, %dma_start3A_139] : memref<160x125xi32, #tpu.memory_space<hbm>> -> memref<1x125xi32, #tpu.memory_space<hbm>>
    %dma_start3A_141 = tpu.memref_squeeze %dma_start3A_140 : memref<1x125xi32, #tpu.memory_space<hbm>> -> memref<125xi32, #tpu.memory_space<hbm>>
    %dma_start3A_142 = arith.constant 0 : i32
    %dma_start3A_143 = arith.constant 0 : i32
    %dma_start3A_144 = tpu.memref_slice %arg4[%arg1, %dma_start3A_142, %dma_start3A_143] : memref<16x160x125xi32, #tpu.memory_space<hbm>> -> memref<1x160x125xi32, #tpu.memory_space<hbm>>
    %dma_start3A_145 = tpu.memref_squeeze %dma_start3A_144 : memref<1x160x125xi32, #tpu.memory_space<hbm>> -> memref<160x125xi32, #tpu.memory_space<hbm>>
    %dma_start3A_146 = arith.constant 0 : i32
    %dma_start3A_147 = tpu.memref_slice %dma_start3A_145[%dma_start3A_134, %dma_start3A_146] : memref<160x125xi32, #tpu.memory_space<hbm>> -> memref<1x125xi32, #tpu.memory_space<hbm>>
    %dma_start3A_148 = tpu.memref_squeeze %dma_start3A_147 : memref<1x125xi32, #tpu.memory_space<hbm>> -> memref<125xi32, #tpu.memory_space<hbm>>
    tpu.enqueue_dma source(%dma_start3A_148 : memref<125xi32, #tpu.memory_space<hbm>>) target(%arg27 : memref<125xi32, #tpu.memory_space<vmem>>) target_semaphore(%arg47 : memref<!tpu.dma_semaphore, #tpu.memory_space<semaphore_mem>>)
    %dma_start3A_149 = arith.constant 5 : i32
    %dma_start3A_150 = arith.constant 0 : i32
    %dma_start3A_151 = arith.constant 0 : i32
    %dma_start3A_152 = tpu.memref_slice %arg3[%arg1, %dma_start3A_150, %dma_start3A_151] : memref<16x160x125xi32, #tpu.memory_space<hbm>> -> memref<1x160x125xi32, #tpu.memory_space<hbm>>
    %dma_start3A_153 = tpu.memref_squeeze %dma_start3A_152 : memref<1x160x125xi32, #tpu.memory_space<hbm>> -> memref<160x125xi32, #tpu.memory_space<hbm>>
    %dma_start3A_154 = arith.constant 0 : i32
    %dma_start3A_155 = tpu.memref_slice %dma_start3A_153[%dma_start3A_149, %dma_start3A_154] : memref<160x125xi32, #tpu.memory_space<hbm>> -> memref<1x125xi32, #tpu.memory_space<hbm>>
    %dma_start3A_156 = tpu.memref_squeeze %dma_start3A_155 : memref<1x125xi32, #tpu.memory_space<hbm>> -> memref<125xi32, #tpu.memory_space<hbm>>
    %dma_start3A_157 = arith.constant 0 : i32
    %dma_start3A_158 = arith.constant 0 : i32
    %dma_start3A_159 = tpu.memref_slice %arg3[%arg1, %dma_start3A_157, %dma_start3A_158] : memref<16x160x125xi32, #tpu.memory_space<hbm>> -> memref<1x160x125xi32, #tpu.memory_space<hbm>>
    %dma_start3A_160 = tpu.memref_squeeze %dma_start3A_159 : memref<1x160x125xi32, #tpu.memory_space<hbm>> -> memref<160x125xi32, #tpu.memory_space<hbm>>
    %dma_start3A_161 = arith.constant 0 : i32
    %dma_start3A_162 = tpu.memref_slice %dma_start3A_160[%dma_start3A_149, %dma_start3A_161] : memref<160x125xi32, #tpu.memory_space<hbm>> -> memref<1x125xi32, #tpu.memory_space<hbm>>
    %dma_start3A_163 = tpu.memref_squeeze %dma_start3A_162 : memref<1x125xi32, #tpu.memory_space<hbm>> -> memref<125xi32, #tpu.memory_space<hbm>>
    tpu.enqueue_dma source(%dma_start3A_163 : memref<125xi32, #tpu.memory_space<hbm>>) target(%arg20 : memref<125xi32, #tpu.memory_space<vmem>>) target_semaphore(%arg40 : memref<!tpu.dma_semaphore, #tpu.memory_space<semaphore_mem>>)
    %dma_start3A_164 = arith.constant 5 : i32
    %dma_start3A_165 = arith.constant 0 : i32
    %dma_start3A_166 = arith.constant 0 : i32
    %dma_start3A_167 = tpu.memref_slice %arg4[%arg1, %dma_start3A_165, %dma_start3A_166] : memref<16x160x125xi32, #tpu.memory_space<hbm>> -> memref<1x160x125xi32, #tpu.memory_space<hbm>>
    %dma_start3A_168 = tpu.memref_squeeze %dma_start3A_167 : memref<1x160x125xi32, #tpu.memory_space<hbm>> -> memref<160x125xi32, #tpu.memory_space<hbm>>
    %dma_start3A_169 = arith.constant 0 : i32
    %dma_start3A_170 = tpu.memref_slice %dma_start3A_168[%dma_start3A_164, %dma_start3A_169] : memref<160x125xi32, #tpu.memory_space<hbm>> -> memref<1x125xi32, #tpu.memory_space<hbm>>
    %dma_start3A_171 = tpu.memref_squeeze %dma_start3A_170 : memref<1x125xi32, #tpu.memory_space<hbm>> -> memref<125xi32, #tpu.memory_space<hbm>>
    %dma_start3A_172 = arith.constant 0 : i32
    %dma_start3A_173 = arith.constant 0 : i32
    %dma_start3A_174 = tpu.memref_slice %arg4[%arg1, %dma_start3A_172, %dma_start3A_173] : memref<16x160x125xi32, #tpu.memory_space<hbm>> -> memref<1x160x125xi32, #tpu.memory_space<hbm>>
    %dma_start3A_175 = tpu.memref_squeeze %dma_start3A_174 : memref<1x160x125xi32, #tpu.memory_space<hbm>> -> memref<160x125xi32, #tpu.memory_space<hbm>>
    %dma_start3A_176 = arith.constant 0 : i32
    %dma_start3A_177 = tpu.memref_slice %dma_start3A_175[%dma_start3A_164, %dma_start3A_176] : memref<160x125xi32, #tpu.memory_space<hbm>> -> memref<1x125xi32, #tpu.memory_space<hbm>>
    %dma_start3A_178 = tpu.memref_squeeze %dma_start3A_177 : memref<1x125xi32, #tpu.memory_space<hbm>> -> memref<125xi32, #tpu.memory_space<hbm>>
    tpu.enqueue_dma source(%dma_start3A_178 : memref<125xi32, #tpu.memory_space<hbm>>) target(%arg28 : memref<125xi32, #tpu.memory_space<vmem>>) target_semaphore(%arg48 : memref<!tpu.dma_semaphore, #tpu.memory_space<semaphore_mem>>)
    %dma_start3A_179 = arith.constant 6 : i32
    %dma_start3A_180 = arith.constant 0 : i32
    %dma_start3A_181 = arith.constant 0 : i32
    %dma_start3A_182 = tpu.memref_slice %arg3[%arg1, %dma_start3A_180, %dma_start3A_181] : memref<16x160x125xi32, #tpu.memory_space<hbm>> -> memref<1x160x125xi32, #tpu.memory_space<hbm>>
    %dma_start3A_183 = tpu.memref_squeeze %dma_start3A_182 : memref<1x160x125xi32, #tpu.memory_space<hbm>> -> memref<160x125xi32, #tpu.memory_space<hbm>>
    %dma_start3A_184 = arith.constant 0 : i32
    %dma_start3A_185 = tpu.memref_slice %dma_start3A_183[%dma_start3A_179, %dma_start3A_184] : memref<160x125xi32, #tpu.memory_space<hbm>> -> memref<1x125xi32, #tpu.memory_space<hbm>>
    %dma_start3A_186 = tpu.memref_squeeze %dma_start3A_185 : memref<1x125xi32, #tpu.memory_space<hbm>> -> memref<125xi32, #tpu.memory_space<hbm>>
    %dma_start3A_187 = arith.constant 0 : i32
    %dma_start3A_188 = arith.constant 0 : i32
    %dma_start3A_189 = tpu.memref_slice %arg3[%arg1, %dma_start3A_187, %dma_start3A_188] : memref<16x160x125xi32, #tpu.memory_space<hbm>> -> memref<1x160x125xi32, #tpu.memory_space<hbm>>
    %dma_start3A_190 = tpu.memref_squeeze %dma_start3A_189 : memref<1x160x125xi32, #tpu.memory_space<hbm>> -> memref<160x125xi32, #tpu.memory_space<hbm>>
    %dma_start3A_191 = arith.constant 0 : i32
    %dma_start3A_192 = tpu.memref_slice %dma_start3A_190[%dma_start3A_179, %dma_start3A_191] : memref<160x125xi32, #tpu.memory_space<hbm>> -> memref<1x125xi32, #tpu.memory_space<hbm>>
    %dma_start3A_193 = tpu.memref_squeeze %dma_start3A_192 : memref<1x125xi32, #tpu.memory_space<hbm>> -> memref<125xi32, #tpu.memory_space<hbm>>
    tpu.enqueue_dma source(%dma_start3A_193 : memref<125xi32, #tpu.memory_space<hbm>>) target(%arg21 : memref<125xi32, #tpu.memory_space<vmem>>) target_semaphore(%arg41 : memref<!tpu.dma_semaphore, #tpu.memory_space<semaphore_mem>>)
    %dma_start3A_194 = arith.constant 6 : i32
    %dma_start3A_195 = arith.constant 0 : i32
    %dma_start3A_196 = arith.constant 0 : i32
    %dma_start3A_197 = tpu.memref_slice %arg4[%arg1, %dma_start3A_195, %dma_start3A_196] : memref<16x160x125xi32, #tpu.memory_space<hbm>> -> memref<1x160x125xi32, #tpu.memory_space<hbm>>
    %dma_start3A_198 = tpu.memref_squeeze %dma_start3A_197 : memref<1x160x125xi32, #tpu.memory_space<hbm>> -> memref<160x125xi32, #tpu.memory_space<hbm>>
    %dma_start3A_199 = arith.constant 0 : i32
    %dma_start3A_200 = tpu.memref_slice %dma_start3A_198[%dma_start3A_194, %dma_start3A_199] : memref<160x125xi32, #tpu.memory_space<hbm>> -> memref<1x125xi32, #tpu.memory_space<hbm>>
    %dma_start3A_201 = tpu.memref_squeeze %dma_start3A_200 : memref<1x125xi32, #tpu.memory_space<hbm>> -> memref<125xi32, #tpu.memory_space<hbm>>
    %dma_start3A_202 = arith.constant 0 : i32
    %dma_start3A_203 = arith.constant 0 : i32
    %dma_start3A_204 = tpu.memref_slice %arg4[%arg1, %dma_start3A_202, %dma_start3A_203] : memref<16x160x125xi32, #tpu.memory_space<hbm>> -> memref<1x160x125xi32, #tpu.memory_space<hbm>>
    %dma_start3A_205 = tpu.memref_squeeze %dma_start3A_204 : memref<1x160x125xi32, #tpu.memory_space<hbm>> -> memref<160x125xi32, #tpu.memory_space<hbm>>
    %dma_start3A_206 = arith.constant 0 : i32
    %dma_start3A_207 = tpu.memref_slice %dma_start3A_205[%dma_start3A_194, %dma_start3A_206] : memref<160x125xi32, #tpu.memory_space<hbm>> -> memref<1x125xi32, #tpu.memory_space<hbm>>
    %dma_start3A_208 = tpu.memref_squeeze %dma_start3A_207 : memref<1x125xi32, #tpu.memory_space<hbm>> -> memref<125xi32, #tpu.memory_space<hbm>>
    tpu.enqueue_dma source(%dma_start3A_208 : memref<125xi32, #tpu.memory_space<hbm>>) target(%arg29 : memref<125xi32, #tpu.memory_space<vmem>>) target_semaphore(%arg49 : memref<!tpu.dma_semaphore, #tpu.memory_space<semaphore_mem>>)
    %dma_start3A_209 = arith.constant 7 : i32
    %dma_start3A_210 = arith.constant 0 : i32
    %dma_start3A_211 = arith.constant 0 : i32
    %dma_start3A_212 = tpu.memref_slice %arg3[%arg1, %dma_start3A_210, %dma_start3A_211] : memref<16x160x125xi32, #tpu.memory_space<hbm>> -> memref<1x160x125xi32, #tpu.memory_space<hbm>>
    %dma_start3A_213 = tpu.memref_squeeze %dma_start3A_212 : memref<1x160x125xi32, #tpu.memory_space<hbm>> -> memref<160x125xi32, #tpu.memory_space<hbm>>
    %dma_start3A_214 = arith.constant 0 : i32
    %dma_start3A_215 = tpu.memref_slice %dma_start3A_213[%dma_start3A_209, %dma_start3A_214] : memref<160x125xi32, #tpu.memory_space<hbm>> -> memref<1x125xi32, #tpu.memory_space<hbm>>
    %dma_start3A_216 = tpu.memref_squeeze %dma_start3A_215 : memref<1x125xi32, #tpu.memory_space<hbm>> -> memref<125xi32, #tpu.memory_space<hbm>>
    %dma_start3A_217 = arith.constant 0 : i32
    %dma_start3A_218 = arith.constant 0 : i32
    %dma_start3A_219 = tpu.memref_slice %arg3[%arg1, %dma_start3A_217, %dma_start3A_218] : memref<16x160x125xi32, #tpu.memory_space<hbm>> -> memref<1x160x125xi32, #tpu.memory_space<hbm>>
    %dma_start3A_220 = tpu.memref_squeeze %dma_start3A_219 : memref<1x160x125xi32, #tpu.memory_space<hbm>> -> memref<160x125xi32, #tpu.memory_space<hbm>>
    %dma_start3A_221 = arith.constant 0 : i32
    %dma_start3A_222 = tpu.memref_slice %dma_start3A_220[%dma_start3A_209, %dma_start3A_221] : memref<160x125xi32, #tpu.memory_space<hbm>> -> memref<1x125xi32, #tpu.memory_space<hbm>>
    %dma_start3A_223 = tpu.memref_squeeze %dma_start3A_222 : memref<1x125xi32, #tpu.memory_space<hbm>> -> memref<125xi32, #tpu.memory_space<hbm>>
    tpu.enqueue_dma source(%dma_start3A_223 : memref<125xi32, #tpu.memory_space<hbm>>) target(%arg22 : memref<125xi32, #tpu.memory_space<vmem>>) target_semaphore(%arg42 : memref<!tpu.dma_semaphore, #tpu.memory_space<semaphore_mem>>)
    %dma_start3A_224 = arith.constant 7 : i32
    %dma_start3A_225 = arith.constant 0 : i32
    %dma_start3A_226 = arith.constant 0 : i32
    %dma_start3A_227 = tpu.memref_slice %arg4[%arg1, %dma_start3A_225, %dma_start3A_226] : memref<16x160x125xi32, #tpu.memory_space<hbm>> -> memref<1x160x125xi32, #tpu.memory_space<hbm>>
    %dma_start3A_228 = tpu.memref_squeeze %dma_start3A_227 : memref<1x160x125xi32, #tpu.memory_space<hbm>> -> memref<160x125xi32, #tpu.memory_space<hbm>>
    %dma_start3A_229 = arith.constant 0 : i32
    %dma_start3A_230 = tpu.memref_slice %dma_start3A_228[%dma_start3A_224, %dma_start3A_229] : memref<160x125xi32, #tpu.memory_space<hbm>> -> memref<1x125xi32, #tpu.memory_space<hbm>>
    %dma_start3A_231 = tpu.memref_squeeze %dma_start3A_230 : memref<1x125xi32, #tpu.memory_space<hbm>> -> memref<125xi32, #tpu.memory_space<hbm>>
    %dma_start3A_232 = arith.constant 0 : i32
    %dma_start3A_233 = arith.constant 0 : i32
    %dma_start3A_234 = tpu.memref_slice %arg4[%arg1, %dma_start3A_232, %dma_start3A_233] : memref<16x160x125xi32, #tpu.memory_space<hbm>> -> memref<1x160x125xi32, #tpu.memory_space<hbm>>
    %dma_start3A_235 = tpu.memref_squeeze %dma_start3A_234 : memref<1x160x125xi32, #tpu.memory_space<hbm>> -> memref<160x125xi32, #tpu.memory_space<hbm>>
    %dma_start3A_236 = arith.constant 0 : i32
    %dma_start3A_237 = tpu.memref_slice %dma_start3A_235[%dma_start3A_224, %dma_start3A_236] : memref<160x125xi32, #tpu.memory_space<hbm>> -> memref<1x125xi32, #tpu.memory_space<hbm>>
    %dma_start3A_238 = tpu.memref_squeeze %dma_start3A_237 : memref<1x125xi32, #tpu.memory_space<hbm>> -> memref<125xi32, #tpu.memory_space<hbm>>
    tpu.enqueue_dma source(%dma_start3A_238 : memref<125xi32, #tpu.memory_space<hbm>>) target(%arg30 : memref<125xi32, #tpu.memory_space<vmem>>) target_semaphore(%arg50 : memref<!tpu.dma_semaphore, #tpu.memory_space<semaphore_mem>>)
    %dma_wait3A = arith.constant 0 : i32
    %dma_wait3A_239 = arith.constant 0 : i32
    %dma_wait3A_240 = arith.constant 0 : i32
    %dma_wait3A_241 = tpu.memref_slice %arg3[%arg1, %dma_wait3A_239, %dma_wait3A_240] : memref<16x160x125xi32, #tpu.memory_space<hbm>> -> memref<1x160x125xi32, #tpu.memory_space<hbm>>
    %dma_wait3A_242 = tpu.memref_squeeze %dma_wait3A_241 : memref<1x160x125xi32, #tpu.memory_space<hbm>> -> memref<160x125xi32, #tpu.memory_space<hbm>>
    %dma_wait3A_243 = arith.constant 0 : i32
    %dma_wait3A_244 = tpu.memref_slice %dma_wait3A_242[%dma_wait3A, %dma_wait3A_243] : memref<160x125xi32, #tpu.memory_space<hbm>> -> memref<1x125xi32, #tpu.memory_space<hbm>>
    %dma_wait3A_245 = tpu.memref_squeeze %dma_wait3A_244 : memref<1x125xi32, #tpu.memory_space<hbm>> -> memref<125xi32, #tpu.memory_space<hbm>>
    %dma_wait3A_246 = arith.constant 0 : i32
    %dma_wait3A_247 = arith.constant 0 : i32
    %dma_wait3A_248 = tpu.memref_slice %arg3[%arg1, %dma_wait3A_246, %dma_wait3A_247] : memref<16x160x125xi32, #tpu.memory_space<hbm>> -> memref<1x160x125xi32, #tpu.memory_space<hbm>>
    %dma_wait3A_249 = tpu.memref_squeeze %dma_wait3A_248 : memref<1x160x125xi32, #tpu.memory_space<hbm>> -> memref<160x125xi32, #tpu.memory_space<hbm>>
    %dma_wait3A_250 = arith.constant 0 : i32
    %dma_wait3A_251 = tpu.memref_slice %dma_wait3A_249[%dma_wait3A, %dma_wait3A_250] : memref<160x125xi32, #tpu.memory_space<hbm>> -> memref<1x125xi32, #tpu.memory_space<hbm>>
    %dma_wait3A_252 = tpu.memref_squeeze %dma_wait3A_251 : memref<1x125xi32, #tpu.memory_space<hbm>> -> memref<125xi32, #tpu.memory_space<hbm>>
    tpu.wait_dma2 semaphore(%arg35 : memref<!tpu.dma_semaphore, #tpu.memory_space<semaphore_mem>>) src(%dma_wait3A_252 : memref<125xi32, #tpu.memory_space<hbm>>) dst(%arg15 : memref<125xi32, #tpu.memory_space<vmem>>)
    %dma_start3A_253 = arith.constant 0 : i32
    %dma_start3A_254 = tpu.memref_slice %arg2[%arg0, %dma_start3A_253] : memref<20000x64xbf16, #tpu.memory_space<hbm>> -> memref<19999x64xbf16, #tpu.memory_space<hbm>>
    %dma_start3A_255 = arith.constant 0 : i32
    %dma_start3A_256 = arith.constant 0 : i32
    %dma_start3A_257 = tpu.memref_slice %dma_start3A_254[%dma_start3A_255, %dma_start3A_256] : memref<19999x64xbf16, #tpu.memory_space<hbm>> -> memref<19999x64xbf16, #tpu.memory_space<hbm>>
    tpu.enqueue_indirect_dma source(%dma_start3A_257 : memref<19999x64xbf16, #tpu.memory_space<hbm>>) target(%arg31 : memref<125x64xbf16, #tpu.memory_space<vmem>>) offsets(%arg15 : memref<125xi32, #tpu.memory_space<vmem>>) semaphore(%arg51 : memref<!tpu.dma_semaphore, #tpu.memory_space<semaphore_mem>>)
    %dma_wait3A_258 = arith.constant 1 : i32
    %dma_wait3A_259 = arith.constant 0 : i32
    %dma_wait3A_260 = arith.constant 0 : i32
    %dma_wait3A_261 = tpu.memref_slice %arg3[%arg1, %dma_wait3A_259, %dma_wait3A_260] : memref<16x160x125xi32, #tpu.memory_space<hbm>> -> memref<1x160x125xi32, #tpu.memory_space<hbm>>
    %dma_wait3A_262 = tpu.memref_squeeze %dma_wait3A_261 : memref<1x160x125xi32, #tpu.memory_space<hbm>> -> memref<160x125xi32, #tpu.memory_space<hbm>>
    %dma_wait3A_263 = arith.constant 0 : i32
    %dma_wait3A_264 = tpu.memref_slice %dma_wait3A_262[%dma_wait3A_258, %dma_wait3A_263] : memref<160x125xi32, #tpu.memory_space<hbm>> -> memref<1x125xi32, #tpu.memory_space<hbm>>
    %dma_wait3A_265 = tpu.memref_squeeze %dma_wait3A_264 : memref<1x125xi32, #tpu.memory_space<hbm>> -> memref<125xi32, #tpu.memory_space<hbm>>
    %dma_wait3A_266 = arith.constant 0 : i32
    %dma_wait3A_267 = arith.constant 0 : i32
    %dma_wait3A_268 = tpu.memref_slice %arg3[%arg1, %dma_wait3A_266, %dma_wait3A_267] : memref<16x160x125xi32, #tpu.memory_space<hbm>> -> memref<1x160x125xi32, #tpu.memory_space<hbm>>
    %dma_wait3A_269 = tpu.memref_squeeze %dma_wait3A_268 : memref<1x160x125xi32, #tpu.memory_space<hbm>> -> memref<160x125xi32, #tpu.memory_space<hbm>>
    %dma_wait3A_270 = arith.constant 0 : i32
    %dma_wait3A_271 = tpu.memref_slice %dma_wait3A_269[%dma_wait3A_258, %dma_wait3A_270] : memref<160x125xi32, #tpu.memory_space<hbm>> -> memref<1x125xi32, #tpu.memory_space<hbm>>
    %dma_wait3A_272 = tpu.memref_squeeze %dma_wait3A_271 : memref<1x125xi32, #tpu.memory_space<hbm>> -> memref<125xi32, #tpu.memory_space<hbm>>
    tpu.wait_dma2 semaphore(%arg36 : memref<!tpu.dma_semaphore, #tpu.memory_space<semaphore_mem>>) src(%dma_wait3A_272 : memref<125xi32, #tpu.memory_space<hbm>>) dst(%arg16 : memref<125xi32, #tpu.memory_space<vmem>>)
    %dma_start3A_273 = arith.constant 0 : i32
    %dma_start3A_274 = tpu.memref_slice %arg2[%arg0, %dma_start3A_273] : memref<20000x64xbf16, #tpu.memory_space<hbm>> -> memref<19999x64xbf16, #tpu.memory_space<hbm>>
    %dma_start3A_275 = arith.constant 0 : i32
    %dma_start3A_276 = arith.constant 0 : i32
    %dma_start3A_277 = tpu.memref_slice %dma_start3A_274[%dma_start3A_275, %dma_start3A_276] : memref<19999x64xbf16, #tpu.memory_space<hbm>> -> memref<19999x64xbf16, #tpu.memory_space<hbm>>
    tpu.enqueue_indirect_dma source(%dma_start3A_277 : memref<19999x64xbf16, #tpu.memory_space<hbm>>) target(%arg32 : memref<125x64xbf16, #tpu.memory_space<vmem>>) offsets(%arg16 : memref<125xi32, #tpu.memory_space<vmem>>) semaphore(%arg52 : memref<!tpu.dma_semaphore, #tpu.memory_space<semaphore_mem>>)
    %dma_wait3A_278 = arith.constant 2 : i32
    %dma_wait3A_279 = arith.constant 0 : i32
    %dma_wait3A_280 = arith.constant 0 : i32
    %dma_wait3A_281 = tpu.memref_slice %arg3[%arg1, %dma_wait3A_279, %dma_wait3A_280] : memref<16x160x125xi32, #tpu.memory_space<hbm>> -> memref<1x160x125xi32, #tpu.memory_space<hbm>>
    %dma_wait3A_282 = tpu.memref_squeeze %dma_wait3A_281 : memref<1x160x125xi32, #tpu.memory_space<hbm>> -> memref<160x125xi32, #tpu.memory_space<hbm>>
    %dma_wait3A_283 = arith.constant 0 : i32
    %dma_wait3A_284 = tpu.memref_slice %dma_wait3A_282[%dma_wait3A_278, %dma_wait3A_283] : memref<160x125xi32, #tpu.memory_space<hbm>> -> memref<1x125xi32, #tpu.memory_space<hbm>>
    %dma_wait3A_285 = tpu.memref_squeeze %dma_wait3A_284 : memref<1x125xi32, #tpu.memory_space<hbm>> -> memref<125xi32, #tpu.memory_space<hbm>>
    %dma_wait3A_286 = arith.constant 0 : i32
    %dma_wait3A_287 = arith.constant 0 : i32
    %dma_wait3A_288 = tpu.memref_slice %arg3[%arg1, %dma_wait3A_286, %dma_wait3A_287] : memref<16x160x125xi32, #tpu.memory_space<hbm>> -> memref<1x160x125xi32, #tpu.memory_space<hbm>>
    %dma_wait3A_289 = tpu.memref_squeeze %dma_wait3A_288 : memref<1x160x125xi32, #tpu.memory_space<hbm>> -> memref<160x125xi32, #tpu.memory_space<hbm>>
    %dma_wait3A_290 = arith.constant 0 : i32
    %dma_wait3A_291 = tpu.memref_slice %dma_wait3A_289[%dma_wait3A_278, %dma_wait3A_290] : memref<160x125xi32, #tpu.memory_space<hbm>> -> memref<1x125xi32, #tpu.memory_space<hbm>>
    %dma_wait3A_292 = tpu.memref_squeeze %dma_wait3A_291 : memref<1x125xi32, #tpu.memory_space<hbm>> -> memref<125xi32, #tpu.memory_space<hbm>>
    tpu.wait_dma2 semaphore(%arg37 : memref<!tpu.dma_semaphore, #tpu.memory_space<semaphore_mem>>) src(%dma_wait3A_292 : memref<125xi32, #tpu.memory_space<hbm>>) dst(%arg17 : memref<125xi32, #tpu.memory_space<vmem>>)
    %dma_start3A_293 = arith.constant 0 : i32
    %dma_start3A_294 = tpu.memref_slice %arg2[%arg0, %dma_start3A_293] : memref<20000x64xbf16, #tpu.memory_space<hbm>> -> memref<19999x64xbf16, #tpu.memory_space<hbm>>
    %dma_start3A_295 = arith.constant 0 : i32
    %dma_start3A_296 = arith.constant 0 : i32
    %dma_start3A_297 = tpu.memref_slice %dma_start3A_294[%dma_start3A_295, %dma_start3A_296] : memref<19999x64xbf16, #tpu.memory_space<hbm>> -> memref<19999x64xbf16, #tpu.memory_space<hbm>>
    tpu.enqueue_indirect_dma source(%dma_start3A_297 : memref<19999x64xbf16, #tpu.memory_space<hbm>>) target(%arg33 : memref<125x64xbf16, #tpu.memory_space<vmem>>) offsets(%arg17 : memref<125xi32, #tpu.memory_space<vmem>>) semaphore(%arg53 : memref<!tpu.dma_semaphore, #tpu.memory_space<semaphore_mem>>)
    %dma_wait3A_298 = arith.constant 3 : i32
    %dma_wait3A_299 = arith.constant 0 : i32
    %dma_wait3A_300 = arith.constant 0 : i32
    %dma_wait3A_301 = tpu.memref_slice %arg3[%arg1, %dma_wait3A_299, %dma_wait3A_300] : memref<16x160x125xi32, #tpu.memory_space<hbm>> -> memref<1x160x125xi32, #tpu.memory_space<hbm>>
    %dma_wait3A_302 = tpu.memref_squeeze %dma_wait3A_301 : memref<1x160x125xi32, #tpu.memory_space<hbm>> -> memref<160x125xi32, #tpu.memory_space<hbm>>
    %dma_wait3A_303 = arith.constant 0 : i32
    %dma_wait3A_304 = tpu.memref_slice %dma_wait3A_302[%dma_wait3A_298, %dma_wait3A_303] : memref<160x125xi32, #tpu.memory_space<hbm>> -> memref<1x125xi32, #tpu.memory_space<hbm>>
    %dma_wait3A_305 = tpu.memref_squeeze %dma_wait3A_304 : memref<1x125xi32, #tpu.memory_space<hbm>> -> memref<125xi32, #tpu.memory_space<hbm>>
    %dma_wait3A_306 = arith.constant 0 : i32
    %dma_wait3A_307 = arith.constant 0 : i32
    %dma_wait3A_308 = tpu.memref_slice %arg3[%arg1, %dma_wait3A_306, %dma_wait3A_307] : memref<16x160x125xi32, #tpu.memory_space<hbm>> -> memref<1x160x125xi32, #tpu.memory_space<hbm>>
    %dma_wait3A_309 = tpu.memref_squeeze %dma_wait3A_308 : memref<1x160x125xi32, #tpu.memory_space<hbm>> -> memref<160x125xi32, #tpu.memory_space<hbm>>
    %dma_wait3A_310 = arith.constant 0 : i32
    %dma_wait3A_311 = tpu.memref_slice %dma_wait3A_309[%dma_wait3A_298, %dma_wait3A_310] : memref<160x125xi32, #tpu.memory_space<hbm>> -> memref<1x125xi32, #tpu.memory_space<hbm>>
    %dma_wait3A_312 = tpu.memref_squeeze %dma_wait3A_311 : memref<1x125xi32, #tpu.memory_space<hbm>> -> memref<125xi32, #tpu.memory_space<hbm>>
    tpu.wait_dma2 semaphore(%arg38 : memref<!tpu.dma_semaphore, #tpu.memory_space<semaphore_mem>>) src(%dma_wait3A_312 : memref<125xi32, #tpu.memory_space<hbm>>) dst(%arg18 : memref<125xi32, #tpu.memory_space<vmem>>)
    %dma_start3A_313 = arith.constant 0 : i32
    %dma_start3A_314 = tpu.memref_slice %arg2[%arg0, %dma_start3A_313] : memref<20000x64xbf16, #tpu.memory_space<hbm>> -> memref<19999x64xbf16, #tpu.memory_space<hbm>>
    %dma_start3A_315 = arith.constant 0 : i32
    %dma_start3A_316 = arith.constant 0 : i32
    %dma_start3A_317 = tpu.memref_slice %dma_start3A_314[%dma_start3A_315, %dma_start3A_316] : memref<19999x64xbf16, #tpu.memory_space<hbm>> -> memref<19999x64xbf16, #tpu.memory_space<hbm>>
    tpu.enqueue_indirect_dma source(%dma_start3A_317 : memref<19999x64xbf16, #tpu.memory_space<hbm>>) target(%arg34 : memref<125x64xbf16, #tpu.memory_space<vmem>>) offsets(%arg18 : memref<125xi32, #tpu.memory_space<vmem>>) semaphore(%arg54 : memref<!tpu.dma_semaphore, #tpu.memory_space<semaphore_mem>>)
    "tpu.region"() ({
      %run_scoped3A = tpu.sem_alloc : memref<!tpu.dma_semaphore, #tpu.memory_space<semaphore_mem>>
      tpu.enqueue_dma source(%arg5 : memref<128x64xbf16, #tpu.memory_space<hbm>>) target(%arg10 : memref<128x64xbf16, #tpu.memory_space<vmem>>) target_semaphore(%run_scoped3A : memref<!tpu.dma_semaphore, #tpu.memory_space<semaphore_mem>>)
      tpu.wait_dma2 semaphore(%run_scoped3A : memref<!tpu.dma_semaphore, #tpu.memory_space<semaphore_mem>>) src(%arg5 : memref<128x64xbf16, #tpu.memory_space<hbm>>) dst(%arg10 : memref<128x64xbf16, #tpu.memory_space<vmem>>)
      tpu.yield
    }) : () -> ()
    %mul3A = arith.constant 640 : i32
    %mul3A_318 = arith.muli %arg1, %mul3A : i32
    %add3A = arith.constant 0 : i32
    %add3A_319 = arith.addi %mul3A_318, %add3A : i32
    "tpu.region"() ({
      %run_scoped3A = tpu.sem_alloc : memref<!tpu.dma_semaphore, #tpu.memory_space<semaphore_mem>>
      %dma_start3A_378 = arith.constant 0 : i32
      %dma_start3A_379 = tpu.memref_slice %arg11[%add3A_319, %dma_start3A_378] : memref<10240x64xbf16, #tpu.memory_space<vmem_shared>> -> memref<128x64xbf16, #tpu.memory_space<vmem_shared>>
      %dma_start3A_380 = arith.constant 0 : i32
      %dma_start3A_381 = tpu.memref_slice %arg11[%add3A_319, %dma_start3A_380] : memref<10240x64xbf16, #tpu.memory_space<vmem_shared>> -> memref<128x64xbf16, #tpu.memory_space<vmem_shared>>
      tpu.enqueue_dma source(%arg10 : memref<128x64xbf16, #tpu.memory_space<vmem>>) target(%dma_start3A_381 : memref<128x64xbf16, #tpu.memory_space<vmem_shared>>) target_semaphore(%run_scoped3A : memref<!tpu.dma_semaphore, #tpu.memory_space<semaphore_mem>>)
      %dma_wait3A_382 = arith.constant 0 : i32
      %dma_wait3A_383 = tpu.memref_slice %arg11[%add3A_319, %dma_wait3A_382] : memref<10240x64xbf16, #tpu.memory_space<vmem_shared>> -> memref<128x64xbf16, #tpu.memory_space<vmem_shared>>
      %dma_wait3A_384 = arith.constant 0 : i32
      %dma_wait3A_385 = tpu.memref_slice %arg11[%add3A_319, %dma_wait3A_384] : memref<10240x64xbf16, #tpu.memory_space<vmem_shared>> -> memref<128x64xbf16, #tpu.memory_space<vmem_shared>>
      tpu.wait_dma2 semaphore(%run_scoped3A : memref<!tpu.dma_semaphore, #tpu.memory_space<semaphore_mem>>) src(%arg10 : memref<128x64xbf16, #tpu.memory_space<vmem>>) dst(%dma_wait3A_385 : memref<128x64xbf16, #tpu.memory_space<vmem_shared>>)
      tpu.yield
    }) : () -> ()
    %mul3A_320 = arith.constant 640 : i32
    %mul3A_321 = arith.muli %arg1, %mul3A_320 : i32
    %add3A_322 = arith.constant 128 : i32
    %add3A_323 = arith.addi %mul3A_321, %add3A_322 : i32
    "tpu.region"() ({
      %run_scoped3A = tpu.sem_alloc : memref<!tpu.dma_semaphore, #tpu.memory_space<semaphore_mem>>
      %dma_start3A_378 = arith.constant 0 : i32
      %dma_start3A_379 = tpu.memref_slice %arg11[%add3A_323, %dma_start3A_378] : memref<10240x64xbf16, #tpu.memory_space<vmem_shared>> -> memref<128x64xbf16, #tpu.memory_space<vmem_shared>>
      %dma_start3A_380 = arith.constant 0 : i32
      %dma_start3A_381 = tpu.memref_slice %arg11[%add3A_323, %dma_start3A_380] : memref<10240x64xbf16, #tpu.memory_space<vmem_shared>> -> memref<128x64xbf16, #tpu.memory_space<vmem_shared>>
      tpu.enqueue_dma source(%arg10 : memref<128x64xbf16, #tpu.memory_space<vmem>>) target(%dma_start3A_381 : memref<128x64xbf16, #tpu.memory_space<vmem_shared>>) target_semaphore(%run_scoped3A : memref<!tpu.dma_semaphore, #tpu.memory_space<semaphore_mem>>)
      %dma_wait3A_382 = arith.constant 0 : i32
      %dma_wait3A_383 = tpu.memref_slice %arg11[%add3A_323, %dma_wait3A_382] : memref<10240x64xbf16, #tpu.memory_space<vmem_shared>> -> memref<128x64xbf16, #tpu.memory_space<vmem_shared>>
      %dma_wait3A_384 = arith.constant 0 : i32
      %dma_wait3A_385 = tpu.memref_slice %arg11[%add3A_323, %dma_wait3A_384] : memref<10240x64xbf16, #tpu.memory_space<vmem_shared>> -> memref<128x64xbf16, #tpu.memory_space<vmem_shared>>
      tpu.wait_dma2 semaphore(%run_scoped3A : memref<!tpu.dma_semaphore, #tpu.memory_space<semaphore_mem>>) src(%arg10 : memref<128x64xbf16, #tpu.memory_space<vmem>>) dst(%dma_wait3A_385 : memref<128x64xbf16, #tpu.memory_space<vmem_shared>>)
      tpu.yield
    }) : () -> ()
    %mul3A_324 = arith.constant 640 : i32
    %mul3A_325 = arith.muli %arg1, %mul3A_324 : i32
    %add3A_326 = arith.constant 256 : i32
    %add3A_327 = arith.addi %mul3A_325, %add3A_326 : i32
    "tpu.region"() ({
      %run_scoped3A = tpu.sem_alloc : memref<!tpu.dma_semaphore, #tpu.memory_space<semaphore_mem>>
      %dma_start3A_378 = arith.constant 0 : i32
      %dma_start3A_379 = tpu.memref_slice %arg11[%add3A_327, %dma_start3A_378] : memref<10240x64xbf16, #tpu.memory_space<vmem_shared>> -> memref<128x64xbf16, #tpu.memory_space<vmem_shared>>
      %dma_start3A_380 = arith.constant 0 : i32
      %dma_start3A_381 = tpu.memref_slice %arg11[%add3A_327, %dma_start3A_380] : memref<10240x64xbf16, #tpu.memory_space<vmem_shared>> -> memref<128x64xbf16, #tpu.memory_space<vmem_shared>>
      tpu.enqueue_dma source(%arg10 : memref<128x64xbf16, #tpu.memory_space<vmem>>) target(%dma_start3A_381 : memref<128x64xbf16, #tpu.memory_space<vmem_shared>>) target_semaphore(%run_scoped3A : memref<!tpu.dma_semaphore, #tpu.memory_space<semaphore_mem>>)
      %dma_wait3A_382 = arith.constant 0 : i32
      %dma_wait3A_383 = tpu.memref_slice %arg11[%add3A_327, %dma_wait3A_382] : memref<10240x64xbf16, #tpu.memory_space<vmem_shared>> -> memref<128x64xbf16, #tpu.memory_space<vmem_shared>>
      %dma_wait3A_384 = arith.constant 0 : i32
      %dma_wait3A_385 = tpu.memref_slice %arg11[%add3A_327, %dma_wait3A_384] : memref<10240x64xbf16, #tpu.memory_space<vmem_shared>> -> memref<128x64xbf16, #tpu.memory_space<vmem_shared>>
      tpu.wait_dma2 semaphore(%run_scoped3A : memref<!tpu.dma_semaphore, #tpu.memory_space<semaphore_mem>>) src(%arg10 : memref<128x64xbf16, #tpu.memory_space<vmem>>) dst(%dma_wait3A_385 : memref<128x64xbf16, #tpu.memory_space<vmem_shared>>)
      tpu.yield
    }) : () -> ()
    %mul3A_328 = arith.constant 640 : i32
    %mul3A_329 = arith.muli %arg1, %mul3A_328 : i32
    %add3A_330 = arith.constant 384 : i32
    %add3A_331 = arith.addi %mul3A_329, %add3A_330 : i32
    "tpu.region"() ({
      %run_scoped3A = tpu.sem_alloc : memref<!tpu.dma_semaphore, #tpu.memory_space<semaphore_mem>>
      %dma_start3A_378 = arith.constant 0 : i32
      %dma_start3A_379 = tpu.memref_slice %arg11[%add3A_331, %dma_start3A_378] : memref<10240x64xbf16, #tpu.memory_space<vmem_shared>> -> memref<128x64xbf16, #tpu.memory_space<vmem_shared>>
      %dma_start3A_380 = arith.constant 0 : i32
      %dma_start3A_381 = tpu.memref_slice %arg11[%add3A_331, %dma_start3A_380] : memref<10240x64xbf16, #tpu.memory_space<vmem_shared>> -> memref<128x64xbf16, #tpu.memory_space<vmem_shared>>
      tpu.enqueue_dma source(%arg10 : memref<128x64xbf16, #tpu.memory_space<vmem>>) target(%dma_start3A_381 : memref<128x64xbf16, #tpu.memory_space<vmem_shared>>) target_semaphore(%run_scoped3A : memref<!tpu.dma_semaphore, #tpu.memory_space<semaphore_mem>>)
      %dma_wait3A_382 = arith.constant 0 : i32
      %dma_wait3A_383 = tpu.memref_slice %arg11[%add3A_331, %dma_wait3A_382] : memref<10240x64xbf16, #tpu.memory_space<vmem_shared>> -> memref<128x64xbf16, #tpu.memory_space<vmem_shared>>
      %dma_wait3A_384 = arith.constant 0 : i32
      %dma_wait3A_385 = tpu.memref_slice %arg11[%add3A_331, %dma_wait3A_384] : memref<10240x64xbf16, #tpu.memory_space<vmem_shared>> -> memref<128x64xbf16, #tpu.memory_space<vmem_shared>>
      tpu.wait_dma2 semaphore(%run_scoped3A : memref<!tpu.dma_semaphore, #tpu.memory_space<semaphore_mem>>) src(%arg10 : memref<128x64xbf16, #tpu.memory_space<vmem>>) dst(%dma_wait3A_385 : memref<128x64xbf16, #tpu.memory_space<vmem_shared>>)
      tpu.yield
    }) : () -> ()
    %mul3A_332 = arith.constant 640 : i32
    %mul3A_333 = arith.muli %arg1, %mul3A_332 : i32
    %add3A_334 = arith.constant 512 : i32
    %add3A_335 = arith.addi %mul3A_333, %add3A_334 : i32
    "tpu.region"() ({
      %run_scoped3A = tpu.sem_alloc : memref<!tpu.dma_semaphore, #tpu.memory_space<semaphore_mem>>
      %dma_start3A_378 = arith.constant 0 : i32
      %dma_start3A_379 = tpu.memref_slice %arg11[%add3A_335, %dma_start3A_378] : memref<10240x64xbf16, #tpu.memory_space<vmem_shared>> -> memref<128x64xbf16, #tpu.memory_space<vmem_shared>>
      %dma_start3A_380 = arith.constant 0 : i32
      %dma_start3A_381 = tpu.memref_slice %arg11[%add3A_335, %dma_start3A_380] : memref<10240x64xbf16, #tpu.memory_space<vmem_shared>> -> memref<128x64xbf16, #tpu.memory_space<vmem_shared>>
      tpu.enqueue_dma source(%arg10 : memref<128x64xbf16, #tpu.memory_space<vmem>>) target(%dma_start3A_381 : memref<128x64xbf16, #tpu.memory_space<vmem_shared>>) target_semaphore(%run_scoped3A : memref<!tpu.dma_semaphore, #tpu.memory_space<semaphore_mem>>)
      %dma_wait3A_382 = arith.constant 0 : i32
      %dma_wait3A_383 = tpu.memref_slice %arg11[%add3A_335, %dma_wait3A_382] : memref<10240x64xbf16, #tpu.memory_space<vmem_shared>> -> memref<128x64xbf16, #tpu.memory_space<vmem_shared>>
      %dma_wait3A_384 = arith.constant 0 : i32
      %dma_wait3A_385 = tpu.memref_slice %arg11[%add3A_335, %dma_wait3A_384] : memref<10240x64xbf16, #tpu.memory_space<vmem_shared>> -> memref<128x64xbf16, #tpu.memory_space<vmem_shared>>
      tpu.wait_dma2 semaphore(%run_scoped3A : memref<!tpu.dma_semaphore, #tpu.memory_space<semaphore_mem>>) src(%arg10 : memref<128x64xbf16, #tpu.memory_space<vmem>>) dst(%dma_wait3A_385 : memref<128x64xbf16, #tpu.memory_space<vmem_shared>>)
      tpu.yield
    }) : () -> ()
    "tpu.region"() ({
      %run_scoped3A = tpu.sem_alloc : memref<!tpu.dma_semaphore, #tpu.memory_space<semaphore_mem>>
      tpu.enqueue_dma source(%arg7 : memref<125x8xf32, #tpu.memory_space<hbm>>) target(%arg12 : memref<125x8xf32, #tpu.memory_space<vmem>>) target_semaphore(%run_scoped3A : memref<!tpu.dma_semaphore, #tpu.memory_space<semaphore_mem>>)
      tpu.wait_dma2 semaphore(%run_scoped3A : memref<!tpu.dma_semaphore, #tpu.memory_space<semaphore_mem>>) src(%arg7 : memref<125x8xf32, #tpu.memory_space<hbm>>) dst(%arg12 : memref<125x8xf32, #tpu.memory_space<vmem>>)
      tpu.yield
    }) : () -> ()
    "tpu.region"() ({
      %run_scoped3A = tpu.sem_alloc : memref<!tpu.dma_semaphore, #tpu.memory_space<semaphore_mem>>
      tpu.enqueue_dma source(%arg6 : memref<640x8xf32, #tpu.memory_space<hbm>>) target(%arg13 : memref<640x8xf32, #tpu.memory_space<vmem>>) target_semaphore(%run_scoped3A : memref<!tpu.dma_semaphore, #tpu.memory_space<semaphore_mem>>)
      tpu.wait_dma2 semaphore(%run_scoped3A : memref<!tpu.dma_semaphore, #tpu.memory_space<semaphore_mem>>) src(%arg6 : memref<640x8xf32, #tpu.memory_space<hbm>>) dst(%arg13 : memref<640x8xf32, #tpu.memory_space<vmem>>)
      tpu.yield
    }) : () -> ()
    %mul3A_336 = arith.constant 640 : i32
    %mul3A_337 = arith.muli %arg1, %mul3A_336 : i32
    "tpu.region"() ({
      %run_scoped3A = tpu.sem_alloc : memref<!tpu.dma_semaphore, #tpu.memory_space<semaphore_mem>>
      %dma_start3A_378 = arith.constant 0 : i32
      %dma_start3A_379 = tpu.memref_slice %arg14[%mul3A_337, %dma_start3A_378] : memref<10240x8xf32, #tpu.memory_space<vmem_shared>> -> memref<640x8xf32, #tpu.memory_space<vmem_shared>>
      %dma_start3A_380 = arith.constant 0 : i32
      %dma_start3A_381 = tpu.memref_slice %arg14[%mul3A_337, %dma_start3A_380] : memref<10240x8xf32, #tpu.memory_space<vmem_shared>> -> memref<640x8xf32, #tpu.memory_space<vmem_shared>>
      tpu.enqueue_dma source(%arg13 : memref<640x8xf32, #tpu.memory_space<vmem>>) target(%dma_start3A_381 : memref<640x8xf32, #tpu.memory_space<vmem_shared>>) target_semaphore(%run_scoped3A : memref<!tpu.dma_semaphore, #tpu.memory_space<semaphore_mem>>)
      %dma_wait3A_382 = arith.constant 0 : i32
      %dma_wait3A_383 = tpu.memref_slice %arg14[%mul3A_337, %dma_wait3A_382] : memref<10240x8xf32, #tpu.memory_space<vmem_shared>> -> memref<640x8xf32, #tpu.memory_space<vmem_shared>>
      %dma_wait3A_384 = arith.constant 0 : i32
      %dma_wait3A_385 = tpu.memref_slice %arg14[%mul3A_337, %dma_wait3A_384] : memref<10240x8xf32, #tpu.memory_space<vmem_shared>> -> memref<640x8xf32, #tpu.memory_space<vmem_shared>>
      tpu.wait_dma2 semaphore(%run_scoped3A : memref<!tpu.dma_semaphore, #tpu.memory_space<semaphore_mem>>) src(%arg13 : memref<640x8xf32, #tpu.memory_space<vmem>>) dst(%dma_wait3A_385 : memref<640x8xf32, #tpu.memory_space<vmem_shared>>)
      tpu.yield
    }) : () -> ()
    %barrier3A = arith.constant 0 : index
    tpu.barrier barrier_id(%barrier3A)
    %scan3A = arith.constant 0 : i32
    %scan3A_338 = arith.constant 0 : i32
    %scan3A_339 = arith.constant 20 : i32
    %scan3A_340 = arith.addi %scan3A_338, %scan3A_339 : i32
    %scan3A_341 = arith.constant 1 : i32
    scf.for %scan3A_378 = %scan3A_338 to %scan3A_340 step %scan3A_341  : i32 {
      %mul3A_379 = arith.constant 8 : i32
      %mul3A_380 = arith.muli %scan3A_378, %mul3A_379 : i32
      %add3A_381 = arith.constant 0 : i32
      %add3A_382 = arith.addi %mul3A_380, %add3A_381 : i32
      %dma_wait3A_383 = arith.constant 0 : i32
      %dma_wait3A_384 = tpu.memref_slice %arg2[%arg0, %dma_wait3A_383] : memref<20000x64xbf16, #tpu.memory_space<hbm>> -> memref<19999x64xbf16, #tpu.memory_space<hbm>>
      %dma_wait3A_385 = arith.constant 0 : i32
      %dma_wait3A_386 = arith.constant 0 : i32
      %dma_wait3A_387 = tpu.memref_slice %dma_wait3A_384[%dma_wait3A_385, %dma_wait3A_386] : memref<19999x64xbf16, #tpu.memory_space<hbm>> -> memref<19999x64xbf16, #tpu.memory_space<hbm>>
      tpu.wait_indirect_dma semaphore(%arg51 : memref<!tpu.dma_semaphore, #tpu.memory_space<semaphore_mem>>) src(%dma_wait3A_387 : memref<19999x64xbf16, #tpu.memory_space<hbm>>) dst(%arg31 : memref<125x64xbf16, #tpu.memory_space<vmem>>)
      %dma_wait3A_388 = arith.constant 0 : i32
      %dma_wait3A_389 = arith.constant 0 : i32
      %dma_wait3A_390 = tpu.memref_slice %arg4[%arg1, %dma_wait3A_388, %dma_wait3A_389] : memref<16x160x125xi32, #tpu.memory_space<hbm>> -> memref<1x160x125xi32, #tpu.memory_space<hbm>>
      %dma_wait3A_391 = tpu.memref_squeeze %dma_wait3A_390 : memref<1x160x125xi32, #tpu.memory_space<hbm>> -> memref<160x125xi32, #tpu.memory_space<hbm>>
      %dma_wait3A_392 = arith.constant 0 : i32
      %dma_wait3A_393 = tpu.memref_slice %dma_wait3A_391[%add3A_382, %dma_wait3A_392] : memref<160x125xi32, #tpu.memory_space<hbm>> -> memref<1x125xi32, #tpu.memory_space<hbm>>
      %dma_wait3A_394 = tpu.memref_squeeze %dma_wait3A_393 : memref<1x125xi32, #tpu.memory_space<hbm>> -> memref<125xi32, #tpu.memory_space<hbm>>
      %dma_wait3A_395 = arith.constant 0 : i32
      %dma_wait3A_396 = arith.constant 0 : i32
      %dma_wait3A_397 = tpu.memref_slice %arg4[%arg1, %dma_wait3A_395, %dma_wait3A_396] : memref<16x160x125xi32, #tpu.memory_space<hbm>> -> memref<1x160x125xi32, #tpu.memory_space<hbm>>
      %dma_wait3A_398 = tpu.memref_squeeze %dma_wait3A_397 : memref<1x160x125xi32, #tpu.memory_space<hbm>> -> memref<160x125xi32, #tpu.memory_space<hbm>>
      %dma_wait3A_399 = arith.constant 0 : i32
      %dma_wait3A_400 = tpu.memref_slice %dma_wait3A_398[%add3A_382, %dma_wait3A_399] : memref<160x125xi32, #tpu.memory_space<hbm>> -> memref<1x125xi32, #tpu.memory_space<hbm>>
      %dma_wait3A_401 = tpu.memref_squeeze %dma_wait3A_400 : memref<1x125xi32, #tpu.memory_space<hbm>> -> memref<125xi32, #tpu.memory_space<hbm>>
      tpu.wait_dma2 semaphore(%arg43 : memref<!tpu.dma_semaphore, #tpu.memory_space<semaphore_mem>>) src(%dma_wait3A_401 : memref<125xi32, #tpu.memory_space<hbm>>) dst(%arg23 : memref<125xi32, #tpu.memory_space<vmem>>)
      "tpu.region"() ({
        %run_scoped3A = tpu.sem_alloc : memref<!tpu.dma_semaphore, #tpu.memory_space<semaphore_mem>>
        %dma_start3A_695 = arith.constant 0 : i32
        %dma_start3A_696 = arith.constant 0 : i32
        %dma_start3A_697 = tpu.memref_slice %arg11[%dma_start3A_695, %dma_start3A_696] : memref<10240x64xbf16, #tpu.memory_space<vmem_shared>> -> memref<10240x64xbf16, #tpu.memory_space<vmem_shared>>
        tpu.enqueue_indirect_dma source(%arg31 : memref<125x64xbf16, #tpu.memory_space<vmem>>) target(%dma_start3A_697 : memref<10240x64xbf16, #tpu.memory_space<vmem_shared>>) offsets(%arg23 : memref<125xi32, #tpu.memory_space<vmem>>) semaphore(%run_scoped3A : memref<!tpu.dma_semaphore, #tpu.memory_space<semaphore_mem>>) {add = true}
        %dma_wait3A_698 = arith.constant 0 : i32
        %dma_wait3A_699 = arith.constant 0 : i32
        %dma_wait3A_700 = tpu.memref_slice %arg11[%dma_wait3A_698, %dma_wait3A_699] : memref<10240x64xbf16, #tpu.memory_space<vmem_shared>> -> memref<10240x64xbf16, #tpu.memory_space<vmem_shared>>
        tpu.wait_indirect_dma semaphore(%run_scoped3A : memref<!tpu.dma_semaphore, #tpu.memory_space<semaphore_mem>>) src(%arg31 : memref<125x64xbf16, #tpu.memory_space<vmem>>) dst(%dma_wait3A_700 : memref<10240x64xbf16, #tpu.memory_space<vmem_shared>>)
        tpu.yield
      }) : () -> ()
      %eq3A = arith.constant 0 : i32
      %eq3A_402 = arith.cmpi eq, %arg0, %eq3A : i32
      %convert_element_type3A = arith.extui %eq3A_402 : i1 to i32
      %cond3A = arith.constant 0 : i32
      %cond3A_403 = arith.cmpi ne, %convert_element_type3A, %cond3A : i32
      scf.if %cond3A_403 {
        "tpu.region"() ({
          %run_scoped3A = tpu.sem_alloc : memref<!tpu.dma_semaphore, #tpu.memory_space<semaphore_mem>>
          %dma_start3A_695 = arith.constant 0 : i32
          %dma_start3A_696 = arith.constant 0 : i32
          %dma_start3A_697 = tpu.memref_slice %arg14[%dma_start3A_695, %dma_start3A_696] : memref<10240x8xf32, #tpu.memory_space<vmem_shared>> -> memref<10240x8xf32, #tpu.memory_space<vmem_shared>>
          tpu.enqueue_indirect_dma source(%arg12 : memref<125x8xf32, #tpu.memory_space<vmem>>) target(%dma_start3A_697 : memref<10240x8xf32, #tpu.memory_space<vmem_shared>>) offsets(%arg23 : memref<125xi32, #tpu.memory_space<vmem>>) semaphore(%run_scoped3A : memref<!tpu.dma_semaphore, #tpu.memory_space<semaphore_mem>>) {add = true}
          %dma_wait3A_698 = arith.constant 0 : i32
          %dma_wait3A_699 = arith.constant 0 : i32
          %dma_wait3A_700 = tpu.memref_slice %arg14[%dma_wait3A_698, %dma_wait3A_699] : memref<10240x8xf32, #tpu.memory_space<vmem_shared>> -> memref<10240x8xf32, #tpu.memory_space<vmem_shared>>
          tpu.wait_indirect_dma semaphore(%run_scoped3A : memref<!tpu.dma_semaphore, #tpu.memory_space<semaphore_mem>>) src(%arg12 : memref<125x8xf32, #tpu.memory_space<vmem>>) dst(%dma_wait3A_700 : memref<10240x8xf32, #tpu.memory_space<vmem_shared>>)
          tpu.yield
        }) : () -> ()
      } else {
      }
      %lt3A = arith.constant 19 : i32
      %lt3A_404 = arith.cmpi slt, %scan3A_378, %lt3A : i32
      %convert_element_type3A_405 = arith.extui %lt3A_404 : i1 to i32
      %cond3A_406 = arith.constant 0 : i32
      %cond3A_407 = arith.cmpi ne, %convert_element_type3A_405, %cond3A_406 : i32
      scf.if %cond3A_407 {
        %add3A_695 = arith.constant 8 : i32
        %add3A_696 = arith.addi %add3A_382, %add3A_695 : i32
        %dma_start3A_697 = arith.constant 0 : i32
        %dma_start3A_698 = arith.constant 0 : i32
        %dma_start3A_699 = tpu.memref_slice %arg3[%arg1, %dma_start3A_697, %dma_start3A_698] : memref<16x160x125xi32, #tpu.memory_space<hbm>> -> memref<1x160x125xi32, #tpu.memory_space<hbm>>
        %dma_start3A_700 = tpu.memref_squeeze %dma_start3A_699 : memref<1x160x125xi32, #tpu.memory_space<hbm>> -> memref<160x125xi32, #tpu.memory_space<hbm>>
        %dma_start3A_701 = arith.constant 0 : i32
        %dma_start3A_702 = tpu.memref_slice %dma_start3A_700[%add3A_696, %dma_start3A_701] : memref<160x125xi32, #tpu.memory_space<hbm>> -> memref<1x125xi32, #tpu.memory_space<hbm>>
        %dma_start3A_703 = tpu.memref_squeeze %dma_start3A_702 : memref<1x125xi32, #tpu.memory_space<hbm>> -> memref<125xi32, #tpu.memory_space<hbm>>
        %dma_start3A_704 = arith.constant 0 : i32
        %dma_start3A_705 = arith.constant 0 : i32
        %dma_start3A_706 = tpu.memref_slice %arg3[%arg1, %dma_start3A_704, %dma_start3A_705] : memref<16x160x125xi32, #tpu.memory_space<hbm>> -> memref<1x160x125xi32, #tpu.memory_space<hbm>>
        %dma_start3A_707 = tpu.memref_squeeze %dma_start3A_706 : memref<1x160x125xi32, #tpu.memory_space<hbm>> -> memref<160x125xi32, #tpu.memory_space<hbm>>
        %dma_start3A_708 = arith.constant 0 : i32
        %dma_start3A_709 = tpu.memref_slice %dma_start3A_707[%add3A_696, %dma_start3A_708] : memref<160x125xi32, #tpu.memory_space<hbm>> -> memref<1x125xi32, #tpu.memory_space<hbm>>
        %dma_start3A_710 = tpu.memref_squeeze %dma_start3A_709 : memref<1x125xi32, #tpu.memory_space<hbm>> -> memref<125xi32, #tpu.memory_space<hbm>>
        tpu.enqueue_dma source(%dma_start3A_710 : memref<125xi32, #tpu.memory_space<hbm>>) target(%arg15 : memref<125xi32, #tpu.memory_space<vmem>>) target_semaphore(%arg35 : memref<!tpu.dma_semaphore, #tpu.memory_space<semaphore_mem>>)
        %add3A_711 = arith.constant 8 : i32
        %add3A_712 = arith.addi %add3A_382, %add3A_711 : i32
        %dma_start3A_713 = arith.constant 0 : i32
        %dma_start3A_714 = arith.constant 0 : i32
        %dma_start3A_715 = tpu.memref_slice %arg4[%arg1, %dma_start3A_713, %dma_start3A_714] : memref<16x160x125xi32, #tpu.memory_space<hbm>> -> memref<1x160x125xi32, #tpu.memory_space<hbm>>
        %dma_start3A_716 = tpu.memref_squeeze %dma_start3A_715 : memref<1x160x125xi32, #tpu.memory_space<hbm>> -> memref<160x125xi32, #tpu.memory_space<hbm>>
        %dma_start3A_717 = arith.constant 0 : i32
        %dma_start3A_718 = tpu.memref_slice %dma_start3A_716[%add3A_712, %dma_start3A_717] : memref<160x125xi32, #tpu.memory_space<hbm>> -> memref<1x125xi32, #tpu.memory_space<hbm>>
        %dma_start3A_719 = tpu.memref_squeeze %dma_start3A_718 : memref<1x125xi32, #tpu.memory_space<hbm>> -> memref<125xi32, #tpu.memory_space<hbm>>
        %dma_start3A_720 = arith.constant 0 : i32
        %dma_start3A_721 = arith.constant 0 : i32
        %dma_start3A_722 = tpu.memref_slice %arg4[%arg1, %dma_start3A_720, %dma_start3A_721] : memref<16x160x125xi32, #tpu.memory_space<hbm>> -> memref<1x160x125xi32, #tpu.memory_space<hbm>>
        %dma_start3A_723 = tpu.memref_squeeze %dma_start3A_722 : memref<1x160x125xi32, #tpu.memory_space<hbm>> -> memref<160x125xi32, #tpu.memory_space<hbm>>
        %dma_start3A_724 = arith.constant 0 : i32
        %dma_start3A_725 = tpu.memref_slice %dma_start3A_723[%add3A_712, %dma_start3A_724] : memref<160x125xi32, #tpu.memory_space<hbm>> -> memref<1x125xi32, #tpu.memory_space<hbm>>
        %dma_start3A_726 = tpu.memref_squeeze %dma_start3A_725 : memref<1x125xi32, #tpu.memory_space<hbm>> -> memref<125xi32, #tpu.memory_space<hbm>>
        tpu.enqueue_dma source(%dma_start3A_726 : memref<125xi32, #tpu.memory_space<hbm>>) target(%arg23 : memref<125xi32, #tpu.memory_space<vmem>>) target_semaphore(%arg43 : memref<!tpu.dma_semaphore, #tpu.memory_space<semaphore_mem>>)
      } else {
      }
      %add3A_408 = arith.constant 4 : i32
      %add3A_409 = arith.addi %add3A_382, %add3A_408 : i32
      %lt3A_410 = arith.constant 160 : i32
      %lt3A_411 = arith.cmpi slt, %add3A_409, %lt3A_410 : i32
      %convert_element_type3A_412 = arith.extui %lt3A_411 : i1 to i32
      %cond3A_413 = arith.constant 0 : i32
      %cond3A_414 = arith.cmpi ne, %convert_element_type3A_412, %cond3A_413 : i32
      scf.if %cond3A_414 {
        %add3A_695 = arith.constant 4 : i32
        %add3A_696 = arith.addi %add3A_382, %add3A_695 : i32
        %dma_wait3A_697 = arith.constant 0 : i32
        %dma_wait3A_698 = arith.constant 0 : i32
        %dma_wait3A_699 = tpu.memref_slice %arg3[%arg1, %dma_wait3A_697, %dma_wait3A_698] : memref<16x160x125xi32, #tpu.memory_space<hbm>> -> memref<1x160x125xi32, #tpu.memory_space<hbm>>
        %dma_wait3A_700 = tpu.memref_squeeze %dma_wait3A_699 : memref<1x160x125xi32, #tpu.memory_space<hbm>> -> memref<160x125xi32, #tpu.memory_space<hbm>>
        %dma_wait3A_701 = arith.constant 0 : i32
        %dma_wait3A_702 = tpu.memref_slice %dma_wait3A_700[%add3A_696, %dma_wait3A_701] : memref<160x125xi32, #tpu.memory_space<hbm>> -> memref<1x125xi32, #tpu.memory_space<hbm>>
        %dma_wait3A_703 = tpu.memref_squeeze %dma_wait3A_702 : memref<1x125xi32, #tpu.memory_space<hbm>> -> memref<125xi32, #tpu.memory_space<hbm>>
        %dma_wait3A_704 = arith.constant 0 : i32
        %dma_wait3A_705 = arith.constant 0 : i32
        %dma_wait3A_706 = tpu.memref_slice %arg3[%arg1, %dma_wait3A_704, %dma_wait3A_705] : memref<16x160x125xi32, #tpu.memory_space<hbm>> -> memref<1x160x125xi32, #tpu.memory_space<hbm>>
        %dma_wait3A_707 = tpu.memref_squeeze %dma_wait3A_706 : memref<1x160x125xi32, #tpu.memory_space<hbm>> -> memref<160x125xi32, #tpu.memory_space<hbm>>
        %dma_wait3A_708 = arith.constant 0 : i32
        %dma_wait3A_709 = tpu.memref_slice %dma_wait3A_707[%add3A_696, %dma_wait3A_708] : memref<160x125xi32, #tpu.memory_space<hbm>> -> memref<1x125xi32, #tpu.memory_space<hbm>>
        %dma_wait3A_710 = tpu.memref_squeeze %dma_wait3A_709 : memref<1x125xi32, #tpu.memory_space<hbm>> -> memref<125xi32, #tpu.memory_space<hbm>>
        tpu.wait_dma2 semaphore(%arg39 : memref<!tpu.dma_semaphore, #tpu.memory_space<semaphore_mem>>) src(%dma_wait3A_710 : memref<125xi32, #tpu.memory_space<hbm>>) dst(%arg19 : memref<125xi32, #tpu.memory_space<vmem>>)
        %dma_start3A_711 = arith.constant 0 : i32
        %dma_start3A_712 = tpu.memref_slice %arg2[%arg0, %dma_start3A_711] : memref<20000x64xbf16, #tpu.memory_space<hbm>> -> memref<19999x64xbf16, #tpu.memory_space<hbm>>
        %dma_start3A_713 = arith.constant 0 : i32
        %dma_start3A_714 = arith.constant 0 : i32
        %dma_start3A_715 = tpu.memref_slice %dma_start3A_712[%dma_start3A_713, %dma_start3A_714] : memref<19999x64xbf16, #tpu.memory_space<hbm>> -> memref<19999x64xbf16, #tpu.memory_space<hbm>>
        tpu.enqueue_indirect_dma source(%dma_start3A_715 : memref<19999x64xbf16, #tpu.memory_space<hbm>>) target(%arg31 : memref<125x64xbf16, #tpu.memory_space<vmem>>) offsets(%arg19 : memref<125xi32, #tpu.memory_space<vmem>>) semaphore(%arg51 : memref<!tpu.dma_semaphore, #tpu.memory_space<semaphore_mem>>)
      } else {
      }
      %mul3A_415 = arith.constant 8 : i32
      %mul3A_416 = arith.muli %scan3A_378, %mul3A_415 : i32
      %add3A_417 = arith.constant 1 : i32
      %add3A_418 = arith.addi %mul3A_416, %add3A_417 : i32
      %dma_wait3A_419 = arith.constant 0 : i32
      %dma_wait3A_420 = tpu.memref_slice %arg2[%arg0, %dma_wait3A_419] : memref<20000x64xbf16, #tpu.memory_space<hbm>> -> memref<19999x64xbf16, #tpu.memory_space<hbm>>
      %dma_wait3A_421 = arith.constant 0 : i32
      %dma_wait3A_422 = arith.constant 0 : i32
      %dma_wait3A_423 = tpu.memref_slice %dma_wait3A_420[%dma_wait3A_421, %dma_wait3A_422] : memref<19999x64xbf16, #tpu.memory_space<hbm>> -> memref<19999x64xbf16, #tpu.memory_space<hbm>>
      tpu.wait_indirect_dma semaphore(%arg52 : memref<!tpu.dma_semaphore, #tpu.memory_space<semaphore_mem>>) src(%dma_wait3A_423 : memref<19999x64xbf16, #tpu.memory_space<hbm>>) dst(%arg32 : memref<125x64xbf16, #tpu.memory_space<vmem>>)
      %dma_wait3A_424 = arith.constant 0 : i32
      %dma_wait3A_425 = arith.constant 0 : i32
      %dma_wait3A_426 = tpu.memref_slice %arg4[%arg1, %dma_wait3A_424, %dma_wait3A_425] : memref<16x160x125xi32, #tpu.memory_space<hbm>> -> memref<1x160x125xi32, #tpu.memory_space<hbm>>
      %dma_wait3A_427 = tpu.memref_squeeze %dma_wait3A_426 : memref<1x160x125xi32, #tpu.memory_space<hbm>> -> memref<160x125xi32, #tpu.memory_space<hbm>>
      %dma_wait3A_428 = arith.constant 0 : i32
      %dma_wait3A_429 = tpu.memref_slice %dma_wait3A_427[%add3A_418, %dma_wait3A_428] : memref<160x125xi32, #tpu.memory_space<hbm>> -> memref<1x125xi32, #tpu.memory_space<hbm>>
      %dma_wait3A_430 = tpu.memref_squeeze %dma_wait3A_429 : memref<1x125xi32, #tpu.memory_space<hbm>> -> memref<125xi32, #tpu.memory_space<hbm>>
      %dma_wait3A_431 = arith.constant 0 : i32
      %dma_wait3A_432 = arith.constant 0 : i32
      %dma_wait3A_433 = tpu.memref_slice %arg4[%arg1, %dma_wait3A_431, %dma_wait3A_432] : memref<16x160x125xi32, #tpu.memory_space<hbm>> -> memref<1x160x125xi32, #tpu.memory_space<hbm>>
      %dma_wait3A_434 = tpu.memref_squeeze %dma_wait3A_433 : memref<1x160x125xi32, #tpu.memory_space<hbm>> -> memref<160x125xi32, #tpu.memory_space<hbm>>
      %dma_wait3A_435 = arith.constant 0 : i32
      %dma_wait3A_436 = tpu.memref_slice %dma_wait3A_434[%add3A_418, %dma_wait3A_435] : memref<160x125xi32, #tpu.memory_space<hbm>> -> memref<1x125xi32, #tpu.memory_space<hbm>>
      %dma_wait3A_437 = tpu.memref_squeeze %dma_wait3A_436 : memref<1x125xi32, #tpu.memory_space<hbm>> -> memref<125xi32, #tpu.memory_space<hbm>>
      tpu.wait_dma2 semaphore(%arg44 : memref<!tpu.dma_semaphore, #tpu.memory_space<semaphore_mem>>) src(%dma_wait3A_437 : memref<125xi32, #tpu.memory_space<hbm>>) dst(%arg24 : memref<125xi32, #tpu.memory_space<vmem>>)
      "tpu.region"() ({
        %run_scoped3A = tpu.sem_alloc : memref<!tpu.dma_semaphore, #tpu.memory_space<semaphore_mem>>
        %dma_start3A_695 = arith.constant 0 : i32
        %dma_start3A_696 = arith.constant 0 : i32
        %dma_start3A_697 = tpu.memref_slice %arg11[%dma_start3A_695, %dma_start3A_696] : memref<10240x64xbf16, #tpu.memory_space<vmem_shared>> -> memref<10240x64xbf16, #tpu.memory_space<vmem_shared>>
        tpu.enqueue_indirect_dma source(%arg32 : memref<125x64xbf16, #tpu.memory_space<vmem>>) target(%dma_start3A_697 : memref<10240x64xbf16, #tpu.memory_space<vmem_shared>>) offsets(%arg24 : memref<125xi32, #tpu.memory_space<vmem>>) semaphore(%run_scoped3A : memref<!tpu.dma_semaphore, #tpu.memory_space<semaphore_mem>>) {add = true}
        %dma_wait3A_698 = arith.constant 0 : i32
        %dma_wait3A_699 = arith.constant 0 : i32
        %dma_wait3A_700 = tpu.memref_slice %arg11[%dma_wait3A_698, %dma_wait3A_699] : memref<10240x64xbf16, #tpu.memory_space<vmem_shared>> -> memref<10240x64xbf16, #tpu.memory_space<vmem_shared>>
        tpu.wait_indirect_dma semaphore(%run_scoped3A : memref<!tpu.dma_semaphore, #tpu.memory_space<semaphore_mem>>) src(%arg32 : memref<125x64xbf16, #tpu.memory_space<vmem>>) dst(%dma_wait3A_700 : memref<10240x64xbf16, #tpu.memory_space<vmem_shared>>)
        tpu.yield
      }) : () -> ()
      %eq3A_438 = arith.constant 1 : i32
      %eq3A_439 = arith.cmpi eq, %arg0, %eq3A_438 : i32
      %convert_element_type3A_440 = arith.extui %eq3A_439 : i1 to i32
      %cond3A_441 = arith.constant 0 : i32
      %cond3A_442 = arith.cmpi ne, %convert_element_type3A_440, %cond3A_441 : i32
      scf.if %cond3A_442 {
        "tpu.region"() ({
          %run_scoped3A = tpu.sem_alloc : memref<!tpu.dma_semaphore, #tpu.memory_space<semaphore_mem>>
          %dma_start3A_695 = arith.constant 0 : i32
          %dma_start3A_696 = arith.constant 0 : i32
          %dma_start3A_697 = tpu.memref_slice %arg14[%dma_start3A_695, %dma_start3A_696] : memref<10240x8xf32, #tpu.memory_space<vmem_shared>> -> memref<10240x8xf32, #tpu.memory_space<vmem_shared>>
          tpu.enqueue_indirect_dma source(%arg12 : memref<125x8xf32, #tpu.memory_space<vmem>>) target(%dma_start3A_697 : memref<10240x8xf32, #tpu.memory_space<vmem_shared>>) offsets(%arg24 : memref<125xi32, #tpu.memory_space<vmem>>) semaphore(%run_scoped3A : memref<!tpu.dma_semaphore, #tpu.memory_space<semaphore_mem>>) {add = true}
          %dma_wait3A_698 = arith.constant 0 : i32
          %dma_wait3A_699 = arith.constant 0 : i32
          %dma_wait3A_700 = tpu.memref_slice %arg14[%dma_wait3A_698, %dma_wait3A_699] : memref<10240x8xf32, #tpu.memory_space<vmem_shared>> -> memref<10240x8xf32, #tpu.memory_space<vmem_shared>>
          tpu.wait_indirect_dma semaphore(%run_scoped3A : memref<!tpu.dma_semaphore, #tpu.memory_space<semaphore_mem>>) src(%arg12 : memref<125x8xf32, #tpu.memory_space<vmem>>) dst(%dma_wait3A_700 : memref<10240x8xf32, #tpu.memory_space<vmem_shared>>)
          tpu.yield
        }) : () -> ()
      } else {
      }
      %lt3A_443 = arith.constant 19 : i32
      %lt3A_444 = arith.cmpi slt, %scan3A_378, %lt3A_443 : i32
      %convert_element_type3A_445 = arith.extui %lt3A_444 : i1 to i32
      %cond3A_446 = arith.constant 0 : i32
      %cond3A_447 = arith.cmpi ne, %convert_element_type3A_445, %cond3A_446 : i32
      scf.if %cond3A_447 {
        %add3A_695 = arith.constant 8 : i32
        %add3A_696 = arith.addi %add3A_418, %add3A_695 : i32
        %dma_start3A_697 = arith.constant 0 : i32
        %dma_start3A_698 = arith.constant 0 : i32
        %dma_start3A_699 = tpu.memref_slice %arg3[%arg1, %dma_start3A_697, %dma_start3A_698] : memref<16x160x125xi32, #tpu.memory_space<hbm>> -> memref<1x160x125xi32, #tpu.memory_space<hbm>>
        %dma_start3A_700 = tpu.memref_squeeze %dma_start3A_699 : memref<1x160x125xi32, #tpu.memory_space<hbm>> -> memref<160x125xi32, #tpu.memory_space<hbm>>
        %dma_start3A_701 = arith.constant 0 : i32
        %dma_start3A_702 = tpu.memref_slice %dma_start3A_700[%add3A_696, %dma_start3A_701] : memref<160x125xi32, #tpu.memory_space<hbm>> -> memref<1x125xi32, #tpu.memory_space<hbm>>
        %dma_start3A_703 = tpu.memref_squeeze %dma_start3A_702 : memref<1x125xi32, #tpu.memory_space<hbm>> -> memref<125xi32, #tpu.memory_space<hbm>>
        %dma_start3A_704 = arith.constant 0 : i32
        %dma_start3A_705 = arith.constant 0 : i32
        %dma_start3A_706 = tpu.memref_slice %arg3[%arg1, %dma_start3A_704, %dma_start3A_705] : memref<16x160x125xi32, #tpu.memory_space<hbm>> -> memref<1x160x125xi32, #tpu.memory_space<hbm>>
        %dma_start3A_707 = tpu.memref_squeeze %dma_start3A_706 : memref<1x160x125xi32, #tpu.memory_space<hbm>> -> memref<160x125xi32, #tpu.memory_space<hbm>>
        %dma_start3A_708 = arith.constant 0 : i32
        %dma_start3A_709 = tpu.memref_slice %dma_start3A_707[%add3A_696, %dma_start3A_708] : memref<160x125xi32, #tpu.memory_space<hbm>> -> memref<1x125xi32, #tpu.memory_space<hbm>>
        %dma_start3A_710 = tpu.memref_squeeze %dma_start3A_709 : memref<1x125xi32, #tpu.memory_space<hbm>> -> memref<125xi32, #tpu.memory_space<hbm>>
        tpu.enqueue_dma source(%dma_start3A_710 : memref<125xi32, #tpu.memory_space<hbm>>) target(%arg16 : memref<125xi32, #tpu.memory_space<vmem>>) target_semaphore(%arg36 : memref<!tpu.dma_semaphore, #tpu.memory_space<semaphore_mem>>)
        %add3A_711 = arith.constant 8 : i32
        %add3A_712 = arith.addi %add3A_418, %add3A_711 : i32
        %dma_start3A_713 = arith.constant 0 : i32
        %dma_start3A_714 = arith.constant 0 : i32
        %dma_start3A_715 = tpu.memref_slice %arg4[%arg1, %dma_start3A_713, %dma_start3A_714] : memref<16x160x125xi32, #tpu.memory_space<hbm>> -> memref<1x160x125xi32, #tpu.memory_space<hbm>>
        %dma_start3A_716 = tpu.memref_squeeze %dma_start3A_715 : memref<1x160x125xi32, #tpu.memory_space<hbm>> -> memref<160x125xi32, #tpu.memory_space<hbm>>
        %dma_start3A_717 = arith.constant 0 : i32
        %dma_start3A_718 = tpu.memref_slice %dma_start3A_716[%add3A_712, %dma_start3A_717] : memref<160x125xi32, #tpu.memory_space<hbm>> -> memref<1x125xi32, #tpu.memory_space<hbm>>
        %dma_start3A_719 = tpu.memref_squeeze %dma_start3A_718 : memref<1x125xi32, #tpu.memory_space<hbm>> -> memref<125xi32, #tpu.memory_space<hbm>>
        %dma_start3A_720 = arith.constant 0 : i32
        %dma_start3A_721 = arith.constant 0 : i32
        %dma_start3A_722 = tpu.memref_slice %arg4[%arg1, %dma_start3A_720, %dma_start3A_721] : memref<16x160x125xi32, #tpu.memory_space<hbm>> -> memref<1x160x125xi32, #tpu.memory_space<hbm>>
        %dma_start3A_723 = tpu.memref_squeeze %dma_start3A_722 : memref<1x160x125xi32, #tpu.memory_space<hbm>> -> memref<160x125xi32, #tpu.memory_space<hbm>>
        %dma_start3A_724 = arith.constant 0 : i32
        %dma_start3A_725 = tpu.memref_slice %dma_start3A_723[%add3A_712, %dma_start3A_724] : memref<160x125xi32, #tpu.memory_space<hbm>> -> memref<1x125xi32, #tpu.memory_space<hbm>>
        %dma_start3A_726 = tpu.memref_squeeze %dma_start3A_725 : memref<1x125xi32, #tpu.memory_space<hbm>> -> memref<125xi32, #tpu.memory_space<hbm>>
        tpu.enqueue_dma source(%dma_start3A_726 : memref<125xi32, #tpu.memory_space<hbm>>) target(%arg24 : memref<125xi32, #tpu.memory_space<vmem>>) target_semaphore(%arg44 : memref<!tpu.dma_semaphore, #tpu.memory_space<semaphore_mem>>)
      } else {
      }
      %add3A_448 = arith.constant 4 : i32
      %add3A_449 = arith.addi %add3A_418, %add3A_448 : i32
      %lt3A_450 = arith.constant 160 : i32
      %lt3A_451 = arith.cmpi slt, %add3A_449, %lt3A_450 : i32
      %convert_element_type3A_452 = arith.extui %lt3A_451 : i1 to i32
      %cond3A_453 = arith.constant 0 : i32
      %cond3A_454 = arith.cmpi ne, %convert_element_type3A_452, %cond3A_453 : i32
      scf.if %cond3A_454 {
        %add3A_695 = arith.constant 4 : i32
        %add3A_696 = arith.addi %add3A_418, %add3A_695 : i32
        %dma_wait3A_697 = arith.constant 0 : i32
        %dma_wait3A_698 = arith.constant 0 : i32
        %dma_wait3A_699 = tpu.memref_slice %arg3[%arg1, %dma_wait3A_697, %dma_wait3A_698] : memref<16x160x125xi32, #tpu.memory_space<hbm>> -> memref<1x160x125xi32, #tpu.memory_space<hbm>>
        %dma_wait3A_700 = tpu.memref_squeeze %dma_wait3A_699 : memref<1x160x125xi32, #tpu.memory_space<hbm>> -> memref<160x125xi32, #tpu.memory_space<hbm>>
        %dma_wait3A_701 = arith.constant 0 : i32
        %dma_wait3A_702 = tpu.memref_slice %dma_wait3A_700[%add3A_696, %dma_wait3A_701] : memref<160x125xi32, #tpu.memory_space<hbm>> -> memref<1x125xi32, #tpu.memory_space<hbm>>
        %dma_wait3A_703 = tpu.memref_squeeze %dma_wait3A_702 : memref<1x125xi32, #tpu.memory_space<hbm>> -> memref<125xi32, #tpu.memory_space<hbm>>
        %dma_wait3A_704 = arith.constant 0 : i32
        %dma_wait3A_705 = arith.constant 0 : i32
        %dma_wait3A_706 = tpu.memref_slice %arg3[%arg1, %dma_wait3A_704, %dma_wait3A_705] : memref<16x160x125xi32, #tpu.memory_space<hbm>> -> memref<1x160x125xi32, #tpu.memory_space<hbm>>
        %dma_wait3A_707 = tpu.memref_squeeze %dma_wait3A_706 : memref<1x160x125xi32, #tpu.memory_space<hbm>> -> memref<160x125xi32, #tpu.memory_space<hbm>>
        %dma_wait3A_708 = arith.constant 0 : i32
        %dma_wait3A_709 = tpu.memref_slice %dma_wait3A_707[%add3A_696, %dma_wait3A_708] : memref<160x125xi32, #tpu.memory_space<hbm>> -> memref<1x125xi32, #tpu.memory_space<hbm>>
        %dma_wait3A_710 = tpu.memref_squeeze %dma_wait3A_709 : memref<1x125xi32, #tpu.memory_space<hbm>> -> memref<125xi32, #tpu.memory_space<hbm>>
        tpu.wait_dma2 semaphore(%arg40 : memref<!tpu.dma_semaphore, #tpu.memory_space<semaphore_mem>>) src(%dma_wait3A_710 : memref<125xi32, #tpu.memory_space<hbm>>) dst(%arg20 : memref<125xi32, #tpu.memory_space<vmem>>)
        %dma_start3A_711 = arith.constant 0 : i32
        %dma_start3A_712 = tpu.memref_slice %arg2[%arg0, %dma_start3A_711] : memref<20000x64xbf16, #tpu.memory_space<hbm>> -> memref<19999x64xbf16, #tpu.memory_space<hbm>>
        %dma_start3A_713 = arith.constant 0 : i32
        %dma_start3A_714 = arith.constant 0 : i32
        %dma_start3A_715 = tpu.memref_slice %dma_start3A_712[%dma_start3A_713, %dma_start3A_714] : memref<19999x64xbf16, #tpu.memory_space<hbm>> -> memref<19999x64xbf16, #tpu.memory_space<hbm>>
        tpu.enqueue_indirect_dma source(%dma_start3A_715 : memref<19999x64xbf16, #tpu.memory_space<hbm>>) target(%arg32 : memref<125x64xbf16, #tpu.memory_space<vmem>>) offsets(%arg20 : memref<125xi32, #tpu.memory_space<vmem>>) semaphore(%arg52 : memref<!tpu.dma_semaphore, #tpu.memory_space<semaphore_mem>>)
      } else {
      }
      %mul3A_455 = arith.constant 8 : i32
      %mul3A_456 = arith.muli %scan3A_378, %mul3A_455 : i32
      %add3A_457 = arith.constant 2 : i32
      %add3A_458 = arith.addi %mul3A_456, %add3A_457 : i32
      %dma_wait3A_459 = arith.constant 0 : i32
      %dma_wait3A_460 = tpu.memref_slice %arg2[%arg0, %dma_wait3A_459] : memref<20000x64xbf16, #tpu.memory_space<hbm>> -> memref<19999x64xbf16, #tpu.memory_space<hbm>>
      %dma_wait3A_461 = arith.constant 0 : i32
      %dma_wait3A_462 = arith.constant 0 : i32
      %dma_wait3A_463 = tpu.memref_slice %dma_wait3A_460[%dma_wait3A_461, %dma_wait3A_462] : memref<19999x64xbf16, #tpu.memory_space<hbm>> -> memref<19999x64xbf16, #tpu.memory_space<hbm>>
      tpu.wait_indirect_dma semaphore(%arg53 : memref<!tpu.dma_semaphore, #tpu.memory_space<semaphore_mem>>) src(%dma_wait3A_463 : memref<19999x64xbf16, #tpu.memory_space<hbm>>) dst(%arg33 : memref<125x64xbf16, #tpu.memory_space<vmem>>)
      %dma_wait3A_464 = arith.constant 0 : i32
      %dma_wait3A_465 = arith.constant 0 : i32
      %dma_wait3A_466 = tpu.memref_slice %arg4[%arg1, %dma_wait3A_464, %dma_wait3A_465] : memref<16x160x125xi32, #tpu.memory_space<hbm>> -> memref<1x160x125xi32, #tpu.memory_space<hbm>>
      %dma_wait3A_467 = tpu.memref_squeeze %dma_wait3A_466 : memref<1x160x125xi32, #tpu.memory_space<hbm>> -> memref<160x125xi32, #tpu.memory_space<hbm>>
      %dma_wait3A_468 = arith.constant 0 : i32
      %dma_wait3A_469 = tpu.memref_slice %dma_wait3A_467[%add3A_458, %dma_wait3A_468] : memref<160x125xi32, #tpu.memory_space<hbm>> -> memref<1x125xi32, #tpu.memory_space<hbm>>
      %dma_wait3A_470 = tpu.memref_squeeze %dma_wait3A_469 : memref<1x125xi32, #tpu.memory_space<hbm>> -> memref<125xi32, #tpu.memory_space<hbm>>
      %dma_wait3A_471 = arith.constant 0 : i32
      %dma_wait3A_472 = arith.constant 0 : i32
      %dma_wait3A_473 = tpu.memref_slice %arg4[%arg1, %dma_wait3A_471, %dma_wait3A_472] : memref<16x160x125xi32, #tpu.memory_space<hbm>> -> memref<1x160x125xi32, #tpu.memory_space<hbm>>
      %dma_wait3A_474 = tpu.memref_squeeze %dma_wait3A_473 : memref<1x160x125xi32, #tpu.memory_space<hbm>> -> memref<160x125xi32, #tpu.memory_space<hbm>>
      %dma_wait3A_475 = arith.constant 0 : i32
      %dma_wait3A_476 = tpu.memref_slice %dma_wait3A_474[%add3A_458, %dma_wait3A_475] : memref<160x125xi32, #tpu.memory_space<hbm>> -> memref<1x125xi32, #tpu.memory_space<hbm>>
      %dma_wait3A_477 = tpu.memref_squeeze %dma_wait3A_476 : memref<1x125xi32, #tpu.memory_space<hbm>> -> memref<125xi32, #tpu.memory_space<hbm>>
      tpu.wait_dma2 semaphore(%arg45 : memref<!tpu.dma_semaphore, #tpu.memory_space<semaphore_mem>>) src(%dma_wait3A_477 : memref<125xi32, #tpu.memory_space<hbm>>) dst(%arg25 : memref<125xi32, #tpu.memory_space<vmem>>)
      "tpu.region"() ({
        %run_scoped3A = tpu.sem_alloc : memref<!tpu.dma_semaphore, #tpu.memory_space<semaphore_mem>>
        %dma_start3A_695 = arith.constant 0 : i32
        %dma_start3A_696 = arith.constant 0 : i32
        %dma_start3A_697 = tpu.memref_slice %arg11[%dma_start3A_695, %dma_start3A_696] : memref<10240x64xbf16, #tpu.memory_space<vmem_shared>> -> memref<10240x64xbf16, #tpu.memory_space<vmem_shared>>
        tpu.enqueue_indirect_dma source(%arg33 : memref<125x64xbf16, #tpu.memory_space<vmem>>) target(%dma_start3A_697 : memref<10240x64xbf16, #tpu.memory_space<vmem_shared>>) offsets(%arg25 : memref<125xi32, #tpu.memory_space<vmem>>) semaphore(%run_scoped3A : memref<!tpu.dma_semaphore, #tpu.memory_space<semaphore_mem>>) {add = true}
        %dma_wait3A_698 = arith.constant 0 : i32
        %dma_wait3A_699 = arith.constant 0 : i32
        %dma_wait3A_700 = tpu.memref_slice %arg11[%dma_wait3A_698, %dma_wait3A_699] : memref<10240x64xbf16, #tpu.memory_space<vmem_shared>> -> memref<10240x64xbf16, #tpu.memory_space<vmem_shared>>
        tpu.wait_indirect_dma semaphore(%run_scoped3A : memref<!tpu.dma_semaphore, #tpu.memory_space<semaphore_mem>>) src(%arg33 : memref<125x64xbf16, #tpu.memory_space<vmem>>) dst(%dma_wait3A_700 : memref<10240x64xbf16, #tpu.memory_space<vmem_shared>>)
        tpu.yield
      }) : () -> ()
      %eq3A_478 = arith.constant 0 : i32
      %eq3A_479 = arith.cmpi eq, %arg0, %eq3A_478 : i32
      %convert_element_type3A_480 = arith.extui %eq3A_479 : i1 to i32
      %cond3A_481 = arith.constant 0 : i32
      %cond3A_482 = arith.cmpi ne, %convert_element_type3A_480, %cond3A_481 : i32
      scf.if %cond3A_482 {
        "tpu.region"() ({
          %run_scoped3A = tpu.sem_alloc : memref<!tpu.dma_semaphore, #tpu.memory_space<semaphore_mem>>
          %dma_start3A_695 = arith.constant 0 : i32
          %dma_start3A_696 = arith.constant 0 : i32
          %dma_start3A_697 = tpu.memref_slice %arg14[%dma_start3A_695, %dma_start3A_696] : memref<10240x8xf32, #tpu.memory_space<vmem_shared>> -> memref<10240x8xf32, #tpu.memory_space<vmem_shared>>
          tpu.enqueue_indirect_dma source(%arg12 : memref<125x8xf32, #tpu.memory_space<vmem>>) target(%dma_start3A_697 : memref<10240x8xf32, #tpu.memory_space<vmem_shared>>) offsets(%arg25 : memref<125xi32, #tpu.memory_space<vmem>>) semaphore(%run_scoped3A : memref<!tpu.dma_semaphore, #tpu.memory_space<semaphore_mem>>) {add = true}
          %dma_wait3A_698 = arith.constant 0 : i32
          %dma_wait3A_699 = arith.constant 0 : i32
          %dma_wait3A_700 = tpu.memref_slice %arg14[%dma_wait3A_698, %dma_wait3A_699] : memref<10240x8xf32, #tpu.memory_space<vmem_shared>> -> memref<10240x8xf32, #tpu.memory_space<vmem_shared>>
          tpu.wait_indirect_dma semaphore(%run_scoped3A : memref<!tpu.dma_semaphore, #tpu.memory_space<semaphore_mem>>) src(%arg12 : memref<125x8xf32, #tpu.memory_space<vmem>>) dst(%dma_wait3A_700 : memref<10240x8xf32, #tpu.memory_space<vmem_shared>>)
          tpu.yield
        }) : () -> ()
      } else {
      }
      %lt3A_483 = arith.constant 19 : i32
      %lt3A_484 = arith.cmpi slt, %scan3A_378, %lt3A_483 : i32
      %convert_element_type3A_485 = arith.extui %lt3A_484 : i1 to i32
      %cond3A_486 = arith.constant 0 : i32
      %cond3A_487 = arith.cmpi ne, %convert_element_type3A_485, %cond3A_486 : i32
      scf.if %cond3A_487 {
        %add3A_695 = arith.constant 8 : i32
        %add3A_696 = arith.addi %add3A_458, %add3A_695 : i32
        %dma_start3A_697 = arith.constant 0 : i32
        %dma_start3A_698 = arith.constant 0 : i32
        %dma_start3A_699 = tpu.memref_slice %arg3[%arg1, %dma_start3A_697, %dma_start3A_698] : memref<16x160x125xi32, #tpu.memory_space<hbm>> -> memref<1x160x125xi32, #tpu.memory_space<hbm>>
        %dma_start3A_700 = tpu.memref_squeeze %dma_start3A_699 : memref<1x160x125xi32, #tpu.memory_space<hbm>> -> memref<160x125xi32, #tpu.memory_space<hbm>>
        %dma_start3A_701 = arith.constant 0 : i32
        %dma_start3A_702 = tpu.memref_slice %dma_start3A_700[%add3A_696, %dma_start3A_701] : memref<160x125xi32, #tpu.memory_space<hbm>> -> memref<1x125xi32, #tpu.memory_space<hbm>>
        %dma_start3A_703 = tpu.memref_squeeze %dma_start3A_702 : memref<1x125xi32, #tpu.memory_space<hbm>> -> memref<125xi32, #tpu.memory_space<hbm>>
        %dma_start3A_704 = arith.constant 0 : i32
        %dma_start3A_705 = arith.constant 0 : i32
        %dma_start3A_706 = tpu.memref_slice %arg3[%arg1, %dma_start3A_704, %dma_start3A_705] : memref<16x160x125xi32, #tpu.memory_space<hbm>> -> memref<1x160x125xi32, #tpu.memory_space<hbm>>
        %dma_start3A_707 = tpu.memref_squeeze %dma_start3A_706 : memref<1x160x125xi32, #tpu.memory_space<hbm>> -> memref<160x125xi32, #tpu.memory_space<hbm>>
        %dma_start3A_708 = arith.constant 0 : i32
        %dma_start3A_709 = tpu.memref_slice %dma_start3A_707[%add3A_696, %dma_start3A_708] : memref<160x125xi32, #tpu.memory_space<hbm>> -> memref<1x125xi32, #tpu.memory_space<hbm>>
        %dma_start3A_710 = tpu.memref_squeeze %dma_start3A_709 : memref<1x125xi32, #tpu.memory_space<hbm>> -> memref<125xi32, #tpu.memory_space<hbm>>
        tpu.enqueue_dma source(%dma_start3A_710 : memref<125xi32, #tpu.memory_space<hbm>>) target(%arg17 : memref<125xi32, #tpu.memory_space<vmem>>) target_semaphore(%arg37 : memref<!tpu.dma_semaphore, #tpu.memory_space<semaphore_mem>>)
        %add3A_711 = arith.constant 8 : i32
        %add3A_712 = arith.addi %add3A_458, %add3A_711 : i32
        %dma_start3A_713 = arith.constant 0 : i32
        %dma_start3A_714 = arith.constant 0 : i32
        %dma_start3A_715 = tpu.memref_slice %arg4[%arg1, %dma_start3A_713, %dma_start3A_714] : memref<16x160x125xi32, #tpu.memory_space<hbm>> -> memref<1x160x125xi32, #tpu.memory_space<hbm>>
        %dma_start3A_716 = tpu.memref_squeeze %dma_start3A_715 : memref<1x160x125xi32, #tpu.memory_space<hbm>> -> memref<160x125xi32, #tpu.memory_space<hbm>>
        %dma_start3A_717 = arith.constant 0 : i32
        %dma_start3A_718 = tpu.memref_slice %dma_start3A_716[%add3A_712, %dma_start3A_717] : memref<160x125xi32, #tpu.memory_space<hbm>> -> memref<1x125xi32, #tpu.memory_space<hbm>>
        %dma_start3A_719 = tpu.memref_squeeze %dma_start3A_718 : memref<1x125xi32, #tpu.memory_space<hbm>> -> memref<125xi32, #tpu.memory_space<hbm>>
        %dma_start3A_720 = arith.constant 0 : i32
        %dma_start3A_721 = arith.constant 0 : i32
        %dma_start3A_722 = tpu.memref_slice %arg4[%arg1, %dma_start3A_720, %dma_start3A_721] : memref<16x160x125xi32, #tpu.memory_space<hbm>> -> memref<1x160x125xi32, #tpu.memory_space<hbm>>
        %dma_start3A_723 = tpu.memref_squeeze %dma_start3A_722 : memref<1x160x125xi32, #tpu.memory_space<hbm>> -> memref<160x125xi32, #tpu.memory_space<hbm>>
        %dma_start3A_724 = arith.constant 0 : i32
        %dma_start3A_725 = tpu.memref_slice %dma_start3A_723[%add3A_712, %dma_start3A_724] : memref<160x125xi32, #tpu.memory_space<hbm>> -> memref<1x125xi32, #tpu.memory_space<hbm>>
        %dma_start3A_726 = tpu.memref_squeeze %dma_start3A_725 : memref<1x125xi32, #tpu.memory_space<hbm>> -> memref<125xi32, #tpu.memory_space<hbm>>
        tpu.enqueue_dma source(%dma_start3A_726 : memref<125xi32, #tpu.memory_space<hbm>>) target(%arg25 : memref<125xi32, #tpu.memory_space<vmem>>) target_semaphore(%arg45 : memref<!tpu.dma_semaphore, #tpu.memory_space<semaphore_mem>>)
      } else {
      }
      %add3A_488 = arith.constant 4 : i32
      %add3A_489 = arith.addi %add3A_458, %add3A_488 : i32
      %lt3A_490 = arith.constant 160 : i32
      %lt3A_491 = arith.cmpi slt, %add3A_489, %lt3A_490 : i32
      %convert_element_type3A_492 = arith.extui %lt3A_491 : i1 to i32
      %cond3A_493 = arith.constant 0 : i32
      %cond3A_494 = arith.cmpi ne, %convert_element_type3A_492, %cond3A_493 : i32
      scf.if %cond3A_494 {
        %add3A_695 = arith.constant 4 : i32
        %add3A_696 = arith.addi %add3A_458, %add3A_695 : i32
        %dma_wait3A_697 = arith.constant 0 : i32
        %dma_wait3A_698 = arith.constant 0 : i32
        %dma_wait3A_699 = tpu.memref_slice %arg3[%arg1, %dma_wait3A_697, %dma_wait3A_698] : memref<16x160x125xi32, #tpu.memory_space<hbm>> -> memref<1x160x125xi32, #tpu.memory_space<hbm>>
        %dma_wait3A_700 = tpu.memref_squeeze %dma_wait3A_699 : memref<1x160x125xi32, #tpu.memory_space<hbm>> -> memref<160x125xi32, #tpu.memory_space<hbm>>
        %dma_wait3A_701 = arith.constant 0 : i32
        %dma_wait3A_702 = tpu.memref_slice %dma_wait3A_700[%add3A_696, %dma_wait3A_701] : memref<160x125xi32, #tpu.memory_space<hbm>> -> memref<1x125xi32, #tpu.memory_space<hbm>>
        %dma_wait3A_703 = tpu.memref_squeeze %dma_wait3A_702 : memref<1x125xi32, #tpu.memory_space<hbm>> -> memref<125xi32, #tpu.memory_space<hbm>>
        %dma_wait3A_704 = arith.constant 0 : i32
        %dma_wait3A_705 = arith.constant 0 : i32
        %dma_wait3A_706 = tpu.memref_slice %arg3[%arg1, %dma_wait3A_704, %dma_wait3A_705] : memref<16x160x125xi32, #tpu.memory_space<hbm>> -> memref<1x160x125xi32, #tpu.memory_space<hbm>>
        %dma_wait3A_707 = tpu.memref_squeeze %dma_wait3A_706 : memref<1x160x125xi32, #tpu.memory_space<hbm>> -> memref<160x125xi32, #tpu.memory_space<hbm>>
        %dma_wait3A_708 = arith.constant 0 : i32
        %dma_wait3A_709 = tpu.memref_slice %dma_wait3A_707[%add3A_696, %dma_wait3A_708] : memref<160x125xi32, #tpu.memory_space<hbm>> -> memref<1x125xi32, #tpu.memory_space<hbm>>
        %dma_wait3A_710 = tpu.memref_squeeze %dma_wait3A_709 : memref<1x125xi32, #tpu.memory_space<hbm>> -> memref<125xi32, #tpu.memory_space<hbm>>
        tpu.wait_dma2 semaphore(%arg41 : memref<!tpu.dma_semaphore, #tpu.memory_space<semaphore_mem>>) src(%dma_wait3A_710 : memref<125xi32, #tpu.memory_space<hbm>>) dst(%arg21 : memref<125xi32, #tpu.memory_space<vmem>>)
        %dma_start3A_711 = arith.constant 0 : i32
        %dma_start3A_712 = tpu.memref_slice %arg2[%arg0, %dma_start3A_711] : memref<20000x64xbf16, #tpu.memory_space<hbm>> -> memref<19999x64xbf16, #tpu.memory_space<hbm>>
        %dma_start3A_713 = arith.constant 0 : i32
        %dma_start3A_714 = arith.constant 0 : i32
        %dma_start3A_715 = tpu.memref_slice %dma_start3A_712[%dma_start3A_713, %dma_start3A_714] : memref<19999x64xbf16, #tpu.memory_space<hbm>> -> memref<19999x64xbf16, #tpu.memory_space<hbm>>
        tpu.enqueue_indirect_dma source(%dma_start3A_715 : memref<19999x64xbf16, #tpu.memory_space<hbm>>) target(%arg33 : memref<125x64xbf16, #tpu.memory_space<vmem>>) offsets(%arg21 : memref<125xi32, #tpu.memory_space<vmem>>) semaphore(%arg53 : memref<!tpu.dma_semaphore, #tpu.memory_space<semaphore_mem>>)
      } else {
      }
      %mul3A_495 = arith.constant 8 : i32
      %mul3A_496 = arith.muli %scan3A_378, %mul3A_495 : i32
      %add3A_497 = arith.constant 3 : i32
      %add3A_498 = arith.addi %mul3A_496, %add3A_497 : i32
      %dma_wait3A_499 = arith.constant 0 : i32
      %dma_wait3A_500 = tpu.memref_slice %arg2[%arg0, %dma_wait3A_499] : memref<20000x64xbf16, #tpu.memory_space<hbm>> -> memref<19999x64xbf16, #tpu.memory_space<hbm>>
      %dma_wait3A_501 = arith.constant 0 : i32
      %dma_wait3A_502 = arith.constant 0 : i32
      %dma_wait3A_503 = tpu.memref_slice %dma_wait3A_500[%dma_wait3A_501, %dma_wait3A_502] : memref<19999x64xbf16, #tpu.memory_space<hbm>> -> memref<19999x64xbf16, #tpu.memory_space<hbm>>
      tpu.wait_indirect_dma semaphore(%arg54 : memref<!tpu.dma_semaphore, #tpu.memory_space<semaphore_mem>>) src(%dma_wait3A_503 : memref<19999x64xbf16, #tpu.memory_space<hbm>>) dst(%arg34 : memref<125x64xbf16, #tpu.memory_space<vmem>>)
      %dma_wait3A_504 = arith.constant 0 : i32
      %dma_wait3A_505 = arith.constant 0 : i32
      %dma_wait3A_506 = tpu.memref_slice %arg4[%arg1, %dma_wait3A_504, %dma_wait3A_505] : memref<16x160x125xi32, #tpu.memory_space<hbm>> -> memref<1x160x125xi32, #tpu.memory_space<hbm>>
      %dma_wait3A_507 = tpu.memref_squeeze %dma_wait3A_506 : memref<1x160x125xi32, #tpu.memory_space<hbm>> -> memref<160x125xi32, #tpu.memory_space<hbm>>
      %dma_wait3A_508 = arith.constant 0 : i32
      %dma_wait3A_509 = tpu.memref_slice %dma_wait3A_507[%add3A_498, %dma_wait3A_508] : memref<160x125xi32, #tpu.memory_space<hbm>> -> memref<1x125xi32, #tpu.memory_space<hbm>>
      %dma_wait3A_510 = tpu.memref_squeeze %dma_wait3A_509 : memref<1x125xi32, #tpu.memory_space<hbm>> -> memref<125xi32, #tpu.memory_space<hbm>>
      %dma_wait3A_511 = arith.constant 0 : i32
      %dma_wait3A_512 = arith.constant 0 : i32
      %dma_wait3A_513 = tpu.memref_slice %arg4[%arg1, %dma_wait3A_511, %dma_wait3A_512] : memref<16x160x125xi32, #tpu.memory_space<hbm>> -> memref<1x160x125xi32, #tpu.memory_space<hbm>>
      %dma_wait3A_514 = tpu.memref_squeeze %dma_wait3A_513 : memref<1x160x125xi32, #tpu.memory_space<hbm>> -> memref<160x125xi32, #tpu.memory_space<hbm>>
      %dma_wait3A_515 = arith.constant 0 : i32
      %dma_wait3A_516 = tpu.memref_slice %dma_wait3A_514[%add3A_498, %dma_wait3A_515] : memref<160x125xi32, #tpu.memory_space<hbm>> -> memref<1x125xi32, #tpu.memory_space<hbm>>
      %dma_wait3A_517 = tpu.memref_squeeze %dma_wait3A_516 : memref<1x125xi32, #tpu.memory_space<hbm>> -> memref<125xi32, #tpu.memory_space<hbm>>
      tpu.wait_dma2 semaphore(%arg46 : memref<!tpu.dma_semaphore, #tpu.memory_space<semaphore_mem>>) src(%dma_wait3A_517 : memref<125xi32, #tpu.memory_space<hbm>>) dst(%arg26 : memref<125xi32, #tpu.memory_space<vmem>>)
      "tpu.region"() ({
        %run_scoped3A = tpu.sem_alloc : memref<!tpu.dma_semaphore, #tpu.memory_space<semaphore_mem>>
        %dma_start3A_695 = arith.constant 0 : i32
        %dma_start3A_696 = arith.constant 0 : i32
        %dma_start3A_697 = tpu.memref_slice %arg11[%dma_start3A_695, %dma_start3A_696] : memref<10240x64xbf16, #tpu.memory_space<vmem_shared>> -> memref<10240x64xbf16, #tpu.memory_space<vmem_shared>>
        tpu.enqueue_indirect_dma source(%arg34 : memref<125x64xbf16, #tpu.memory_space<vmem>>) target(%dma_start3A_697 : memref<10240x64xbf16, #tpu.memory_space<vmem_shared>>) offsets(%arg26 : memref<125xi32, #tpu.memory_space<vmem>>) semaphore(%run_scoped3A : memref<!tpu.dma_semaphore, #tpu.memory_space<semaphore_mem>>) {add = true}
        %dma_wait3A_698 = arith.constant 0 : i32
        %dma_wait3A_699 = arith.constant 0 : i32
        %dma_wait3A_700 = tpu.memref_slice %arg11[%dma_wait3A_698, %dma_wait3A_699] : memref<10240x64xbf16, #tpu.memory_space<vmem_shared>> -> memref<10240x64xbf16, #tpu.memory_space<vmem_shared>>
        tpu.wait_indirect_dma semaphore(%run_scoped3A : memref<!tpu.dma_semaphore, #tpu.memory_space<semaphore_mem>>) src(%arg34 : memref<125x64xbf16, #tpu.memory_space<vmem>>) dst(%dma_wait3A_700 : memref<10240x64xbf16, #tpu.memory_space<vmem_shared>>)
        tpu.yield
      }) : () -> ()
      %eq3A_518 = arith.constant 1 : i32
      %eq3A_519 = arith.cmpi eq, %arg0, %eq3A_518 : i32
      %convert_element_type3A_520 = arith.extui %eq3A_519 : i1 to i32
      %cond3A_521 = arith.constant 0 : i32
      %cond3A_522 = arith.cmpi ne, %convert_element_type3A_520, %cond3A_521 : i32
      scf.if %cond3A_522 {
        "tpu.region"() ({
          %run_scoped3A = tpu.sem_alloc : memref<!tpu.dma_semaphore, #tpu.memory_space<semaphore_mem>>
          %dma_start3A_695 = arith.constant 0 : i32
          %dma_start3A_696 = arith.constant 0 : i32
          %dma_start3A_697 = tpu.memref_slice %arg14[%dma_start3A_695, %dma_start3A_696] : memref<10240x8xf32, #tpu.memory_space<vmem_shared>> -> memref<10240x8xf32, #tpu.memory_space<vmem_shared>>
          tpu.enqueue_indirect_dma source(%arg12 : memref<125x8xf32, #tpu.memory_space<vmem>>) target(%dma_start3A_697 : memref<10240x8xf32, #tpu.memory_space<vmem_shared>>) offsets(%arg26 : memref<125xi32, #tpu.memory_space<vmem>>) semaphore(%run_scoped3A : memref<!tpu.dma_semaphore, #tpu.memory_space<semaphore_mem>>) {add = true}
          %dma_wait3A_698 = arith.constant 0 : i32
          %dma_wait3A_699 = arith.constant 0 : i32
          %dma_wait3A_700 = tpu.memref_slice %arg14[%dma_wait3A_698, %dma_wait3A_699] : memref<10240x8xf32, #tpu.memory_space<vmem_shared>> -> memref<10240x8xf32, #tpu.memory_space<vmem_shared>>
          tpu.wait_indirect_dma semaphore(%run_scoped3A : memref<!tpu.dma_semaphore, #tpu.memory_space<semaphore_mem>>) src(%arg12 : memref<125x8xf32, #tpu.memory_space<vmem>>) dst(%dma_wait3A_700 : memref<10240x8xf32, #tpu.memory_space<vmem_shared>>)
          tpu.yield
        }) : () -> ()
      } else {
      }
      %lt3A_523 = arith.constant 19 : i32
      %lt3A_524 = arith.cmpi slt, %scan3A_378, %lt3A_523 : i32
      %convert_element_type3A_525 = arith.extui %lt3A_524 : i1 to i32
      %cond3A_526 = arith.constant 0 : i32
      %cond3A_527 = arith.cmpi ne, %convert_element_type3A_525, %cond3A_526 : i32
      scf.if %cond3A_527 {
        %add3A_695 = arith.constant 8 : i32
        %add3A_696 = arith.addi %add3A_498, %add3A_695 : i32
        %dma_start3A_697 = arith.constant 0 : i32
        %dma_start3A_698 = arith.constant 0 : i32
        %dma_start3A_699 = tpu.memref_slice %arg3[%arg1, %dma_start3A_697, %dma_start3A_698] : memref<16x160x125xi32, #tpu.memory_space<hbm>> -> memref<1x160x125xi32, #tpu.memory_space<hbm>>
        %dma_start3A_700 = tpu.memref_squeeze %dma_start3A_699 : memref<1x160x125xi32, #tpu.memory_space<hbm>> -> memref<160x125xi32, #tpu.memory_space<hbm>>
        %dma_start3A_701 = arith.constant 0 : i32
        %dma_start3A_702 = tpu.memref_slice %dma_start3A_700[%add3A_696, %dma_start3A_701] : memref<160x125xi32, #tpu.memory_space<hbm>> -> memref<1x125xi32, #tpu.memory_space<hbm>>
        %dma_start3A_703 = tpu.memref_squeeze %dma_start3A_702 : memref<1x125xi32, #tpu.memory_space<hbm>> -> memref<125xi32, #tpu.memory_space<hbm>>
        %dma_start3A_704 = arith.constant 0 : i32
        %dma_start3A_705 = arith.constant 0 : i32
        %dma_start3A_706 = tpu.memref_slice %arg3[%arg1, %dma_start3A_704, %dma_start3A_705] : memref<16x160x125xi32, #tpu.memory_space<hbm>> -> memref<1x160x125xi32, #tpu.memory_space<hbm>>
        %dma_start3A_707 = tpu.memref_squeeze %dma_start3A_706 : memref<1x160x125xi32, #tpu.memory_space<hbm>> -> memref<160x125xi32, #tpu.memory_space<hbm>>
        %dma_start3A_708 = arith.constant 0 : i32
        %dma_start3A_709 = tpu.memref_slice %dma_start3A_707[%add3A_696, %dma_start3A_708] : memref<160x125xi32, #tpu.memory_space<hbm>> -> memref<1x125xi32, #tpu.memory_space<hbm>>
        %dma_start3A_710 = tpu.memref_squeeze %dma_start3A_709 : memref<1x125xi32, #tpu.memory_space<hbm>> -> memref<125xi32, #tpu.memory_space<hbm>>
        tpu.enqueue_dma source(%dma_start3A_710 : memref<125xi32, #tpu.memory_space<hbm>>) target(%arg18 : memref<125xi32, #tpu.memory_space<vmem>>) target_semaphore(%arg38 : memref<!tpu.dma_semaphore, #tpu.memory_space<semaphore_mem>>)
        %add3A_711 = arith.constant 8 : i32
        %add3A_712 = arith.addi %add3A_498, %add3A_711 : i32
        %dma_start3A_713 = arith.constant 0 : i32
        %dma_start3A_714 = arith.constant 0 : i32
        %dma_start3A_715 = tpu.memref_slice %arg4[%arg1, %dma_start3A_713, %dma_start3A_714] : memref<16x160x125xi32, #tpu.memory_space<hbm>> -> memref<1x160x125xi32, #tpu.memory_space<hbm>>
        %dma_start3A_716 = tpu.memref_squeeze %dma_start3A_715 : memref<1x160x125xi32, #tpu.memory_space<hbm>> -> memref<160x125xi32, #tpu.memory_space<hbm>>
        %dma_start3A_717 = arith.constant 0 : i32
        %dma_start3A_718 = tpu.memref_slice %dma_start3A_716[%add3A_712, %dma_start3A_717] : memref<160x125xi32, #tpu.memory_space<hbm>> -> memref<1x125xi32, #tpu.memory_space<hbm>>
        %dma_start3A_719 = tpu.memref_squeeze %dma_start3A_718 : memref<1x125xi32, #tpu.memory_space<hbm>> -> memref<125xi32, #tpu.memory_space<hbm>>
        %dma_start3A_720 = arith.constant 0 : i32
        %dma_start3A_721 = arith.constant 0 : i32
        %dma_start3A_722 = tpu.memref_slice %arg4[%arg1, %dma_start3A_720, %dma_start3A_721] : memref<16x160x125xi32, #tpu.memory_space<hbm>> -> memref<1x160x125xi32, #tpu.memory_space<hbm>>
        %dma_start3A_723 = tpu.memref_squeeze %dma_start3A_722 : memref<1x160x125xi32, #tpu.memory_space<hbm>> -> memref<160x125xi32, #tpu.memory_space<hbm>>
        %dma_start3A_724 = arith.constant 0 : i32
        %dma_start3A_725 = tpu.memref_slice %dma_start3A_723[%add3A_712, %dma_start3A_724] : memref<160x125xi32, #tpu.memory_space<hbm>> -> memref<1x125xi32, #tpu.memory_space<hbm>>
        %dma_start3A_726 = tpu.memref_squeeze %dma_start3A_725 : memref<1x125xi32, #tpu.memory_space<hbm>> -> memref<125xi32, #tpu.memory_space<hbm>>
        tpu.enqueue_dma source(%dma_start3A_726 : memref<125xi32, #tpu.memory_space<hbm>>) target(%arg26 : memref<125xi32, #tpu.memory_space<vmem>>) target_semaphore(%arg46 : memref<!tpu.dma_semaphore, #tpu.memory_space<semaphore_mem>>)
      } else {
      }
      %add3A_528 = arith.constant 4 : i32
      %add3A_529 = arith.addi %add3A_498, %add3A_528 : i32
      %lt3A_530 = arith.constant 160 : i32
      %lt3A_531 = arith.cmpi slt, %add3A_529, %lt3A_530 : i32
      %convert_element_type3A_532 = arith.extui %lt3A_531 : i1 to i32
      %cond3A_533 = arith.constant 0 : i32
      %cond3A_534 = arith.cmpi ne, %convert_element_type3A_532, %cond3A_533 : i32
      scf.if %cond3A_534 {
        %add3A_695 = arith.constant 4 : i32
        %add3A_696 = arith.addi %add3A_498, %add3A_695 : i32
        %dma_wait3A_697 = arith.constant 0 : i32
        %dma_wait3A_698 = arith.constant 0 : i32
        %dma_wait3A_699 = tpu.memref_slice %arg3[%arg1, %dma_wait3A_697, %dma_wait3A_698] : memref<16x160x125xi32, #tpu.memory_space<hbm>> -> memref<1x160x125xi32, #tpu.memory_space<hbm>>
        %dma_wait3A_700 = tpu.memref_squeeze %dma_wait3A_699 : memref<1x160x125xi32, #tpu.memory_space<hbm>> -> memref<160x125xi32, #tpu.memory_space<hbm>>
        %dma_wait3A_701 = arith.constant 0 : i32
        %dma_wait3A_702 = tpu.memref_slice %dma_wait3A_700[%add3A_696, %dma_wait3A_701] : memref<160x125xi32, #tpu.memory_space<hbm>> -> memref<1x125xi32, #tpu.memory_space<hbm>>
        %dma_wait3A_703 = tpu.memref_squeeze %dma_wait3A_702 : memref<1x125xi32, #tpu.memory_space<hbm>> -> memref<125xi32, #tpu.memory_space<hbm>>
        %dma_wait3A_704 = arith.constant 0 : i32
        %dma_wait3A_705 = arith.constant 0 : i32
        %dma_wait3A_706 = tpu.memref_slice %arg3[%arg1, %dma_wait3A_704, %dma_wait3A_705] : memref<16x160x125xi32, #tpu.memory_space<hbm>> -> memref<1x160x125xi32, #tpu.memory_space<hbm>>
        %dma_wait3A_707 = tpu.memref_squeeze %dma_wait3A_706 : memref<1x160x125xi32, #tpu.memory_space<hbm>> -> memref<160x125xi32, #tpu.memory_space<hbm>>
        %dma_wait3A_708 = arith.constant 0 : i32
        %dma_wait3A_709 = tpu.memref_slice %dma_wait3A_707[%add3A_696, %dma_wait3A_708] : memref<160x125xi32, #tpu.memory_space<hbm>> -> memref<1x125xi32, #tpu.memory_space<hbm>>
        %dma_wait3A_710 = tpu.memref_squeeze %dma_wait3A_709 : memref<1x125xi32, #tpu.memory_space<hbm>> -> memref<125xi32, #tpu.memory_space<hbm>>
        tpu.wait_dma2 semaphore(%arg42 : memref<!tpu.dma_semaphore, #tpu.memory_space<semaphore_mem>>) src(%dma_wait3A_710 : memref<125xi32, #tpu.memory_space<hbm>>) dst(%arg22 : memref<125xi32, #tpu.memory_space<vmem>>)
        %dma_start3A_711 = arith.constant 0 : i32
        %dma_start3A_712 = tpu.memref_slice %arg2[%arg0, %dma_start3A_711] : memref<20000x64xbf16, #tpu.memory_space<hbm>> -> memref<19999x64xbf16, #tpu.memory_space<hbm>>
        %dma_start3A_713 = arith.constant 0 : i32
        %dma_start3A_714 = arith.constant 0 : i32
        %dma_start3A_715 = tpu.memref_slice %dma_start3A_712[%dma_start3A_713, %dma_start3A_714] : memref<19999x64xbf16, #tpu.memory_space<hbm>> -> memref<19999x64xbf16, #tpu.memory_space<hbm>>
        tpu.enqueue_indirect_dma source(%dma_start3A_715 : memref<19999x64xbf16, #tpu.memory_space<hbm>>) target(%arg34 : memref<125x64xbf16, #tpu.memory_space<vmem>>) offsets(%arg22 : memref<125xi32, #tpu.memory_space<vmem>>) semaphore(%arg54 : memref<!tpu.dma_semaphore, #tpu.memory_space<semaphore_mem>>)
      } else {
      }
      %mul3A_535 = arith.constant 8 : i32
      %mul3A_536 = arith.muli %scan3A_378, %mul3A_535 : i32
      %add3A_537 = arith.constant 4 : i32
      %add3A_538 = arith.addi %mul3A_536, %add3A_537 : i32
      %dma_wait3A_539 = arith.constant 0 : i32
      %dma_wait3A_540 = tpu.memref_slice %arg2[%arg0, %dma_wait3A_539] : memref<20000x64xbf16, #tpu.memory_space<hbm>> -> memref<19999x64xbf16, #tpu.memory_space<hbm>>
      %dma_wait3A_541 = arith.constant 0 : i32
      %dma_wait3A_542 = arith.constant 0 : i32
      %dma_wait3A_543 = tpu.memref_slice %dma_wait3A_540[%dma_wait3A_541, %dma_wait3A_542] : memref<19999x64xbf16, #tpu.memory_space<hbm>> -> memref<19999x64xbf16, #tpu.memory_space<hbm>>
      tpu.wait_indirect_dma semaphore(%arg51 : memref<!tpu.dma_semaphore, #tpu.memory_space<semaphore_mem>>) src(%dma_wait3A_543 : memref<19999x64xbf16, #tpu.memory_space<hbm>>) dst(%arg31 : memref<125x64xbf16, #tpu.memory_space<vmem>>)
      %dma_wait3A_544 = arith.constant 0 : i32
      %dma_wait3A_545 = arith.constant 0 : i32
      %dma_wait3A_546 = tpu.memref_slice %arg4[%arg1, %dma_wait3A_544, %dma_wait3A_545] : memref<16x160x125xi32, #tpu.memory_space<hbm>> -> memref<1x160x125xi32, #tpu.memory_space<hbm>>
      %dma_wait3A_547 = tpu.memref_squeeze %dma_wait3A_546 : memref<1x160x125xi32, #tpu.memory_space<hbm>> -> memref<160x125xi32, #tpu.memory_space<hbm>>
      %dma_wait3A_548 = arith.constant 0 : i32
      %dma_wait3A_549 = tpu.memref_slice %dma_wait3A_547[%add3A_538, %dma_wait3A_548] : memref<160x125xi32, #tpu.memory_space<hbm>> -> memref<1x125xi32, #tpu.memory_space<hbm>>
      %dma_wait3A_550 = tpu.memref_squeeze %dma_wait3A_549 : memref<1x125xi32, #tpu.memory_space<hbm>> -> memref<125xi32, #tpu.memory_space<hbm>>
      %dma_wait3A_551 = arith.constant 0 : i32
      %dma_wait3A_552 = arith.constant 0 : i32
      %dma_wait3A_553 = tpu.memref_slice %arg4[%arg1, %dma_wait3A_551, %dma_wait3A_552] : memref<16x160x125xi32, #tpu.memory_space<hbm>> -> memref<1x160x125xi32, #tpu.memory_space<hbm>>
      %dma_wait3A_554 = tpu.memref_squeeze %dma_wait3A_553 : memref<1x160x125xi32, #tpu.memory_space<hbm>> -> memref<160x125xi32, #tpu.memory_space<hbm>>
      %dma_wait3A_555 = arith.constant 0 : i32
      %dma_wait3A_556 = tpu.memref_slice %dma_wait3A_554[%add3A_538, %dma_wait3A_555] : memref<160x125xi32, #tpu.memory_space<hbm>> -> memref<1x125xi32, #tpu.memory_space<hbm>>
      %dma_wait3A_557 = tpu.memref_squeeze %dma_wait3A_556 : memref<1x125xi32, #tpu.memory_space<hbm>> -> memref<125xi32, #tpu.memory_space<hbm>>
      tpu.wait_dma2 semaphore(%arg47 : memref<!tpu.dma_semaphore, #tpu.memory_space<semaphore_mem>>) src(%dma_wait3A_557 : memref<125xi32, #tpu.memory_space<hbm>>) dst(%arg27 : memref<125xi32, #tpu.memory_space<vmem>>)
      "tpu.region"() ({
        %run_scoped3A = tpu.sem_alloc : memref<!tpu.dma_semaphore, #tpu.memory_space<semaphore_mem>>
        %dma_start3A_695 = arith.constant 0 : i32
        %dma_start3A_696 = arith.constant 0 : i32
        %dma_start3A_697 = tpu.memref_slice %arg11[%dma_start3A_695, %dma_start3A_696] : memref<10240x64xbf16, #tpu.memory_space<vmem_shared>> -> memref<10240x64xbf16, #tpu.memory_space<vmem_shared>>
        tpu.enqueue_indirect_dma source(%arg31 : memref<125x64xbf16, #tpu.memory_space<vmem>>) target(%dma_start3A_697 : memref<10240x64xbf16, #tpu.memory_space<vmem_shared>>) offsets(%arg27 : memref<125xi32, #tpu.memory_space<vmem>>) semaphore(%run_scoped3A : memref<!tpu.dma_semaphore, #tpu.memory_space<semaphore_mem>>) {add = true}
        %dma_wait3A_698 = arith.constant 0 : i32
        %dma_wait3A_699 = arith.constant 0 : i32
        %dma_wait3A_700 = tpu.memref_slice %arg11[%dma_wait3A_698, %dma_wait3A_699] : memref<10240x64xbf16, #tpu.memory_space<vmem_shared>> -> memref<10240x64xbf16, #tpu.memory_space<vmem_shared>>
        tpu.wait_indirect_dma semaphore(%run_scoped3A : memref<!tpu.dma_semaphore, #tpu.memory_space<semaphore_mem>>) src(%arg31 : memref<125x64xbf16, #tpu.memory_space<vmem>>) dst(%dma_wait3A_700 : memref<10240x64xbf16, #tpu.memory_space<vmem_shared>>)
        tpu.yield
      }) : () -> ()
      %eq3A_558 = arith.constant 0 : i32
      %eq3A_559 = arith.cmpi eq, %arg0, %eq3A_558 : i32
      %convert_element_type3A_560 = arith.extui %eq3A_559 : i1 to i32
      %cond3A_561 = arith.constant 0 : i32
      %cond3A_562 = arith.cmpi ne, %convert_element_type3A_560, %cond3A_561 : i32
      scf.if %cond3A_562 {
        "tpu.region"() ({
          %run_scoped3A = tpu.sem_alloc : memref<!tpu.dma_semaphore, #tpu.memory_space<semaphore_mem>>
          %dma_start3A_695 = arith.constant 0 : i32
          %dma_start3A_696 = arith.constant 0 : i32
          %dma_start3A_697 = tpu.memref_slice %arg14[%dma_start3A_695, %dma_start3A_696] : memref<10240x8xf32, #tpu.memory_space<vmem_shared>> -> memref<10240x8xf32, #tpu.memory_space<vmem_shared>>
          tpu.enqueue_indirect_dma source(%arg12 : memref<125x8xf32, #tpu.memory_space<vmem>>) target(%dma_start3A_697 : memref<10240x8xf32, #tpu.memory_space<vmem_shared>>) offsets(%arg27 : memref<125xi32, #tpu.memory_space<vmem>>) semaphore(%run_scoped3A : memref<!tpu.dma_semaphore, #tpu.memory_space<semaphore_mem>>) {add = true}
          %dma_wait3A_698 = arith.constant 0 : i32
          %dma_wait3A_699 = arith.constant 0 : i32
          %dma_wait3A_700 = tpu.memref_slice %arg14[%dma_wait3A_698, %dma_wait3A_699] : memref<10240x8xf32, #tpu.memory_space<vmem_shared>> -> memref<10240x8xf32, #tpu.memory_space<vmem_shared>>
          tpu.wait_indirect_dma semaphore(%run_scoped3A : memref<!tpu.dma_semaphore, #tpu.memory_space<semaphore_mem>>) src(%arg12 : memref<125x8xf32, #tpu.memory_space<vmem>>) dst(%dma_wait3A_700 : memref<10240x8xf32, #tpu.memory_space<vmem_shared>>)
          tpu.yield
        }) : () -> ()
      } else {
      }
      %lt3A_563 = arith.constant 19 : i32
      %lt3A_564 = arith.cmpi slt, %scan3A_378, %lt3A_563 : i32
      %convert_element_type3A_565 = arith.extui %lt3A_564 : i1 to i32
      %cond3A_566 = arith.constant 0 : i32
      %cond3A_567 = arith.cmpi ne, %convert_element_type3A_565, %cond3A_566 : i32
      scf.if %cond3A_567 {
        %add3A_695 = arith.constant 8 : i32
        %add3A_696 = arith.addi %add3A_538, %add3A_695 : i32
        %dma_start3A_697 = arith.constant 0 : i32
        %dma_start3A_698 = arith.constant 0 : i32
        %dma_start3A_699 = tpu.memref_slice %arg3[%arg1, %dma_start3A_697, %dma_start3A_698] : memref<16x160x125xi32, #tpu.memory_space<hbm>> -> memref<1x160x125xi32, #tpu.memory_space<hbm>>
        %dma_start3A_700 = tpu.memref_squeeze %dma_start3A_699 : memref<1x160x125xi32, #tpu.memory_space<hbm>> -> memref<160x125xi32, #tpu.memory_space<hbm>>
        %dma_start3A_701 = arith.constant 0 : i32
        %dma_start3A_702 = tpu.memref_slice %dma_start3A_700[%add3A_696, %dma_start3A_701] : memref<160x125xi32, #tpu.memory_space<hbm>> -> memref<1x125xi32, #tpu.memory_space<hbm>>
        %dma_start3A_703 = tpu.memref_squeeze %dma_start3A_702 : memref<1x125xi32, #tpu.memory_space<hbm>> -> memref<125xi32, #tpu.memory_space<hbm>>
        %dma_start3A_704 = arith.constant 0 : i32
        %dma_start3A_705 = arith.constant 0 : i32
        %dma_start3A_706 = tpu.memref_slice %arg3[%arg1, %dma_start3A_704, %dma_start3A_705] : memref<16x160x125xi32, #tpu.memory_space<hbm>> -> memref<1x160x125xi32, #tpu.memory_space<hbm>>
        %dma_start3A_707 = tpu.memref_squeeze %dma_start3A_706 : memref<1x160x125xi32, #tpu.memory_space<hbm>> -> memref<160x125xi32, #tpu.memory_space<hbm>>
        %dma_start3A_708 = arith.constant 0 : i32
        %dma_start3A_709 = tpu.memref_slice %dma_start3A_707[%add3A_696, %dma_start3A_708] : memref<160x125xi32, #tpu.memory_space<hbm>> -> memref<1x125xi32, #tpu.memory_space<hbm>>
        %dma_start3A_710 = tpu.memref_squeeze %dma_start3A_709 : memref<1x125xi32, #tpu.memory_space<hbm>> -> memref<125xi32, #tpu.memory_space<hbm>>
        tpu.enqueue_dma source(%dma_start3A_710 : memref<125xi32, #tpu.memory_space<hbm>>) target(%arg19 : memref<125xi32, #tpu.memory_space<vmem>>) target_semaphore(%arg39 : memref<!tpu.dma_semaphore, #tpu.memory_space<semaphore_mem>>)
        %add3A_711 = arith.constant 8 : i32
        %add3A_712 = arith.addi %add3A_538, %add3A_711 : i32
        %dma_start3A_713 = arith.constant 0 : i32
        %dma_start3A_714 = arith.constant 0 : i32
        %dma_start3A_715 = tpu.memref_slice %arg4[%arg1, %dma_start3A_713, %dma_start3A_714] : memref<16x160x125xi32, #tpu.memory_space<hbm>> -> memref<1x160x125xi32, #tpu.memory_space<hbm>>
        %dma_start3A_716 = tpu.memref_squeeze %dma_start3A_715 : memref<1x160x125xi32, #tpu.memory_space<hbm>> -> memref<160x125xi32, #tpu.memory_space<hbm>>
        %dma_start3A_717 = arith.constant 0 : i32
        %dma_start3A_718 = tpu.memref_slice %dma_start3A_716[%add3A_712, %dma_start3A_717] : memref<160x125xi32, #tpu.memory_space<hbm>> -> memref<1x125xi32, #tpu.memory_space<hbm>>
        %dma_start3A_719 = tpu.memref_squeeze %dma_start3A_718 : memref<1x125xi32, #tpu.memory_space<hbm>> -> memref<125xi32, #tpu.memory_space<hbm>>
        %dma_start3A_720 = arith.constant 0 : i32
        %dma_start3A_721 = arith.constant 0 : i32
        %dma_start3A_722 = tpu.memref_slice %arg4[%arg1, %dma_start3A_720, %dma_start3A_721] : memref<16x160x125xi32, #tpu.memory_space<hbm>> -> memref<1x160x125xi32, #tpu.memory_space<hbm>>
        %dma_start3A_723 = tpu.memref_squeeze %dma_start3A_722 : memref<1x160x125xi32, #tpu.memory_space<hbm>> -> memref<160x125xi32, #tpu.memory_space<hbm>>
        %dma_start3A_724 = arith.constant 0 : i32
        %dma_start3A_725 = tpu.memref_slice %dma_start3A_723[%add3A_712, %dma_start3A_724] : memref<160x125xi32, #tpu.memory_space<hbm>> -> memref<1x125xi32, #tpu.memory_space<hbm>>
        %dma_start3A_726 = tpu.memref_squeeze %dma_start3A_725 : memref<1x125xi32, #tpu.memory_space<hbm>> -> memref<125xi32, #tpu.memory_space<hbm>>
        tpu.enqueue_dma source(%dma_start3A_726 : memref<125xi32, #tpu.memory_space<hbm>>) target(%arg27 : memref<125xi32, #tpu.memory_space<vmem>>) target_semaphore(%arg47 : memref<!tpu.dma_semaphore, #tpu.memory_space<semaphore_mem>>)
      } else {
      }
      %add3A_568 = arith.constant 4 : i32
      %add3A_569 = arith.addi %add3A_538, %add3A_568 : i32
      %lt3A_570 = arith.constant 160 : i32
      %lt3A_571 = arith.cmpi slt, %add3A_569, %lt3A_570 : i32
      %convert_element_type3A_572 = arith.extui %lt3A_571 : i1 to i32
      %cond3A_573 = arith.constant 0 : i32
      %cond3A_574 = arith.cmpi ne, %convert_element_type3A_572, %cond3A_573 : i32
      scf.if %cond3A_574 {
        %add3A_695 = arith.constant 4 : i32
        %add3A_696 = arith.addi %add3A_538, %add3A_695 : i32
        %dma_wait3A_697 = arith.constant 0 : i32
        %dma_wait3A_698 = arith.constant 0 : i32
        %dma_wait3A_699 = tpu.memref_slice %arg3[%arg1, %dma_wait3A_697, %dma_wait3A_698] : memref<16x160x125xi32, #tpu.memory_space<hbm>> -> memref<1x160x125xi32, #tpu.memory_space<hbm>>
        %dma_wait3A_700 = tpu.memref_squeeze %dma_wait3A_699 : memref<1x160x125xi32, #tpu.memory_space<hbm>> -> memref<160x125xi32, #tpu.memory_space<hbm>>
        %dma_wait3A_701 = arith.constant 0 : i32
        %dma_wait3A_702 = tpu.memref_slice %dma_wait3A_700[%add3A_696, %dma_wait3A_701] : memref<160x125xi32, #tpu.memory_space<hbm>> -> memref<1x125xi32, #tpu.memory_space<hbm>>
        %dma_wait3A_703 = tpu.memref_squeeze %dma_wait3A_702 : memref<1x125xi32, #tpu.memory_space<hbm>> -> memref<125xi32, #tpu.memory_space<hbm>>
        %dma_wait3A_704 = arith.constant 0 : i32
        %dma_wait3A_705 = arith.constant 0 : i32
        %dma_wait3A_706 = tpu.memref_slice %arg3[%arg1, %dma_wait3A_704, %dma_wait3A_705] : memref<16x160x125xi32, #tpu.memory_space<hbm>> -> memref<1x160x125xi32, #tpu.memory_space<hbm>>
        %dma_wait3A_707 = tpu.memref_squeeze %dma_wait3A_706 : memref<1x160x125xi32, #tpu.memory_space<hbm>> -> memref<160x125xi32, #tpu.memory_space<hbm>>
        %dma_wait3A_708 = arith.constant 0 : i32
        %dma_wait3A_709 = tpu.memref_slice %dma_wait3A_707[%add3A_696, %dma_wait3A_708] : memref<160x125xi32, #tpu.memory_space<hbm>> -> memref<1x125xi32, #tpu.memory_space<hbm>>
        %dma_wait3A_710 = tpu.memref_squeeze %dma_wait3A_709 : memref<1x125xi32, #tpu.memory_space<hbm>> -> memref<125xi32, #tpu.memory_space<hbm>>
        tpu.wait_dma2 semaphore(%arg35 : memref<!tpu.dma_semaphore, #tpu.memory_space<semaphore_mem>>) src(%dma_wait3A_710 : memref<125xi32, #tpu.memory_space<hbm>>) dst(%arg15 : memref<125xi32, #tpu.memory_space<vmem>>)
        %dma_start3A_711 = arith.constant 0 : i32
        %dma_start3A_712 = tpu.memref_slice %arg2[%arg0, %dma_start3A_711] : memref<20000x64xbf16, #tpu.memory_space<hbm>> -> memref<19999x64xbf16, #tpu.memory_space<hbm>>
        %dma_start3A_713 = arith.constant 0 : i32
        %dma_start3A_714 = arith.constant 0 : i32
        %dma_start3A_715 = tpu.memref_slice %dma_start3A_712[%dma_start3A_713, %dma_start3A_714] : memref<19999x64xbf16, #tpu.memory_space<hbm>> -> memref<19999x64xbf16, #tpu.memory_space<hbm>>
        tpu.enqueue_indirect_dma source(%dma_start3A_715 : memref<19999x64xbf16, #tpu.memory_space<hbm>>) target(%arg31 : memref<125x64xbf16, #tpu.memory_space<vmem>>) offsets(%arg15 : memref<125xi32, #tpu.memory_space<vmem>>) semaphore(%arg51 : memref<!tpu.dma_semaphore, #tpu.memory_space<semaphore_mem>>)
      } else {
      }
      %mul3A_575 = arith.constant 8 : i32
      %mul3A_576 = arith.muli %scan3A_378, %mul3A_575 : i32
      %add3A_577 = arith.constant 5 : i32
      %add3A_578 = arith.addi %mul3A_576, %add3A_577 : i32
      %dma_wait3A_579 = arith.constant 0 : i32
      %dma_wait3A_580 = tpu.memref_slice %arg2[%arg0, %dma_wait3A_579] : memref<20000x64xbf16, #tpu.memory_space<hbm>> -> memref<19999x64xbf16, #tpu.memory_space<hbm>>
      %dma_wait3A_581 = arith.constant 0 : i32
      %dma_wait3A_582 = arith.constant 0 : i32
      %dma_wait3A_583 = tpu.memref_slice %dma_wait3A_580[%dma_wait3A_581, %dma_wait3A_582] : memref<19999x64xbf16, #tpu.memory_space<hbm>> -> memref<19999x64xbf16, #tpu.memory_space<hbm>>
      tpu.wait_indirect_dma semaphore(%arg52 : memref<!tpu.dma_semaphore, #tpu.memory_space<semaphore_mem>>) src(%dma_wait3A_583 : memref<19999x64xbf16, #tpu.memory_space<hbm>>) dst(%arg32 : memref<125x64xbf16, #tpu.memory_space<vmem>>)
      %dma_wait3A_584 = arith.constant 0 : i32
      %dma_wait3A_585 = arith.constant 0 : i32
      %dma_wait3A_586 = tpu.memref_slice %arg4[%arg1, %dma_wait3A_584, %dma_wait3A_585] : memref<16x160x125xi32, #tpu.memory_space<hbm>> -> memref<1x160x125xi32, #tpu.memory_space<hbm>>
      %dma_wait3A_587 = tpu.memref_squeeze %dma_wait3A_586 : memref<1x160x125xi32, #tpu.memory_space<hbm>> -> memref<160x125xi32, #tpu.memory_space<hbm>>
      %dma_wait3A_588 = arith.constant 0 : i32
      %dma_wait3A_589 = tpu.memref_slice %dma_wait3A_587[%add3A_578, %dma_wait3A_588] : memref<160x125xi32, #tpu.memory_space<hbm>> -> memref<1x125xi32, #tpu.memory_space<hbm>>
      %dma_wait3A_590 = tpu.memref_squeeze %dma_wait3A_589 : memref<1x125xi32, #tpu.memory_space<hbm>> -> memref<125xi32, #tpu.memory_space<hbm>>
      %dma_wait3A_591 = arith.constant 0 : i32
      %dma_wait3A_592 = arith.constant 0 : i32
      %dma_wait3A_593 = tpu.memref_slice %arg4[%arg1, %dma_wait3A_591, %dma_wait3A_592] : memref<16x160x125xi32, #tpu.memory_space<hbm>> -> memref<1x160x125xi32, #tpu.memory_space<hbm>>
      %dma_wait3A_594 = tpu.memref_squeeze %dma_wait3A_593 : memref<1x160x125xi32, #tpu.memory_space<hbm>> -> memref<160x125xi32, #tpu.memory_space<hbm>>
      %dma_wait3A_595 = arith.constant 0 : i32
      %dma_wait3A_596 = tpu.memref_slice %dma_wait3A_594[%add3A_578, %dma_wait3A_595] : memref<160x125xi32, #tpu.memory_space<hbm>> -> memref<1x125xi32, #tpu.memory_space<hbm>>
      %dma_wait3A_597 = tpu.memref_squeeze %dma_wait3A_596 : memref<1x125xi32, #tpu.memory_space<hbm>> -> memref<125xi32, #tpu.memory_space<hbm>>
      tpu.wait_dma2 semaphore(%arg48 : memref<!tpu.dma_semaphore, #tpu.memory_space<semaphore_mem>>) src(%dma_wait3A_597 : memref<125xi32, #tpu.memory_space<hbm>>) dst(%arg28 : memref<125xi32, #tpu.memory_space<vmem>>)
      "tpu.region"() ({
        %run_scoped3A = tpu.sem_alloc : memref<!tpu.dma_semaphore, #tpu.memory_space<semaphore_mem>>
        %dma_start3A_695 = arith.constant 0 : i32
        %dma_start3A_696 = arith.constant 0 : i32
        %dma_start3A_697 = tpu.memref_slice %arg11[%dma_start3A_695, %dma_start3A_696] : memref<10240x64xbf16, #tpu.memory_space<vmem_shared>> -> memref<10240x64xbf16, #tpu.memory_space<vmem_shared>>
        tpu.enqueue_indirect_dma source(%arg32 : memref<125x64xbf16, #tpu.memory_space<vmem>>) target(%dma_start3A_697 : memref<10240x64xbf16, #tpu.memory_space<vmem_shared>>) offsets(%arg28 : memref<125xi32, #tpu.memory_space<vmem>>) semaphore(%run_scoped3A : memref<!tpu.dma_semaphore, #tpu.memory_space<semaphore_mem>>) {add = true}
        %dma_wait3A_698 = arith.constant 0 : i32
        %dma_wait3A_699 = arith.constant 0 : i32
        %dma_wait3A_700 = tpu.memref_slice %arg11[%dma_wait3A_698, %dma_wait3A_699] : memref<10240x64xbf16, #tpu.memory_space<vmem_shared>> -> memref<10240x64xbf16, #tpu.memory_space<vmem_shared>>
        tpu.wait_indirect_dma semaphore(%run_scoped3A : memref<!tpu.dma_semaphore, #tpu.memory_space<semaphore_mem>>) src(%arg32 : memref<125x64xbf16, #tpu.memory_space<vmem>>) dst(%dma_wait3A_700 : memref<10240x64xbf16, #tpu.memory_space<vmem_shared>>)
        tpu.yield
      }) : () -> ()
      %eq3A_598 = arith.constant 1 : i32
      %eq3A_599 = arith.cmpi eq, %arg0, %eq3A_598 : i32
      %convert_element_type3A_600 = arith.extui %eq3A_599 : i1 to i32
      %cond3A_601 = arith.constant 0 : i32
      %cond3A_602 = arith.cmpi ne, %convert_element_type3A_600, %cond3A_601 : i32
      scf.if %cond3A_602 {
        "tpu.region"() ({
          %run_scoped3A = tpu.sem_alloc : memref<!tpu.dma_semaphore, #tpu.memory_space<semaphore_mem>>
          %dma_start3A_695 = arith.constant 0 : i32
          %dma_start3A_696 = arith.constant 0 : i32
          %dma_start3A_697 = tpu.memref_slice %arg14[%dma_start3A_695, %dma_start3A_696] : memref<10240x8xf32, #tpu.memory_space<vmem_shared>> -> memref<10240x8xf32, #tpu.memory_space<vmem_shared>>
          tpu.enqueue_indirect_dma source(%arg12 : memref<125x8xf32, #tpu.memory_space<vmem>>) target(%dma_start3A_697 : memref<10240x8xf32, #tpu.memory_space<vmem_shared>>) offsets(%arg28 : memref<125xi32, #tpu.memory_space<vmem>>) semaphore(%run_scoped3A : memref<!tpu.dma_semaphore, #tpu.memory_space<semaphore_mem>>) {add = true}
          %dma_wait3A_698 = arith.constant 0 : i32
          %dma_wait3A_699 = arith.constant 0 : i32
          %dma_wait3A_700 = tpu.memref_slice %arg14[%dma_wait3A_698, %dma_wait3A_699] : memref<10240x8xf32, #tpu.memory_space<vmem_shared>> -> memref<10240x8xf32, #tpu.memory_space<vmem_shared>>
          tpu.wait_indirect_dma semaphore(%run_scoped3A : memref<!tpu.dma_semaphore, #tpu.memory_space<semaphore_mem>>) src(%arg12 : memref<125x8xf32, #tpu.memory_space<vmem>>) dst(%dma_wait3A_700 : memref<10240x8xf32, #tpu.memory_space<vmem_shared>>)
          tpu.yield
        }) : () -> ()
      } else {
      }
      %lt3A_603 = arith.constant 19 : i32
      %lt3A_604 = arith.cmpi slt, %scan3A_378, %lt3A_603 : i32
      %convert_element_type3A_605 = arith.extui %lt3A_604 : i1 to i32
      %cond3A_606 = arith.constant 0 : i32
      %cond3A_607 = arith.cmpi ne, %convert_element_type3A_605, %cond3A_606 : i32
      scf.if %cond3A_607 {
        %add3A_695 = arith.constant 8 : i32
        %add3A_696 = arith.addi %add3A_578, %add3A_695 : i32
        %dma_start3A_697 = arith.constant 0 : i32
        %dma_start3A_698 = arith.constant 0 : i32
        %dma_start3A_699 = tpu.memref_slice %arg3[%arg1, %dma_start3A_697, %dma_start3A_698] : memref<16x160x125xi32, #tpu.memory_space<hbm>> -> memref<1x160x125xi32, #tpu.memory_space<hbm>>
        %dma_start3A_700 = tpu.memref_squeeze %dma_start3A_699 : memref<1x160x125xi32, #tpu.memory_space<hbm>> -> memref<160x125xi32, #tpu.memory_space<hbm>>
        %dma_start3A_701 = arith.constant 0 : i32
        %dma_start3A_702 = tpu.memref_slice %dma_start3A_700[%add3A_696, %dma_start3A_701] : memref<160x125xi32, #tpu.memory_space<hbm>> -> memref<1x125xi32, #tpu.memory_space<hbm>>
        %dma_start3A_703 = tpu.memref_squeeze %dma_start3A_702 : memref<1x125xi32, #tpu.memory_space<hbm>> -> memref<125xi32, #tpu.memory_space<hbm>>
        %dma_start3A_704 = arith.constant 0 : i32
        %dma_start3A_705 = arith.constant 0 : i32
        %dma_start3A_706 = tpu.memref_slice %arg3[%arg1, %dma_start3A_704, %dma_start3A_705] : memref<16x160x125xi32, #tpu.memory_space<hbm>> -> memref<1x160x125xi32, #tpu.memory_space<hbm>>
        %dma_start3A_707 = tpu.memref_squeeze %dma_start3A_706 : memref<1x160x125xi32, #tpu.memory_space<hbm>> -> memref<160x125xi32, #tpu.memory_space<hbm>>
        %dma_start3A_708 = arith.constant 0 : i32
        %dma_start3A_709 = tpu.memref_slice %dma_start3A_707[%add3A_696, %dma_start3A_708] : memref<160x125xi32, #tpu.memory_space<hbm>> -> memref<1x125xi32, #tpu.memory_space<hbm>>
        %dma_start3A_710 = tpu.memref_squeeze %dma_start3A_709 : memref<1x125xi32, #tpu.memory_space<hbm>> -> memref<125xi32, #tpu.memory_space<hbm>>
        tpu.enqueue_dma source(%dma_start3A_710 : memref<125xi32, #tpu.memory_space<hbm>>) target(%arg20 : memref<125xi32, #tpu.memory_space<vmem>>) target_semaphore(%arg40 : memref<!tpu.dma_semaphore, #tpu.memory_space<semaphore_mem>>)
        %add3A_711 = arith.constant 8 : i32
        %add3A_712 = arith.addi %add3A_578, %add3A_711 : i32
        %dma_start3A_713 = arith.constant 0 : i32
        %dma_start3A_714 = arith.constant 0 : i32
        %dma_start3A_715 = tpu.memref_slice %arg4[%arg1, %dma_start3A_713, %dma_start3A_714] : memref<16x160x125xi32, #tpu.memory_space<hbm>> -> memref<1x160x125xi32, #tpu.memory_space<hbm>>
        %dma_start3A_716 = tpu.memref_squeeze %dma_start3A_715 : memref<1x160x125xi32, #tpu.memory_space<hbm>> -> memref<160x125xi32, #tpu.memory_space<hbm>>
        %dma_start3A_717 = arith.constant 0 : i32
        %dma_start3A_718 = tpu.memref_slice %dma_start3A_716[%add3A_712, %dma_start3A_717] : memref<160x125xi32, #tpu.memory_space<hbm>> -> memref<1x125xi32, #tpu.memory_space<hbm>>
        %dma_start3A_719 = tpu.memref_squeeze %dma_start3A_718 : memref<1x125xi32, #tpu.memory_space<hbm>> -> memref<125xi32, #tpu.memory_space<hbm>>
        %dma_start3A_720 = arith.constant 0 : i32
        %dma_start3A_721 = arith.constant 0 : i32
        %dma_start3A_722 = tpu.memref_slice %arg4[%arg1, %dma_start3A_720, %dma_start3A_721] : memref<16x160x125xi32, #tpu.memory_space<hbm>> -> memref<1x160x125xi32, #tpu.memory_space<hbm>>
        %dma_start3A_723 = tpu.memref_squeeze %dma_start3A_722 : memref<1x160x125xi32, #tpu.memory_space<hbm>> -> memref<160x125xi32, #tpu.memory_space<hbm>>
        %dma_start3A_724 = arith.constant 0 : i32
        %dma_start3A_725 = tpu.memref_slice %dma_start3A_723[%add3A_712, %dma_start3A_724] : memref<160x125xi32, #tpu.memory_space<hbm>> -> memref<1x125xi32, #tpu.memory_space<hbm>>
        %dma_start3A_726 = tpu.memref_squeeze %dma_start3A_725 : memref<1x125xi32, #tpu.memory_space<hbm>> -> memref<125xi32, #tpu.memory_space<hbm>>
        tpu.enqueue_dma source(%dma_start3A_726 : memref<125xi32, #tpu.memory_space<hbm>>) target(%arg28 : memref<125xi32, #tpu.memory_space<vmem>>) target_semaphore(%arg48 : memref<!tpu.dma_semaphore, #tpu.memory_space<semaphore_mem>>)
      } else {
      }
      %add3A_608 = arith.constant 4 : i32
      %add3A_609 = arith.addi %add3A_578, %add3A_608 : i32
      %lt3A_610 = arith.constant 160 : i32
      %lt3A_611 = arith.cmpi slt, %add3A_609, %lt3A_610 : i32
      %convert_element_type3A_612 = arith.extui %lt3A_611 : i1 to i32
      %cond3A_613 = arith.constant 0 : i32
      %cond3A_614 = arith.cmpi ne, %convert_element_type3A_612, %cond3A_613 : i32
      scf.if %cond3A_614 {
        %add3A_695 = arith.constant 4 : i32
        %add3A_696 = arith.addi %add3A_578, %add3A_695 : i32
        %dma_wait3A_697 = arith.constant 0 : i32
        %dma_wait3A_698 = arith.constant 0 : i32
        %dma_wait3A_699 = tpu.memref_slice %arg3[%arg1, %dma_wait3A_697, %dma_wait3A_698] : memref<16x160x125xi32, #tpu.memory_space<hbm>> -> memref<1x160x125xi32, #tpu.memory_space<hbm>>
        %dma_wait3A_700 = tpu.memref_squeeze %dma_wait3A_699 : memref<1x160x125xi32, #tpu.memory_space<hbm>> -> memref<160x125xi32, #tpu.memory_space<hbm>>
        %dma_wait3A_701 = arith.constant 0 : i32
        %dma_wait3A_702 = tpu.memref_slice %dma_wait3A_700[%add3A_696, %dma_wait3A_701] : memref<160x125xi32, #tpu.memory_space<hbm>> -> memref<1x125xi32, #tpu.memory_space<hbm>>
        %dma_wait3A_703 = tpu.memref_squeeze %dma_wait3A_702 : memref<1x125xi32, #tpu.memory_space<hbm>> -> memref<125xi32, #tpu.memory_space<hbm>>
        %dma_wait3A_704 = arith.constant 0 : i32
        %dma_wait3A_705 = arith.constant 0 : i32
        %dma_wait3A_706 = tpu.memref_slice %arg3[%arg1, %dma_wait3A_704, %dma_wait3A_705] : memref<16x160x125xi32, #tpu.memory_space<hbm>> -> memref<1x160x125xi32, #tpu.memory_space<hbm>>
        %dma_wait3A_707 = tpu.memref_squeeze %dma_wait3A_706 : memref<1x160x125xi32, #tpu.memory_space<hbm>> -> memref<160x125xi32, #tpu.memory_space<hbm>>
        %dma_wait3A_708 = arith.constant 0 : i32
        %dma_wait3A_709 = tpu.memref_slice %dma_wait3A_707[%add3A_696, %dma_wait3A_708] : memref<160x125xi32, #tpu.memory_space<hbm>> -> memref<1x125xi32, #tpu.memory_space<hbm>>
        %dma_wait3A_710 = tpu.memref_squeeze %dma_wait3A_709 : memref<1x125xi32, #tpu.memory_space<hbm>> -> memref<125xi32, #tpu.memory_space<hbm>>
        tpu.wait_dma2 semaphore(%arg36 : memref<!tpu.dma_semaphore, #tpu.memory_space<semaphore_mem>>) src(%dma_wait3A_710 : memref<125xi32, #tpu.memory_space<hbm>>) dst(%arg16 : memref<125xi32, #tpu.memory_space<vmem>>)
        %dma_start3A_711 = arith.constant 0 : i32
        %dma_start3A_712 = tpu.memref_slice %arg2[%arg0, %dma_start3A_711] : memref<20000x64xbf16, #tpu.memory_space<hbm>> -> memref<19999x64xbf16, #tpu.memory_space<hbm>>
        %dma_start3A_713 = arith.constant 0 : i32
        %dma_start3A_714 = arith.constant 0 : i32
        %dma_start3A_715 = tpu.memref_slice %dma_start3A_712[%dma_start3A_713, %dma_start3A_714] : memref<19999x64xbf16, #tpu.memory_space<hbm>> -> memref<19999x64xbf16, #tpu.memory_space<hbm>>
        tpu.enqueue_indirect_dma source(%dma_start3A_715 : memref<19999x64xbf16, #tpu.memory_space<hbm>>) target(%arg32 : memref<125x64xbf16, #tpu.memory_space<vmem>>) offsets(%arg16 : memref<125xi32, #tpu.memory_space<vmem>>) semaphore(%arg52 : memref<!tpu.dma_semaphore, #tpu.memory_space<semaphore_mem>>)
      } else {
      }
      %mul3A_615 = arith.constant 8 : i32
      %mul3A_616 = arith.muli %scan3A_378, %mul3A_615 : i32
      %add3A_617 = arith.constant 6 : i32
      %add3A_618 = arith.addi %mul3A_616, %add3A_617 : i32
      %dma_wait3A_619 = arith.constant 0 : i32
      %dma_wait3A_620 = tpu.memref_slice %arg2[%arg0, %dma_wait3A_619] : memref<20000x64xbf16, #tpu.memory_space<hbm>> -> memref<19999x64xbf16, #tpu.memory_space<hbm>>
      %dma_wait3A_621 = arith.constant 0 : i32
      %dma_wait3A_622 = arith.constant 0 : i32
      %dma_wait3A_623 = tpu.memref_slice %dma_wait3A_620[%dma_wait3A_621, %dma_wait3A_622] : memref<19999x64xbf16, #tpu.memory_space<hbm>> -> memref<19999x64xbf16, #tpu.memory_space<hbm>>
      tpu.wait_indirect_dma semaphore(%arg53 : memref<!tpu.dma_semaphore, #tpu.memory_space<semaphore_mem>>) src(%dma_wait3A_623 : memref<19999x64xbf16, #tpu.memory_space<hbm>>) dst(%arg33 : memref<125x64xbf16, #tpu.memory_space<vmem>>)
      %dma_wait3A_624 = arith.constant 0 : i32
      %dma_wait3A_625 = arith.constant 0 : i32
      %dma_wait3A_626 = tpu.memref_slice %arg4[%arg1, %dma_wait3A_624, %dma_wait3A_625] : memref<16x160x125xi32, #tpu.memory_space<hbm>> -> memref<1x160x125xi32, #tpu.memory_space<hbm>>
      %dma_wait3A_627 = tpu.memref_squeeze %dma_wait3A_626 : memref<1x160x125xi32, #tpu.memory_space<hbm>> -> memref<160x125xi32, #tpu.memory_space<hbm>>
      %dma_wait3A_628 = arith.constant 0 : i32
      %dma_wait3A_629 = tpu.memref_slice %dma_wait3A_627[%add3A_618, %dma_wait3A_628] : memref<160x125xi32, #tpu.memory_space<hbm>> -> memref<1x125xi32, #tpu.memory_space<hbm>>
      %dma_wait3A_630 = tpu.memref_squeeze %dma_wait3A_629 : memref<1x125xi32, #tpu.memory_space<hbm>> -> memref<125xi32, #tpu.memory_space<hbm>>
      %dma_wait3A_631 = arith.constant 0 : i32
      %dma_wait3A_632 = arith.constant 0 : i32
      %dma_wait3A_633 = tpu.memref_slice %arg4[%arg1, %dma_wait3A_631, %dma_wait3A_632] : memref<16x160x125xi32, #tpu.memory_space<hbm>> -> memref<1x160x125xi32, #tpu.memory_space<hbm>>
      %dma_wait3A_634 = tpu.memref_squeeze %dma_wait3A_633 : memref<1x160x125xi32, #tpu.memory_space<hbm>> -> memref<160x125xi32, #tpu.memory_space<hbm>>
      %dma_wait3A_635 = arith.constant 0 : i32
      %dma_wait3A_636 = tpu.memref_slice %dma_wait3A_634[%add3A_618, %dma_wait3A_635] : memref<160x125xi32, #tpu.memory_space<hbm>> -> memref<1x125xi32, #tpu.memory_space<hbm>>
      %dma_wait3A_637 = tpu.memref_squeeze %dma_wait3A_636 : memref<1x125xi32, #tpu.memory_space<hbm>> -> memref<125xi32, #tpu.memory_space<hbm>>
      tpu.wait_dma2 semaphore(%arg49 : memref<!tpu.dma_semaphore, #tpu.memory_space<semaphore_mem>>) src(%dma_wait3A_637 : memref<125xi32, #tpu.memory_space<hbm>>) dst(%arg29 : memref<125xi32, #tpu.memory_space<vmem>>)
      "tpu.region"() ({
        %run_scoped3A = tpu.sem_alloc : memref<!tpu.dma_semaphore, #tpu.memory_space<semaphore_mem>>
        %dma_start3A_695 = arith.constant 0 : i32
        %dma_start3A_696 = arith.constant 0 : i32
        %dma_start3A_697 = tpu.memref_slice %arg11[%dma_start3A_695, %dma_start3A_696] : memref<10240x64xbf16, #tpu.memory_space<vmem_shared>> -> memref<10240x64xbf16, #tpu.memory_space<vmem_shared>>
        tpu.enqueue_indirect_dma source(%arg33 : memref<125x64xbf16, #tpu.memory_space<vmem>>) target(%dma_start3A_697 : memref<10240x64xbf16, #tpu.memory_space<vmem_shared>>) offsets(%arg29 : memref<125xi32, #tpu.memory_space<vmem>>) semaphore(%run_scoped3A : memref<!tpu.dma_semaphore, #tpu.memory_space<semaphore_mem>>) {add = true}
        %dma_wait3A_698 = arith.constant 0 : i32
        %dma_wait3A_699 = arith.constant 0 : i32
        %dma_wait3A_700 = tpu.memref_slice %arg11[%dma_wait3A_698, %dma_wait3A_699] : memref<10240x64xbf16, #tpu.memory_space<vmem_shared>> -> memref<10240x64xbf16, #tpu.memory_space<vmem_shared>>
        tpu.wait_indirect_dma semaphore(%run_scoped3A : memref<!tpu.dma_semaphore, #tpu.memory_space<semaphore_mem>>) src(%arg33 : memref<125x64xbf16, #tpu.memory_space<vmem>>) dst(%dma_wait3A_700 : memref<10240x64xbf16, #tpu.memory_space<vmem_shared>>)
        tpu.yield
      }) : () -> ()
      %eq3A_638 = arith.constant 0 : i32
      %eq3A_639 = arith.cmpi eq, %arg0, %eq3A_638 : i32
      %convert_element_type3A_640 = arith.extui %eq3A_639 : i1 to i32
      %cond3A_641 = arith.constant 0 : i32
      %cond3A_642 = arith.cmpi ne, %convert_element_type3A_640, %cond3A_641 : i32
      scf.if %cond3A_642 {
        "tpu.region"() ({
          %run_scoped3A = tpu.sem_alloc : memref<!tpu.dma_semaphore, #tpu.memory_space<semaphore_mem>>
          %dma_start3A_695 = arith.constant 0 : i32
          %dma_start3A_696 = arith.constant 0 : i32
          %dma_start3A_697 = tpu.memref_slice %arg14[%dma_start3A_695, %dma_start3A_696] : memref<10240x8xf32, #tpu.memory_space<vmem_shared>> -> memref<10240x8xf32, #tpu.memory_space<vmem_shared>>
          tpu.enqueue_indirect_dma source(%arg12 : memref<125x8xf32, #tpu.memory_space<vmem>>) target(%dma_start3A_697 : memref<10240x8xf32, #tpu.memory_space<vmem_shared>>) offsets(%arg29 : memref<125xi32, #tpu.memory_space<vmem>>) semaphore(%run_scoped3A : memref<!tpu.dma_semaphore, #tpu.memory_space<semaphore_mem>>) {add = true}
          %dma_wait3A_698 = arith.constant 0 : i32
          %dma_wait3A_699 = arith.constant 0 : i32
          %dma_wait3A_700 = tpu.memref_slice %arg14[%dma_wait3A_698, %dma_wait3A_699] : memref<10240x8xf32, #tpu.memory_space<vmem_shared>> -> memref<10240x8xf32, #tpu.memory_space<vmem_shared>>
          tpu.wait_indirect_dma semaphore(%run_scoped3A : memref<!tpu.dma_semaphore, #tpu.memory_space<semaphore_mem>>) src(%arg12 : memref<125x8xf32, #tpu.memory_space<vmem>>) dst(%dma_wait3A_700 : memref<10240x8xf32, #tpu.memory_space<vmem_shared>>)
          tpu.yield
        }) : () -> ()
      } else {
      }
      %lt3A_643 = arith.constant 19 : i32
      %lt3A_644 = arith.cmpi slt, %scan3A_378, %lt3A_643 : i32
      %convert_element_type3A_645 = arith.extui %lt3A_644 : i1 to i32
      %cond3A_646 = arith.constant 0 : i32
      %cond3A_647 = arith.cmpi ne, %convert_element_type3A_645, %cond3A_646 : i32
      scf.if %cond3A_647 {
        %add3A_695 = arith.constant 8 : i32
        %add3A_696 = arith.addi %add3A_618, %add3A_695 : i32
        %dma_start3A_697 = arith.constant 0 : i32
        %dma_start3A_698 = arith.constant 0 : i32
        %dma_start3A_699 = tpu.memref_slice %arg3[%arg1, %dma_start3A_697, %dma_start3A_698] : memref<16x160x125xi32, #tpu.memory_space<hbm>> -> memref<1x160x125xi32, #tpu.memory_space<hbm>>
        %dma_start3A_700 = tpu.memref_squeeze %dma_start3A_699 : memref<1x160x125xi32, #tpu.memory_space<hbm>> -> memref<160x125xi32, #tpu.memory_space<hbm>>
        %dma_start3A_701 = arith.constant 0 : i32
        %dma_start3A_702 = tpu.memref_slice %dma_start3A_700[%add3A_696, %dma_start3A_701] : memref<160x125xi32, #tpu.memory_space<hbm>> -> memref<1x125xi32, #tpu.memory_space<hbm>>
        %dma_start3A_703 = tpu.memref_squeeze %dma_start3A_702 : memref<1x125xi32, #tpu.memory_space<hbm>> -> memref<125xi32, #tpu.memory_space<hbm>>
        %dma_start3A_704 = arith.constant 0 : i32
        %dma_start3A_705 = arith.constant 0 : i32
        %dma_start3A_706 = tpu.memref_slice %arg3[%arg1, %dma_start3A_704, %dma_start3A_705] : memref<16x160x125xi32, #tpu.memory_space<hbm>> -> memref<1x160x125xi32, #tpu.memory_space<hbm>>
        %dma_start3A_707 = tpu.memref_squeeze %dma_start3A_706 : memref<1x160x125xi32, #tpu.memory_space<hbm>> -> memref<160x125xi32, #tpu.memory_space<hbm>>
        %dma_start3A_708 = arith.constant 0 : i32
        %dma_start3A_709 = tpu.memref_slice %dma_start3A_707[%add3A_696, %dma_start3A_708] : memref<160x125xi32, #tpu.memory_space<hbm>> -> memref<1x125xi32, #tpu.memory_space<hbm>>
        %dma_start3A_710 = tpu.memref_squeeze %dma_start3A_709 : memref<1x125xi32, #tpu.memory_space<hbm>> -> memref<125xi32, #tpu.memory_space<hbm>>
        tpu.enqueue_dma source(%dma_start3A_710 : memref<125xi32, #tpu.memory_space<hbm>>) target(%arg21 : memref<125xi32, #tpu.memory_space<vmem>>) target_semaphore(%arg41 : memref<!tpu.dma_semaphore, #tpu.memory_space<semaphore_mem>>)
        %add3A_711 = arith.constant 8 : i32
        %add3A_712 = arith.addi %add3A_618, %add3A_711 : i32
        %dma_start3A_713 = arith.constant 0 : i32
        %dma_start3A_714 = arith.constant 0 : i32
        %dma_start3A_715 = tpu.memref_slice %arg4[%arg1, %dma_start3A_713, %dma_start3A_714] : memref<16x160x125xi32, #tpu.memory_space<hbm>> -> memref<1x160x125xi32, #tpu.memory_space<hbm>>
        %dma_start3A_716 = tpu.memref_squeeze %dma_start3A_715 : memref<1x160x125xi32, #tpu.memory_space<hbm>> -> memref<160x125xi32, #tpu.memory_space<hbm>>
        %dma_start3A_717 = arith.constant 0 : i32
        %dma_start3A_718 = tpu.memref_slice %dma_start3A_716[%add3A_712, %dma_start3A_717] : memref<160x125xi32, #tpu.memory_space<hbm>> -> memref<1x125xi32, #tpu.memory_space<hbm>>
        %dma_start3A_719 = tpu.memref_squeeze %dma_start3A_718 : memref<1x125xi32, #tpu.memory_space<hbm>> -> memref<125xi32, #tpu.memory_space<hbm>>
        %dma_start3A_720 = arith.constant 0 : i32
        %dma_start3A_721 = arith.constant 0 : i32
        %dma_start3A_722 = tpu.memref_slice %arg4[%arg1, %dma_start3A_720, %dma_start3A_721] : memref<16x160x125xi32, #tpu.memory_space<hbm>> -> memref<1x160x125xi32, #tpu.memory_space<hbm>>
        %dma_start3A_723 = tpu.memref_squeeze %dma_start3A_722 : memref<1x160x125xi32, #tpu.memory_space<hbm>> -> memref<160x125xi32, #tpu.memory_space<hbm>>
        %dma_start3A_724 = arith.constant 0 : i32
        %dma_start3A_725 = tpu.memref_slice %dma_start3A_723[%add3A_712, %dma_start3A_724] : memref<160x125xi32, #tpu.memory_space<hbm>> -> memref<1x125xi32, #tpu.memory_space<hbm>>
        %dma_start3A_726 = tpu.memref_squeeze %dma_start3A_725 : memref<1x125xi32, #tpu.memory_space<hbm>> -> memref<125xi32, #tpu.memory_space<hbm>>
        tpu.enqueue_dma source(%dma_start3A_726 : memref<125xi32, #tpu.memory_space<hbm>>) target(%arg29 : memref<125xi32, #tpu.memory_space<vmem>>) target_semaphore(%arg49 : memref<!tpu.dma_semaphore, #tpu.memory_space<semaphore_mem>>)
      } else {
      }
      %add3A_648 = arith.constant 4 : i32
      %add3A_649 = arith.addi %add3A_618, %add3A_648 : i32
      %lt3A_650 = arith.constant 160 : i32
      %lt3A_651 = arith.cmpi slt, %add3A_649, %lt3A_650 : i32
      %convert_element_type3A_652 = arith.extui %lt3A_651 : i1 to i32
      %cond3A_653 = arith.constant 0 : i32
      %cond3A_654 = arith.cmpi ne, %convert_element_type3A_652, %cond3A_653 : i32
      scf.if %cond3A_654 {
        %add3A_695 = arith.constant 4 : i32
        %add3A_696 = arith.addi %add3A_618, %add3A_695 : i32
        %dma_wait3A_697 = arith.constant 0 : i32
        %dma_wait3A_698 = arith.constant 0 : i32
        %dma_wait3A_699 = tpu.memref_slice %arg3[%arg1, %dma_wait3A_697, %dma_wait3A_698] : memref<16x160x125xi32, #tpu.memory_space<hbm>> -> memref<1x160x125xi32, #tpu.memory_space<hbm>>
        %dma_wait3A_700 = tpu.memref_squeeze %dma_wait3A_699 : memref<1x160x125xi32, #tpu.memory_space<hbm>> -> memref<160x125xi32, #tpu.memory_space<hbm>>
        %dma_wait3A_701 = arith.constant 0 : i32
        %dma_wait3A_702 = tpu.memref_slice %dma_wait3A_700[%add3A_696, %dma_wait3A_701] : memref<160x125xi32, #tpu.memory_space<hbm>> -> memref<1x125xi32, #tpu.memory_space<hbm>>
        %dma_wait3A_703 = tpu.memref_squeeze %dma_wait3A_702 : memref<1x125xi32, #tpu.memory_space<hbm>> -> memref<125xi32, #tpu.memory_space<hbm>>
        %dma_wait3A_704 = arith.constant 0 : i32
        %dma_wait3A_705 = arith.constant 0 : i32
        %dma_wait3A_706 = tpu.memref_slice %arg3[%arg1, %dma_wait3A_704, %dma_wait3A_705] : memref<16x160x125xi32, #tpu.memory_space<hbm>> -> memref<1x160x125xi32, #tpu.memory_space<hbm>>
        %dma_wait3A_707 = tpu.memref_squeeze %dma_wait3A_706 : memref<1x160x125xi32, #tpu.memory_space<hbm>> -> memref<160x125xi32, #tpu.memory_space<hbm>>
        %dma_wait3A_708 = arith.constant 0 : i32
        %dma_wait3A_709 = tpu.memref_slice %dma_wait3A_707[%add3A_696, %dma_wait3A_708] : memref<160x125xi32, #tpu.memory_space<hbm>> -> memref<1x125xi32, #tpu.memory_space<hbm>>
        %dma_wait3A_710 = tpu.memref_squeeze %dma_wait3A_709 : memref<1x125xi32, #tpu.memory_space<hbm>> -> memref<125xi32, #tpu.memory_space<hbm>>
        tpu.wait_dma2 semaphore(%arg37 : memref<!tpu.dma_semaphore, #tpu.memory_space<semaphore_mem>>) src(%dma_wait3A_710 : memref<125xi32, #tpu.memory_space<hbm>>) dst(%arg17 : memref<125xi32, #tpu.memory_space<vmem>>)
        %dma_start3A_711 = arith.constant 0 : i32
        %dma_start3A_712 = tpu.memref_slice %arg2[%arg0, %dma_start3A_711] : memref<20000x64xbf16, #tpu.memory_space<hbm>> -> memref<19999x64xbf16, #tpu.memory_space<hbm>>
        %dma_start3A_713 = arith.constant 0 : i32
        %dma_start3A_714 = arith.constant 0 : i32
        %dma_start3A_715 = tpu.memref_slice %dma_start3A_712[%dma_start3A_713, %dma_start3A_714] : memref<19999x64xbf16, #tpu.memory_space<hbm>> -> memref<19999x64xbf16, #tpu.memory_space<hbm>>
        tpu.enqueue_indirect_dma source(%dma_start3A_715 : memref<19999x64xbf16, #tpu.memory_space<hbm>>) target(%arg33 : memref<125x64xbf16, #tpu.memory_space<vmem>>) offsets(%arg17 : memref<125xi32, #tpu.memory_space<vmem>>) semaphore(%arg53 : memref<!tpu.dma_semaphore, #tpu.memory_space<semaphore_mem>>)
      } else {
      }
      %mul3A_655 = arith.constant 8 : i32
      %mul3A_656 = arith.muli %scan3A_378, %mul3A_655 : i32
      %add3A_657 = arith.constant 7 : i32
      %add3A_658 = arith.addi %mul3A_656, %add3A_657 : i32
      %dma_wait3A_659 = arith.constant 0 : i32
      %dma_wait3A_660 = tpu.memref_slice %arg2[%arg0, %dma_wait3A_659] : memref<20000x64xbf16, #tpu.memory_space<hbm>> -> memref<19999x64xbf16, #tpu.memory_space<hbm>>
      %dma_wait3A_661 = arith.constant 0 : i32
      %dma_wait3A_662 = arith.constant 0 : i32
      %dma_wait3A_663 = tpu.memref_slice %dma_wait3A_660[%dma_wait3A_661, %dma_wait3A_662] : memref<19999x64xbf16, #tpu.memory_space<hbm>> -> memref<19999x64xbf16, #tpu.memory_space<hbm>>
      tpu.wait_indirect_dma semaphore(%arg54 : memref<!tpu.dma_semaphore, #tpu.memory_space<semaphore_mem>>) src(%dma_wait3A_663 : memref<19999x64xbf16, #tpu.memory_space<hbm>>) dst(%arg34 : memref<125x64xbf16, #tpu.memory_space<vmem>>)
      %dma_wait3A_664 = arith.constant 0 : i32
      %dma_wait3A_665 = arith.constant 0 : i32
      %dma_wait3A_666 = tpu.memref_slice %arg4[%arg1, %dma_wait3A_664, %dma_wait3A_665] : memref<16x160x125xi32, #tpu.memory_space<hbm>> -> memref<1x160x125xi32, #tpu.memory_space<hbm>>
      %dma_wait3A_667 = tpu.memref_squeeze %dma_wait3A_666 : memref<1x160x125xi32, #tpu.memory_space<hbm>> -> memref<160x125xi32, #tpu.memory_space<hbm>>
      %dma_wait3A_668 = arith.constant 0 : i32
      %dma_wait3A_669 = tpu.memref_slice %dma_wait3A_667[%add3A_658, %dma_wait3A_668] : memref<160x125xi32, #tpu.memory_space<hbm>> -> memref<1x125xi32, #tpu.memory_space<hbm>>
      %dma_wait3A_670 = tpu.memref_squeeze %dma_wait3A_669 : memref<1x125xi32, #tpu.memory_space<hbm>> -> memref<125xi32, #tpu.memory_space<hbm>>
      %dma_wait3A_671 = arith.constant 0 : i32
      %dma_wait3A_672 = arith.constant 0 : i32
      %dma_wait3A_673 = tpu.memref_slice %arg4[%arg1, %dma_wait3A_671, %dma_wait3A_672] : memref<16x160x125xi32, #tpu.memory_space<hbm>> -> memref<1x160x125xi32, #tpu.memory_space<hbm>>
      %dma_wait3A_674 = tpu.memref_squeeze %dma_wait3A_673 : memref<1x160x125xi32, #tpu.memory_space<hbm>> -> memref<160x125xi32, #tpu.memory_space<hbm>>
      %dma_wait3A_675 = arith.constant 0 : i32
      %dma_wait3A_676 = tpu.memref_slice %dma_wait3A_674[%add3A_658, %dma_wait3A_675] : memref<160x125xi32, #tpu.memory_space<hbm>> -> memref<1x125xi32, #tpu.memory_space<hbm>>
      %dma_wait3A_677 = tpu.memref_squeeze %dma_wait3A_676 : memref<1x125xi32, #tpu.memory_space<hbm>> -> memref<125xi32, #tpu.memory_space<hbm>>
      tpu.wait_dma2 semaphore(%arg50 : memref<!tpu.dma_semaphore, #tpu.memory_space<semaphore_mem>>) src(%dma_wait3A_677 : memref<125xi32, #tpu.memory_space<hbm>>) dst(%arg30 : memref<125xi32, #tpu.memory_space<vmem>>)
      "tpu.region"() ({
        %run_scoped3A = tpu.sem_alloc : memref<!tpu.dma_semaphore, #tpu.memory_space<semaphore_mem>>
        %dma_start3A_695 = arith.constant 0 : i32
        %dma_start3A_696 = arith.constant 0 : i32
        %dma_start3A_697 = tpu.memref_slice %arg11[%dma_start3A_695, %dma_start3A_696] : memref<10240x64xbf16, #tpu.memory_space<vmem_shared>> -> memref<10240x64xbf16, #tpu.memory_space<vmem_shared>>
        tpu.enqueue_indirect_dma source(%arg34 : memref<125x64xbf16, #tpu.memory_space<vmem>>) target(%dma_start3A_697 : memref<10240x64xbf16, #tpu.memory_space<vmem_shared>>) offsets(%arg30 : memref<125xi32, #tpu.memory_space<vmem>>) semaphore(%run_scoped3A : memref<!tpu.dma_semaphore, #tpu.memory_space<semaphore_mem>>) {add = true}
        %dma_wait3A_698 = arith.constant 0 : i32
        %dma_wait3A_699 = arith.constant 0 : i32
        %dma_wait3A_700 = tpu.memref_slice %arg11[%dma_wait3A_698, %dma_wait3A_699] : memref<10240x64xbf16, #tpu.memory_space<vmem_shared>> -> memref<10240x64xbf16, #tpu.memory_space<vmem_shared>>
        tpu.wait_indirect_dma semaphore(%run_scoped3A : memref<!tpu.dma_semaphore, #tpu.memory_space<semaphore_mem>>) src(%arg34 : memref<125x64xbf16, #tpu.memory_space<vmem>>) dst(%dma_wait3A_700 : memref<10240x64xbf16, #tpu.memory_space<vmem_shared>>)
        tpu.yield
      }) : () -> ()
      %eq3A_678 = arith.constant 1 : i32
      %eq3A_679 = arith.cmpi eq, %arg0, %eq3A_678 : i32
      %convert_element_type3A_680 = arith.extui %eq3A_679 : i1 to i32
      %cond3A_681 = arith.constant 0 : i32
      %cond3A_682 = arith.cmpi ne, %convert_element_type3A_680, %cond3A_681 : i32
      scf.if %cond3A_682 {
        "tpu.region"() ({
          %run_scoped3A = tpu.sem_alloc : memref<!tpu.dma_semaphore, #tpu.memory_space<semaphore_mem>>
          %dma_start3A_695 = arith.constant 0 : i32
          %dma_start3A_696 = arith.constant 0 : i32
          %dma_start3A_697 = tpu.memref_slice %arg14[%dma_start3A_695, %dma_start3A_696] : memref<10240x8xf32, #tpu.memory_space<vmem_shared>> -> memref<10240x8xf32, #tpu.memory_space<vmem_shared>>
          tpu.enqueue_indirect_dma source(%arg12 : memref<125x8xf32, #tpu.memory_space<vmem>>) target(%dma_start3A_697 : memref<10240x8xf32, #tpu.memory_space<vmem_shared>>) offsets(%arg30 : memref<125xi32, #tpu.memory_space<vmem>>) semaphore(%run_scoped3A : memref<!tpu.dma_semaphore, #tpu.memory_space<semaphore_mem>>) {add = true}
          %dma_wait3A_698 = arith.constant 0 : i32
          %dma_wait3A_699 = arith.constant 0 : i32
          %dma_wait3A_700 = tpu.memref_slice %arg14[%dma_wait3A_698, %dma_wait3A_699] : memref<10240x8xf32, #tpu.memory_space<vmem_shared>> -> memref<10240x8xf32, #tpu.memory_space<vmem_shared>>
          tpu.wait_indirect_dma semaphore(%run_scoped3A : memref<!tpu.dma_semaphore, #tpu.memory_space<semaphore_mem>>) src(%arg12 : memref<125x8xf32, #tpu.memory_space<vmem>>) dst(%dma_wait3A_700 : memref<10240x8xf32, #tpu.memory_space<vmem_shared>>)
          tpu.yield
        }) : () -> ()
      } else {
      }
      %lt3A_683 = arith.constant 19 : i32
      %lt3A_684 = arith.cmpi slt, %scan3A_378, %lt3A_683 : i32
      %convert_element_type3A_685 = arith.extui %lt3A_684 : i1 to i32
      %cond3A_686 = arith.constant 0 : i32
      %cond3A_687 = arith.cmpi ne, %convert_element_type3A_685, %cond3A_686 : i32
      scf.if %cond3A_687 {
        %add3A_695 = arith.constant 8 : i32
        %add3A_696 = arith.addi %add3A_658, %add3A_695 : i32
        %dma_start3A_697 = arith.constant 0 : i32
        %dma_start3A_698 = arith.constant 0 : i32
        %dma_start3A_699 = tpu.memref_slice %arg3[%arg1, %dma_start3A_697, %dma_start3A_698] : memref<16x160x125xi32, #tpu.memory_space<hbm>> -> memref<1x160x125xi32, #tpu.memory_space<hbm>>
        %dma_start3A_700 = tpu.memref_squeeze %dma_start3A_699 : memref<1x160x125xi32, #tpu.memory_space<hbm>> -> memref<160x125xi32, #tpu.memory_space<hbm>>
        %dma_start3A_701 = arith.constant 0 : i32
        %dma_start3A_702 = tpu.memref_slice %dma_start3A_700[%add3A_696, %dma_start3A_701] : memref<160x125xi32, #tpu.memory_space<hbm>> -> memref<1x125xi32, #tpu.memory_space<hbm>>
        %dma_start3A_703 = tpu.memref_squeeze %dma_start3A_702 : memref<1x125xi32, #tpu.memory_space<hbm>> -> memref<125xi32, #tpu.memory_space<hbm>>
        %dma_start3A_704 = arith.constant 0 : i32
        %dma_start3A_705 = arith.constant 0 : i32
        %dma_start3A_706 = tpu.memref_slice %arg3[%arg1, %dma_start3A_704, %dma_start3A_705] : memref<16x160x125xi32, #tpu.memory_space<hbm>> -> memref<1x160x125xi32, #tpu.memory_space<hbm>>
        %dma_start3A_707 = tpu.memref_squeeze %dma_start3A_706 : memref<1x160x125xi32, #tpu.memory_space<hbm>> -> memref<160x125xi32, #tpu.memory_space<hbm>>
        %dma_start3A_708 = arith.constant 0 : i32
        %dma_start3A_709 = tpu.memref_slice %dma_start3A_707[%add3A_696, %dma_start3A_708] : memref<160x125xi32, #tpu.memory_space<hbm>> -> memref<1x125xi32, #tpu.memory_space<hbm>>
        %dma_start3A_710 = tpu.memref_squeeze %dma_start3A_709 : memref<1x125xi32, #tpu.memory_space<hbm>> -> memref<125xi32, #tpu.memory_space<hbm>>
        tpu.enqueue_dma source(%dma_start3A_710 : memref<125xi32, #tpu.memory_space<hbm>>) target(%arg22 : memref<125xi32, #tpu.memory_space<vmem>>) target_semaphore(%arg42 : memref<!tpu.dma_semaphore, #tpu.memory_space<semaphore_mem>>)
        %add3A_711 = arith.constant 8 : i32
        %add3A_712 = arith.addi %add3A_658, %add3A_711 : i32
        %dma_start3A_713 = arith.constant 0 : i32
        %dma_start3A_714 = arith.constant 0 : i32
        %dma_start3A_715 = tpu.memref_slice %arg4[%arg1, %dma_start3A_713, %dma_start3A_714] : memref<16x160x125xi32, #tpu.memory_space<hbm>> -> memref<1x160x125xi32, #tpu.memory_space<hbm>>
        %dma_start3A_716 = tpu.memref_squeeze %dma_start3A_715 : memref<1x160x125xi32, #tpu.memory_space<hbm>> -> memref<160x125xi32, #tpu.memory_space<hbm>>
        %dma_start3A_717 = arith.constant 0 : i32
        %dma_start3A_718 = tpu.memref_slice %dma_start3A_716[%add3A_712, %dma_start3A_717] : memref<160x125xi32, #tpu.memory_space<hbm>> -> memref<1x125xi32, #tpu.memory_space<hbm>>
        %dma_start3A_719 = tpu.memref_squeeze %dma_start3A_718 : memref<1x125xi32, #tpu.memory_space<hbm>> -> memref<125xi32, #tpu.memory_space<hbm>>
        %dma_start3A_720 = arith.constant 0 : i32
        %dma_start3A_721 = arith.constant 0 : i32
        %dma_start3A_722 = tpu.memref_slice %arg4[%arg1, %dma_start3A_720, %dma_start3A_721] : memref<16x160x125xi32, #tpu.memory_space<hbm>> -> memref<1x160x125xi32, #tpu.memory_space<hbm>>
        %dma_start3A_723 = tpu.memref_squeeze %dma_start3A_722 : memref<1x160x125xi32, #tpu.memory_space<hbm>> -> memref<160x125xi32, #tpu.memory_space<hbm>>
        %dma_start3A_724 = arith.constant 0 : i32
        %dma_start3A_725 = tpu.memref_slice %dma_start3A_723[%add3A_712, %dma_start3A_724] : memref<160x125xi32, #tpu.memory_space<hbm>> -> memref<1x125xi32, #tpu.memory_space<hbm>>
        %dma_start3A_726 = tpu.memref_squeeze %dma_start3A_725 : memref<1x125xi32, #tpu.memory_space<hbm>> -> memref<125xi32, #tpu.memory_space<hbm>>
        tpu.enqueue_dma source(%dma_start3A_726 : memref<125xi32, #tpu.memory_space<hbm>>) target(%arg30 : memref<125xi32, #tpu.memory_space<vmem>>) target_semaphore(%arg50 : memref<!tpu.dma_semaphore, #tpu.memory_space<semaphore_mem>>)
      } else {
      }
      %add3A_688 = arith.constant 4 : i32
      %add3A_689 = arith.addi %add3A_658, %add3A_688 : i32
      %lt3A_690 = arith.constant 160 : i32
      %lt3A_691 = arith.cmpi slt, %add3A_689, %lt3A_690 : i32
      %convert_element_type3A_692 = arith.extui %lt3A_691 : i1 to i32
      %cond3A_693 = arith.constant 0 : i32
      %cond3A_694 = arith.cmpi ne, %convert_element_type3A_692, %cond3A_693 : i32
      scf.if %cond3A_694 {
        %add3A_695 = arith.constant 4 : i32
        %add3A_696 = arith.addi %add3A_658, %add3A_695 : i32
        %dma_wait3A_697 = arith.constant 0 : i32
        %dma_wait3A_698 = arith.constant 0 : i32
        %dma_wait3A_699 = tpu.memref_slice %arg3[%arg1, %dma_wait3A_697, %dma_wait3A_698] : memref<16x160x125xi32, #tpu.memory_space<hbm>> -> memref<1x160x125xi32, #tpu.memory_space<hbm>>
        %dma_wait3A_700 = tpu.memref_squeeze %dma_wait3A_699 : memref<1x160x125xi32, #tpu.memory_space<hbm>> -> memref<160x125xi32, #tpu.memory_space<hbm>>
        %dma_wait3A_701 = arith.constant 0 : i32
        %dma_wait3A_702 = tpu.memref_slice %dma_wait3A_700[%add3A_696, %dma_wait3A_701] : memref<160x125xi32, #tpu.memory_space<hbm>> -> memref<1x125xi32, #tpu.memory_space<hbm>>
        %dma_wait3A_703 = tpu.memref_squeeze %dma_wait3A_702 : memref<1x125xi32, #tpu.memory_space<hbm>> -> memref<125xi32, #tpu.memory_space<hbm>>
        %dma_wait3A_704 = arith.constant 0 : i32
        %dma_wait3A_705 = arith.constant 0 : i32
        %dma_wait3A_706 = tpu.memref_slice %arg3[%arg1, %dma_wait3A_704, %dma_wait3A_705] : memref<16x160x125xi32, #tpu.memory_space<hbm>> -> memref<1x160x125xi32, #tpu.memory_space<hbm>>
        %dma_wait3A_707 = tpu.memref_squeeze %dma_wait3A_706 : memref<1x160x125xi32, #tpu.memory_space<hbm>> -> memref<160x125xi32, #tpu.memory_space<hbm>>
        %dma_wait3A_708 = arith.constant 0 : i32
        %dma_wait3A_709 = tpu.memref_slice %dma_wait3A_707[%add3A_696, %dma_wait3A_708] : memref<160x125xi32, #tpu.memory_space<hbm>> -> memref<1x125xi32, #tpu.memory_space<hbm>>
        %dma_wait3A_710 = tpu.memref_squeeze %dma_wait3A_709 : memref<1x125xi32, #tpu.memory_space<hbm>> -> memref<125xi32, #tpu.memory_space<hbm>>
        tpu.wait_dma2 semaphore(%arg38 : memref<!tpu.dma_semaphore, #tpu.memory_space<semaphore_mem>>) src(%dma_wait3A_710 : memref<125xi32, #tpu.memory_space<hbm>>) dst(%arg18 : memref<125xi32, #tpu.memory_space<vmem>>)
        %dma_start3A_711 = arith.constant 0 : i32
        %dma_start3A_712 = tpu.memref_slice %arg2[%arg0, %dma_start3A_711] : memref<20000x64xbf16, #tpu.memory_space<hbm>> -> memref<19999x64xbf16, #tpu.memory_space<hbm>>
        %dma_start3A_713 = arith.constant 0 : i32
        %dma_start3A_714 = arith.constant 0 : i32
        %dma_start3A_715 = tpu.memref_slice %dma_start3A_712[%dma_start3A_713, %dma_start3A_714] : memref<19999x64xbf16, #tpu.memory_space<hbm>> -> memref<19999x64xbf16, #tpu.memory_space<hbm>>
        tpu.enqueue_indirect_dma source(%dma_start3A_715 : memref<19999x64xbf16, #tpu.memory_space<hbm>>) target(%arg34 : memref<125x64xbf16, #tpu.memory_space<vmem>>) offsets(%arg18 : memref<125xi32, #tpu.memory_space<vmem>>) semaphore(%arg54 : memref<!tpu.dma_semaphore, #tpu.memory_space<semaphore_mem>>)
      } else {
      }
    }
    %scan3A_342 = arith.constant 20 : i32
    %barrier3A_343 = arith.constant 0 : index
    tpu.barrier barrier_id(%barrier3A_343)
    %mul3A_344 = arith.constant 640 : i32
    %mul3A_345 = arith.muli %arg1, %mul3A_344 : i32
    %add3A_346 = arith.constant 0 : i32
    %add3A_347 = arith.addi %mul3A_345, %add3A_346 : i32
    "tpu.region"() ({
      %run_scoped3A = tpu.sem_alloc : memref<!tpu.dma_semaphore, #tpu.memory_space<semaphore_mem>>
      %dma_start3A_378 = arith.constant 0 : i32
      %dma_start3A_379 = tpu.memref_slice %arg11[%add3A_347, %dma_start3A_378] : memref<10240x64xbf16, #tpu.memory_space<vmem_shared>> -> memref<128x64xbf16, #tpu.memory_space<vmem_shared>>
      %dma_start3A_380 = arith.constant 0 : i32
      %dma_start3A_381 = tpu.memref_slice %arg11[%add3A_347, %dma_start3A_380] : memref<10240x64xbf16, #tpu.memory_space<vmem_shared>> -> memref<128x64xbf16, #tpu.memory_space<vmem_shared>>
      tpu.enqueue_dma source(%dma_start3A_381 : memref<128x64xbf16, #tpu.memory_space<vmem_shared>>) target(%arg10 : memref<128x64xbf16, #tpu.memory_space<vmem>>) target_semaphore(%run_scoped3A : memref<!tpu.dma_semaphore, #tpu.memory_space<semaphore_mem>>)
      %dma_wait3A_382 = arith.constant 0 : i32
      %dma_wait3A_383 = tpu.memref_slice %arg11[%add3A_347, %dma_wait3A_382] : memref<10240x64xbf16, #tpu.memory_space<vmem_shared>> -> memref<128x64xbf16, #tpu.memory_space<vmem_shared>>
      %dma_wait3A_384 = arith.constant 0 : i32
      %dma_wait3A_385 = tpu.memref_slice %arg11[%add3A_347, %dma_wait3A_384] : memref<10240x64xbf16, #tpu.memory_space<vmem_shared>> -> memref<128x64xbf16, #tpu.memory_space<vmem_shared>>
      tpu.wait_dma2 semaphore(%run_scoped3A : memref<!tpu.dma_semaphore, #tpu.memory_space<semaphore_mem>>) src(%dma_wait3A_385 : memref<128x64xbf16, #tpu.memory_space<vmem_shared>>) dst(%arg10 : memref<128x64xbf16, #tpu.memory_space<vmem>>)
      tpu.yield
    }) : () -> ()
    %mul3A_348 = arith.constant 64 : i32
    %mul3A_349 = arith.muli %arg0, %mul3A_348 : i32
    "tpu.region"() ({
      %run_scoped3A = tpu.sem_alloc : memref<!tpu.dma_semaphore, #tpu.memory_space<semaphore_mem>>
      %dma_start3A_378 = tpu.memref_slice %arg8[%add3A_347, %mul3A_349] : memref<10240x128xbf16, #tpu.memory_space<hbm>> -> memref<128x64xbf16, #tpu.memory_space<hbm>>
      %dma_start3A_379 = tpu.memref_slice %arg8[%add3A_347, %mul3A_349] : memref<10240x128xbf16, #tpu.memory_space<hbm>> -> memref<128x64xbf16, #tpu.memory_space<hbm>>
      tpu.enqueue_dma source(%arg10 : memref<128x64xbf16, #tpu.memory_space<vmem>>) target(%dma_start3A_379 : memref<128x64xbf16, #tpu.memory_space<hbm>>) target_semaphore(%run_scoped3A : memref<!tpu.dma_semaphore, #tpu.memory_space<semaphore_mem>>)
      %dma_wait3A_380 = tpu.memref_slice %arg8[%add3A_347, %mul3A_349] : memref<10240x128xbf16, #tpu.memory_space<hbm>> -> memref<128x64xbf16, #tpu.memory_space<hbm>>
      %dma_wait3A_381 = tpu.memref_slice %arg8[%add3A_347, %mul3A_349] : memref<10240x128xbf16, #tpu.memory_space<hbm>> -> memref<128x64xbf16, #tpu.memory_space<hbm>>
      tpu.wait_dma2 semaphore(%run_scoped3A : memref<!tpu.dma_semaphore, #tpu.memory_space<semaphore_mem>>) src(%arg10 : memref<128x64xbf16, #tpu.memory_space<vmem>>) dst(%dma_wait3A_381 : memref<128x64xbf16, #tpu.memory_space<hbm>>)
      tpu.yield
    }) : () -> ()
    %mul3A_350 = arith.constant 640 : i32
    %mul3A_351 = arith.muli %arg1, %mul3A_350 : i32
    %add3A_352 = arith.constant 128 : i32
    %add3A_353 = arith.addi %mul3A_351, %add3A_352 : i32
    "tpu.region"() ({
      %run_scoped3A = tpu.sem_alloc : memref<!tpu.dma_semaphore, #tpu.memory_space<semaphore_mem>>
      %dma_start3A_378 = arith.constant 0 : i32
      %dma_start3A_379 = tpu.memref_slice %arg11[%add3A_353, %dma_start3A_378] : memref<10240x64xbf16, #tpu.memory_space<vmem_shared>> -> memref<128x64xbf16, #tpu.memory_space<vmem_shared>>
      %dma_start3A_380 = arith.constant 0 : i32
      %dma_start3A_381 = tpu.memref_slice %arg11[%add3A_353, %dma_start3A_380] : memref<10240x64xbf16, #tpu.memory_space<vmem_shared>> -> memref<128x64xbf16, #tpu.memory_space<vmem_shared>>
      tpu.enqueue_dma source(%dma_start3A_381 : memref<128x64xbf16, #tpu.memory_space<vmem_shared>>) target(%arg10 : memref<128x64xbf16, #tpu.memory_space<vmem>>) target_semaphore(%run_scoped3A : memref<!tpu.dma_semaphore, #tpu.memory_space<semaphore_mem>>)
      %dma_wait3A_382 = arith.constant 0 : i32
      %dma_wait3A_383 = tpu.memref_slice %arg11[%add3A_353, %dma_wait3A_382] : memref<10240x64xbf16, #tpu.memory_space<vmem_shared>> -> memref<128x64xbf16, #tpu.memory_space<vmem_shared>>
      %dma_wait3A_384 = arith.constant 0 : i32
      %dma_wait3A_385 = tpu.memref_slice %arg11[%add3A_353, %dma_wait3A_384] : memref<10240x64xbf16, #tpu.memory_space<vmem_shared>> -> memref<128x64xbf16, #tpu.memory_space<vmem_shared>>
      tpu.wait_dma2 semaphore(%run_scoped3A : memref<!tpu.dma_semaphore, #tpu.memory_space<semaphore_mem>>) src(%dma_wait3A_385 : memref<128x64xbf16, #tpu.memory_space<vmem_shared>>) dst(%arg10 : memref<128x64xbf16, #tpu.memory_space<vmem>>)
      tpu.yield
    }) : () -> ()
    %mul3A_354 = arith.constant 64 : i32
    %mul3A_355 = arith.muli %arg0, %mul3A_354 : i32
    "tpu.region"() ({
      %run_scoped3A = tpu.sem_alloc : memref<!tpu.dma_semaphore, #tpu.memory_space<semaphore_mem>>
      %dma_start3A_378 = tpu.memref_slice %arg8[%add3A_353, %mul3A_355] : memref<10240x128xbf16, #tpu.memory_space<hbm>> -> memref<128x64xbf16, #tpu.memory_space<hbm>>
      %dma_start3A_379 = tpu.memref_slice %arg8[%add3A_353, %mul3A_355] : memref<10240x128xbf16, #tpu.memory_space<hbm>> -> memref<128x64xbf16, #tpu.memory_space<hbm>>
      tpu.enqueue_dma source(%arg10 : memref<128x64xbf16, #tpu.memory_space<vmem>>) target(%dma_start3A_379 : memref<128x64xbf16, #tpu.memory_space<hbm>>) target_semaphore(%run_scoped3A : memref<!tpu.dma_semaphore, #tpu.memory_space<semaphore_mem>>)
      %dma_wait3A_380 = tpu.memref_slice %arg8[%add3A_353, %mul3A_355] : memref<10240x128xbf16, #tpu.memory_space<hbm>> -> memref<128x64xbf16, #tpu.memory_space<hbm>>
      %dma_wait3A_381 = tpu.memref_slice %arg8[%add3A_353, %mul3A_355] : memref<10240x128xbf16, #tpu.memory_space<hbm>> -> memref<128x64xbf16, #tpu.memory_space<hbm>>
      tpu.wait_dma2 semaphore(%run_scoped3A : memref<!tpu.dma_semaphore, #tpu.memory_space<semaphore_mem>>) src(%arg10 : memref<128x64xbf16, #tpu.memory_space<vmem>>) dst(%dma_wait3A_381 : memref<128x64xbf16, #tpu.memory_space<hbm>>)
      tpu.yield
    }) : () -> ()
    %mul3A_356 = arith.constant 640 : i32
    %mul3A_357 = arith.muli %arg1, %mul3A_356 : i32
    %add3A_358 = arith.constant 256 : i32
    %add3A_359 = arith.addi %mul3A_357, %add3A_358 : i32
    "tpu.region"() ({
      %run_scoped3A = tpu.sem_alloc : memref<!tpu.dma_semaphore, #tpu.memory_space<semaphore_mem>>
      %dma_start3A_378 = arith.constant 0 : i32
      %dma_start3A_379 = tpu.memref_slice %arg11[%add3A_359, %dma_start3A_378] : memref<10240x64xbf16, #tpu.memory_space<vmem_shared>> -> memref<128x64xbf16, #tpu.memory_space<vmem_shared>>
      %dma_start3A_380 = arith.constant 0 : i32
      %dma_start3A_381 = tpu.memref_slice %arg11[%add3A_359, %dma_start3A_380] : memref<10240x64xbf16, #tpu.memory_space<vmem_shared>> -> memref<128x64xbf16, #tpu.memory_space<vmem_shared>>
      tpu.enqueue_dma source(%dma_start3A_381 : memref<128x64xbf16, #tpu.memory_space<vmem_shared>>) target(%arg10 : memref<128x64xbf16, #tpu.memory_space<vmem>>) target_semaphore(%run_scoped3A : memref<!tpu.dma_semaphore, #tpu.memory_space<semaphore_mem>>)
      %dma_wait3A_382 = arith.constant 0 : i32
      %dma_wait3A_383 = tpu.memref_slice %arg11[%add3A_359, %dma_wait3A_382] : memref<10240x64xbf16, #tpu.memory_space<vmem_shared>> -> memref<128x64xbf16, #tpu.memory_space<vmem_shared>>
      %dma_wait3A_384 = arith.constant 0 : i32
      %dma_wait3A_385 = tpu.memref_slice %arg11[%add3A_359, %dma_wait3A_384] : memref<10240x64xbf16, #tpu.memory_space<vmem_shared>> -> memref<128x64xbf16, #tpu.memory_space<vmem_shared>>
      tpu.wait_dma2 semaphore(%run_scoped3A : memref<!tpu.dma_semaphore, #tpu.memory_space<semaphore_mem>>) src(%dma_wait3A_385 : memref<128x64xbf16, #tpu.memory_space<vmem_shared>>) dst(%arg10 : memref<128x64xbf16, #tpu.memory_space<vmem>>)
      tpu.yield
    }) : () -> ()
    %mul3A_360 = arith.constant 64 : i32
    %mul3A_361 = arith.muli %arg0, %mul3A_360 : i32
    "tpu.region"() ({
      %run_scoped3A = tpu.sem_alloc : memref<!tpu.dma_semaphore, #tpu.memory_space<semaphore_mem>>
      %dma_start3A_378 = tpu.memref_slice %arg8[%add3A_359, %mul3A_361] : memref<10240x128xbf16, #tpu.memory_space<hbm>> -> memref<128x64xbf16, #tpu.memory_space<hbm>>
      %dma_start3A_379 = tpu.memref_slice %arg8[%add3A_359, %mul3A_361] : memref<10240x128xbf16, #tpu.memory_space<hbm>> -> memref<128x64xbf16, #tpu.memory_space<hbm>>
      tpu.enqueue_dma source(%arg10 : memref<128x64xbf16, #tpu.memory_space<vmem>>) target(%dma_start3A_379 : memref<128x64xbf16, #tpu.memory_space<hbm>>) target_semaphore(%run_scoped3A : memref<!tpu.dma_semaphore, #tpu.memory_space<semaphore_mem>>)
      %dma_wait3A_380 = tpu.memref_slice %arg8[%add3A_359, %mul3A_361] : memref<10240x128xbf16, #tpu.memory_space<hbm>> -> memref<128x64xbf16, #tpu.memory_space<hbm>>
      %dma_wait3A_381 = tpu.memref_slice %arg8[%add3A_359, %mul3A_361] : memref<10240x128xbf16, #tpu.memory_space<hbm>> -> memref<128x64xbf16, #tpu.memory_space<hbm>>
      tpu.wait_dma2 semaphore(%run_scoped3A : memref<!tpu.dma_semaphore, #tpu.memory_space<semaphore_mem>>) src(%arg10 : memref<128x64xbf16, #tpu.memory_space<vmem>>) dst(%dma_wait3A_381 : memref<128x64xbf16, #tpu.memory_space<hbm>>)
      tpu.yield
    }) : () -> ()
    %mul3A_362 = arith.constant 640 : i32
    %mul3A_363 = arith.muli %arg1, %mul3A_362 : i32
    %add3A_364 = arith.constant 384 : i32
    %add3A_365 = arith.addi %mul3A_363, %add3A_364 : i32
    "tpu.region"() ({
      %run_scoped3A = tpu.sem_alloc : memref<!tpu.dma_semaphore, #tpu.memory_space<semaphore_mem>>
      %dma_start3A_378 = arith.constant 0 : i32
      %dma_start3A_379 = tpu.memref_slice %arg11[%add3A_365, %dma_start3A_378] : memref<10240x64xbf16, #tpu.memory_space<vmem_shared>> -> memref<128x64xbf16, #tpu.memory_space<vmem_shared>>
      %dma_start3A_380 = arith.constant 0 : i32
      %dma_start3A_381 = tpu.memref_slice %arg11[%add3A_365, %dma_start3A_380] : memref<10240x64xbf16, #tpu.memory_space<vmem_shared>> -> memref<128x64xbf16, #tpu.memory_space<vmem_shared>>
      tpu.enqueue_dma source(%dma_start3A_381 : memref<128x64xbf16, #tpu.memory_space<vmem_shared>>) target(%arg10 : memref<128x64xbf16, #tpu.memory_space<vmem>>) target_semaphore(%run_scoped3A : memref<!tpu.dma_semaphore, #tpu.memory_space<semaphore_mem>>)
      %dma_wait3A_382 = arith.constant 0 : i32
      %dma_wait3A_383 = tpu.memref_slice %arg11[%add3A_365, %dma_wait3A_382] : memref<10240x64xbf16, #tpu.memory_space<vmem_shared>> -> memref<128x64xbf16, #tpu.memory_space<vmem_shared>>
      %dma_wait3A_384 = arith.constant 0 : i32
      %dma_wait3A_385 = tpu.memref_slice %arg11[%add3A_365, %dma_wait3A_384] : memref<10240x64xbf16, #tpu.memory_space<vmem_shared>> -> memref<128x64xbf16, #tpu.memory_space<vmem_shared>>
      tpu.wait_dma2 semaphore(%run_scoped3A : memref<!tpu.dma_semaphore, #tpu.memory_space<semaphore_mem>>) src(%dma_wait3A_385 : memref<128x64xbf16, #tpu.memory_space<vmem_shared>>) dst(%arg10 : memref<128x64xbf16, #tpu.memory_space<vmem>>)
      tpu.yield
    }) : () -> ()
    %mul3A_366 = arith.constant 64 : i32
    %mul3A_367 = arith.muli %arg0, %mul3A_366 : i32
    "tpu.region"() ({
      %run_scoped3A = tpu.sem_alloc : memref<!tpu.dma_semaphore, #tpu.memory_space<semaphore_mem>>
      %dma_start3A_378 = tpu.memref_slice %arg8[%add3A_365, %mul3A_367] : memref<10240x128xbf16, #tpu.memory_space<hbm>> -> memref<128x64xbf16, #tpu.memory_space<hbm>>
      %dma_start3A_379 = tpu.memref_slice %arg8[%add3A_365, %mul3A_367] : memref<10240x128xbf16, #tpu.memory_space<hbm>> -> memref<128x64xbf16, #tpu.memory_space<hbm>>
      tpu.enqueue_dma source(%arg10 : memref<128x64xbf16, #tpu.memory_space<vmem>>) target(%dma_start3A_379 : memref<128x64xbf16, #tpu.memory_space<hbm>>) target_semaphore(%run_scoped3A : memref<!tpu.dma_semaphore, #tpu.memory_space<semaphore_mem>>)
      %dma_wait3A_380 = tpu.memref_slice %arg8[%add3A_365, %mul3A_367] : memref<10240x128xbf16, #tpu.memory_space<hbm>> -> memref<128x64xbf16, #tpu.memory_space<hbm>>
      %dma_wait3A_381 = tpu.memref_slice %arg8[%add3A_365, %mul3A_367] : memref<10240x128xbf16, #tpu.memory_space<hbm>> -> memref<128x64xbf16, #tpu.memory_space<hbm>>
      tpu.wait_dma2 semaphore(%run_scoped3A : memref<!tpu.dma_semaphore, #tpu.memory_space<semaphore_mem>>) src(%arg10 : memref<128x64xbf16, #tpu.memory_space<vmem>>) dst(%dma_wait3A_381 : memref<128x64xbf16, #tpu.memory_space<hbm>>)
      tpu.yield
    }) : () -> ()
    %mul3A_368 = arith.constant 640 : i32
    %mul3A_369 = arith.muli %arg1, %mul3A_368 : i32
    %add3A_370 = arith.constant 512 : i32
    %add3A_371 = arith.addi %mul3A_369, %add3A_370 : i32
    "tpu.region"() ({
      %run_scoped3A = tpu.sem_alloc : memref<!tpu.dma_semaphore, #tpu.memory_space<semaphore_mem>>
      %dma_start3A_378 = arith.constant 0 : i32
      %dma_start3A_379 = tpu.memref_slice %arg11[%add3A_371, %dma_start3A_378] : memref<10240x64xbf16, #tpu.memory_space<vmem_shared>> -> memref<128x64xbf16, #tpu.memory_space<vmem_shared>>
      %dma_start3A_380 = arith.constant 0 : i32
      %dma_start3A_381 = tpu.memref_slice %arg11[%add3A_371, %dma_start3A_380] : memref<10240x64xbf16, #tpu.memory_space<vmem_shared>> -> memref<128x64xbf16, #tpu.memory_space<vmem_shared>>
      tpu.enqueue_dma source(%dma_start3A_381 : memref<128x64xbf16, #tpu.memory_space<vmem_shared>>) target(%arg10 : memref<128x64xbf16, #tpu.memory_space<vmem>>) target_semaphore(%run_scoped3A : memref<!tpu.dma_semaphore, #tpu.memory_space<semaphore_mem>>)
      %dma_wait3A_382 = arith.constant 0 : i32
      %dma_wait3A_383 = tpu.memref_slice %arg11[%add3A_371, %dma_wait3A_382] : memref<10240x64xbf16, #tpu.memory_space<vmem_shared>> -> memref<128x64xbf16, #tpu.memory_space<vmem_shared>>
      %dma_wait3A_384 = arith.constant 0 : i32
      %dma_wait3A_385 = tpu.memref_slice %arg11[%add3A_371, %dma_wait3A_384] : memref<10240x64xbf16, #tpu.memory_space<vmem_shared>> -> memref<128x64xbf16, #tpu.memory_space<vmem_shared>>
      tpu.wait_dma2 semaphore(%run_scoped3A : memref<!tpu.dma_semaphore, #tpu.memory_space<semaphore_mem>>) src(%dma_wait3A_385 : memref<128x64xbf16, #tpu.memory_space<vmem_shared>>) dst(%arg10 : memref<128x64xbf16, #tpu.memory_space<vmem>>)
      tpu.yield
    }) : () -> ()
    %mul3A_372 = arith.constant 64 : i32
    %mul3A_373 = arith.muli %arg0, %mul3A_372 : i32
    "tpu.region"() ({
      %run_scoped3A = tpu.sem_alloc : memref<!tpu.dma_semaphore, #tpu.memory_space<semaphore_mem>>
      %dma_start3A_378 = tpu.memref_slice %arg8[%add3A_371, %mul3A_373] : memref<10240x128xbf16, #tpu.memory_space<hbm>> -> memref<128x64xbf16, #tpu.memory_space<hbm>>
      %dma_start3A_379 = tpu.memref_slice %arg8[%add3A_371, %mul3A_373] : memref<10240x128xbf16, #tpu.memory_space<hbm>> -> memref<128x64xbf16, #tpu.memory_space<hbm>>
      tpu.enqueue_dma source(%arg10 : memref<128x64xbf16, #tpu.memory_space<vmem>>) target(%dma_start3A_379 : memref<128x64xbf16, #tpu.memory_space<hbm>>) target_semaphore(%run_scoped3A : memref<!tpu.dma_semaphore, #tpu.memory_space<semaphore_mem>>)
      %dma_wait3A_380 = tpu.memref_slice %arg8[%add3A_371, %mul3A_373] : memref<10240x128xbf16, #tpu.memory_space<hbm>> -> memref<128x64xbf16, #tpu.memory_space<hbm>>
      %dma_wait3A_381 = tpu.memref_slice %arg8[%add3A_371, %mul3A_373] : memref<10240x128xbf16, #tpu.memory_space<hbm>> -> memref<128x64xbf16, #tpu.memory_space<hbm>>
      tpu.wait_dma2 semaphore(%run_scoped3A : memref<!tpu.dma_semaphore, #tpu.memory_space<semaphore_mem>>) src(%arg10 : memref<128x64xbf16, #tpu.memory_space<vmem>>) dst(%dma_wait3A_381 : memref<128x64xbf16, #tpu.memory_space<hbm>>)
      tpu.yield
    }) : () -> ()
    %mul3A_374 = arith.constant 640 : i32
    %mul3A_375 = arith.muli %arg1, %mul3A_374 : i32
    "tpu.region"() ({
      %run_scoped3A = tpu.sem_alloc : memref<!tpu.dma_semaphore, #tpu.memory_space<semaphore_mem>>
      %dma_start3A_378 = arith.constant 0 : i32
      %dma_start3A_379 = tpu.memref_slice %arg14[%mul3A_375, %dma_start3A_378] : memref<10240x8xf32, #tpu.memory_space<vmem_shared>> -> memref<640x8xf32, #tpu.memory_space<vmem_shared>>
      %dma_start3A_380 = arith.constant 0 : i32
      %dma_start3A_381 = tpu.memref_slice %arg14[%mul3A_375, %dma_start3A_380] : memref<10240x8xf32, #tpu.memory_space<vmem_shared>> -> memref<640x8xf32, #tpu.memory_space<vmem_shared>>
      tpu.enqueue_dma source(%dma_start3A_381 : memref<640x8xf32, #tpu.memory_space<vmem_shared>>) target(%arg13 : memref<640x8xf32, #tpu.memory_space<vmem>>) target_semaphore(%run_scoped3A : memref<!tpu.dma_semaphore, #tpu.memory_space<semaphore_mem>>)
      %dma_wait3A_382 = arith.constant 0 : i32
      %dma_wait3A_383 = tpu.memref_slice %arg14[%mul3A_375, %dma_wait3A_382] : memref<10240x8xf32, #tpu.memory_space<vmem_shared>> -> memref<640x8xf32, #tpu.memory_space<vmem_shared>>
      %dma_wait3A_384 = arith.constant 0 : i32
      %dma_wait3A_385 = tpu.memref_slice %arg14[%mul3A_375, %dma_wait3A_384] : memref<10240x8xf32, #tpu.memory_space<vmem_shared>> -> memref<640x8xf32, #tpu.memory_space<vmem_shared>>
      tpu.wait_dma2 semaphore(%run_scoped3A : memref<!tpu.dma_semaphore, #tpu.memory_space<semaphore_mem>>) src(%dma_wait3A_385 : memref<640x8xf32, #tpu.memory_space<vmem_shared>>) dst(%arg13 : memref<640x8xf32, #tpu.memory_space<vmem>>)
      tpu.yield
    }) : () -> ()
    %mul3A_376 = arith.constant 640 : i32
    %mul3A_377 = arith.muli %arg1, %mul3A_376 : i32
    "tpu.region"() ({
      %run_scoped3A = tpu.sem_alloc : memref<!tpu.dma_semaphore, #tpu.memory_space<semaphore_mem>>
      %dma_start3A_378 = arith.constant 0 : i32
      %dma_start3A_379 = tpu.memref_slice %arg9[%arg0, %mul3A_377, %dma_start3A_378] : memref<2x10240x8xf32, #tpu.memory_space<hbm>> -> memref<1x640x8xf32, #tpu.memory_space<hbm>>
      %dma_start3A_380 = tpu.memref_squeeze %dma_start3A_379 : memref<1x640x8xf32, #tpu.memory_space<hbm>> -> memref<640x8xf32, #tpu.memory_space<hbm>>
      %dma_start3A_381 = arith.constant 0 : i32
      %dma_start3A_382 = tpu.memref_slice %arg9[%arg0, %mul3A_377, %dma_start3A_381] : memref<2x10240x8xf32, #tpu.memory_space<hbm>> -> memref<1x640x8xf32, #tpu.memory_space<hbm>>
      %dma_start3A_383 = tpu.memref_squeeze %dma_start3A_382 : memref<1x640x8xf32, #tpu.memory_space<hbm>> -> memref<640x8xf32, #tpu.memory_space<hbm>>
      tpu.enqueue_dma source(%arg13 : memref<640x8xf32, #tpu.memory_space<vmem>>) target(%dma_start3A_383 : memref<640x8xf32, #tpu.memory_space<hbm>>) target_semaphore(%run_scoped3A : memref<!tpu.dma_semaphore, #tpu.memory_space<semaphore_mem>>)
      %dma_wait3A_384 = arith.constant 0 : i32
      %dma_wait3A_385 = tpu.memref_slice %arg9[%arg0, %mul3A_377, %dma_wait3A_384] : memref<2x10240x8xf32, #tpu.memory_space<hbm>> -> memref<1x640x8xf32, #tpu.memory_space<hbm>>
      %dma_wait3A_386 = tpu.memref_squeeze %dma_wait3A_385 : memref<1x640x8xf32, #tpu.memory_space<hbm>> -> memref<640x8xf32, #tpu.memory_space<hbm>>
      %dma_wait3A_387 = arith.constant 0 : i32
      %dma_wait3A_388 = tpu.memref_slice %arg9[%arg0, %mul3A_377, %dma_wait3A_387] : memref<2x10240x8xf32, #tpu.memory_space<hbm>> -> memref<1x640x8xf32, #tpu.memory_space<hbm>>
      %dma_wait3A_389 = tpu.memref_squeeze %dma_wait3A_388 : memref<1x640x8xf32, #tpu.memory_space<hbm>> -> memref<640x8xf32, #tpu.memory_space<hbm>>
      tpu.wait_dma2 semaphore(%run_scoped3A : memref<!tpu.dma_semaphore, #tpu.memory_space<semaphore_mem>>) src(%arg13 : memref<640x8xf32, #tpu.memory_space<vmem>>) dst(%dma_wait3A_389 : memref<640x8xf32, #tpu.memory_space<hbm>>)
      tpu.yield
    }) : () -> ()
    return
  }
}

#map = affine_map<(d0, d1) -> (0, 0)>
#map1 = affine_map<(d0, d1) -> (0, 0, 0)>
module attributes {stable_mosaic.version = 14 : i64} {
  func.func @_agg_body(%arg0: i32, %arg1: i32, %arg2: memref<20000x64xbf16, #tpu.memory_space<hbm>>, %arg3: memref<16x160x125xi32, #tpu.memory_space<hbm>>, %arg4: memref<16x160x125xi32, #tpu.memory_space<hbm>>, %arg5: memref<128x64xbf16, #tpu.memory_space<hbm>>, %arg6: memref<10240x128xbf16, #tpu.memory_space<hbm>>, %arg7: memref<128x64xbf16, #tpu.memory_space<vmem>>, %arg8: memref<10240x64xbf16, #tpu.memory_space<vmem_shared>>, %arg9: memref<125xi32, #tpu.memory_space<vmem>>, %arg10: memref<125xi32, #tpu.memory_space<vmem>>, %arg11: memref<125xi32, #tpu.memory_space<vmem>>, %arg12: memref<125xi32, #tpu.memory_space<vmem>>, %arg13: memref<125xi32, #tpu.memory_space<vmem>>, %arg14: memref<125xi32, #tpu.memory_space<vmem>>, %arg15: memref<125xi32, #tpu.memory_space<vmem>>, %arg16: memref<125xi32, #tpu.memory_space<vmem>>, %arg17: memref<125xi32, #tpu.memory_space<vmem>>, %arg18: memref<125xi32, #tpu.memory_space<vmem>>, %arg19: memref<125xi32, #tpu.memory_space<vmem>>, %arg20: memref<125xi32, #tpu.memory_space<vmem>>, %arg21: memref<125xi32, #tpu.memory_space<vmem>>, %arg22: memref<125xi32, #tpu.memory_space<vmem>>, %arg23: memref<125xi32, #tpu.memory_space<vmem>>, %arg24: memref<125xi32, #tpu.memory_space<vmem>>, %arg25: memref<125x64xbf16, #tpu.memory_space<vmem>>, %arg26: memref<125x64xbf16, #tpu.memory_space<vmem>>, %arg27: memref<125x64xbf16, #tpu.memory_space<vmem>>, %arg28: memref<125x64xbf16, #tpu.memory_space<vmem>>, %arg29: memref<!tpu.dma_semaphore, #tpu.memory_space<semaphore_mem>>, %arg30: memref<!tpu.dma_semaphore, #tpu.memory_space<semaphore_mem>>, %arg31: memref<!tpu.dma_semaphore, #tpu.memory_space<semaphore_mem>>, %arg32: memref<!tpu.dma_semaphore, #tpu.memory_space<semaphore_mem>>, %arg33: memref<!tpu.dma_semaphore, #tpu.memory_space<semaphore_mem>>, %arg34: memref<!tpu.dma_semaphore, #tpu.memory_space<semaphore_mem>>, %arg35: memref<!tpu.dma_semaphore, #tpu.memory_space<semaphore_mem>>, %arg36: memref<!tpu.dma_semaphore, #tpu.memory_space<semaphore_mem>>, %arg37: memref<!tpu.dma_semaphore, #tpu.memory_space<semaphore_mem>>, %arg38: memref<!tpu.dma_semaphore, #tpu.memory_space<semaphore_mem>>, %arg39: memref<!tpu.dma_semaphore, #tpu.memory_space<semaphore_mem>>, %arg40: memref<!tpu.dma_semaphore, #tpu.memory_space<semaphore_mem>>, %arg41: memref<!tpu.dma_semaphore, #tpu.memory_space<semaphore_mem>>, %arg42: memref<!tpu.dma_semaphore, #tpu.memory_space<semaphore_mem>>, %arg43: memref<!tpu.dma_semaphore, #tpu.memory_space<semaphore_mem>>, %arg44: memref<!tpu.dma_semaphore, #tpu.memory_space<semaphore_mem>>, %arg45: memref<!tpu.dma_semaphore, #tpu.memory_space<semaphore_mem>>, %arg46: memref<!tpu.dma_semaphore, #tpu.memory_space<semaphore_mem>>, %arg47: memref<!tpu.dma_semaphore, #tpu.memory_space<semaphore_mem>>, %arg48: memref<!tpu.dma_semaphore, #tpu.memory_space<semaphore_mem>>) attributes {dimension_semantics = [#tpu.dimension_semantics<core_parallel>, #tpu.dimension_semantics<subcore_parallel>], iteration_bounds = array<i64: 2, 16>, scalar_prefetch = 0 : i64, scratch_operands = 42 : i64, tpu.core_type = #tpu.core_type<sc_vector_subcore>, window_params = [{transform_indices = #map}, {transform_indices = #map1}, {transform_indices = #map1}, {transform_indices = #map}, {transform_indices = #map}]} {
    %dma_start3A = arith.constant 0 : i32
    %dma_start3A_0 = arith.constant 0 : i32
    %dma_start3A_1 = arith.constant 0 : i32
    %dma_start3A_2 = tpu.memref_slice %arg3[%arg1, %dma_start3A_0, %dma_start3A_1] : memref<16x160x125xi32, #tpu.memory_space<hbm>> -> memref<1x160x125xi32, #tpu.memory_space<hbm>>
    %dma_start3A_3 = tpu.memref_squeeze %dma_start3A_2 : memref<1x160x125xi32, #tpu.memory_space<hbm>> -> memref<160x125xi32, #tpu.memory_space<hbm>>
    %dma_start3A_4 = arith.constant 0 : i32
    %dma_start3A_5 = tpu.memref_slice %dma_start3A_3[%dma_start3A, %dma_start3A_4] : memref<160x125xi32, #tpu.memory_space<hbm>> -> memref<1x125xi32, #tpu.memory_space<hbm>>
    %dma_start3A_6 = tpu.memref_squeeze %dma_start3A_5 : memref<1x125xi32, #tpu.memory_space<hbm>> -> memref<125xi32, #tpu.memory_space<hbm>>
    %dma_start3A_7 = arith.constant 0 : i32
    %dma_start3A_8 = arith.constant 0 : i32
    %dma_start3A_9 = tpu.memref_slice %arg3[%arg1, %dma_start3A_7, %dma_start3A_8] : memref<16x160x125xi32, #tpu.memory_space<hbm>> -> memref<1x160x125xi32, #tpu.memory_space<hbm>>
    %dma_start3A_10 = tpu.memref_squeeze %dma_start3A_9 : memref<1x160x125xi32, #tpu.memory_space<hbm>> -> memref<160x125xi32, #tpu.memory_space<hbm>>
    %dma_start3A_11 = arith.constant 0 : i32
    %dma_start3A_12 = tpu.memref_slice %dma_start3A_10[%dma_start3A, %dma_start3A_11] : memref<160x125xi32, #tpu.memory_space<hbm>> -> memref<1x125xi32, #tpu.memory_space<hbm>>
    %dma_start3A_13 = tpu.memref_squeeze %dma_start3A_12 : memref<1x125xi32, #tpu.memory_space<hbm>> -> memref<125xi32, #tpu.memory_space<hbm>>
    tpu.enqueue_dma source(%dma_start3A_13 : memref<125xi32, #tpu.memory_space<hbm>>) target(%arg9 : memref<125xi32, #tpu.memory_space<vmem>>) target_semaphore(%arg29 : memref<!tpu.dma_semaphore, #tpu.memory_space<semaphore_mem>>)
    %dma_start3A_14 = arith.constant 0 : i32
    %dma_start3A_15 = arith.constant 0 : i32
    %dma_start3A_16 = arith.constant 0 : i32
    %dma_start3A_17 = tpu.memref_slice %arg4[%arg1, %dma_start3A_15, %dma_start3A_16] : memref<16x160x125xi32, #tpu.memory_space<hbm>> -> memref<1x160x125xi32, #tpu.memory_space<hbm>>
    %dma_start3A_18 = tpu.memref_squeeze %dma_start3A_17 : memref<1x160x125xi32, #tpu.memory_space<hbm>> -> memref<160x125xi32, #tpu.memory_space<hbm>>
    %dma_start3A_19 = arith.constant 0 : i32
    %dma_start3A_20 = tpu.memref_slice %dma_start3A_18[%dma_start3A_14, %dma_start3A_19] : memref<160x125xi32, #tpu.memory_space<hbm>> -> memref<1x125xi32, #tpu.memory_space<hbm>>
    %dma_start3A_21 = tpu.memref_squeeze %dma_start3A_20 : memref<1x125xi32, #tpu.memory_space<hbm>> -> memref<125xi32, #tpu.memory_space<hbm>>
    %dma_start3A_22 = arith.constant 0 : i32
    %dma_start3A_23 = arith.constant 0 : i32
    %dma_start3A_24 = tpu.memref_slice %arg4[%arg1, %dma_start3A_22, %dma_start3A_23] : memref<16x160x125xi32, #tpu.memory_space<hbm>> -> memref<1x160x125xi32, #tpu.memory_space<hbm>>
    %dma_start3A_25 = tpu.memref_squeeze %dma_start3A_24 : memref<1x160x125xi32, #tpu.memory_space<hbm>> -> memref<160x125xi32, #tpu.memory_space<hbm>>
    %dma_start3A_26 = arith.constant 0 : i32
    %dma_start3A_27 = tpu.memref_slice %dma_start3A_25[%dma_start3A_14, %dma_start3A_26] : memref<160x125xi32, #tpu.memory_space<hbm>> -> memref<1x125xi32, #tpu.memory_space<hbm>>
    %dma_start3A_28 = tpu.memref_squeeze %dma_start3A_27 : memref<1x125xi32, #tpu.memory_space<hbm>> -> memref<125xi32, #tpu.memory_space<hbm>>
    tpu.enqueue_dma source(%dma_start3A_28 : memref<125xi32, #tpu.memory_space<hbm>>) target(%arg17 : memref<125xi32, #tpu.memory_space<vmem>>) target_semaphore(%arg37 : memref<!tpu.dma_semaphore, #tpu.memory_space<semaphore_mem>>)
    %dma_start3A_29 = arith.constant 1 : i32
    %dma_start3A_30 = arith.constant 0 : i32
    %dma_start3A_31 = arith.constant 0 : i32
    %dma_start3A_32 = tpu.memref_slice %arg3[%arg1, %dma_start3A_30, %dma_start3A_31] : memref<16x160x125xi32, #tpu.memory_space<hbm>> -> memref<1x160x125xi32, #tpu.memory_space<hbm>>
    %dma_start3A_33 = tpu.memref_squeeze %dma_start3A_32 : memref<1x160x125xi32, #tpu.memory_space<hbm>> -> memref<160x125xi32, #tpu.memory_space<hbm>>
    %dma_start3A_34 = arith.constant 0 : i32
    %dma_start3A_35 = tpu.memref_slice %dma_start3A_33[%dma_start3A_29, %dma_start3A_34] : memref<160x125xi32, #tpu.memory_space<hbm>> -> memref<1x125xi32, #tpu.memory_space<hbm>>
    %dma_start3A_36 = tpu.memref_squeeze %dma_start3A_35 : memref<1x125xi32, #tpu.memory_space<hbm>> -> memref<125xi32, #tpu.memory_space<hbm>>
    %dma_start3A_37 = arith.constant 0 : i32
    %dma_start3A_38 = arith.constant 0 : i32
    %dma_start3A_39 = tpu.memref_slice %arg3[%arg1, %dma_start3A_37, %dma_start3A_38] : memref<16x160x125xi32, #tpu.memory_space<hbm>> -> memref<1x160x125xi32, #tpu.memory_space<hbm>>
    %dma_start3A_40 = tpu.memref_squeeze %dma_start3A_39 : memref<1x160x125xi32, #tpu.memory_space<hbm>> -> memref<160x125xi32, #tpu.memory_space<hbm>>
    %dma_start3A_41 = arith.constant 0 : i32
    %dma_start3A_42 = tpu.memref_slice %dma_start3A_40[%dma_start3A_29, %dma_start3A_41] : memref<160x125xi32, #tpu.memory_space<hbm>> -> memref<1x125xi32, #tpu.memory_space<hbm>>
    %dma_start3A_43 = tpu.memref_squeeze %dma_start3A_42 : memref<1x125xi32, #tpu.memory_space<hbm>> -> memref<125xi32, #tpu.memory_space<hbm>>
    tpu.enqueue_dma source(%dma_start3A_43 : memref<125xi32, #tpu.memory_space<hbm>>) target(%arg10 : memref<125xi32, #tpu.memory_space<vmem>>) target_semaphore(%arg30 : memref<!tpu.dma_semaphore, #tpu.memory_space<semaphore_mem>>)
    %dma_start3A_44 = arith.constant 1 : i32
    %dma_start3A_45 = arith.constant 0 : i32
    %dma_start3A_46 = arith.constant 0 : i32
    %dma_start3A_47 = tpu.memref_slice %arg4[%arg1, %dma_start3A_45, %dma_start3A_46] : memref<16x160x125xi32, #tpu.memory_space<hbm>> -> memref<1x160x125xi32, #tpu.memory_space<hbm>>
    %dma_start3A_48 = tpu.memref_squeeze %dma_start3A_47 : memref<1x160x125xi32, #tpu.memory_space<hbm>> -> memref<160x125xi32, #tpu.memory_space<hbm>>
    %dma_start3A_49 = arith.constant 0 : i32
    %dma_start3A_50 = tpu.memref_slice %dma_start3A_48[%dma_start3A_44, %dma_start3A_49] : memref<160x125xi32, #tpu.memory_space<hbm>> -> memref<1x125xi32, #tpu.memory_space<hbm>>
    %dma_start3A_51 = tpu.memref_squeeze %dma_start3A_50 : memref<1x125xi32, #tpu.memory_space<hbm>> -> memref<125xi32, #tpu.memory_space<hbm>>
    %dma_start3A_52 = arith.constant 0 : i32
    %dma_start3A_53 = arith.constant 0 : i32
    %dma_start3A_54 = tpu.memref_slice %arg4[%arg1, %dma_start3A_52, %dma_start3A_53] : memref<16x160x125xi32, #tpu.memory_space<hbm>> -> memref<1x160x125xi32, #tpu.memory_space<hbm>>
    %dma_start3A_55 = tpu.memref_squeeze %dma_start3A_54 : memref<1x160x125xi32, #tpu.memory_space<hbm>> -> memref<160x125xi32, #tpu.memory_space<hbm>>
    %dma_start3A_56 = arith.constant 0 : i32
    %dma_start3A_57 = tpu.memref_slice %dma_start3A_55[%dma_start3A_44, %dma_start3A_56] : memref<160x125xi32, #tpu.memory_space<hbm>> -> memref<1x125xi32, #tpu.memory_space<hbm>>
    %dma_start3A_58 = tpu.memref_squeeze %dma_start3A_57 : memref<1x125xi32, #tpu.memory_space<hbm>> -> memref<125xi32, #tpu.memory_space<hbm>>
    tpu.enqueue_dma source(%dma_start3A_58 : memref<125xi32, #tpu.memory_space<hbm>>) target(%arg18 : memref<125xi32, #tpu.memory_space<vmem>>) target_semaphore(%arg38 : memref<!tpu.dma_semaphore, #tpu.memory_space<semaphore_mem>>)
    %dma_start3A_59 = arith.constant 2 : i32
    %dma_start3A_60 = arith.constant 0 : i32
    %dma_start3A_61 = arith.constant 0 : i32
    %dma_start3A_62 = tpu.memref_slice %arg3[%arg1, %dma_start3A_60, %dma_start3A_61] : memref<16x160x125xi32, #tpu.memory_space<hbm>> -> memref<1x160x125xi32, #tpu.memory_space<hbm>>
    %dma_start3A_63 = tpu.memref_squeeze %dma_start3A_62 : memref<1x160x125xi32, #tpu.memory_space<hbm>> -> memref<160x125xi32, #tpu.memory_space<hbm>>
    %dma_start3A_64 = arith.constant 0 : i32
    %dma_start3A_65 = tpu.memref_slice %dma_start3A_63[%dma_start3A_59, %dma_start3A_64] : memref<160x125xi32, #tpu.memory_space<hbm>> -> memref<1x125xi32, #tpu.memory_space<hbm>>
    %dma_start3A_66 = tpu.memref_squeeze %dma_start3A_65 : memref<1x125xi32, #tpu.memory_space<hbm>> -> memref<125xi32, #tpu.memory_space<hbm>>
    %dma_start3A_67 = arith.constant 0 : i32
    %dma_start3A_68 = arith.constant 0 : i32
    %dma_start3A_69 = tpu.memref_slice %arg3[%arg1, %dma_start3A_67, %dma_start3A_68] : memref<16x160x125xi32, #tpu.memory_space<hbm>> -> memref<1x160x125xi32, #tpu.memory_space<hbm>>
    %dma_start3A_70 = tpu.memref_squeeze %dma_start3A_69 : memref<1x160x125xi32, #tpu.memory_space<hbm>> -> memref<160x125xi32, #tpu.memory_space<hbm>>
    %dma_start3A_71 = arith.constant 0 : i32
    %dma_start3A_72 = tpu.memref_slice %dma_start3A_70[%dma_start3A_59, %dma_start3A_71] : memref<160x125xi32, #tpu.memory_space<hbm>> -> memref<1x125xi32, #tpu.memory_space<hbm>>
    %dma_start3A_73 = tpu.memref_squeeze %dma_start3A_72 : memref<1x125xi32, #tpu.memory_space<hbm>> -> memref<125xi32, #tpu.memory_space<hbm>>
    tpu.enqueue_dma source(%dma_start3A_73 : memref<125xi32, #tpu.memory_space<hbm>>) target(%arg11 : memref<125xi32, #tpu.memory_space<vmem>>) target_semaphore(%arg31 : memref<!tpu.dma_semaphore, #tpu.memory_space<semaphore_mem>>)
    %dma_start3A_74 = arith.constant 2 : i32
    %dma_start3A_75 = arith.constant 0 : i32
    %dma_start3A_76 = arith.constant 0 : i32
    %dma_start3A_77 = tpu.memref_slice %arg4[%arg1, %dma_start3A_75, %dma_start3A_76] : memref<16x160x125xi32, #tpu.memory_space<hbm>> -> memref<1x160x125xi32, #tpu.memory_space<hbm>>
    %dma_start3A_78 = tpu.memref_squeeze %dma_start3A_77 : memref<1x160x125xi32, #tpu.memory_space<hbm>> -> memref<160x125xi32, #tpu.memory_space<hbm>>
    %dma_start3A_79 = arith.constant 0 : i32
    %dma_start3A_80 = tpu.memref_slice %dma_start3A_78[%dma_start3A_74, %dma_start3A_79] : memref<160x125xi32, #tpu.memory_space<hbm>> -> memref<1x125xi32, #tpu.memory_space<hbm>>
    %dma_start3A_81 = tpu.memref_squeeze %dma_start3A_80 : memref<1x125xi32, #tpu.memory_space<hbm>> -> memref<125xi32, #tpu.memory_space<hbm>>
    %dma_start3A_82 = arith.constant 0 : i32
    %dma_start3A_83 = arith.constant 0 : i32
    %dma_start3A_84 = tpu.memref_slice %arg4[%arg1, %dma_start3A_82, %dma_start3A_83] : memref<16x160x125xi32, #tpu.memory_space<hbm>> -> memref<1x160x125xi32, #tpu.memory_space<hbm>>
    %dma_start3A_85 = tpu.memref_squeeze %dma_start3A_84 : memref<1x160x125xi32, #tpu.memory_space<hbm>> -> memref<160x125xi32, #tpu.memory_space<hbm>>
    %dma_start3A_86 = arith.constant 0 : i32
    %dma_start3A_87 = tpu.memref_slice %dma_start3A_85[%dma_start3A_74, %dma_start3A_86] : memref<160x125xi32, #tpu.memory_space<hbm>> -> memref<1x125xi32, #tpu.memory_space<hbm>>
    %dma_start3A_88 = tpu.memref_squeeze %dma_start3A_87 : memref<1x125xi32, #tpu.memory_space<hbm>> -> memref<125xi32, #tpu.memory_space<hbm>>
    tpu.enqueue_dma source(%dma_start3A_88 : memref<125xi32, #tpu.memory_space<hbm>>) target(%arg19 : memref<125xi32, #tpu.memory_space<vmem>>) target_semaphore(%arg39 : memref<!tpu.dma_semaphore, #tpu.memory_space<semaphore_mem>>)
    %dma_start3A_89 = arith.constant 3 : i32
    %dma_start3A_90 = arith.constant 0 : i32
    %dma_start3A_91 = arith.constant 0 : i32
    %dma_start3A_92 = tpu.memref_slice %arg3[%arg1, %dma_start3A_90, %dma_start3A_91] : memref<16x160x125xi32, #tpu.memory_space<hbm>> -> memref<1x160x125xi32, #tpu.memory_space<hbm>>
    %dma_start3A_93 = tpu.memref_squeeze %dma_start3A_92 : memref<1x160x125xi32, #tpu.memory_space<hbm>> -> memref<160x125xi32, #tpu.memory_space<hbm>>
    %dma_start3A_94 = arith.constant 0 : i32
    %dma_start3A_95 = tpu.memref_slice %dma_start3A_93[%dma_start3A_89, %dma_start3A_94] : memref<160x125xi32, #tpu.memory_space<hbm>> -> memref<1x125xi32, #tpu.memory_space<hbm>>
    %dma_start3A_96 = tpu.memref_squeeze %dma_start3A_95 : memref<1x125xi32, #tpu.memory_space<hbm>> -> memref<125xi32, #tpu.memory_space<hbm>>
    %dma_start3A_97 = arith.constant 0 : i32
    %dma_start3A_98 = arith.constant 0 : i32
    %dma_start3A_99 = tpu.memref_slice %arg3[%arg1, %dma_start3A_97, %dma_start3A_98] : memref<16x160x125xi32, #tpu.memory_space<hbm>> -> memref<1x160x125xi32, #tpu.memory_space<hbm>>
    %dma_start3A_100 = tpu.memref_squeeze %dma_start3A_99 : memref<1x160x125xi32, #tpu.memory_space<hbm>> -> memref<160x125xi32, #tpu.memory_space<hbm>>
    %dma_start3A_101 = arith.constant 0 : i32
    %dma_start3A_102 = tpu.memref_slice %dma_start3A_100[%dma_start3A_89, %dma_start3A_101] : memref<160x125xi32, #tpu.memory_space<hbm>> -> memref<1x125xi32, #tpu.memory_space<hbm>>
    %dma_start3A_103 = tpu.memref_squeeze %dma_start3A_102 : memref<1x125xi32, #tpu.memory_space<hbm>> -> memref<125xi32, #tpu.memory_space<hbm>>
    tpu.enqueue_dma source(%dma_start3A_103 : memref<125xi32, #tpu.memory_space<hbm>>) target(%arg12 : memref<125xi32, #tpu.memory_space<vmem>>) target_semaphore(%arg32 : memref<!tpu.dma_semaphore, #tpu.memory_space<semaphore_mem>>)
    %dma_start3A_104 = arith.constant 3 : i32
    %dma_start3A_105 = arith.constant 0 : i32
    %dma_start3A_106 = arith.constant 0 : i32
    %dma_start3A_107 = tpu.memref_slice %arg4[%arg1, %dma_start3A_105, %dma_start3A_106] : memref<16x160x125xi32, #tpu.memory_space<hbm>> -> memref<1x160x125xi32, #tpu.memory_space<hbm>>
    %dma_start3A_108 = tpu.memref_squeeze %dma_start3A_107 : memref<1x160x125xi32, #tpu.memory_space<hbm>> -> memref<160x125xi32, #tpu.memory_space<hbm>>
    %dma_start3A_109 = arith.constant 0 : i32
    %dma_start3A_110 = tpu.memref_slice %dma_start3A_108[%dma_start3A_104, %dma_start3A_109] : memref<160x125xi32, #tpu.memory_space<hbm>> -> memref<1x125xi32, #tpu.memory_space<hbm>>
    %dma_start3A_111 = tpu.memref_squeeze %dma_start3A_110 : memref<1x125xi32, #tpu.memory_space<hbm>> -> memref<125xi32, #tpu.memory_space<hbm>>
    %dma_start3A_112 = arith.constant 0 : i32
    %dma_start3A_113 = arith.constant 0 : i32
    %dma_start3A_114 = tpu.memref_slice %arg4[%arg1, %dma_start3A_112, %dma_start3A_113] : memref<16x160x125xi32, #tpu.memory_space<hbm>> -> memref<1x160x125xi32, #tpu.memory_space<hbm>>
    %dma_start3A_115 = tpu.memref_squeeze %dma_start3A_114 : memref<1x160x125xi32, #tpu.memory_space<hbm>> -> memref<160x125xi32, #tpu.memory_space<hbm>>
    %dma_start3A_116 = arith.constant 0 : i32
    %dma_start3A_117 = tpu.memref_slice %dma_start3A_115[%dma_start3A_104, %dma_start3A_116] : memref<160x125xi32, #tpu.memory_space<hbm>> -> memref<1x125xi32, #tpu.memory_space<hbm>>
    %dma_start3A_118 = tpu.memref_squeeze %dma_start3A_117 : memref<1x125xi32, #tpu.memory_space<hbm>> -> memref<125xi32, #tpu.memory_space<hbm>>
    tpu.enqueue_dma source(%dma_start3A_118 : memref<125xi32, #tpu.memory_space<hbm>>) target(%arg20 : memref<125xi32, #tpu.memory_space<vmem>>) target_semaphore(%arg40 : memref<!tpu.dma_semaphore, #tpu.memory_space<semaphore_mem>>)
    %dma_start3A_119 = arith.constant 4 : i32
    %dma_start3A_120 = arith.constant 0 : i32
    %dma_start3A_121 = arith.constant 0 : i32
    %dma_start3A_122 = tpu.memref_slice %arg3[%arg1, %dma_start3A_120, %dma_start3A_121] : memref<16x160x125xi32, #tpu.memory_space<hbm>> -> memref<1x160x125xi32, #tpu.memory_space<hbm>>
    %dma_start3A_123 = tpu.memref_squeeze %dma_start3A_122 : memref<1x160x125xi32, #tpu.memory_space<hbm>> -> memref<160x125xi32, #tpu.memory_space<hbm>>
    %dma_start3A_124 = arith.constant 0 : i32
    %dma_start3A_125 = tpu.memref_slice %dma_start3A_123[%dma_start3A_119, %dma_start3A_124] : memref<160x125xi32, #tpu.memory_space<hbm>> -> memref<1x125xi32, #tpu.memory_space<hbm>>
    %dma_start3A_126 = tpu.memref_squeeze %dma_start3A_125 : memref<1x125xi32, #tpu.memory_space<hbm>> -> memref<125xi32, #tpu.memory_space<hbm>>
    %dma_start3A_127 = arith.constant 0 : i32
    %dma_start3A_128 = arith.constant 0 : i32
    %dma_start3A_129 = tpu.memref_slice %arg3[%arg1, %dma_start3A_127, %dma_start3A_128] : memref<16x160x125xi32, #tpu.memory_space<hbm>> -> memref<1x160x125xi32, #tpu.memory_space<hbm>>
    %dma_start3A_130 = tpu.memref_squeeze %dma_start3A_129 : memref<1x160x125xi32, #tpu.memory_space<hbm>> -> memref<160x125xi32, #tpu.memory_space<hbm>>
    %dma_start3A_131 = arith.constant 0 : i32
    %dma_start3A_132 = tpu.memref_slice %dma_start3A_130[%dma_start3A_119, %dma_start3A_131] : memref<160x125xi32, #tpu.memory_space<hbm>> -> memref<1x125xi32, #tpu.memory_space<hbm>>
    %dma_start3A_133 = tpu.memref_squeeze %dma_start3A_132 : memref<1x125xi32, #tpu.memory_space<hbm>> -> memref<125xi32, #tpu.memory_space<hbm>>
    tpu.enqueue_dma source(%dma_start3A_133 : memref<125xi32, #tpu.memory_space<hbm>>) target(%arg13 : memref<125xi32, #tpu.memory_space<vmem>>) target_semaphore(%arg33 : memref<!tpu.dma_semaphore, #tpu.memory_space<semaphore_mem>>)
    %dma_start3A_134 = arith.constant 4 : i32
    %dma_start3A_135 = arith.constant 0 : i32
    %dma_start3A_136 = arith.constant 0 : i32
    %dma_start3A_137 = tpu.memref_slice %arg4[%arg1, %dma_start3A_135, %dma_start3A_136] : memref<16x160x125xi32, #tpu.memory_space<hbm>> -> memref<1x160x125xi32, #tpu.memory_space<hbm>>
    %dma_start3A_138 = tpu.memref_squeeze %dma_start3A_137 : memref<1x160x125xi32, #tpu.memory_space<hbm>> -> memref<160x125xi32, #tpu.memory_space<hbm>>
    %dma_start3A_139 = arith.constant 0 : i32
    %dma_start3A_140 = tpu.memref_slice %dma_start3A_138[%dma_start3A_134, %dma_start3A_139] : memref<160x125xi32, #tpu.memory_space<hbm>> -> memref<1x125xi32, #tpu.memory_space<hbm>>
    %dma_start3A_141 = tpu.memref_squeeze %dma_start3A_140 : memref<1x125xi32, #tpu.memory_space<hbm>> -> memref<125xi32, #tpu.memory_space<hbm>>
    %dma_start3A_142 = arith.constant 0 : i32
    %dma_start3A_143 = arith.constant 0 : i32
    %dma_start3A_144 = tpu.memref_slice %arg4[%arg1, %dma_start3A_142, %dma_start3A_143] : memref<16x160x125xi32, #tpu.memory_space<hbm>> -> memref<1x160x125xi32, #tpu.memory_space<hbm>>
    %dma_start3A_145 = tpu.memref_squeeze %dma_start3A_144 : memref<1x160x125xi32, #tpu.memory_space<hbm>> -> memref<160x125xi32, #tpu.memory_space<hbm>>
    %dma_start3A_146 = arith.constant 0 : i32
    %dma_start3A_147 = tpu.memref_slice %dma_start3A_145[%dma_start3A_134, %dma_start3A_146] : memref<160x125xi32, #tpu.memory_space<hbm>> -> memref<1x125xi32, #tpu.memory_space<hbm>>
    %dma_start3A_148 = tpu.memref_squeeze %dma_start3A_147 : memref<1x125xi32, #tpu.memory_space<hbm>> -> memref<125xi32, #tpu.memory_space<hbm>>
    tpu.enqueue_dma source(%dma_start3A_148 : memref<125xi32, #tpu.memory_space<hbm>>) target(%arg21 : memref<125xi32, #tpu.memory_space<vmem>>) target_semaphore(%arg41 : memref<!tpu.dma_semaphore, #tpu.memory_space<semaphore_mem>>)
    %dma_start3A_149 = arith.constant 5 : i32
    %dma_start3A_150 = arith.constant 0 : i32
    %dma_start3A_151 = arith.constant 0 : i32
    %dma_start3A_152 = tpu.memref_slice %arg3[%arg1, %dma_start3A_150, %dma_start3A_151] : memref<16x160x125xi32, #tpu.memory_space<hbm>> -> memref<1x160x125xi32, #tpu.memory_space<hbm>>
    %dma_start3A_153 = tpu.memref_squeeze %dma_start3A_152 : memref<1x160x125xi32, #tpu.memory_space<hbm>> -> memref<160x125xi32, #tpu.memory_space<hbm>>
    %dma_start3A_154 = arith.constant 0 : i32
    %dma_start3A_155 = tpu.memref_slice %dma_start3A_153[%dma_start3A_149, %dma_start3A_154] : memref<160x125xi32, #tpu.memory_space<hbm>> -> memref<1x125xi32, #tpu.memory_space<hbm>>
    %dma_start3A_156 = tpu.memref_squeeze %dma_start3A_155 : memref<1x125xi32, #tpu.memory_space<hbm>> -> memref<125xi32, #tpu.memory_space<hbm>>
    %dma_start3A_157 = arith.constant 0 : i32
    %dma_start3A_158 = arith.constant 0 : i32
    %dma_start3A_159 = tpu.memref_slice %arg3[%arg1, %dma_start3A_157, %dma_start3A_158] : memref<16x160x125xi32, #tpu.memory_space<hbm>> -> memref<1x160x125xi32, #tpu.memory_space<hbm>>
    %dma_start3A_160 = tpu.memref_squeeze %dma_start3A_159 : memref<1x160x125xi32, #tpu.memory_space<hbm>> -> memref<160x125xi32, #tpu.memory_space<hbm>>
    %dma_start3A_161 = arith.constant 0 : i32
    %dma_start3A_162 = tpu.memref_slice %dma_start3A_160[%dma_start3A_149, %dma_start3A_161] : memref<160x125xi32, #tpu.memory_space<hbm>> -> memref<1x125xi32, #tpu.memory_space<hbm>>
    %dma_start3A_163 = tpu.memref_squeeze %dma_start3A_162 : memref<1x125xi32, #tpu.memory_space<hbm>> -> memref<125xi32, #tpu.memory_space<hbm>>
    tpu.enqueue_dma source(%dma_start3A_163 : memref<125xi32, #tpu.memory_space<hbm>>) target(%arg14 : memref<125xi32, #tpu.memory_space<vmem>>) target_semaphore(%arg34 : memref<!tpu.dma_semaphore, #tpu.memory_space<semaphore_mem>>)
    %dma_start3A_164 = arith.constant 5 : i32
    %dma_start3A_165 = arith.constant 0 : i32
    %dma_start3A_166 = arith.constant 0 : i32
    %dma_start3A_167 = tpu.memref_slice %arg4[%arg1, %dma_start3A_165, %dma_start3A_166] : memref<16x160x125xi32, #tpu.memory_space<hbm>> -> memref<1x160x125xi32, #tpu.memory_space<hbm>>
    %dma_start3A_168 = tpu.memref_squeeze %dma_start3A_167 : memref<1x160x125xi32, #tpu.memory_space<hbm>> -> memref<160x125xi32, #tpu.memory_space<hbm>>
    %dma_start3A_169 = arith.constant 0 : i32
    %dma_start3A_170 = tpu.memref_slice %dma_start3A_168[%dma_start3A_164, %dma_start3A_169] : memref<160x125xi32, #tpu.memory_space<hbm>> -> memref<1x125xi32, #tpu.memory_space<hbm>>
    %dma_start3A_171 = tpu.memref_squeeze %dma_start3A_170 : memref<1x125xi32, #tpu.memory_space<hbm>> -> memref<125xi32, #tpu.memory_space<hbm>>
    %dma_start3A_172 = arith.constant 0 : i32
    %dma_start3A_173 = arith.constant 0 : i32
    %dma_start3A_174 = tpu.memref_slice %arg4[%arg1, %dma_start3A_172, %dma_start3A_173] : memref<16x160x125xi32, #tpu.memory_space<hbm>> -> memref<1x160x125xi32, #tpu.memory_space<hbm>>
    %dma_start3A_175 = tpu.memref_squeeze %dma_start3A_174 : memref<1x160x125xi32, #tpu.memory_space<hbm>> -> memref<160x125xi32, #tpu.memory_space<hbm>>
    %dma_start3A_176 = arith.constant 0 : i32
    %dma_start3A_177 = tpu.memref_slice %dma_start3A_175[%dma_start3A_164, %dma_start3A_176] : memref<160x125xi32, #tpu.memory_space<hbm>> -> memref<1x125xi32, #tpu.memory_space<hbm>>
    %dma_start3A_178 = tpu.memref_squeeze %dma_start3A_177 : memref<1x125xi32, #tpu.memory_space<hbm>> -> memref<125xi32, #tpu.memory_space<hbm>>
    tpu.enqueue_dma source(%dma_start3A_178 : memref<125xi32, #tpu.memory_space<hbm>>) target(%arg22 : memref<125xi32, #tpu.memory_space<vmem>>) target_semaphore(%arg42 : memref<!tpu.dma_semaphore, #tpu.memory_space<semaphore_mem>>)
    %dma_start3A_179 = arith.constant 6 : i32
    %dma_start3A_180 = arith.constant 0 : i32
    %dma_start3A_181 = arith.constant 0 : i32
    %dma_start3A_182 = tpu.memref_slice %arg3[%arg1, %dma_start3A_180, %dma_start3A_181] : memref<16x160x125xi32, #tpu.memory_space<hbm>> -> memref<1x160x125xi32, #tpu.memory_space<hbm>>
    %dma_start3A_183 = tpu.memref_squeeze %dma_start3A_182 : memref<1x160x125xi32, #tpu.memory_space<hbm>> -> memref<160x125xi32, #tpu.memory_space<hbm>>
    %dma_start3A_184 = arith.constant 0 : i32
    %dma_start3A_185 = tpu.memref_slice %dma_start3A_183[%dma_start3A_179, %dma_start3A_184] : memref<160x125xi32, #tpu.memory_space<hbm>> -> memref<1x125xi32, #tpu.memory_space<hbm>>
    %dma_start3A_186 = tpu.memref_squeeze %dma_start3A_185 : memref<1x125xi32, #tpu.memory_space<hbm>> -> memref<125xi32, #tpu.memory_space<hbm>>
    %dma_start3A_187 = arith.constant 0 : i32
    %dma_start3A_188 = arith.constant 0 : i32
    %dma_start3A_189 = tpu.memref_slice %arg3[%arg1, %dma_start3A_187, %dma_start3A_188] : memref<16x160x125xi32, #tpu.memory_space<hbm>> -> memref<1x160x125xi32, #tpu.memory_space<hbm>>
    %dma_start3A_190 = tpu.memref_squeeze %dma_start3A_189 : memref<1x160x125xi32, #tpu.memory_space<hbm>> -> memref<160x125xi32, #tpu.memory_space<hbm>>
    %dma_start3A_191 = arith.constant 0 : i32
    %dma_start3A_192 = tpu.memref_slice %dma_start3A_190[%dma_start3A_179, %dma_start3A_191] : memref<160x125xi32, #tpu.memory_space<hbm>> -> memref<1x125xi32, #tpu.memory_space<hbm>>
    %dma_start3A_193 = tpu.memref_squeeze %dma_start3A_192 : memref<1x125xi32, #tpu.memory_space<hbm>> -> memref<125xi32, #tpu.memory_space<hbm>>
    tpu.enqueue_dma source(%dma_start3A_193 : memref<125xi32, #tpu.memory_space<hbm>>) target(%arg15 : memref<125xi32, #tpu.memory_space<vmem>>) target_semaphore(%arg35 : memref<!tpu.dma_semaphore, #tpu.memory_space<semaphore_mem>>)
    %dma_start3A_194 = arith.constant 6 : i32
    %dma_start3A_195 = arith.constant 0 : i32
    %dma_start3A_196 = arith.constant 0 : i32
    %dma_start3A_197 = tpu.memref_slice %arg4[%arg1, %dma_start3A_195, %dma_start3A_196] : memref<16x160x125xi32, #tpu.memory_space<hbm>> -> memref<1x160x125xi32, #tpu.memory_space<hbm>>
    %dma_start3A_198 = tpu.memref_squeeze %dma_start3A_197 : memref<1x160x125xi32, #tpu.memory_space<hbm>> -> memref<160x125xi32, #tpu.memory_space<hbm>>
    %dma_start3A_199 = arith.constant 0 : i32
    %dma_start3A_200 = tpu.memref_slice %dma_start3A_198[%dma_start3A_194, %dma_start3A_199] : memref<160x125xi32, #tpu.memory_space<hbm>> -> memref<1x125xi32, #tpu.memory_space<hbm>>
    %dma_start3A_201 = tpu.memref_squeeze %dma_start3A_200 : memref<1x125xi32, #tpu.memory_space<hbm>> -> memref<125xi32, #tpu.memory_space<hbm>>
    %dma_start3A_202 = arith.constant 0 : i32
    %dma_start3A_203 = arith.constant 0 : i32
    %dma_start3A_204 = tpu.memref_slice %arg4[%arg1, %dma_start3A_202, %dma_start3A_203] : memref<16x160x125xi32, #tpu.memory_space<hbm>> -> memref<1x160x125xi32, #tpu.memory_space<hbm>>
    %dma_start3A_205 = tpu.memref_squeeze %dma_start3A_204 : memref<1x160x125xi32, #tpu.memory_space<hbm>> -> memref<160x125xi32, #tpu.memory_space<hbm>>
    %dma_start3A_206 = arith.constant 0 : i32
    %dma_start3A_207 = tpu.memref_slice %dma_start3A_205[%dma_start3A_194, %dma_start3A_206] : memref<160x125xi32, #tpu.memory_space<hbm>> -> memref<1x125xi32, #tpu.memory_space<hbm>>
    %dma_start3A_208 = tpu.memref_squeeze %dma_start3A_207 : memref<1x125xi32, #tpu.memory_space<hbm>> -> memref<125xi32, #tpu.memory_space<hbm>>
    tpu.enqueue_dma source(%dma_start3A_208 : memref<125xi32, #tpu.memory_space<hbm>>) target(%arg23 : memref<125xi32, #tpu.memory_space<vmem>>) target_semaphore(%arg43 : memref<!tpu.dma_semaphore, #tpu.memory_space<semaphore_mem>>)
    %dma_start3A_209 = arith.constant 7 : i32
    %dma_start3A_210 = arith.constant 0 : i32
    %dma_start3A_211 = arith.constant 0 : i32
    %dma_start3A_212 = tpu.memref_slice %arg3[%arg1, %dma_start3A_210, %dma_start3A_211] : memref<16x160x125xi32, #tpu.memory_space<hbm>> -> memref<1x160x125xi32, #tpu.memory_space<hbm>>
    %dma_start3A_213 = tpu.memref_squeeze %dma_start3A_212 : memref<1x160x125xi32, #tpu.memory_space<hbm>> -> memref<160x125xi32, #tpu.memory_space<hbm>>
    %dma_start3A_214 = arith.constant 0 : i32
    %dma_start3A_215 = tpu.memref_slice %dma_start3A_213[%dma_start3A_209, %dma_start3A_214] : memref<160x125xi32, #tpu.memory_space<hbm>> -> memref<1x125xi32, #tpu.memory_space<hbm>>
    %dma_start3A_216 = tpu.memref_squeeze %dma_start3A_215 : memref<1x125xi32, #tpu.memory_space<hbm>> -> memref<125xi32, #tpu.memory_space<hbm>>
    %dma_start3A_217 = arith.constant 0 : i32
    %dma_start3A_218 = arith.constant 0 : i32
    %dma_start3A_219 = tpu.memref_slice %arg3[%arg1, %dma_start3A_217, %dma_start3A_218] : memref<16x160x125xi32, #tpu.memory_space<hbm>> -> memref<1x160x125xi32, #tpu.memory_space<hbm>>
    %dma_start3A_220 = tpu.memref_squeeze %dma_start3A_219 : memref<1x160x125xi32, #tpu.memory_space<hbm>> -> memref<160x125xi32, #tpu.memory_space<hbm>>
    %dma_start3A_221 = arith.constant 0 : i32
    %dma_start3A_222 = tpu.memref_slice %dma_start3A_220[%dma_start3A_209, %dma_start3A_221] : memref<160x125xi32, #tpu.memory_space<hbm>> -> memref<1x125xi32, #tpu.memory_space<hbm>>
    %dma_start3A_223 = tpu.memref_squeeze %dma_start3A_222 : memref<1x125xi32, #tpu.memory_space<hbm>> -> memref<125xi32, #tpu.memory_space<hbm>>
    tpu.enqueue_dma source(%dma_start3A_223 : memref<125xi32, #tpu.memory_space<hbm>>) target(%arg16 : memref<125xi32, #tpu.memory_space<vmem>>) target_semaphore(%arg36 : memref<!tpu.dma_semaphore, #tpu.memory_space<semaphore_mem>>)
    %dma_start3A_224 = arith.constant 7 : i32
    %dma_start3A_225 = arith.constant 0 : i32
    %dma_start3A_226 = arith.constant 0 : i32
    %dma_start3A_227 = tpu.memref_slice %arg4[%arg1, %dma_start3A_225, %dma_start3A_226] : memref<16x160x125xi32, #tpu.memory_space<hbm>> -> memref<1x160x125xi32, #tpu.memory_space<hbm>>
    %dma_start3A_228 = tpu.memref_squeeze %dma_start3A_227 : memref<1x160x125xi32, #tpu.memory_space<hbm>> -> memref<160x125xi32, #tpu.memory_space<hbm>>
    %dma_start3A_229 = arith.constant 0 : i32
    %dma_start3A_230 = tpu.memref_slice %dma_start3A_228[%dma_start3A_224, %dma_start3A_229] : memref<160x125xi32, #tpu.memory_space<hbm>> -> memref<1x125xi32, #tpu.memory_space<hbm>>
    %dma_start3A_231 = tpu.memref_squeeze %dma_start3A_230 : memref<1x125xi32, #tpu.memory_space<hbm>> -> memref<125xi32, #tpu.memory_space<hbm>>
    %dma_start3A_232 = arith.constant 0 : i32
    %dma_start3A_233 = arith.constant 0 : i32
    %dma_start3A_234 = tpu.memref_slice %arg4[%arg1, %dma_start3A_232, %dma_start3A_233] : memref<16x160x125xi32, #tpu.memory_space<hbm>> -> memref<1x160x125xi32, #tpu.memory_space<hbm>>
    %dma_start3A_235 = tpu.memref_squeeze %dma_start3A_234 : memref<1x160x125xi32, #tpu.memory_space<hbm>> -> memref<160x125xi32, #tpu.memory_space<hbm>>
    %dma_start3A_236 = arith.constant 0 : i32
    %dma_start3A_237 = tpu.memref_slice %dma_start3A_235[%dma_start3A_224, %dma_start3A_236] : memref<160x125xi32, #tpu.memory_space<hbm>> -> memref<1x125xi32, #tpu.memory_space<hbm>>
    %dma_start3A_238 = tpu.memref_squeeze %dma_start3A_237 : memref<1x125xi32, #tpu.memory_space<hbm>> -> memref<125xi32, #tpu.memory_space<hbm>>
    tpu.enqueue_dma source(%dma_start3A_238 : memref<125xi32, #tpu.memory_space<hbm>>) target(%arg24 : memref<125xi32, #tpu.memory_space<vmem>>) target_semaphore(%arg44 : memref<!tpu.dma_semaphore, #tpu.memory_space<semaphore_mem>>)
    %dma_wait3A = arith.constant 0 : i32
    %dma_wait3A_239 = arith.constant 0 : i32
    %dma_wait3A_240 = arith.constant 0 : i32
    %dma_wait3A_241 = tpu.memref_slice %arg3[%arg1, %dma_wait3A_239, %dma_wait3A_240] : memref<16x160x125xi32, #tpu.memory_space<hbm>> -> memref<1x160x125xi32, #tpu.memory_space<hbm>>
    %dma_wait3A_242 = tpu.memref_squeeze %dma_wait3A_241 : memref<1x160x125xi32, #tpu.memory_space<hbm>> -> memref<160x125xi32, #tpu.memory_space<hbm>>
    %dma_wait3A_243 = arith.constant 0 : i32
    %dma_wait3A_244 = tpu.memref_slice %dma_wait3A_242[%dma_wait3A, %dma_wait3A_243] : memref<160x125xi32, #tpu.memory_space<hbm>> -> memref<1x125xi32, #tpu.memory_space<hbm>>
    %dma_wait3A_245 = tpu.memref_squeeze %dma_wait3A_244 : memref<1x125xi32, #tpu.memory_space<hbm>> -> memref<125xi32, #tpu.memory_space<hbm>>
    %dma_wait3A_246 = arith.constant 0 : i32
    %dma_wait3A_247 = arith.constant 0 : i32
    %dma_wait3A_248 = tpu.memref_slice %arg3[%arg1, %dma_wait3A_246, %dma_wait3A_247] : memref<16x160x125xi32, #tpu.memory_space<hbm>> -> memref<1x160x125xi32, #tpu.memory_space<hbm>>
    %dma_wait3A_249 = tpu.memref_squeeze %dma_wait3A_248 : memref<1x160x125xi32, #tpu.memory_space<hbm>> -> memref<160x125xi32, #tpu.memory_space<hbm>>
    %dma_wait3A_250 = arith.constant 0 : i32
    %dma_wait3A_251 = tpu.memref_slice %dma_wait3A_249[%dma_wait3A, %dma_wait3A_250] : memref<160x125xi32, #tpu.memory_space<hbm>> -> memref<1x125xi32, #tpu.memory_space<hbm>>
    %dma_wait3A_252 = tpu.memref_squeeze %dma_wait3A_251 : memref<1x125xi32, #tpu.memory_space<hbm>> -> memref<125xi32, #tpu.memory_space<hbm>>
    tpu.wait_dma2 semaphore(%arg29 : memref<!tpu.dma_semaphore, #tpu.memory_space<semaphore_mem>>) src(%dma_wait3A_252 : memref<125xi32, #tpu.memory_space<hbm>>) dst(%arg9 : memref<125xi32, #tpu.memory_space<vmem>>)
    %dma_start3A_253 = arith.constant 0 : i32
    %dma_start3A_254 = tpu.memref_slice %arg2[%arg0, %dma_start3A_253] : memref<20000x64xbf16, #tpu.memory_space<hbm>> -> memref<19999x64xbf16, #tpu.memory_space<hbm>>
    %dma_start3A_255 = arith.constant 0 : i32
    %dma_start3A_256 = arith.constant 0 : i32
    %dma_start3A_257 = tpu.memref_slice %dma_start3A_254[%dma_start3A_255, %dma_start3A_256] : memref<19999x64xbf16, #tpu.memory_space<hbm>> -> memref<19999x64xbf16, #tpu.memory_space<hbm>>
    tpu.enqueue_indirect_dma source(%dma_start3A_257 : memref<19999x64xbf16, #tpu.memory_space<hbm>>) target(%arg25 : memref<125x64xbf16, #tpu.memory_space<vmem>>) offsets(%arg9 : memref<125xi32, #tpu.memory_space<vmem>>) semaphore(%arg45 : memref<!tpu.dma_semaphore, #tpu.memory_space<semaphore_mem>>)
    %dma_wait3A_258 = arith.constant 1 : i32
    %dma_wait3A_259 = arith.constant 0 : i32
    %dma_wait3A_260 = arith.constant 0 : i32
    %dma_wait3A_261 = tpu.memref_slice %arg3[%arg1, %dma_wait3A_259, %dma_wait3A_260] : memref<16x160x125xi32, #tpu.memory_space<hbm>> -> memref<1x160x125xi32, #tpu.memory_space<hbm>>
    %dma_wait3A_262 = tpu.memref_squeeze %dma_wait3A_261 : memref<1x160x125xi32, #tpu.memory_space<hbm>> -> memref<160x125xi32, #tpu.memory_space<hbm>>
    %dma_wait3A_263 = arith.constant 0 : i32
    %dma_wait3A_264 = tpu.memref_slice %dma_wait3A_262[%dma_wait3A_258, %dma_wait3A_263] : memref<160x125xi32, #tpu.memory_space<hbm>> -> memref<1x125xi32, #tpu.memory_space<hbm>>
    %dma_wait3A_265 = tpu.memref_squeeze %dma_wait3A_264 : memref<1x125xi32, #tpu.memory_space<hbm>> -> memref<125xi32, #tpu.memory_space<hbm>>
    %dma_wait3A_266 = arith.constant 0 : i32
    %dma_wait3A_267 = arith.constant 0 : i32
    %dma_wait3A_268 = tpu.memref_slice %arg3[%arg1, %dma_wait3A_266, %dma_wait3A_267] : memref<16x160x125xi32, #tpu.memory_space<hbm>> -> memref<1x160x125xi32, #tpu.memory_space<hbm>>
    %dma_wait3A_269 = tpu.memref_squeeze %dma_wait3A_268 : memref<1x160x125xi32, #tpu.memory_space<hbm>> -> memref<160x125xi32, #tpu.memory_space<hbm>>
    %dma_wait3A_270 = arith.constant 0 : i32
    %dma_wait3A_271 = tpu.memref_slice %dma_wait3A_269[%dma_wait3A_258, %dma_wait3A_270] : memref<160x125xi32, #tpu.memory_space<hbm>> -> memref<1x125xi32, #tpu.memory_space<hbm>>
    %dma_wait3A_272 = tpu.memref_squeeze %dma_wait3A_271 : memref<1x125xi32, #tpu.memory_space<hbm>> -> memref<125xi32, #tpu.memory_space<hbm>>
    tpu.wait_dma2 semaphore(%arg30 : memref<!tpu.dma_semaphore, #tpu.memory_space<semaphore_mem>>) src(%dma_wait3A_272 : memref<125xi32, #tpu.memory_space<hbm>>) dst(%arg10 : memref<125xi32, #tpu.memory_space<vmem>>)
    %dma_start3A_273 = arith.constant 0 : i32
    %dma_start3A_274 = tpu.memref_slice %arg2[%arg0, %dma_start3A_273] : memref<20000x64xbf16, #tpu.memory_space<hbm>> -> memref<19999x64xbf16, #tpu.memory_space<hbm>>
    %dma_start3A_275 = arith.constant 0 : i32
    %dma_start3A_276 = arith.constant 0 : i32
    %dma_start3A_277 = tpu.memref_slice %dma_start3A_274[%dma_start3A_275, %dma_start3A_276] : memref<19999x64xbf16, #tpu.memory_space<hbm>> -> memref<19999x64xbf16, #tpu.memory_space<hbm>>
    tpu.enqueue_indirect_dma source(%dma_start3A_277 : memref<19999x64xbf16, #tpu.memory_space<hbm>>) target(%arg26 : memref<125x64xbf16, #tpu.memory_space<vmem>>) offsets(%arg10 : memref<125xi32, #tpu.memory_space<vmem>>) semaphore(%arg46 : memref<!tpu.dma_semaphore, #tpu.memory_space<semaphore_mem>>)
    %dma_wait3A_278 = arith.constant 2 : i32
    %dma_wait3A_279 = arith.constant 0 : i32
    %dma_wait3A_280 = arith.constant 0 : i32
    %dma_wait3A_281 = tpu.memref_slice %arg3[%arg1, %dma_wait3A_279, %dma_wait3A_280] : memref<16x160x125xi32, #tpu.memory_space<hbm>> -> memref<1x160x125xi32, #tpu.memory_space<hbm>>
    %dma_wait3A_282 = tpu.memref_squeeze %dma_wait3A_281 : memref<1x160x125xi32, #tpu.memory_space<hbm>> -> memref<160x125xi32, #tpu.memory_space<hbm>>
    %dma_wait3A_283 = arith.constant 0 : i32
    %dma_wait3A_284 = tpu.memref_slice %dma_wait3A_282[%dma_wait3A_278, %dma_wait3A_283] : memref<160x125xi32, #tpu.memory_space<hbm>> -> memref<1x125xi32, #tpu.memory_space<hbm>>
    %dma_wait3A_285 = tpu.memref_squeeze %dma_wait3A_284 : memref<1x125xi32, #tpu.memory_space<hbm>> -> memref<125xi32, #tpu.memory_space<hbm>>
    %dma_wait3A_286 = arith.constant 0 : i32
    %dma_wait3A_287 = arith.constant 0 : i32
    %dma_wait3A_288 = tpu.memref_slice %arg3[%arg1, %dma_wait3A_286, %dma_wait3A_287] : memref<16x160x125xi32, #tpu.memory_space<hbm>> -> memref<1x160x125xi32, #tpu.memory_space<hbm>>
    %dma_wait3A_289 = tpu.memref_squeeze %dma_wait3A_288 : memref<1x160x125xi32, #tpu.memory_space<hbm>> -> memref<160x125xi32, #tpu.memory_space<hbm>>
    %dma_wait3A_290 = arith.constant 0 : i32
    %dma_wait3A_291 = tpu.memref_slice %dma_wait3A_289[%dma_wait3A_278, %dma_wait3A_290] : memref<160x125xi32, #tpu.memory_space<hbm>> -> memref<1x125xi32, #tpu.memory_space<hbm>>
    %dma_wait3A_292 = tpu.memref_squeeze %dma_wait3A_291 : memref<1x125xi32, #tpu.memory_space<hbm>> -> memref<125xi32, #tpu.memory_space<hbm>>
    tpu.wait_dma2 semaphore(%arg31 : memref<!tpu.dma_semaphore, #tpu.memory_space<semaphore_mem>>) src(%dma_wait3A_292 : memref<125xi32, #tpu.memory_space<hbm>>) dst(%arg11 : memref<125xi32, #tpu.memory_space<vmem>>)
    %dma_start3A_293 = arith.constant 0 : i32
    %dma_start3A_294 = tpu.memref_slice %arg2[%arg0, %dma_start3A_293] : memref<20000x64xbf16, #tpu.memory_space<hbm>> -> memref<19999x64xbf16, #tpu.memory_space<hbm>>
    %dma_start3A_295 = arith.constant 0 : i32
    %dma_start3A_296 = arith.constant 0 : i32
    %dma_start3A_297 = tpu.memref_slice %dma_start3A_294[%dma_start3A_295, %dma_start3A_296] : memref<19999x64xbf16, #tpu.memory_space<hbm>> -> memref<19999x64xbf16, #tpu.memory_space<hbm>>
    tpu.enqueue_indirect_dma source(%dma_start3A_297 : memref<19999x64xbf16, #tpu.memory_space<hbm>>) target(%arg27 : memref<125x64xbf16, #tpu.memory_space<vmem>>) offsets(%arg11 : memref<125xi32, #tpu.memory_space<vmem>>) semaphore(%arg47 : memref<!tpu.dma_semaphore, #tpu.memory_space<semaphore_mem>>)
    %dma_wait3A_298 = arith.constant 3 : i32
    %dma_wait3A_299 = arith.constant 0 : i32
    %dma_wait3A_300 = arith.constant 0 : i32
    %dma_wait3A_301 = tpu.memref_slice %arg3[%arg1, %dma_wait3A_299, %dma_wait3A_300] : memref<16x160x125xi32, #tpu.memory_space<hbm>> -> memref<1x160x125xi32, #tpu.memory_space<hbm>>
    %dma_wait3A_302 = tpu.memref_squeeze %dma_wait3A_301 : memref<1x160x125xi32, #tpu.memory_space<hbm>> -> memref<160x125xi32, #tpu.memory_space<hbm>>
    %dma_wait3A_303 = arith.constant 0 : i32
    %dma_wait3A_304 = tpu.memref_slice %dma_wait3A_302[%dma_wait3A_298, %dma_wait3A_303] : memref<160x125xi32, #tpu.memory_space<hbm>> -> memref<1x125xi32, #tpu.memory_space<hbm>>
    %dma_wait3A_305 = tpu.memref_squeeze %dma_wait3A_304 : memref<1x125xi32, #tpu.memory_space<hbm>> -> memref<125xi32, #tpu.memory_space<hbm>>
    %dma_wait3A_306 = arith.constant 0 : i32
    %dma_wait3A_307 = arith.constant 0 : i32
    %dma_wait3A_308 = tpu.memref_slice %arg3[%arg1, %dma_wait3A_306, %dma_wait3A_307] : memref<16x160x125xi32, #tpu.memory_space<hbm>> -> memref<1x160x125xi32, #tpu.memory_space<hbm>>
    %dma_wait3A_309 = tpu.memref_squeeze %dma_wait3A_308 : memref<1x160x125xi32, #tpu.memory_space<hbm>> -> memref<160x125xi32, #tpu.memory_space<hbm>>
    %dma_wait3A_310 = arith.constant 0 : i32
    %dma_wait3A_311 = tpu.memref_slice %dma_wait3A_309[%dma_wait3A_298, %dma_wait3A_310] : memref<160x125xi32, #tpu.memory_space<hbm>> -> memref<1x125xi32, #tpu.memory_space<hbm>>
    %dma_wait3A_312 = tpu.memref_squeeze %dma_wait3A_311 : memref<1x125xi32, #tpu.memory_space<hbm>> -> memref<125xi32, #tpu.memory_space<hbm>>
    tpu.wait_dma2 semaphore(%arg32 : memref<!tpu.dma_semaphore, #tpu.memory_space<semaphore_mem>>) src(%dma_wait3A_312 : memref<125xi32, #tpu.memory_space<hbm>>) dst(%arg12 : memref<125xi32, #tpu.memory_space<vmem>>)
    %dma_start3A_313 = arith.constant 0 : i32
    %dma_start3A_314 = tpu.memref_slice %arg2[%arg0, %dma_start3A_313] : memref<20000x64xbf16, #tpu.memory_space<hbm>> -> memref<19999x64xbf16, #tpu.memory_space<hbm>>
    %dma_start3A_315 = arith.constant 0 : i32
    %dma_start3A_316 = arith.constant 0 : i32
    %dma_start3A_317 = tpu.memref_slice %dma_start3A_314[%dma_start3A_315, %dma_start3A_316] : memref<19999x64xbf16, #tpu.memory_space<hbm>> -> memref<19999x64xbf16, #tpu.memory_space<hbm>>
    tpu.enqueue_indirect_dma source(%dma_start3A_317 : memref<19999x64xbf16, #tpu.memory_space<hbm>>) target(%arg28 : memref<125x64xbf16, #tpu.memory_space<vmem>>) offsets(%arg12 : memref<125xi32, #tpu.memory_space<vmem>>) semaphore(%arg48 : memref<!tpu.dma_semaphore, #tpu.memory_space<semaphore_mem>>)
    "tpu.region"() ({
      %run_scoped3A = tpu.sem_alloc : memref<!tpu.dma_semaphore, #tpu.memory_space<semaphore_mem>>
      tpu.enqueue_dma source(%arg5 : memref<128x64xbf16, #tpu.memory_space<hbm>>) target(%arg7 : memref<128x64xbf16, #tpu.memory_space<vmem>>) target_semaphore(%run_scoped3A : memref<!tpu.dma_semaphore, #tpu.memory_space<semaphore_mem>>)
      tpu.wait_dma2 semaphore(%run_scoped3A : memref<!tpu.dma_semaphore, #tpu.memory_space<semaphore_mem>>) src(%arg5 : memref<128x64xbf16, #tpu.memory_space<hbm>>) dst(%arg7 : memref<128x64xbf16, #tpu.memory_space<vmem>>)
      tpu.yield
    }) : () -> ()
    %mul3A = arith.constant 640 : i32
    %mul3A_318 = arith.muli %arg1, %mul3A : i32
    %add3A = arith.constant 0 : i32
    %add3A_319 = arith.addi %mul3A_318, %add3A : i32
    "tpu.region"() ({
      %run_scoped3A = tpu.sem_alloc : memref<!tpu.dma_semaphore, #tpu.memory_space<semaphore_mem>>
      %dma_start3A_372 = arith.constant 0 : i32
      %dma_start3A_373 = tpu.memref_slice %arg8[%add3A_319, %dma_start3A_372] : memref<10240x64xbf16, #tpu.memory_space<vmem_shared>> -> memref<128x64xbf16, #tpu.memory_space<vmem_shared>>
      %dma_start3A_374 = arith.constant 0 : i32
      %dma_start3A_375 = tpu.memref_slice %arg8[%add3A_319, %dma_start3A_374] : memref<10240x64xbf16, #tpu.memory_space<vmem_shared>> -> memref<128x64xbf16, #tpu.memory_space<vmem_shared>>
      tpu.enqueue_dma source(%arg7 : memref<128x64xbf16, #tpu.memory_space<vmem>>) target(%dma_start3A_375 : memref<128x64xbf16, #tpu.memory_space<vmem_shared>>) target_semaphore(%run_scoped3A : memref<!tpu.dma_semaphore, #tpu.memory_space<semaphore_mem>>)
      %dma_wait3A_376 = arith.constant 0 : i32
      %dma_wait3A_377 = tpu.memref_slice %arg8[%add3A_319, %dma_wait3A_376] : memref<10240x64xbf16, #tpu.memory_space<vmem_shared>> -> memref<128x64xbf16, #tpu.memory_space<vmem_shared>>
      %dma_wait3A_378 = arith.constant 0 : i32
      %dma_wait3A_379 = tpu.memref_slice %arg8[%add3A_319, %dma_wait3A_378] : memref<10240x64xbf16, #tpu.memory_space<vmem_shared>> -> memref<128x64xbf16, #tpu.memory_space<vmem_shared>>
      tpu.wait_dma2 semaphore(%run_scoped3A : memref<!tpu.dma_semaphore, #tpu.memory_space<semaphore_mem>>) src(%arg7 : memref<128x64xbf16, #tpu.memory_space<vmem>>) dst(%dma_wait3A_379 : memref<128x64xbf16, #tpu.memory_space<vmem_shared>>)
      tpu.yield
    }) : () -> ()
    %mul3A_320 = arith.constant 640 : i32
    %mul3A_321 = arith.muli %arg1, %mul3A_320 : i32
    %add3A_322 = arith.constant 128 : i32
    %add3A_323 = arith.addi %mul3A_321, %add3A_322 : i32
    "tpu.region"() ({
      %run_scoped3A = tpu.sem_alloc : memref<!tpu.dma_semaphore, #tpu.memory_space<semaphore_mem>>
      %dma_start3A_372 = arith.constant 0 : i32
      %dma_start3A_373 = tpu.memref_slice %arg8[%add3A_323, %dma_start3A_372] : memref<10240x64xbf16, #tpu.memory_space<vmem_shared>> -> memref<128x64xbf16, #tpu.memory_space<vmem_shared>>
      %dma_start3A_374 = arith.constant 0 : i32
      %dma_start3A_375 = tpu.memref_slice %arg8[%add3A_323, %dma_start3A_374] : memref<10240x64xbf16, #tpu.memory_space<vmem_shared>> -> memref<128x64xbf16, #tpu.memory_space<vmem_shared>>
      tpu.enqueue_dma source(%arg7 : memref<128x64xbf16, #tpu.memory_space<vmem>>) target(%dma_start3A_375 : memref<128x64xbf16, #tpu.memory_space<vmem_shared>>) target_semaphore(%run_scoped3A : memref<!tpu.dma_semaphore, #tpu.memory_space<semaphore_mem>>)
      %dma_wait3A_376 = arith.constant 0 : i32
      %dma_wait3A_377 = tpu.memref_slice %arg8[%add3A_323, %dma_wait3A_376] : memref<10240x64xbf16, #tpu.memory_space<vmem_shared>> -> memref<128x64xbf16, #tpu.memory_space<vmem_shared>>
      %dma_wait3A_378 = arith.constant 0 : i32
      %dma_wait3A_379 = tpu.memref_slice %arg8[%add3A_323, %dma_wait3A_378] : memref<10240x64xbf16, #tpu.memory_space<vmem_shared>> -> memref<128x64xbf16, #tpu.memory_space<vmem_shared>>
      tpu.wait_dma2 semaphore(%run_scoped3A : memref<!tpu.dma_semaphore, #tpu.memory_space<semaphore_mem>>) src(%arg7 : memref<128x64xbf16, #tpu.memory_space<vmem>>) dst(%dma_wait3A_379 : memref<128x64xbf16, #tpu.memory_space<vmem_shared>>)
      tpu.yield
    }) : () -> ()
    %mul3A_324 = arith.constant 640 : i32
    %mul3A_325 = arith.muli %arg1, %mul3A_324 : i32
    %add3A_326 = arith.constant 256 : i32
    %add3A_327 = arith.addi %mul3A_325, %add3A_326 : i32
    "tpu.region"() ({
      %run_scoped3A = tpu.sem_alloc : memref<!tpu.dma_semaphore, #tpu.memory_space<semaphore_mem>>
      %dma_start3A_372 = arith.constant 0 : i32
      %dma_start3A_373 = tpu.memref_slice %arg8[%add3A_327, %dma_start3A_372] : memref<10240x64xbf16, #tpu.memory_space<vmem_shared>> -> memref<128x64xbf16, #tpu.memory_space<vmem_shared>>
      %dma_start3A_374 = arith.constant 0 : i32
      %dma_start3A_375 = tpu.memref_slice %arg8[%add3A_327, %dma_start3A_374] : memref<10240x64xbf16, #tpu.memory_space<vmem_shared>> -> memref<128x64xbf16, #tpu.memory_space<vmem_shared>>
      tpu.enqueue_dma source(%arg7 : memref<128x64xbf16, #tpu.memory_space<vmem>>) target(%dma_start3A_375 : memref<128x64xbf16, #tpu.memory_space<vmem_shared>>) target_semaphore(%run_scoped3A : memref<!tpu.dma_semaphore, #tpu.memory_space<semaphore_mem>>)
      %dma_wait3A_376 = arith.constant 0 : i32
      %dma_wait3A_377 = tpu.memref_slice %arg8[%add3A_327, %dma_wait3A_376] : memref<10240x64xbf16, #tpu.memory_space<vmem_shared>> -> memref<128x64xbf16, #tpu.memory_space<vmem_shared>>
      %dma_wait3A_378 = arith.constant 0 : i32
      %dma_wait3A_379 = tpu.memref_slice %arg8[%add3A_327, %dma_wait3A_378] : memref<10240x64xbf16, #tpu.memory_space<vmem_shared>> -> memref<128x64xbf16, #tpu.memory_space<vmem_shared>>
      tpu.wait_dma2 semaphore(%run_scoped3A : memref<!tpu.dma_semaphore, #tpu.memory_space<semaphore_mem>>) src(%arg7 : memref<128x64xbf16, #tpu.memory_space<vmem>>) dst(%dma_wait3A_379 : memref<128x64xbf16, #tpu.memory_space<vmem_shared>>)
      tpu.yield
    }) : () -> ()
    %mul3A_328 = arith.constant 640 : i32
    %mul3A_329 = arith.muli %arg1, %mul3A_328 : i32
    %add3A_330 = arith.constant 384 : i32
    %add3A_331 = arith.addi %mul3A_329, %add3A_330 : i32
    "tpu.region"() ({
      %run_scoped3A = tpu.sem_alloc : memref<!tpu.dma_semaphore, #tpu.memory_space<semaphore_mem>>
      %dma_start3A_372 = arith.constant 0 : i32
      %dma_start3A_373 = tpu.memref_slice %arg8[%add3A_331, %dma_start3A_372] : memref<10240x64xbf16, #tpu.memory_space<vmem_shared>> -> memref<128x64xbf16, #tpu.memory_space<vmem_shared>>
      %dma_start3A_374 = arith.constant 0 : i32
      %dma_start3A_375 = tpu.memref_slice %arg8[%add3A_331, %dma_start3A_374] : memref<10240x64xbf16, #tpu.memory_space<vmem_shared>> -> memref<128x64xbf16, #tpu.memory_space<vmem_shared>>
      tpu.enqueue_dma source(%arg7 : memref<128x64xbf16, #tpu.memory_space<vmem>>) target(%dma_start3A_375 : memref<128x64xbf16, #tpu.memory_space<vmem_shared>>) target_semaphore(%run_scoped3A : memref<!tpu.dma_semaphore, #tpu.memory_space<semaphore_mem>>)
      %dma_wait3A_376 = arith.constant 0 : i32
      %dma_wait3A_377 = tpu.memref_slice %arg8[%add3A_331, %dma_wait3A_376] : memref<10240x64xbf16, #tpu.memory_space<vmem_shared>> -> memref<128x64xbf16, #tpu.memory_space<vmem_shared>>
      %dma_wait3A_378 = arith.constant 0 : i32
      %dma_wait3A_379 = tpu.memref_slice %arg8[%add3A_331, %dma_wait3A_378] : memref<10240x64xbf16, #tpu.memory_space<vmem_shared>> -> memref<128x64xbf16, #tpu.memory_space<vmem_shared>>
      tpu.wait_dma2 semaphore(%run_scoped3A : memref<!tpu.dma_semaphore, #tpu.memory_space<semaphore_mem>>) src(%arg7 : memref<128x64xbf16, #tpu.memory_space<vmem>>) dst(%dma_wait3A_379 : memref<128x64xbf16, #tpu.memory_space<vmem_shared>>)
      tpu.yield
    }) : () -> ()
    %mul3A_332 = arith.constant 640 : i32
    %mul3A_333 = arith.muli %arg1, %mul3A_332 : i32
    %add3A_334 = arith.constant 512 : i32
    %add3A_335 = arith.addi %mul3A_333, %add3A_334 : i32
    "tpu.region"() ({
      %run_scoped3A = tpu.sem_alloc : memref<!tpu.dma_semaphore, #tpu.memory_space<semaphore_mem>>
      %dma_start3A_372 = arith.constant 0 : i32
      %dma_start3A_373 = tpu.memref_slice %arg8[%add3A_335, %dma_start3A_372] : memref<10240x64xbf16, #tpu.memory_space<vmem_shared>> -> memref<128x64xbf16, #tpu.memory_space<vmem_shared>>
      %dma_start3A_374 = arith.constant 0 : i32
      %dma_start3A_375 = tpu.memref_slice %arg8[%add3A_335, %dma_start3A_374] : memref<10240x64xbf16, #tpu.memory_space<vmem_shared>> -> memref<128x64xbf16, #tpu.memory_space<vmem_shared>>
      tpu.enqueue_dma source(%arg7 : memref<128x64xbf16, #tpu.memory_space<vmem>>) target(%dma_start3A_375 : memref<128x64xbf16, #tpu.memory_space<vmem_shared>>) target_semaphore(%run_scoped3A : memref<!tpu.dma_semaphore, #tpu.memory_space<semaphore_mem>>)
      %dma_wait3A_376 = arith.constant 0 : i32
      %dma_wait3A_377 = tpu.memref_slice %arg8[%add3A_335, %dma_wait3A_376] : memref<10240x64xbf16, #tpu.memory_space<vmem_shared>> -> memref<128x64xbf16, #tpu.memory_space<vmem_shared>>
      %dma_wait3A_378 = arith.constant 0 : i32
      %dma_wait3A_379 = tpu.memref_slice %arg8[%add3A_335, %dma_wait3A_378] : memref<10240x64xbf16, #tpu.memory_space<vmem_shared>> -> memref<128x64xbf16, #tpu.memory_space<vmem_shared>>
      tpu.wait_dma2 semaphore(%run_scoped3A : memref<!tpu.dma_semaphore, #tpu.memory_space<semaphore_mem>>) src(%arg7 : memref<128x64xbf16, #tpu.memory_space<vmem>>) dst(%dma_wait3A_379 : memref<128x64xbf16, #tpu.memory_space<vmem_shared>>)
      tpu.yield
    }) : () -> ()
    %barrier3A = arith.constant 0 : index
    tpu.barrier barrier_id(%barrier3A)
    %scan3A = arith.constant 0 : i32
    %scan3A_336 = arith.constant 0 : i32
    %scan3A_337 = arith.constant 20 : i32
    %scan3A_338 = arith.addi %scan3A_336, %scan3A_337 : i32
    %scan3A_339 = arith.constant 1 : i32
    scf.for %scan3A_372 = %scan3A_336 to %scan3A_338 step %scan3A_339  : i32 {
      %mul3A_373 = arith.constant 8 : i32
      %mul3A_374 = arith.muli %scan3A_372, %mul3A_373 : i32
      %add3A_375 = arith.constant 0 : i32
      %add3A_376 = arith.addi %mul3A_374, %add3A_375 : i32
      %dma_wait3A_377 = arith.constant 0 : i32
      %dma_wait3A_378 = tpu.memref_slice %arg2[%arg0, %dma_wait3A_377] : memref<20000x64xbf16, #tpu.memory_space<hbm>> -> memref<19999x64xbf16, #tpu.memory_space<hbm>>
      %dma_wait3A_379 = arith.constant 0 : i32
      %dma_wait3A_380 = arith.constant 0 : i32
      %dma_wait3A_381 = tpu.memref_slice %dma_wait3A_378[%dma_wait3A_379, %dma_wait3A_380] : memref<19999x64xbf16, #tpu.memory_space<hbm>> -> memref<19999x64xbf16, #tpu.memory_space<hbm>>
      tpu.wait_indirect_dma semaphore(%arg45 : memref<!tpu.dma_semaphore, #tpu.memory_space<semaphore_mem>>) src(%dma_wait3A_381 : memref<19999x64xbf16, #tpu.memory_space<hbm>>) dst(%arg25 : memref<125x64xbf16, #tpu.memory_space<vmem>>)
      %dma_wait3A_382 = arith.constant 0 : i32
      %dma_wait3A_383 = arith.constant 0 : i32
      %dma_wait3A_384 = tpu.memref_slice %arg4[%arg1, %dma_wait3A_382, %dma_wait3A_383] : memref<16x160x125xi32, #tpu.memory_space<hbm>> -> memref<1x160x125xi32, #tpu.memory_space<hbm>>
      %dma_wait3A_385 = tpu.memref_squeeze %dma_wait3A_384 : memref<1x160x125xi32, #tpu.memory_space<hbm>> -> memref<160x125xi32, #tpu.memory_space<hbm>>
      %dma_wait3A_386 = arith.constant 0 : i32
      %dma_wait3A_387 = tpu.memref_slice %dma_wait3A_385[%add3A_376, %dma_wait3A_386] : memref<160x125xi32, #tpu.memory_space<hbm>> -> memref<1x125xi32, #tpu.memory_space<hbm>>
      %dma_wait3A_388 = tpu.memref_squeeze %dma_wait3A_387 : memref<1x125xi32, #tpu.memory_space<hbm>> -> memref<125xi32, #tpu.memory_space<hbm>>
      %dma_wait3A_389 = arith.constant 0 : i32
      %dma_wait3A_390 = arith.constant 0 : i32
      %dma_wait3A_391 = tpu.memref_slice %arg4[%arg1, %dma_wait3A_389, %dma_wait3A_390] : memref<16x160x125xi32, #tpu.memory_space<hbm>> -> memref<1x160x125xi32, #tpu.memory_space<hbm>>
      %dma_wait3A_392 = tpu.memref_squeeze %dma_wait3A_391 : memref<1x160x125xi32, #tpu.memory_space<hbm>> -> memref<160x125xi32, #tpu.memory_space<hbm>>
      %dma_wait3A_393 = arith.constant 0 : i32
      %dma_wait3A_394 = tpu.memref_slice %dma_wait3A_392[%add3A_376, %dma_wait3A_393] : memref<160x125xi32, #tpu.memory_space<hbm>> -> memref<1x125xi32, #tpu.memory_space<hbm>>
      %dma_wait3A_395 = tpu.memref_squeeze %dma_wait3A_394 : memref<1x125xi32, #tpu.memory_space<hbm>> -> memref<125xi32, #tpu.memory_space<hbm>>
      tpu.wait_dma2 semaphore(%arg37 : memref<!tpu.dma_semaphore, #tpu.memory_space<semaphore_mem>>) src(%dma_wait3A_395 : memref<125xi32, #tpu.memory_space<hbm>>) dst(%arg17 : memref<125xi32, #tpu.memory_space<vmem>>)
      "tpu.region"() ({
        %run_scoped3A = tpu.sem_alloc : memref<!tpu.dma_semaphore, #tpu.memory_space<semaphore_mem>>
        %dma_start3A_650 = arith.constant 0 : i32
        %dma_start3A_651 = arith.constant 0 : i32
        %dma_start3A_652 = tpu.memref_slice %arg8[%dma_start3A_650, %dma_start3A_651] : memref<10240x64xbf16, #tpu.memory_space<vmem_shared>> -> memref<10240x64xbf16, #tpu.memory_space<vmem_shared>>
        tpu.enqueue_indirect_dma source(%arg25 : memref<125x64xbf16, #tpu.memory_space<vmem>>) target(%dma_start3A_652 : memref<10240x64xbf16, #tpu.memory_space<vmem_shared>>) offsets(%arg17 : memref<125xi32, #tpu.memory_space<vmem>>) semaphore(%run_scoped3A : memref<!tpu.dma_semaphore, #tpu.memory_space<semaphore_mem>>) {add = true}
        %dma_wait3A_653 = arith.constant 0 : i32
        %dma_wait3A_654 = arith.constant 0 : i32
        %dma_wait3A_655 = tpu.memref_slice %arg8[%dma_wait3A_653, %dma_wait3A_654] : memref<10240x64xbf16, #tpu.memory_space<vmem_shared>> -> memref<10240x64xbf16, #tpu.memory_space<vmem_shared>>
        tpu.wait_indirect_dma semaphore(%run_scoped3A : memref<!tpu.dma_semaphore, #tpu.memory_space<semaphore_mem>>) src(%arg25 : memref<125x64xbf16, #tpu.memory_space<vmem>>) dst(%dma_wait3A_655 : memref<10240x64xbf16, #tpu.memory_space<vmem_shared>>)
        tpu.yield
      }) : () -> ()
      %lt3A = arith.constant 19 : i32
      %lt3A_396 = arith.cmpi slt, %scan3A_372, %lt3A : i32
      %convert_element_type3A = arith.extui %lt3A_396 : i1 to i32
      %cond3A = arith.constant 0 : i32
      %cond3A_397 = arith.cmpi ne, %convert_element_type3A, %cond3A : i32
      scf.if %cond3A_397 {
        %add3A_650 = arith.constant 8 : i32
        %add3A_651 = arith.addi %add3A_376, %add3A_650 : i32
        %dma_start3A_652 = arith.constant 0 : i32
        %dma_start3A_653 = arith.constant 0 : i32
        %dma_start3A_654 = tpu.memref_slice %arg3[%arg1, %dma_start3A_652, %dma_start3A_653] : memref<16x160x125xi32, #tpu.memory_space<hbm>> -> memref<1x160x125xi32, #tpu.memory_space<hbm>>
        %dma_start3A_655 = tpu.memref_squeeze %dma_start3A_654 : memref<1x160x125xi32, #tpu.memory_space<hbm>> -> memref<160x125xi32, #tpu.memory_space<hbm>>
        %dma_start3A_656 = arith.constant 0 : i32
        %dma_start3A_657 = tpu.memref_slice %dma_start3A_655[%add3A_651, %dma_start3A_656] : memref<160x125xi32, #tpu.memory_space<hbm>> -> memref<1x125xi32, #tpu.memory_space<hbm>>
        %dma_start3A_658 = tpu.memref_squeeze %dma_start3A_657 : memref<1x125xi32, #tpu.memory_space<hbm>> -> memref<125xi32, #tpu.memory_space<hbm>>
        %dma_start3A_659 = arith.constant 0 : i32
        %dma_start3A_660 = arith.constant 0 : i32
        %dma_start3A_661 = tpu.memref_slice %arg3[%arg1, %dma_start3A_659, %dma_start3A_660] : memref<16x160x125xi32, #tpu.memory_space<hbm>> -> memref<1x160x125xi32, #tpu.memory_space<hbm>>
        %dma_start3A_662 = tpu.memref_squeeze %dma_start3A_661 : memref<1x160x125xi32, #tpu.memory_space<hbm>> -> memref<160x125xi32, #tpu.memory_space<hbm>>
        %dma_start3A_663 = arith.constant 0 : i32
        %dma_start3A_664 = tpu.memref_slice %dma_start3A_662[%add3A_651, %dma_start3A_663] : memref<160x125xi32, #tpu.memory_space<hbm>> -> memref<1x125xi32, #tpu.memory_space<hbm>>
        %dma_start3A_665 = tpu.memref_squeeze %dma_start3A_664 : memref<1x125xi32, #tpu.memory_space<hbm>> -> memref<125xi32, #tpu.memory_space<hbm>>
        tpu.enqueue_dma source(%dma_start3A_665 : memref<125xi32, #tpu.memory_space<hbm>>) target(%arg9 : memref<125xi32, #tpu.memory_space<vmem>>) target_semaphore(%arg29 : memref<!tpu.dma_semaphore, #tpu.memory_space<semaphore_mem>>)
        %add3A_666 = arith.constant 8 : i32
        %add3A_667 = arith.addi %add3A_376, %add3A_666 : i32
        %dma_start3A_668 = arith.constant 0 : i32
        %dma_start3A_669 = arith.constant 0 : i32
        %dma_start3A_670 = tpu.memref_slice %arg4[%arg1, %dma_start3A_668, %dma_start3A_669] : memref<16x160x125xi32, #tpu.memory_space<hbm>> -> memref<1x160x125xi32, #tpu.memory_space<hbm>>
        %dma_start3A_671 = tpu.memref_squeeze %dma_start3A_670 : memref<1x160x125xi32, #tpu.memory_space<hbm>> -> memref<160x125xi32, #tpu.memory_space<hbm>>
        %dma_start3A_672 = arith.constant 0 : i32
        %dma_start3A_673 = tpu.memref_slice %dma_start3A_671[%add3A_667, %dma_start3A_672] : memref<160x125xi32, #tpu.memory_space<hbm>> -> memref<1x125xi32, #tpu.memory_space<hbm>>
        %dma_start3A_674 = tpu.memref_squeeze %dma_start3A_673 : memref<1x125xi32, #tpu.memory_space<hbm>> -> memref<125xi32, #tpu.memory_space<hbm>>
        %dma_start3A_675 = arith.constant 0 : i32
        %dma_start3A_676 = arith.constant 0 : i32
        %dma_start3A_677 = tpu.memref_slice %arg4[%arg1, %dma_start3A_675, %dma_start3A_676] : memref<16x160x125xi32, #tpu.memory_space<hbm>> -> memref<1x160x125xi32, #tpu.memory_space<hbm>>
        %dma_start3A_678 = tpu.memref_squeeze %dma_start3A_677 : memref<1x160x125xi32, #tpu.memory_space<hbm>> -> memref<160x125xi32, #tpu.memory_space<hbm>>
        %dma_start3A_679 = arith.constant 0 : i32
        %dma_start3A_680 = tpu.memref_slice %dma_start3A_678[%add3A_667, %dma_start3A_679] : memref<160x125xi32, #tpu.memory_space<hbm>> -> memref<1x125xi32, #tpu.memory_space<hbm>>
        %dma_start3A_681 = tpu.memref_squeeze %dma_start3A_680 : memref<1x125xi32, #tpu.memory_space<hbm>> -> memref<125xi32, #tpu.memory_space<hbm>>
        tpu.enqueue_dma source(%dma_start3A_681 : memref<125xi32, #tpu.memory_space<hbm>>) target(%arg17 : memref<125xi32, #tpu.memory_space<vmem>>) target_semaphore(%arg37 : memref<!tpu.dma_semaphore, #tpu.memory_space<semaphore_mem>>)
      } else {
      }
      %add3A_398 = arith.constant 4 : i32
      %add3A_399 = arith.addi %add3A_376, %add3A_398 : i32
      %lt3A_400 = arith.constant 160 : i32
      %lt3A_401 = arith.cmpi slt, %add3A_399, %lt3A_400 : i32
      %convert_element_type3A_402 = arith.extui %lt3A_401 : i1 to i32
      %cond3A_403 = arith.constant 0 : i32
      %cond3A_404 = arith.cmpi ne, %convert_element_type3A_402, %cond3A_403 : i32
      scf.if %cond3A_404 {
        %add3A_650 = arith.constant 4 : i32
        %add3A_651 = arith.addi %add3A_376, %add3A_650 : i32
        %dma_wait3A_652 = arith.constant 0 : i32
        %dma_wait3A_653 = arith.constant 0 : i32
        %dma_wait3A_654 = tpu.memref_slice %arg3[%arg1, %dma_wait3A_652, %dma_wait3A_653] : memref<16x160x125xi32, #tpu.memory_space<hbm>> -> memref<1x160x125xi32, #tpu.memory_space<hbm>>
        %dma_wait3A_655 = tpu.memref_squeeze %dma_wait3A_654 : memref<1x160x125xi32, #tpu.memory_space<hbm>> -> memref<160x125xi32, #tpu.memory_space<hbm>>
        %dma_wait3A_656 = arith.constant 0 : i32
        %dma_wait3A_657 = tpu.memref_slice %dma_wait3A_655[%add3A_651, %dma_wait3A_656] : memref<160x125xi32, #tpu.memory_space<hbm>> -> memref<1x125xi32, #tpu.memory_space<hbm>>
        %dma_wait3A_658 = tpu.memref_squeeze %dma_wait3A_657 : memref<1x125xi32, #tpu.memory_space<hbm>> -> memref<125xi32, #tpu.memory_space<hbm>>
        %dma_wait3A_659 = arith.constant 0 : i32
        %dma_wait3A_660 = arith.constant 0 : i32
        %dma_wait3A_661 = tpu.memref_slice %arg3[%arg1, %dma_wait3A_659, %dma_wait3A_660] : memref<16x160x125xi32, #tpu.memory_space<hbm>> -> memref<1x160x125xi32, #tpu.memory_space<hbm>>
        %dma_wait3A_662 = tpu.memref_squeeze %dma_wait3A_661 : memref<1x160x125xi32, #tpu.memory_space<hbm>> -> memref<160x125xi32, #tpu.memory_space<hbm>>
        %dma_wait3A_663 = arith.constant 0 : i32
        %dma_wait3A_664 = tpu.memref_slice %dma_wait3A_662[%add3A_651, %dma_wait3A_663] : memref<160x125xi32, #tpu.memory_space<hbm>> -> memref<1x125xi32, #tpu.memory_space<hbm>>
        %dma_wait3A_665 = tpu.memref_squeeze %dma_wait3A_664 : memref<1x125xi32, #tpu.memory_space<hbm>> -> memref<125xi32, #tpu.memory_space<hbm>>
        tpu.wait_dma2 semaphore(%arg33 : memref<!tpu.dma_semaphore, #tpu.memory_space<semaphore_mem>>) src(%dma_wait3A_665 : memref<125xi32, #tpu.memory_space<hbm>>) dst(%arg13 : memref<125xi32, #tpu.memory_space<vmem>>)
        %dma_start3A_666 = arith.constant 0 : i32
        %dma_start3A_667 = tpu.memref_slice %arg2[%arg0, %dma_start3A_666] : memref<20000x64xbf16, #tpu.memory_space<hbm>> -> memref<19999x64xbf16, #tpu.memory_space<hbm>>
        %dma_start3A_668 = arith.constant 0 : i32
        %dma_start3A_669 = arith.constant 0 : i32
        %dma_start3A_670 = tpu.memref_slice %dma_start3A_667[%dma_start3A_668, %dma_start3A_669] : memref<19999x64xbf16, #tpu.memory_space<hbm>> -> memref<19999x64xbf16, #tpu.memory_space<hbm>>
        tpu.enqueue_indirect_dma source(%dma_start3A_670 : memref<19999x64xbf16, #tpu.memory_space<hbm>>) target(%arg25 : memref<125x64xbf16, #tpu.memory_space<vmem>>) offsets(%arg13 : memref<125xi32, #tpu.memory_space<vmem>>) semaphore(%arg45 : memref<!tpu.dma_semaphore, #tpu.memory_space<semaphore_mem>>)
      } else {
      }
      %mul3A_405 = arith.constant 8 : i32
      %mul3A_406 = arith.muli %scan3A_372, %mul3A_405 : i32
      %add3A_407 = arith.constant 1 : i32
      %add3A_408 = arith.addi %mul3A_406, %add3A_407 : i32
      %dma_wait3A_409 = arith.constant 0 : i32
      %dma_wait3A_410 = tpu.memref_slice %arg2[%arg0, %dma_wait3A_409] : memref<20000x64xbf16, #tpu.memory_space<hbm>> -> memref<19999x64xbf16, #tpu.memory_space<hbm>>
      %dma_wait3A_411 = arith.constant 0 : i32
      %dma_wait3A_412 = arith.constant 0 : i32
      %dma_wait3A_413 = tpu.memref_slice %dma_wait3A_410[%dma_wait3A_411, %dma_wait3A_412] : memref<19999x64xbf16, #tpu.memory_space<hbm>> -> memref<19999x64xbf16, #tpu.memory_space<hbm>>
      tpu.wait_indirect_dma semaphore(%arg46 : memref<!tpu.dma_semaphore, #tpu.memory_space<semaphore_mem>>) src(%dma_wait3A_413 : memref<19999x64xbf16, #tpu.memory_space<hbm>>) dst(%arg26 : memref<125x64xbf16, #tpu.memory_space<vmem>>)
      %dma_wait3A_414 = arith.constant 0 : i32
      %dma_wait3A_415 = arith.constant 0 : i32
      %dma_wait3A_416 = tpu.memref_slice %arg4[%arg1, %dma_wait3A_414, %dma_wait3A_415] : memref<16x160x125xi32, #tpu.memory_space<hbm>> -> memref<1x160x125xi32, #tpu.memory_space<hbm>>
      %dma_wait3A_417 = tpu.memref_squeeze %dma_wait3A_416 : memref<1x160x125xi32, #tpu.memory_space<hbm>> -> memref<160x125xi32, #tpu.memory_space<hbm>>
      %dma_wait3A_418 = arith.constant 0 : i32
      %dma_wait3A_419 = tpu.memref_slice %dma_wait3A_417[%add3A_408, %dma_wait3A_418] : memref<160x125xi32, #tpu.memory_space<hbm>> -> memref<1x125xi32, #tpu.memory_space<hbm>>
      %dma_wait3A_420 = tpu.memref_squeeze %dma_wait3A_419 : memref<1x125xi32, #tpu.memory_space<hbm>> -> memref<125xi32, #tpu.memory_space<hbm>>
      %dma_wait3A_421 = arith.constant 0 : i32
      %dma_wait3A_422 = arith.constant 0 : i32
      %dma_wait3A_423 = tpu.memref_slice %arg4[%arg1, %dma_wait3A_421, %dma_wait3A_422] : memref<16x160x125xi32, #tpu.memory_space<hbm>> -> memref<1x160x125xi32, #tpu.memory_space<hbm>>
      %dma_wait3A_424 = tpu.memref_squeeze %dma_wait3A_423 : memref<1x160x125xi32, #tpu.memory_space<hbm>> -> memref<160x125xi32, #tpu.memory_space<hbm>>
      %dma_wait3A_425 = arith.constant 0 : i32
      %dma_wait3A_426 = tpu.memref_slice %dma_wait3A_424[%add3A_408, %dma_wait3A_425] : memref<160x125xi32, #tpu.memory_space<hbm>> -> memref<1x125xi32, #tpu.memory_space<hbm>>
      %dma_wait3A_427 = tpu.memref_squeeze %dma_wait3A_426 : memref<1x125xi32, #tpu.memory_space<hbm>> -> memref<125xi32, #tpu.memory_space<hbm>>
      tpu.wait_dma2 semaphore(%arg38 : memref<!tpu.dma_semaphore, #tpu.memory_space<semaphore_mem>>) src(%dma_wait3A_427 : memref<125xi32, #tpu.memory_space<hbm>>) dst(%arg18 : memref<125xi32, #tpu.memory_space<vmem>>)
      "tpu.region"() ({
        %run_scoped3A = tpu.sem_alloc : memref<!tpu.dma_semaphore, #tpu.memory_space<semaphore_mem>>
        %dma_start3A_650 = arith.constant 0 : i32
        %dma_start3A_651 = arith.constant 0 : i32
        %dma_start3A_652 = tpu.memref_slice %arg8[%dma_start3A_650, %dma_start3A_651] : memref<10240x64xbf16, #tpu.memory_space<vmem_shared>> -> memref<10240x64xbf16, #tpu.memory_space<vmem_shared>>
        tpu.enqueue_indirect_dma source(%arg26 : memref<125x64xbf16, #tpu.memory_space<vmem>>) target(%dma_start3A_652 : memref<10240x64xbf16, #tpu.memory_space<vmem_shared>>) offsets(%arg18 : memref<125xi32, #tpu.memory_space<vmem>>) semaphore(%run_scoped3A : memref<!tpu.dma_semaphore, #tpu.memory_space<semaphore_mem>>) {add = true}
        %dma_wait3A_653 = arith.constant 0 : i32
        %dma_wait3A_654 = arith.constant 0 : i32
        %dma_wait3A_655 = tpu.memref_slice %arg8[%dma_wait3A_653, %dma_wait3A_654] : memref<10240x64xbf16, #tpu.memory_space<vmem_shared>> -> memref<10240x64xbf16, #tpu.memory_space<vmem_shared>>
        tpu.wait_indirect_dma semaphore(%run_scoped3A : memref<!tpu.dma_semaphore, #tpu.memory_space<semaphore_mem>>) src(%arg26 : memref<125x64xbf16, #tpu.memory_space<vmem>>) dst(%dma_wait3A_655 : memref<10240x64xbf16, #tpu.memory_space<vmem_shared>>)
        tpu.yield
      }) : () -> ()
      %lt3A_428 = arith.constant 19 : i32
      %lt3A_429 = arith.cmpi slt, %scan3A_372, %lt3A_428 : i32
      %convert_element_type3A_430 = arith.extui %lt3A_429 : i1 to i32
      %cond3A_431 = arith.constant 0 : i32
      %cond3A_432 = arith.cmpi ne, %convert_element_type3A_430, %cond3A_431 : i32
      scf.if %cond3A_432 {
        %add3A_650 = arith.constant 8 : i32
        %add3A_651 = arith.addi %add3A_408, %add3A_650 : i32
        %dma_start3A_652 = arith.constant 0 : i32
        %dma_start3A_653 = arith.constant 0 : i32
        %dma_start3A_654 = tpu.memref_slice %arg3[%arg1, %dma_start3A_652, %dma_start3A_653] : memref<16x160x125xi32, #tpu.memory_space<hbm>> -> memref<1x160x125xi32, #tpu.memory_space<hbm>>
        %dma_start3A_655 = tpu.memref_squeeze %dma_start3A_654 : memref<1x160x125xi32, #tpu.memory_space<hbm>> -> memref<160x125xi32, #tpu.memory_space<hbm>>
        %dma_start3A_656 = arith.constant 0 : i32
        %dma_start3A_657 = tpu.memref_slice %dma_start3A_655[%add3A_651, %dma_start3A_656] : memref<160x125xi32, #tpu.memory_space<hbm>> -> memref<1x125xi32, #tpu.memory_space<hbm>>
        %dma_start3A_658 = tpu.memref_squeeze %dma_start3A_657 : memref<1x125xi32, #tpu.memory_space<hbm>> -> memref<125xi32, #tpu.memory_space<hbm>>
        %dma_start3A_659 = arith.constant 0 : i32
        %dma_start3A_660 = arith.constant 0 : i32
        %dma_start3A_661 = tpu.memref_slice %arg3[%arg1, %dma_start3A_659, %dma_start3A_660] : memref<16x160x125xi32, #tpu.memory_space<hbm>> -> memref<1x160x125xi32, #tpu.memory_space<hbm>>
        %dma_start3A_662 = tpu.memref_squeeze %dma_start3A_661 : memref<1x160x125xi32, #tpu.memory_space<hbm>> -> memref<160x125xi32, #tpu.memory_space<hbm>>
        %dma_start3A_663 = arith.constant 0 : i32
        %dma_start3A_664 = tpu.memref_slice %dma_start3A_662[%add3A_651, %dma_start3A_663] : memref<160x125xi32, #tpu.memory_space<hbm>> -> memref<1x125xi32, #tpu.memory_space<hbm>>
        %dma_start3A_665 = tpu.memref_squeeze %dma_start3A_664 : memref<1x125xi32, #tpu.memory_space<hbm>> -> memref<125xi32, #tpu.memory_space<hbm>>
        tpu.enqueue_dma source(%dma_start3A_665 : memref<125xi32, #tpu.memory_space<hbm>>) target(%arg10 : memref<125xi32, #tpu.memory_space<vmem>>) target_semaphore(%arg30 : memref<!tpu.dma_semaphore, #tpu.memory_space<semaphore_mem>>)
        %add3A_666 = arith.constant 8 : i32
        %add3A_667 = arith.addi %add3A_408, %add3A_666 : i32
        %dma_start3A_668 = arith.constant 0 : i32
        %dma_start3A_669 = arith.constant 0 : i32
        %dma_start3A_670 = tpu.memref_slice %arg4[%arg1, %dma_start3A_668, %dma_start3A_669] : memref<16x160x125xi32, #tpu.memory_space<hbm>> -> memref<1x160x125xi32, #tpu.memory_space<hbm>>
        %dma_start3A_671 = tpu.memref_squeeze %dma_start3A_670 : memref<1x160x125xi32, #tpu.memory_space<hbm>> -> memref<160x125xi32, #tpu.memory_space<hbm>>
        %dma_start3A_672 = arith.constant 0 : i32
        %dma_start3A_673 = tpu.memref_slice %dma_start3A_671[%add3A_667, %dma_start3A_672] : memref<160x125xi32, #tpu.memory_space<hbm>> -> memref<1x125xi32, #tpu.memory_space<hbm>>
        %dma_start3A_674 = tpu.memref_squeeze %dma_start3A_673 : memref<1x125xi32, #tpu.memory_space<hbm>> -> memref<125xi32, #tpu.memory_space<hbm>>
        %dma_start3A_675 = arith.constant 0 : i32
        %dma_start3A_676 = arith.constant 0 : i32
        %dma_start3A_677 = tpu.memref_slice %arg4[%arg1, %dma_start3A_675, %dma_start3A_676] : memref<16x160x125xi32, #tpu.memory_space<hbm>> -> memref<1x160x125xi32, #tpu.memory_space<hbm>>
        %dma_start3A_678 = tpu.memref_squeeze %dma_start3A_677 : memref<1x160x125xi32, #tpu.memory_space<hbm>> -> memref<160x125xi32, #tpu.memory_space<hbm>>
        %dma_start3A_679 = arith.constant 0 : i32
        %dma_start3A_680 = tpu.memref_slice %dma_start3A_678[%add3A_667, %dma_start3A_679] : memref<160x125xi32, #tpu.memory_space<hbm>> -> memref<1x125xi32, #tpu.memory_space<hbm>>
        %dma_start3A_681 = tpu.memref_squeeze %dma_start3A_680 : memref<1x125xi32, #tpu.memory_space<hbm>> -> memref<125xi32, #tpu.memory_space<hbm>>
        tpu.enqueue_dma source(%dma_start3A_681 : memref<125xi32, #tpu.memory_space<hbm>>) target(%arg18 : memref<125xi32, #tpu.memory_space<vmem>>) target_semaphore(%arg38 : memref<!tpu.dma_semaphore, #tpu.memory_space<semaphore_mem>>)
      } else {
      }
      %add3A_433 = arith.constant 4 : i32
      %add3A_434 = arith.addi %add3A_408, %add3A_433 : i32
      %lt3A_435 = arith.constant 160 : i32
      %lt3A_436 = arith.cmpi slt, %add3A_434, %lt3A_435 : i32
      %convert_element_type3A_437 = arith.extui %lt3A_436 : i1 to i32
      %cond3A_438 = arith.constant 0 : i32
      %cond3A_439 = arith.cmpi ne, %convert_element_type3A_437, %cond3A_438 : i32
      scf.if %cond3A_439 {
        %add3A_650 = arith.constant 4 : i32
        %add3A_651 = arith.addi %add3A_408, %add3A_650 : i32
        %dma_wait3A_652 = arith.constant 0 : i32
        %dma_wait3A_653 = arith.constant 0 : i32
        %dma_wait3A_654 = tpu.memref_slice %arg3[%arg1, %dma_wait3A_652, %dma_wait3A_653] : memref<16x160x125xi32, #tpu.memory_space<hbm>> -> memref<1x160x125xi32, #tpu.memory_space<hbm>>
        %dma_wait3A_655 = tpu.memref_squeeze %dma_wait3A_654 : memref<1x160x125xi32, #tpu.memory_space<hbm>> -> memref<160x125xi32, #tpu.memory_space<hbm>>
        %dma_wait3A_656 = arith.constant 0 : i32
        %dma_wait3A_657 = tpu.memref_slice %dma_wait3A_655[%add3A_651, %dma_wait3A_656] : memref<160x125xi32, #tpu.memory_space<hbm>> -> memref<1x125xi32, #tpu.memory_space<hbm>>
        %dma_wait3A_658 = tpu.memref_squeeze %dma_wait3A_657 : memref<1x125xi32, #tpu.memory_space<hbm>> -> memref<125xi32, #tpu.memory_space<hbm>>
        %dma_wait3A_659 = arith.constant 0 : i32
        %dma_wait3A_660 = arith.constant 0 : i32
        %dma_wait3A_661 = tpu.memref_slice %arg3[%arg1, %dma_wait3A_659, %dma_wait3A_660] : memref<16x160x125xi32, #tpu.memory_space<hbm>> -> memref<1x160x125xi32, #tpu.memory_space<hbm>>
        %dma_wait3A_662 = tpu.memref_squeeze %dma_wait3A_661 : memref<1x160x125xi32, #tpu.memory_space<hbm>> -> memref<160x125xi32, #tpu.memory_space<hbm>>
        %dma_wait3A_663 = arith.constant 0 : i32
        %dma_wait3A_664 = tpu.memref_slice %dma_wait3A_662[%add3A_651, %dma_wait3A_663] : memref<160x125xi32, #tpu.memory_space<hbm>> -> memref<1x125xi32, #tpu.memory_space<hbm>>
        %dma_wait3A_665 = tpu.memref_squeeze %dma_wait3A_664 : memref<1x125xi32, #tpu.memory_space<hbm>> -> memref<125xi32, #tpu.memory_space<hbm>>
        tpu.wait_dma2 semaphore(%arg34 : memref<!tpu.dma_semaphore, #tpu.memory_space<semaphore_mem>>) src(%dma_wait3A_665 : memref<125xi32, #tpu.memory_space<hbm>>) dst(%arg14 : memref<125xi32, #tpu.memory_space<vmem>>)
        %dma_start3A_666 = arith.constant 0 : i32
        %dma_start3A_667 = tpu.memref_slice %arg2[%arg0, %dma_start3A_666] : memref<20000x64xbf16, #tpu.memory_space<hbm>> -> memref<19999x64xbf16, #tpu.memory_space<hbm>>
        %dma_start3A_668 = arith.constant 0 : i32
        %dma_start3A_669 = arith.constant 0 : i32
        %dma_start3A_670 = tpu.memref_slice %dma_start3A_667[%dma_start3A_668, %dma_start3A_669] : memref<19999x64xbf16, #tpu.memory_space<hbm>> -> memref<19999x64xbf16, #tpu.memory_space<hbm>>
        tpu.enqueue_indirect_dma source(%dma_start3A_670 : memref<19999x64xbf16, #tpu.memory_space<hbm>>) target(%arg26 : memref<125x64xbf16, #tpu.memory_space<vmem>>) offsets(%arg14 : memref<125xi32, #tpu.memory_space<vmem>>) semaphore(%arg46 : memref<!tpu.dma_semaphore, #tpu.memory_space<semaphore_mem>>)
      } else {
      }
      %mul3A_440 = arith.constant 8 : i32
      %mul3A_441 = arith.muli %scan3A_372, %mul3A_440 : i32
      %add3A_442 = arith.constant 2 : i32
      %add3A_443 = arith.addi %mul3A_441, %add3A_442 : i32
      %dma_wait3A_444 = arith.constant 0 : i32
      %dma_wait3A_445 = tpu.memref_slice %arg2[%arg0, %dma_wait3A_444] : memref<20000x64xbf16, #tpu.memory_space<hbm>> -> memref<19999x64xbf16, #tpu.memory_space<hbm>>
      %dma_wait3A_446 = arith.constant 0 : i32
      %dma_wait3A_447 = arith.constant 0 : i32
      %dma_wait3A_448 = tpu.memref_slice %dma_wait3A_445[%dma_wait3A_446, %dma_wait3A_447] : memref<19999x64xbf16, #tpu.memory_space<hbm>> -> memref<19999x64xbf16, #tpu.memory_space<hbm>>
      tpu.wait_indirect_dma semaphore(%arg47 : memref<!tpu.dma_semaphore, #tpu.memory_space<semaphore_mem>>) src(%dma_wait3A_448 : memref<19999x64xbf16, #tpu.memory_space<hbm>>) dst(%arg27 : memref<125x64xbf16, #tpu.memory_space<vmem>>)
      %dma_wait3A_449 = arith.constant 0 : i32
      %dma_wait3A_450 = arith.constant 0 : i32
      %dma_wait3A_451 = tpu.memref_slice %arg4[%arg1, %dma_wait3A_449, %dma_wait3A_450] : memref<16x160x125xi32, #tpu.memory_space<hbm>> -> memref<1x160x125xi32, #tpu.memory_space<hbm>>
      %dma_wait3A_452 = tpu.memref_squeeze %dma_wait3A_451 : memref<1x160x125xi32, #tpu.memory_space<hbm>> -> memref<160x125xi32, #tpu.memory_space<hbm>>
      %dma_wait3A_453 = arith.constant 0 : i32
      %dma_wait3A_454 = tpu.memref_slice %dma_wait3A_452[%add3A_443, %dma_wait3A_453] : memref<160x125xi32, #tpu.memory_space<hbm>> -> memref<1x125xi32, #tpu.memory_space<hbm>>
      %dma_wait3A_455 = tpu.memref_squeeze %dma_wait3A_454 : memref<1x125xi32, #tpu.memory_space<hbm>> -> memref<125xi32, #tpu.memory_space<hbm>>
      %dma_wait3A_456 = arith.constant 0 : i32
      %dma_wait3A_457 = arith.constant 0 : i32
      %dma_wait3A_458 = tpu.memref_slice %arg4[%arg1, %dma_wait3A_456, %dma_wait3A_457] : memref<16x160x125xi32, #tpu.memory_space<hbm>> -> memref<1x160x125xi32, #tpu.memory_space<hbm>>
      %dma_wait3A_459 = tpu.memref_squeeze %dma_wait3A_458 : memref<1x160x125xi32, #tpu.memory_space<hbm>> -> memref<160x125xi32, #tpu.memory_space<hbm>>
      %dma_wait3A_460 = arith.constant 0 : i32
      %dma_wait3A_461 = tpu.memref_slice %dma_wait3A_459[%add3A_443, %dma_wait3A_460] : memref<160x125xi32, #tpu.memory_space<hbm>> -> memref<1x125xi32, #tpu.memory_space<hbm>>
      %dma_wait3A_462 = tpu.memref_squeeze %dma_wait3A_461 : memref<1x125xi32, #tpu.memory_space<hbm>> -> memref<125xi32, #tpu.memory_space<hbm>>
      tpu.wait_dma2 semaphore(%arg39 : memref<!tpu.dma_semaphore, #tpu.memory_space<semaphore_mem>>) src(%dma_wait3A_462 : memref<125xi32, #tpu.memory_space<hbm>>) dst(%arg19 : memref<125xi32, #tpu.memory_space<vmem>>)
      "tpu.region"() ({
        %run_scoped3A = tpu.sem_alloc : memref<!tpu.dma_semaphore, #tpu.memory_space<semaphore_mem>>
        %dma_start3A_650 = arith.constant 0 : i32
        %dma_start3A_651 = arith.constant 0 : i32
        %dma_start3A_652 = tpu.memref_slice %arg8[%dma_start3A_650, %dma_start3A_651] : memref<10240x64xbf16, #tpu.memory_space<vmem_shared>> -> memref<10240x64xbf16, #tpu.memory_space<vmem_shared>>
        tpu.enqueue_indirect_dma source(%arg27 : memref<125x64xbf16, #tpu.memory_space<vmem>>) target(%dma_start3A_652 : memref<10240x64xbf16, #tpu.memory_space<vmem_shared>>) offsets(%arg19 : memref<125xi32, #tpu.memory_space<vmem>>) semaphore(%run_scoped3A : memref<!tpu.dma_semaphore, #tpu.memory_space<semaphore_mem>>) {add = true}
        %dma_wait3A_653 = arith.constant 0 : i32
        %dma_wait3A_654 = arith.constant 0 : i32
        %dma_wait3A_655 = tpu.memref_slice %arg8[%dma_wait3A_653, %dma_wait3A_654] : memref<10240x64xbf16, #tpu.memory_space<vmem_shared>> -> memref<10240x64xbf16, #tpu.memory_space<vmem_shared>>
        tpu.wait_indirect_dma semaphore(%run_scoped3A : memref<!tpu.dma_semaphore, #tpu.memory_space<semaphore_mem>>) src(%arg27 : memref<125x64xbf16, #tpu.memory_space<vmem>>) dst(%dma_wait3A_655 : memref<10240x64xbf16, #tpu.memory_space<vmem_shared>>)
        tpu.yield
      }) : () -> ()
      %lt3A_463 = arith.constant 19 : i32
      %lt3A_464 = arith.cmpi slt, %scan3A_372, %lt3A_463 : i32
      %convert_element_type3A_465 = arith.extui %lt3A_464 : i1 to i32
      %cond3A_466 = arith.constant 0 : i32
      %cond3A_467 = arith.cmpi ne, %convert_element_type3A_465, %cond3A_466 : i32
      scf.if %cond3A_467 {
        %add3A_650 = arith.constant 8 : i32
        %add3A_651 = arith.addi %add3A_443, %add3A_650 : i32
        %dma_start3A_652 = arith.constant 0 : i32
        %dma_start3A_653 = arith.constant 0 : i32
        %dma_start3A_654 = tpu.memref_slice %arg3[%arg1, %dma_start3A_652, %dma_start3A_653] : memref<16x160x125xi32, #tpu.memory_space<hbm>> -> memref<1x160x125xi32, #tpu.memory_space<hbm>>
        %dma_start3A_655 = tpu.memref_squeeze %dma_start3A_654 : memref<1x160x125xi32, #tpu.memory_space<hbm>> -> memref<160x125xi32, #tpu.memory_space<hbm>>
        %dma_start3A_656 = arith.constant 0 : i32
        %dma_start3A_657 = tpu.memref_slice %dma_start3A_655[%add3A_651, %dma_start3A_656] : memref<160x125xi32, #tpu.memory_space<hbm>> -> memref<1x125xi32, #tpu.memory_space<hbm>>
        %dma_start3A_658 = tpu.memref_squeeze %dma_start3A_657 : memref<1x125xi32, #tpu.memory_space<hbm>> -> memref<125xi32, #tpu.memory_space<hbm>>
        %dma_start3A_659 = arith.constant 0 : i32
        %dma_start3A_660 = arith.constant 0 : i32
        %dma_start3A_661 = tpu.memref_slice %arg3[%arg1, %dma_start3A_659, %dma_start3A_660] : memref<16x160x125xi32, #tpu.memory_space<hbm>> -> memref<1x160x125xi32, #tpu.memory_space<hbm>>
        %dma_start3A_662 = tpu.memref_squeeze %dma_start3A_661 : memref<1x160x125xi32, #tpu.memory_space<hbm>> -> memref<160x125xi32, #tpu.memory_space<hbm>>
        %dma_start3A_663 = arith.constant 0 : i32
        %dma_start3A_664 = tpu.memref_slice %dma_start3A_662[%add3A_651, %dma_start3A_663] : memref<160x125xi32, #tpu.memory_space<hbm>> -> memref<1x125xi32, #tpu.memory_space<hbm>>
        %dma_start3A_665 = tpu.memref_squeeze %dma_start3A_664 : memref<1x125xi32, #tpu.memory_space<hbm>> -> memref<125xi32, #tpu.memory_space<hbm>>
        tpu.enqueue_dma source(%dma_start3A_665 : memref<125xi32, #tpu.memory_space<hbm>>) target(%arg11 : memref<125xi32, #tpu.memory_space<vmem>>) target_semaphore(%arg31 : memref<!tpu.dma_semaphore, #tpu.memory_space<semaphore_mem>>)
        %add3A_666 = arith.constant 8 : i32
        %add3A_667 = arith.addi %add3A_443, %add3A_666 : i32
        %dma_start3A_668 = arith.constant 0 : i32
        %dma_start3A_669 = arith.constant 0 : i32
        %dma_start3A_670 = tpu.memref_slice %arg4[%arg1, %dma_start3A_668, %dma_start3A_669] : memref<16x160x125xi32, #tpu.memory_space<hbm>> -> memref<1x160x125xi32, #tpu.memory_space<hbm>>
        %dma_start3A_671 = tpu.memref_squeeze %dma_start3A_670 : memref<1x160x125xi32, #tpu.memory_space<hbm>> -> memref<160x125xi32, #tpu.memory_space<hbm>>
        %dma_start3A_672 = arith.constant 0 : i32
        %dma_start3A_673 = tpu.memref_slice %dma_start3A_671[%add3A_667, %dma_start3A_672] : memref<160x125xi32, #tpu.memory_space<hbm>> -> memref<1x125xi32, #tpu.memory_space<hbm>>
        %dma_start3A_674 = tpu.memref_squeeze %dma_start3A_673 : memref<1x125xi32, #tpu.memory_space<hbm>> -> memref<125xi32, #tpu.memory_space<hbm>>
        %dma_start3A_675 = arith.constant 0 : i32
        %dma_start3A_676 = arith.constant 0 : i32
        %dma_start3A_677 = tpu.memref_slice %arg4[%arg1, %dma_start3A_675, %dma_start3A_676] : memref<16x160x125xi32, #tpu.memory_space<hbm>> -> memref<1x160x125xi32, #tpu.memory_space<hbm>>
        %dma_start3A_678 = tpu.memref_squeeze %dma_start3A_677 : memref<1x160x125xi32, #tpu.memory_space<hbm>> -> memref<160x125xi32, #tpu.memory_space<hbm>>
        %dma_start3A_679 = arith.constant 0 : i32
        %dma_start3A_680 = tpu.memref_slice %dma_start3A_678[%add3A_667, %dma_start3A_679] : memref<160x125xi32, #tpu.memory_space<hbm>> -> memref<1x125xi32, #tpu.memory_space<hbm>>
        %dma_start3A_681 = tpu.memref_squeeze %dma_start3A_680 : memref<1x125xi32, #tpu.memory_space<hbm>> -> memref<125xi32, #tpu.memory_space<hbm>>
        tpu.enqueue_dma source(%dma_start3A_681 : memref<125xi32, #tpu.memory_space<hbm>>) target(%arg19 : memref<125xi32, #tpu.memory_space<vmem>>) target_semaphore(%arg39 : memref<!tpu.dma_semaphore, #tpu.memory_space<semaphore_mem>>)
      } else {
      }
      %add3A_468 = arith.constant 4 : i32
      %add3A_469 = arith.addi %add3A_443, %add3A_468 : i32
      %lt3A_470 = arith.constant 160 : i32
      %lt3A_471 = arith.cmpi slt, %add3A_469, %lt3A_470 : i32
      %convert_element_type3A_472 = arith.extui %lt3A_471 : i1 to i32
      %cond3A_473 = arith.constant 0 : i32
      %cond3A_474 = arith.cmpi ne, %convert_element_type3A_472, %cond3A_473 : i32
      scf.if %cond3A_474 {
        %add3A_650 = arith.constant 4 : i32
        %add3A_651 = arith.addi %add3A_443, %add3A_650 : i32
        %dma_wait3A_652 = arith.constant 0 : i32
        %dma_wait3A_653 = arith.constant 0 : i32
        %dma_wait3A_654 = tpu.memref_slice %arg3[%arg1, %dma_wait3A_652, %dma_wait3A_653] : memref<16x160x125xi32, #tpu.memory_space<hbm>> -> memref<1x160x125xi32, #tpu.memory_space<hbm>>
        %dma_wait3A_655 = tpu.memref_squeeze %dma_wait3A_654 : memref<1x160x125xi32, #tpu.memory_space<hbm>> -> memref<160x125xi32, #tpu.memory_space<hbm>>
        %dma_wait3A_656 = arith.constant 0 : i32
        %dma_wait3A_657 = tpu.memref_slice %dma_wait3A_655[%add3A_651, %dma_wait3A_656] : memref<160x125xi32, #tpu.memory_space<hbm>> -> memref<1x125xi32, #tpu.memory_space<hbm>>
        %dma_wait3A_658 = tpu.memref_squeeze %dma_wait3A_657 : memref<1x125xi32, #tpu.memory_space<hbm>> -> memref<125xi32, #tpu.memory_space<hbm>>
        %dma_wait3A_659 = arith.constant 0 : i32
        %dma_wait3A_660 = arith.constant 0 : i32
        %dma_wait3A_661 = tpu.memref_slice %arg3[%arg1, %dma_wait3A_659, %dma_wait3A_660] : memref<16x160x125xi32, #tpu.memory_space<hbm>> -> memref<1x160x125xi32, #tpu.memory_space<hbm>>
        %dma_wait3A_662 = tpu.memref_squeeze %dma_wait3A_661 : memref<1x160x125xi32, #tpu.memory_space<hbm>> -> memref<160x125xi32, #tpu.memory_space<hbm>>
        %dma_wait3A_663 = arith.constant 0 : i32
        %dma_wait3A_664 = tpu.memref_slice %dma_wait3A_662[%add3A_651, %dma_wait3A_663] : memref<160x125xi32, #tpu.memory_space<hbm>> -> memref<1x125xi32, #tpu.memory_space<hbm>>
        %dma_wait3A_665 = tpu.memref_squeeze %dma_wait3A_664 : memref<1x125xi32, #tpu.memory_space<hbm>> -> memref<125xi32, #tpu.memory_space<hbm>>
        tpu.wait_dma2 semaphore(%arg35 : memref<!tpu.dma_semaphore, #tpu.memory_space<semaphore_mem>>) src(%dma_wait3A_665 : memref<125xi32, #tpu.memory_space<hbm>>) dst(%arg15 : memref<125xi32, #tpu.memory_space<vmem>>)
        %dma_start3A_666 = arith.constant 0 : i32
        %dma_start3A_667 = tpu.memref_slice %arg2[%arg0, %dma_start3A_666] : memref<20000x64xbf16, #tpu.memory_space<hbm>> -> memref<19999x64xbf16, #tpu.memory_space<hbm>>
        %dma_start3A_668 = arith.constant 0 : i32
        %dma_start3A_669 = arith.constant 0 : i32
        %dma_start3A_670 = tpu.memref_slice %dma_start3A_667[%dma_start3A_668, %dma_start3A_669] : memref<19999x64xbf16, #tpu.memory_space<hbm>> -> memref<19999x64xbf16, #tpu.memory_space<hbm>>
        tpu.enqueue_indirect_dma source(%dma_start3A_670 : memref<19999x64xbf16, #tpu.memory_space<hbm>>) target(%arg27 : memref<125x64xbf16, #tpu.memory_space<vmem>>) offsets(%arg15 : memref<125xi32, #tpu.memory_space<vmem>>) semaphore(%arg47 : memref<!tpu.dma_semaphore, #tpu.memory_space<semaphore_mem>>)
      } else {
      }
      %mul3A_475 = arith.constant 8 : i32
      %mul3A_476 = arith.muli %scan3A_372, %mul3A_475 : i32
      %add3A_477 = arith.constant 3 : i32
      %add3A_478 = arith.addi %mul3A_476, %add3A_477 : i32
      %dma_wait3A_479 = arith.constant 0 : i32
      %dma_wait3A_480 = tpu.memref_slice %arg2[%arg0, %dma_wait3A_479] : memref<20000x64xbf16, #tpu.memory_space<hbm>> -> memref<19999x64xbf16, #tpu.memory_space<hbm>>
      %dma_wait3A_481 = arith.constant 0 : i32
      %dma_wait3A_482 = arith.constant 0 : i32
      %dma_wait3A_483 = tpu.memref_slice %dma_wait3A_480[%dma_wait3A_481, %dma_wait3A_482] : memref<19999x64xbf16, #tpu.memory_space<hbm>> -> memref<19999x64xbf16, #tpu.memory_space<hbm>>
      tpu.wait_indirect_dma semaphore(%arg48 : memref<!tpu.dma_semaphore, #tpu.memory_space<semaphore_mem>>) src(%dma_wait3A_483 : memref<19999x64xbf16, #tpu.memory_space<hbm>>) dst(%arg28 : memref<125x64xbf16, #tpu.memory_space<vmem>>)
      %dma_wait3A_484 = arith.constant 0 : i32
      %dma_wait3A_485 = arith.constant 0 : i32
      %dma_wait3A_486 = tpu.memref_slice %arg4[%arg1, %dma_wait3A_484, %dma_wait3A_485] : memref<16x160x125xi32, #tpu.memory_space<hbm>> -> memref<1x160x125xi32, #tpu.memory_space<hbm>>
      %dma_wait3A_487 = tpu.memref_squeeze %dma_wait3A_486 : memref<1x160x125xi32, #tpu.memory_space<hbm>> -> memref<160x125xi32, #tpu.memory_space<hbm>>
      %dma_wait3A_488 = arith.constant 0 : i32
      %dma_wait3A_489 = tpu.memref_slice %dma_wait3A_487[%add3A_478, %dma_wait3A_488] : memref<160x125xi32, #tpu.memory_space<hbm>> -> memref<1x125xi32, #tpu.memory_space<hbm>>
      %dma_wait3A_490 = tpu.memref_squeeze %dma_wait3A_489 : memref<1x125xi32, #tpu.memory_space<hbm>> -> memref<125xi32, #tpu.memory_space<hbm>>
      %dma_wait3A_491 = arith.constant 0 : i32
      %dma_wait3A_492 = arith.constant 0 : i32
      %dma_wait3A_493 = tpu.memref_slice %arg4[%arg1, %dma_wait3A_491, %dma_wait3A_492] : memref<16x160x125xi32, #tpu.memory_space<hbm>> -> memref<1x160x125xi32, #tpu.memory_space<hbm>>
      %dma_wait3A_494 = tpu.memref_squeeze %dma_wait3A_493 : memref<1x160x125xi32, #tpu.memory_space<hbm>> -> memref<160x125xi32, #tpu.memory_space<hbm>>
      %dma_wait3A_495 = arith.constant 0 : i32
      %dma_wait3A_496 = tpu.memref_slice %dma_wait3A_494[%add3A_478, %dma_wait3A_495] : memref<160x125xi32, #tpu.memory_space<hbm>> -> memref<1x125xi32, #tpu.memory_space<hbm>>
      %dma_wait3A_497 = tpu.memref_squeeze %dma_wait3A_496 : memref<1x125xi32, #tpu.memory_space<hbm>> -> memref<125xi32, #tpu.memory_space<hbm>>
      tpu.wait_dma2 semaphore(%arg40 : memref<!tpu.dma_semaphore, #tpu.memory_space<semaphore_mem>>) src(%dma_wait3A_497 : memref<125xi32, #tpu.memory_space<hbm>>) dst(%arg20 : memref<125xi32, #tpu.memory_space<vmem>>)
      "tpu.region"() ({
        %run_scoped3A = tpu.sem_alloc : memref<!tpu.dma_semaphore, #tpu.memory_space<semaphore_mem>>
        %dma_start3A_650 = arith.constant 0 : i32
        %dma_start3A_651 = arith.constant 0 : i32
        %dma_start3A_652 = tpu.memref_slice %arg8[%dma_start3A_650, %dma_start3A_651] : memref<10240x64xbf16, #tpu.memory_space<vmem_shared>> -> memref<10240x64xbf16, #tpu.memory_space<vmem_shared>>
        tpu.enqueue_indirect_dma source(%arg28 : memref<125x64xbf16, #tpu.memory_space<vmem>>) target(%dma_start3A_652 : memref<10240x64xbf16, #tpu.memory_space<vmem_shared>>) offsets(%arg20 : memref<125xi32, #tpu.memory_space<vmem>>) semaphore(%run_scoped3A : memref<!tpu.dma_semaphore, #tpu.memory_space<semaphore_mem>>) {add = true}
        %dma_wait3A_653 = arith.constant 0 : i32
        %dma_wait3A_654 = arith.constant 0 : i32
        %dma_wait3A_655 = tpu.memref_slice %arg8[%dma_wait3A_653, %dma_wait3A_654] : memref<10240x64xbf16, #tpu.memory_space<vmem_shared>> -> memref<10240x64xbf16, #tpu.memory_space<vmem_shared>>
        tpu.wait_indirect_dma semaphore(%run_scoped3A : memref<!tpu.dma_semaphore, #tpu.memory_space<semaphore_mem>>) src(%arg28 : memref<125x64xbf16, #tpu.memory_space<vmem>>) dst(%dma_wait3A_655 : memref<10240x64xbf16, #tpu.memory_space<vmem_shared>>)
        tpu.yield
      }) : () -> ()
      %lt3A_498 = arith.constant 19 : i32
      %lt3A_499 = arith.cmpi slt, %scan3A_372, %lt3A_498 : i32
      %convert_element_type3A_500 = arith.extui %lt3A_499 : i1 to i32
      %cond3A_501 = arith.constant 0 : i32
      %cond3A_502 = arith.cmpi ne, %convert_element_type3A_500, %cond3A_501 : i32
      scf.if %cond3A_502 {
        %add3A_650 = arith.constant 8 : i32
        %add3A_651 = arith.addi %add3A_478, %add3A_650 : i32
        %dma_start3A_652 = arith.constant 0 : i32
        %dma_start3A_653 = arith.constant 0 : i32
        %dma_start3A_654 = tpu.memref_slice %arg3[%arg1, %dma_start3A_652, %dma_start3A_653] : memref<16x160x125xi32, #tpu.memory_space<hbm>> -> memref<1x160x125xi32, #tpu.memory_space<hbm>>
        %dma_start3A_655 = tpu.memref_squeeze %dma_start3A_654 : memref<1x160x125xi32, #tpu.memory_space<hbm>> -> memref<160x125xi32, #tpu.memory_space<hbm>>
        %dma_start3A_656 = arith.constant 0 : i32
        %dma_start3A_657 = tpu.memref_slice %dma_start3A_655[%add3A_651, %dma_start3A_656] : memref<160x125xi32, #tpu.memory_space<hbm>> -> memref<1x125xi32, #tpu.memory_space<hbm>>
        %dma_start3A_658 = tpu.memref_squeeze %dma_start3A_657 : memref<1x125xi32, #tpu.memory_space<hbm>> -> memref<125xi32, #tpu.memory_space<hbm>>
        %dma_start3A_659 = arith.constant 0 : i32
        %dma_start3A_660 = arith.constant 0 : i32
        %dma_start3A_661 = tpu.memref_slice %arg3[%arg1, %dma_start3A_659, %dma_start3A_660] : memref<16x160x125xi32, #tpu.memory_space<hbm>> -> memref<1x160x125xi32, #tpu.memory_space<hbm>>
        %dma_start3A_662 = tpu.memref_squeeze %dma_start3A_661 : memref<1x160x125xi32, #tpu.memory_space<hbm>> -> memref<160x125xi32, #tpu.memory_space<hbm>>
        %dma_start3A_663 = arith.constant 0 : i32
        %dma_start3A_664 = tpu.memref_slice %dma_start3A_662[%add3A_651, %dma_start3A_663] : memref<160x125xi32, #tpu.memory_space<hbm>> -> memref<1x125xi32, #tpu.memory_space<hbm>>
        %dma_start3A_665 = tpu.memref_squeeze %dma_start3A_664 : memref<1x125xi32, #tpu.memory_space<hbm>> -> memref<125xi32, #tpu.memory_space<hbm>>
        tpu.enqueue_dma source(%dma_start3A_665 : memref<125xi32, #tpu.memory_space<hbm>>) target(%arg12 : memref<125xi32, #tpu.memory_space<vmem>>) target_semaphore(%arg32 : memref<!tpu.dma_semaphore, #tpu.memory_space<semaphore_mem>>)
        %add3A_666 = arith.constant 8 : i32
        %add3A_667 = arith.addi %add3A_478, %add3A_666 : i32
        %dma_start3A_668 = arith.constant 0 : i32
        %dma_start3A_669 = arith.constant 0 : i32
        %dma_start3A_670 = tpu.memref_slice %arg4[%arg1, %dma_start3A_668, %dma_start3A_669] : memref<16x160x125xi32, #tpu.memory_space<hbm>> -> memref<1x160x125xi32, #tpu.memory_space<hbm>>
        %dma_start3A_671 = tpu.memref_squeeze %dma_start3A_670 : memref<1x160x125xi32, #tpu.memory_space<hbm>> -> memref<160x125xi32, #tpu.memory_space<hbm>>
        %dma_start3A_672 = arith.constant 0 : i32
        %dma_start3A_673 = tpu.memref_slice %dma_start3A_671[%add3A_667, %dma_start3A_672] : memref<160x125xi32, #tpu.memory_space<hbm>> -> memref<1x125xi32, #tpu.memory_space<hbm>>
        %dma_start3A_674 = tpu.memref_squeeze %dma_start3A_673 : memref<1x125xi32, #tpu.memory_space<hbm>> -> memref<125xi32, #tpu.memory_space<hbm>>
        %dma_start3A_675 = arith.constant 0 : i32
        %dma_start3A_676 = arith.constant 0 : i32
        %dma_start3A_677 = tpu.memref_slice %arg4[%arg1, %dma_start3A_675, %dma_start3A_676] : memref<16x160x125xi32, #tpu.memory_space<hbm>> -> memref<1x160x125xi32, #tpu.memory_space<hbm>>
        %dma_start3A_678 = tpu.memref_squeeze %dma_start3A_677 : memref<1x160x125xi32, #tpu.memory_space<hbm>> -> memref<160x125xi32, #tpu.memory_space<hbm>>
        %dma_start3A_679 = arith.constant 0 : i32
        %dma_start3A_680 = tpu.memref_slice %dma_start3A_678[%add3A_667, %dma_start3A_679] : memref<160x125xi32, #tpu.memory_space<hbm>> -> memref<1x125xi32, #tpu.memory_space<hbm>>
        %dma_start3A_681 = tpu.memref_squeeze %dma_start3A_680 : memref<1x125xi32, #tpu.memory_space<hbm>> -> memref<125xi32, #tpu.memory_space<hbm>>
        tpu.enqueue_dma source(%dma_start3A_681 : memref<125xi32, #tpu.memory_space<hbm>>) target(%arg20 : memref<125xi32, #tpu.memory_space<vmem>>) target_semaphore(%arg40 : memref<!tpu.dma_semaphore, #tpu.memory_space<semaphore_mem>>)
      } else {
      }
      %add3A_503 = arith.constant 4 : i32
      %add3A_504 = arith.addi %add3A_478, %add3A_503 : i32
      %lt3A_505 = arith.constant 160 : i32
      %lt3A_506 = arith.cmpi slt, %add3A_504, %lt3A_505 : i32
      %convert_element_type3A_507 = arith.extui %lt3A_506 : i1 to i32
      %cond3A_508 = arith.constant 0 : i32
      %cond3A_509 = arith.cmpi ne, %convert_element_type3A_507, %cond3A_508 : i32
      scf.if %cond3A_509 {
        %add3A_650 = arith.constant 4 : i32
        %add3A_651 = arith.addi %add3A_478, %add3A_650 : i32
        %dma_wait3A_652 = arith.constant 0 : i32
        %dma_wait3A_653 = arith.constant 0 : i32
        %dma_wait3A_654 = tpu.memref_slice %arg3[%arg1, %dma_wait3A_652, %dma_wait3A_653] : memref<16x160x125xi32, #tpu.memory_space<hbm>> -> memref<1x160x125xi32, #tpu.memory_space<hbm>>
        %dma_wait3A_655 = tpu.memref_squeeze %dma_wait3A_654 : memref<1x160x125xi32, #tpu.memory_space<hbm>> -> memref<160x125xi32, #tpu.memory_space<hbm>>
        %dma_wait3A_656 = arith.constant 0 : i32
        %dma_wait3A_657 = tpu.memref_slice %dma_wait3A_655[%add3A_651, %dma_wait3A_656] : memref<160x125xi32, #tpu.memory_space<hbm>> -> memref<1x125xi32, #tpu.memory_space<hbm>>
        %dma_wait3A_658 = tpu.memref_squeeze %dma_wait3A_657 : memref<1x125xi32, #tpu.memory_space<hbm>> -> memref<125xi32, #tpu.memory_space<hbm>>
        %dma_wait3A_659 = arith.constant 0 : i32
        %dma_wait3A_660 = arith.constant 0 : i32
        %dma_wait3A_661 = tpu.memref_slice %arg3[%arg1, %dma_wait3A_659, %dma_wait3A_660] : memref<16x160x125xi32, #tpu.memory_space<hbm>> -> memref<1x160x125xi32, #tpu.memory_space<hbm>>
        %dma_wait3A_662 = tpu.memref_squeeze %dma_wait3A_661 : memref<1x160x125xi32, #tpu.memory_space<hbm>> -> memref<160x125xi32, #tpu.memory_space<hbm>>
        %dma_wait3A_663 = arith.constant 0 : i32
        %dma_wait3A_664 = tpu.memref_slice %dma_wait3A_662[%add3A_651, %dma_wait3A_663] : memref<160x125xi32, #tpu.memory_space<hbm>> -> memref<1x125xi32, #tpu.memory_space<hbm>>
        %dma_wait3A_665 = tpu.memref_squeeze %dma_wait3A_664 : memref<1x125xi32, #tpu.memory_space<hbm>> -> memref<125xi32, #tpu.memory_space<hbm>>
        tpu.wait_dma2 semaphore(%arg36 : memref<!tpu.dma_semaphore, #tpu.memory_space<semaphore_mem>>) src(%dma_wait3A_665 : memref<125xi32, #tpu.memory_space<hbm>>) dst(%arg16 : memref<125xi32, #tpu.memory_space<vmem>>)
        %dma_start3A_666 = arith.constant 0 : i32
        %dma_start3A_667 = tpu.memref_slice %arg2[%arg0, %dma_start3A_666] : memref<20000x64xbf16, #tpu.memory_space<hbm>> -> memref<19999x64xbf16, #tpu.memory_space<hbm>>
        %dma_start3A_668 = arith.constant 0 : i32
        %dma_start3A_669 = arith.constant 0 : i32
        %dma_start3A_670 = tpu.memref_slice %dma_start3A_667[%dma_start3A_668, %dma_start3A_669] : memref<19999x64xbf16, #tpu.memory_space<hbm>> -> memref<19999x64xbf16, #tpu.memory_space<hbm>>
        tpu.enqueue_indirect_dma source(%dma_start3A_670 : memref<19999x64xbf16, #tpu.memory_space<hbm>>) target(%arg28 : memref<125x64xbf16, #tpu.memory_space<vmem>>) offsets(%arg16 : memref<125xi32, #tpu.memory_space<vmem>>) semaphore(%arg48 : memref<!tpu.dma_semaphore, #tpu.memory_space<semaphore_mem>>)
      } else {
      }
      %mul3A_510 = arith.constant 8 : i32
      %mul3A_511 = arith.muli %scan3A_372, %mul3A_510 : i32
      %add3A_512 = arith.constant 4 : i32
      %add3A_513 = arith.addi %mul3A_511, %add3A_512 : i32
      %dma_wait3A_514 = arith.constant 0 : i32
      %dma_wait3A_515 = tpu.memref_slice %arg2[%arg0, %dma_wait3A_514] : memref<20000x64xbf16, #tpu.memory_space<hbm>> -> memref<19999x64xbf16, #tpu.memory_space<hbm>>
      %dma_wait3A_516 = arith.constant 0 : i32
      %dma_wait3A_517 = arith.constant 0 : i32
      %dma_wait3A_518 = tpu.memref_slice %dma_wait3A_515[%dma_wait3A_516, %dma_wait3A_517] : memref<19999x64xbf16, #tpu.memory_space<hbm>> -> memref<19999x64xbf16, #tpu.memory_space<hbm>>
      tpu.wait_indirect_dma semaphore(%arg45 : memref<!tpu.dma_semaphore, #tpu.memory_space<semaphore_mem>>) src(%dma_wait3A_518 : memref<19999x64xbf16, #tpu.memory_space<hbm>>) dst(%arg25 : memref<125x64xbf16, #tpu.memory_space<vmem>>)
      %dma_wait3A_519 = arith.constant 0 : i32
      %dma_wait3A_520 = arith.constant 0 : i32
      %dma_wait3A_521 = tpu.memref_slice %arg4[%arg1, %dma_wait3A_519, %dma_wait3A_520] : memref<16x160x125xi32, #tpu.memory_space<hbm>> -> memref<1x160x125xi32, #tpu.memory_space<hbm>>
      %dma_wait3A_522 = tpu.memref_squeeze %dma_wait3A_521 : memref<1x160x125xi32, #tpu.memory_space<hbm>> -> memref<160x125xi32, #tpu.memory_space<hbm>>
      %dma_wait3A_523 = arith.constant 0 : i32
      %dma_wait3A_524 = tpu.memref_slice %dma_wait3A_522[%add3A_513, %dma_wait3A_523] : memref<160x125xi32, #tpu.memory_space<hbm>> -> memref<1x125xi32, #tpu.memory_space<hbm>>
      %dma_wait3A_525 = tpu.memref_squeeze %dma_wait3A_524 : memref<1x125xi32, #tpu.memory_space<hbm>> -> memref<125xi32, #tpu.memory_space<hbm>>
      %dma_wait3A_526 = arith.constant 0 : i32
      %dma_wait3A_527 = arith.constant 0 : i32
      %dma_wait3A_528 = tpu.memref_slice %arg4[%arg1, %dma_wait3A_526, %dma_wait3A_527] : memref<16x160x125xi32, #tpu.memory_space<hbm>> -> memref<1x160x125xi32, #tpu.memory_space<hbm>>
      %dma_wait3A_529 = tpu.memref_squeeze %dma_wait3A_528 : memref<1x160x125xi32, #tpu.memory_space<hbm>> -> memref<160x125xi32, #tpu.memory_space<hbm>>
      %dma_wait3A_530 = arith.constant 0 : i32
      %dma_wait3A_531 = tpu.memref_slice %dma_wait3A_529[%add3A_513, %dma_wait3A_530] : memref<160x125xi32, #tpu.memory_space<hbm>> -> memref<1x125xi32, #tpu.memory_space<hbm>>
      %dma_wait3A_532 = tpu.memref_squeeze %dma_wait3A_531 : memref<1x125xi32, #tpu.memory_space<hbm>> -> memref<125xi32, #tpu.memory_space<hbm>>
      tpu.wait_dma2 semaphore(%arg41 : memref<!tpu.dma_semaphore, #tpu.memory_space<semaphore_mem>>) src(%dma_wait3A_532 : memref<125xi32, #tpu.memory_space<hbm>>) dst(%arg21 : memref<125xi32, #tpu.memory_space<vmem>>)
      "tpu.region"() ({
        %run_scoped3A = tpu.sem_alloc : memref<!tpu.dma_semaphore, #tpu.memory_space<semaphore_mem>>
        %dma_start3A_650 = arith.constant 0 : i32
        %dma_start3A_651 = arith.constant 0 : i32
        %dma_start3A_652 = tpu.memref_slice %arg8[%dma_start3A_650, %dma_start3A_651] : memref<10240x64xbf16, #tpu.memory_space<vmem_shared>> -> memref<10240x64xbf16, #tpu.memory_space<vmem_shared>>
        tpu.enqueue_indirect_dma source(%arg25 : memref<125x64xbf16, #tpu.memory_space<vmem>>) target(%dma_start3A_652 : memref<10240x64xbf16, #tpu.memory_space<vmem_shared>>) offsets(%arg21 : memref<125xi32, #tpu.memory_space<vmem>>) semaphore(%run_scoped3A : memref<!tpu.dma_semaphore, #tpu.memory_space<semaphore_mem>>) {add = true}
        %dma_wait3A_653 = arith.constant 0 : i32
        %dma_wait3A_654 = arith.constant 0 : i32
        %dma_wait3A_655 = tpu.memref_slice %arg8[%dma_wait3A_653, %dma_wait3A_654] : memref<10240x64xbf16, #tpu.memory_space<vmem_shared>> -> memref<10240x64xbf16, #tpu.memory_space<vmem_shared>>
        tpu.wait_indirect_dma semaphore(%run_scoped3A : memref<!tpu.dma_semaphore, #tpu.memory_space<semaphore_mem>>) src(%arg25 : memref<125x64xbf16, #tpu.memory_space<vmem>>) dst(%dma_wait3A_655 : memref<10240x64xbf16, #tpu.memory_space<vmem_shared>>)
        tpu.yield
      }) : () -> ()
      %lt3A_533 = arith.constant 19 : i32
      %lt3A_534 = arith.cmpi slt, %scan3A_372, %lt3A_533 : i32
      %convert_element_type3A_535 = arith.extui %lt3A_534 : i1 to i32
      %cond3A_536 = arith.constant 0 : i32
      %cond3A_537 = arith.cmpi ne, %convert_element_type3A_535, %cond3A_536 : i32
      scf.if %cond3A_537 {
        %add3A_650 = arith.constant 8 : i32
        %add3A_651 = arith.addi %add3A_513, %add3A_650 : i32
        %dma_start3A_652 = arith.constant 0 : i32
        %dma_start3A_653 = arith.constant 0 : i32
        %dma_start3A_654 = tpu.memref_slice %arg3[%arg1, %dma_start3A_652, %dma_start3A_653] : memref<16x160x125xi32, #tpu.memory_space<hbm>> -> memref<1x160x125xi32, #tpu.memory_space<hbm>>
        %dma_start3A_655 = tpu.memref_squeeze %dma_start3A_654 : memref<1x160x125xi32, #tpu.memory_space<hbm>> -> memref<160x125xi32, #tpu.memory_space<hbm>>
        %dma_start3A_656 = arith.constant 0 : i32
        %dma_start3A_657 = tpu.memref_slice %dma_start3A_655[%add3A_651, %dma_start3A_656] : memref<160x125xi32, #tpu.memory_space<hbm>> -> memref<1x125xi32, #tpu.memory_space<hbm>>
        %dma_start3A_658 = tpu.memref_squeeze %dma_start3A_657 : memref<1x125xi32, #tpu.memory_space<hbm>> -> memref<125xi32, #tpu.memory_space<hbm>>
        %dma_start3A_659 = arith.constant 0 : i32
        %dma_start3A_660 = arith.constant 0 : i32
        %dma_start3A_661 = tpu.memref_slice %arg3[%arg1, %dma_start3A_659, %dma_start3A_660] : memref<16x160x125xi32, #tpu.memory_space<hbm>> -> memref<1x160x125xi32, #tpu.memory_space<hbm>>
        %dma_start3A_662 = tpu.memref_squeeze %dma_start3A_661 : memref<1x160x125xi32, #tpu.memory_space<hbm>> -> memref<160x125xi32, #tpu.memory_space<hbm>>
        %dma_start3A_663 = arith.constant 0 : i32
        %dma_start3A_664 = tpu.memref_slice %dma_start3A_662[%add3A_651, %dma_start3A_663] : memref<160x125xi32, #tpu.memory_space<hbm>> -> memref<1x125xi32, #tpu.memory_space<hbm>>
        %dma_start3A_665 = tpu.memref_squeeze %dma_start3A_664 : memref<1x125xi32, #tpu.memory_space<hbm>> -> memref<125xi32, #tpu.memory_space<hbm>>
        tpu.enqueue_dma source(%dma_start3A_665 : memref<125xi32, #tpu.memory_space<hbm>>) target(%arg13 : memref<125xi32, #tpu.memory_space<vmem>>) target_semaphore(%arg33 : memref<!tpu.dma_semaphore, #tpu.memory_space<semaphore_mem>>)
        %add3A_666 = arith.constant 8 : i32
        %add3A_667 = arith.addi %add3A_513, %add3A_666 : i32
        %dma_start3A_668 = arith.constant 0 : i32
        %dma_start3A_669 = arith.constant 0 : i32
        %dma_start3A_670 = tpu.memref_slice %arg4[%arg1, %dma_start3A_668, %dma_start3A_669] : memref<16x160x125xi32, #tpu.memory_space<hbm>> -> memref<1x160x125xi32, #tpu.memory_space<hbm>>
        %dma_start3A_671 = tpu.memref_squeeze %dma_start3A_670 : memref<1x160x125xi32, #tpu.memory_space<hbm>> -> memref<160x125xi32, #tpu.memory_space<hbm>>
        %dma_start3A_672 = arith.constant 0 : i32
        %dma_start3A_673 = tpu.memref_slice %dma_start3A_671[%add3A_667, %dma_start3A_672] : memref<160x125xi32, #tpu.memory_space<hbm>> -> memref<1x125xi32, #tpu.memory_space<hbm>>
        %dma_start3A_674 = tpu.memref_squeeze %dma_start3A_673 : memref<1x125xi32, #tpu.memory_space<hbm>> -> memref<125xi32, #tpu.memory_space<hbm>>
        %dma_start3A_675 = arith.constant 0 : i32
        %dma_start3A_676 = arith.constant 0 : i32
        %dma_start3A_677 = tpu.memref_slice %arg4[%arg1, %dma_start3A_675, %dma_start3A_676] : memref<16x160x125xi32, #tpu.memory_space<hbm>> -> memref<1x160x125xi32, #tpu.memory_space<hbm>>
        %dma_start3A_678 = tpu.memref_squeeze %dma_start3A_677 : memref<1x160x125xi32, #tpu.memory_space<hbm>> -> memref<160x125xi32, #tpu.memory_space<hbm>>
        %dma_start3A_679 = arith.constant 0 : i32
        %dma_start3A_680 = tpu.memref_slice %dma_start3A_678[%add3A_667, %dma_start3A_679] : memref<160x125xi32, #tpu.memory_space<hbm>> -> memref<1x125xi32, #tpu.memory_space<hbm>>
        %dma_start3A_681 = tpu.memref_squeeze %dma_start3A_680 : memref<1x125xi32, #tpu.memory_space<hbm>> -> memref<125xi32, #tpu.memory_space<hbm>>
        tpu.enqueue_dma source(%dma_start3A_681 : memref<125xi32, #tpu.memory_space<hbm>>) target(%arg21 : memref<125xi32, #tpu.memory_space<vmem>>) target_semaphore(%arg41 : memref<!tpu.dma_semaphore, #tpu.memory_space<semaphore_mem>>)
      } else {
      }
      %add3A_538 = arith.constant 4 : i32
      %add3A_539 = arith.addi %add3A_513, %add3A_538 : i32
      %lt3A_540 = arith.constant 160 : i32
      %lt3A_541 = arith.cmpi slt, %add3A_539, %lt3A_540 : i32
      %convert_element_type3A_542 = arith.extui %lt3A_541 : i1 to i32
      %cond3A_543 = arith.constant 0 : i32
      %cond3A_544 = arith.cmpi ne, %convert_element_type3A_542, %cond3A_543 : i32
      scf.if %cond3A_544 {
        %add3A_650 = arith.constant 4 : i32
        %add3A_651 = arith.addi %add3A_513, %add3A_650 : i32
        %dma_wait3A_652 = arith.constant 0 : i32
        %dma_wait3A_653 = arith.constant 0 : i32
        %dma_wait3A_654 = tpu.memref_slice %arg3[%arg1, %dma_wait3A_652, %dma_wait3A_653] : memref<16x160x125xi32, #tpu.memory_space<hbm>> -> memref<1x160x125xi32, #tpu.memory_space<hbm>>
        %dma_wait3A_655 = tpu.memref_squeeze %dma_wait3A_654 : memref<1x160x125xi32, #tpu.memory_space<hbm>> -> memref<160x125xi32, #tpu.memory_space<hbm>>
        %dma_wait3A_656 = arith.constant 0 : i32
        %dma_wait3A_657 = tpu.memref_slice %dma_wait3A_655[%add3A_651, %dma_wait3A_656] : memref<160x125xi32, #tpu.memory_space<hbm>> -> memref<1x125xi32, #tpu.memory_space<hbm>>
        %dma_wait3A_658 = tpu.memref_squeeze %dma_wait3A_657 : memref<1x125xi32, #tpu.memory_space<hbm>> -> memref<125xi32, #tpu.memory_space<hbm>>
        %dma_wait3A_659 = arith.constant 0 : i32
        %dma_wait3A_660 = arith.constant 0 : i32
        %dma_wait3A_661 = tpu.memref_slice %arg3[%arg1, %dma_wait3A_659, %dma_wait3A_660] : memref<16x160x125xi32, #tpu.memory_space<hbm>> -> memref<1x160x125xi32, #tpu.memory_space<hbm>>
        %dma_wait3A_662 = tpu.memref_squeeze %dma_wait3A_661 : memref<1x160x125xi32, #tpu.memory_space<hbm>> -> memref<160x125xi32, #tpu.memory_space<hbm>>
        %dma_wait3A_663 = arith.constant 0 : i32
        %dma_wait3A_664 = tpu.memref_slice %dma_wait3A_662[%add3A_651, %dma_wait3A_663] : memref<160x125xi32, #tpu.memory_space<hbm>> -> memref<1x125xi32, #tpu.memory_space<hbm>>
        %dma_wait3A_665 = tpu.memref_squeeze %dma_wait3A_664 : memref<1x125xi32, #tpu.memory_space<hbm>> -> memref<125xi32, #tpu.memory_space<hbm>>
        tpu.wait_dma2 semaphore(%arg29 : memref<!tpu.dma_semaphore, #tpu.memory_space<semaphore_mem>>) src(%dma_wait3A_665 : memref<125xi32, #tpu.memory_space<hbm>>) dst(%arg9 : memref<125xi32, #tpu.memory_space<vmem>>)
        %dma_start3A_666 = arith.constant 0 : i32
        %dma_start3A_667 = tpu.memref_slice %arg2[%arg0, %dma_start3A_666] : memref<20000x64xbf16, #tpu.memory_space<hbm>> -> memref<19999x64xbf16, #tpu.memory_space<hbm>>
        %dma_start3A_668 = arith.constant 0 : i32
        %dma_start3A_669 = arith.constant 0 : i32
        %dma_start3A_670 = tpu.memref_slice %dma_start3A_667[%dma_start3A_668, %dma_start3A_669] : memref<19999x64xbf16, #tpu.memory_space<hbm>> -> memref<19999x64xbf16, #tpu.memory_space<hbm>>
        tpu.enqueue_indirect_dma source(%dma_start3A_670 : memref<19999x64xbf16, #tpu.memory_space<hbm>>) target(%arg25 : memref<125x64xbf16, #tpu.memory_space<vmem>>) offsets(%arg9 : memref<125xi32, #tpu.memory_space<vmem>>) semaphore(%arg45 : memref<!tpu.dma_semaphore, #tpu.memory_space<semaphore_mem>>)
      } else {
      }
      %mul3A_545 = arith.constant 8 : i32
      %mul3A_546 = arith.muli %scan3A_372, %mul3A_545 : i32
      %add3A_547 = arith.constant 5 : i32
      %add3A_548 = arith.addi %mul3A_546, %add3A_547 : i32
      %dma_wait3A_549 = arith.constant 0 : i32
      %dma_wait3A_550 = tpu.memref_slice %arg2[%arg0, %dma_wait3A_549] : memref<20000x64xbf16, #tpu.memory_space<hbm>> -> memref<19999x64xbf16, #tpu.memory_space<hbm>>
      %dma_wait3A_551 = arith.constant 0 : i32
      %dma_wait3A_552 = arith.constant 0 : i32
      %dma_wait3A_553 = tpu.memref_slice %dma_wait3A_550[%dma_wait3A_551, %dma_wait3A_552] : memref<19999x64xbf16, #tpu.memory_space<hbm>> -> memref<19999x64xbf16, #tpu.memory_space<hbm>>
      tpu.wait_indirect_dma semaphore(%arg46 : memref<!tpu.dma_semaphore, #tpu.memory_space<semaphore_mem>>) src(%dma_wait3A_553 : memref<19999x64xbf16, #tpu.memory_space<hbm>>) dst(%arg26 : memref<125x64xbf16, #tpu.memory_space<vmem>>)
      %dma_wait3A_554 = arith.constant 0 : i32
      %dma_wait3A_555 = arith.constant 0 : i32
      %dma_wait3A_556 = tpu.memref_slice %arg4[%arg1, %dma_wait3A_554, %dma_wait3A_555] : memref<16x160x125xi32, #tpu.memory_space<hbm>> -> memref<1x160x125xi32, #tpu.memory_space<hbm>>
      %dma_wait3A_557 = tpu.memref_squeeze %dma_wait3A_556 : memref<1x160x125xi32, #tpu.memory_space<hbm>> -> memref<160x125xi32, #tpu.memory_space<hbm>>
      %dma_wait3A_558 = arith.constant 0 : i32
      %dma_wait3A_559 = tpu.memref_slice %dma_wait3A_557[%add3A_548, %dma_wait3A_558] : memref<160x125xi32, #tpu.memory_space<hbm>> -> memref<1x125xi32, #tpu.memory_space<hbm>>
      %dma_wait3A_560 = tpu.memref_squeeze %dma_wait3A_559 : memref<1x125xi32, #tpu.memory_space<hbm>> -> memref<125xi32, #tpu.memory_space<hbm>>
      %dma_wait3A_561 = arith.constant 0 : i32
      %dma_wait3A_562 = arith.constant 0 : i32
      %dma_wait3A_563 = tpu.memref_slice %arg4[%arg1, %dma_wait3A_561, %dma_wait3A_562] : memref<16x160x125xi32, #tpu.memory_space<hbm>> -> memref<1x160x125xi32, #tpu.memory_space<hbm>>
      %dma_wait3A_564 = tpu.memref_squeeze %dma_wait3A_563 : memref<1x160x125xi32, #tpu.memory_space<hbm>> -> memref<160x125xi32, #tpu.memory_space<hbm>>
      %dma_wait3A_565 = arith.constant 0 : i32
      %dma_wait3A_566 = tpu.memref_slice %dma_wait3A_564[%add3A_548, %dma_wait3A_565] : memref<160x125xi32, #tpu.memory_space<hbm>> -> memref<1x125xi32, #tpu.memory_space<hbm>>
      %dma_wait3A_567 = tpu.memref_squeeze %dma_wait3A_566 : memref<1x125xi32, #tpu.memory_space<hbm>> -> memref<125xi32, #tpu.memory_space<hbm>>
      tpu.wait_dma2 semaphore(%arg42 : memref<!tpu.dma_semaphore, #tpu.memory_space<semaphore_mem>>) src(%dma_wait3A_567 : memref<125xi32, #tpu.memory_space<hbm>>) dst(%arg22 : memref<125xi32, #tpu.memory_space<vmem>>)
      "tpu.region"() ({
        %run_scoped3A = tpu.sem_alloc : memref<!tpu.dma_semaphore, #tpu.memory_space<semaphore_mem>>
        %dma_start3A_650 = arith.constant 0 : i32
        %dma_start3A_651 = arith.constant 0 : i32
        %dma_start3A_652 = tpu.memref_slice %arg8[%dma_start3A_650, %dma_start3A_651] : memref<10240x64xbf16, #tpu.memory_space<vmem_shared>> -> memref<10240x64xbf16, #tpu.memory_space<vmem_shared>>
        tpu.enqueue_indirect_dma source(%arg26 : memref<125x64xbf16, #tpu.memory_space<vmem>>) target(%dma_start3A_652 : memref<10240x64xbf16, #tpu.memory_space<vmem_shared>>) offsets(%arg22 : memref<125xi32, #tpu.memory_space<vmem>>) semaphore(%run_scoped3A : memref<!tpu.dma_semaphore, #tpu.memory_space<semaphore_mem>>) {add = true}
        %dma_wait3A_653 = arith.constant 0 : i32
        %dma_wait3A_654 = arith.constant 0 : i32
        %dma_wait3A_655 = tpu.memref_slice %arg8[%dma_wait3A_653, %dma_wait3A_654] : memref<10240x64xbf16, #tpu.memory_space<vmem_shared>> -> memref<10240x64xbf16, #tpu.memory_space<vmem_shared>>
        tpu.wait_indirect_dma semaphore(%run_scoped3A : memref<!tpu.dma_semaphore, #tpu.memory_space<semaphore_mem>>) src(%arg26 : memref<125x64xbf16, #tpu.memory_space<vmem>>) dst(%dma_wait3A_655 : memref<10240x64xbf16, #tpu.memory_space<vmem_shared>>)
        tpu.yield
      }) : () -> ()
      %lt3A_568 = arith.constant 19 : i32
      %lt3A_569 = arith.cmpi slt, %scan3A_372, %lt3A_568 : i32
      %convert_element_type3A_570 = arith.extui %lt3A_569 : i1 to i32
      %cond3A_571 = arith.constant 0 : i32
      %cond3A_572 = arith.cmpi ne, %convert_element_type3A_570, %cond3A_571 : i32
      scf.if %cond3A_572 {
        %add3A_650 = arith.constant 8 : i32
        %add3A_651 = arith.addi %add3A_548, %add3A_650 : i32
        %dma_start3A_652 = arith.constant 0 : i32
        %dma_start3A_653 = arith.constant 0 : i32
        %dma_start3A_654 = tpu.memref_slice %arg3[%arg1, %dma_start3A_652, %dma_start3A_653] : memref<16x160x125xi32, #tpu.memory_space<hbm>> -> memref<1x160x125xi32, #tpu.memory_space<hbm>>
        %dma_start3A_655 = tpu.memref_squeeze %dma_start3A_654 : memref<1x160x125xi32, #tpu.memory_space<hbm>> -> memref<160x125xi32, #tpu.memory_space<hbm>>
        %dma_start3A_656 = arith.constant 0 : i32
        %dma_start3A_657 = tpu.memref_slice %dma_start3A_655[%add3A_651, %dma_start3A_656] : memref<160x125xi32, #tpu.memory_space<hbm>> -> memref<1x125xi32, #tpu.memory_space<hbm>>
        %dma_start3A_658 = tpu.memref_squeeze %dma_start3A_657 : memref<1x125xi32, #tpu.memory_space<hbm>> -> memref<125xi32, #tpu.memory_space<hbm>>
        %dma_start3A_659 = arith.constant 0 : i32
        %dma_start3A_660 = arith.constant 0 : i32
        %dma_start3A_661 = tpu.memref_slice %arg3[%arg1, %dma_start3A_659, %dma_start3A_660] : memref<16x160x125xi32, #tpu.memory_space<hbm>> -> memref<1x160x125xi32, #tpu.memory_space<hbm>>
        %dma_start3A_662 = tpu.memref_squeeze %dma_start3A_661 : memref<1x160x125xi32, #tpu.memory_space<hbm>> -> memref<160x125xi32, #tpu.memory_space<hbm>>
        %dma_start3A_663 = arith.constant 0 : i32
        %dma_start3A_664 = tpu.memref_slice %dma_start3A_662[%add3A_651, %dma_start3A_663] : memref<160x125xi32, #tpu.memory_space<hbm>> -> memref<1x125xi32, #tpu.memory_space<hbm>>
        %dma_start3A_665 = tpu.memref_squeeze %dma_start3A_664 : memref<1x125xi32, #tpu.memory_space<hbm>> -> memref<125xi32, #tpu.memory_space<hbm>>
        tpu.enqueue_dma source(%dma_start3A_665 : memref<125xi32, #tpu.memory_space<hbm>>) target(%arg14 : memref<125xi32, #tpu.memory_space<vmem>>) target_semaphore(%arg34 : memref<!tpu.dma_semaphore, #tpu.memory_space<semaphore_mem>>)
        %add3A_666 = arith.constant 8 : i32
        %add3A_667 = arith.addi %add3A_548, %add3A_666 : i32
        %dma_start3A_668 = arith.constant 0 : i32
        %dma_start3A_669 = arith.constant 0 : i32
        %dma_start3A_670 = tpu.memref_slice %arg4[%arg1, %dma_start3A_668, %dma_start3A_669] : memref<16x160x125xi32, #tpu.memory_space<hbm>> -> memref<1x160x125xi32, #tpu.memory_space<hbm>>
        %dma_start3A_671 = tpu.memref_squeeze %dma_start3A_670 : memref<1x160x125xi32, #tpu.memory_space<hbm>> -> memref<160x125xi32, #tpu.memory_space<hbm>>
        %dma_start3A_672 = arith.constant 0 : i32
        %dma_start3A_673 = tpu.memref_slice %dma_start3A_671[%add3A_667, %dma_start3A_672] : memref<160x125xi32, #tpu.memory_space<hbm>> -> memref<1x125xi32, #tpu.memory_space<hbm>>
        %dma_start3A_674 = tpu.memref_squeeze %dma_start3A_673 : memref<1x125xi32, #tpu.memory_space<hbm>> -> memref<125xi32, #tpu.memory_space<hbm>>
        %dma_start3A_675 = arith.constant 0 : i32
        %dma_start3A_676 = arith.constant 0 : i32
        %dma_start3A_677 = tpu.memref_slice %arg4[%arg1, %dma_start3A_675, %dma_start3A_676] : memref<16x160x125xi32, #tpu.memory_space<hbm>> -> memref<1x160x125xi32, #tpu.memory_space<hbm>>
        %dma_start3A_678 = tpu.memref_squeeze %dma_start3A_677 : memref<1x160x125xi32, #tpu.memory_space<hbm>> -> memref<160x125xi32, #tpu.memory_space<hbm>>
        %dma_start3A_679 = arith.constant 0 : i32
        %dma_start3A_680 = tpu.memref_slice %dma_start3A_678[%add3A_667, %dma_start3A_679] : memref<160x125xi32, #tpu.memory_space<hbm>> -> memref<1x125xi32, #tpu.memory_space<hbm>>
        %dma_start3A_681 = tpu.memref_squeeze %dma_start3A_680 : memref<1x125xi32, #tpu.memory_space<hbm>> -> memref<125xi32, #tpu.memory_space<hbm>>
        tpu.enqueue_dma source(%dma_start3A_681 : memref<125xi32, #tpu.memory_space<hbm>>) target(%arg22 : memref<125xi32, #tpu.memory_space<vmem>>) target_semaphore(%arg42 : memref<!tpu.dma_semaphore, #tpu.memory_space<semaphore_mem>>)
      } else {
      }
      %add3A_573 = arith.constant 4 : i32
      %add3A_574 = arith.addi %add3A_548, %add3A_573 : i32
      %lt3A_575 = arith.constant 160 : i32
      %lt3A_576 = arith.cmpi slt, %add3A_574, %lt3A_575 : i32
      %convert_element_type3A_577 = arith.extui %lt3A_576 : i1 to i32
      %cond3A_578 = arith.constant 0 : i32
      %cond3A_579 = arith.cmpi ne, %convert_element_type3A_577, %cond3A_578 : i32
      scf.if %cond3A_579 {
        %add3A_650 = arith.constant 4 : i32
        %add3A_651 = arith.addi %add3A_548, %add3A_650 : i32
        %dma_wait3A_652 = arith.constant 0 : i32
        %dma_wait3A_653 = arith.constant 0 : i32
        %dma_wait3A_654 = tpu.memref_slice %arg3[%arg1, %dma_wait3A_652, %dma_wait3A_653] : memref<16x160x125xi32, #tpu.memory_space<hbm>> -> memref<1x160x125xi32, #tpu.memory_space<hbm>>
        %dma_wait3A_655 = tpu.memref_squeeze %dma_wait3A_654 : memref<1x160x125xi32, #tpu.memory_space<hbm>> -> memref<160x125xi32, #tpu.memory_space<hbm>>
        %dma_wait3A_656 = arith.constant 0 : i32
        %dma_wait3A_657 = tpu.memref_slice %dma_wait3A_655[%add3A_651, %dma_wait3A_656] : memref<160x125xi32, #tpu.memory_space<hbm>> -> memref<1x125xi32, #tpu.memory_space<hbm>>
        %dma_wait3A_658 = tpu.memref_squeeze %dma_wait3A_657 : memref<1x125xi32, #tpu.memory_space<hbm>> -> memref<125xi32, #tpu.memory_space<hbm>>
        %dma_wait3A_659 = arith.constant 0 : i32
        %dma_wait3A_660 = arith.constant 0 : i32
        %dma_wait3A_661 = tpu.memref_slice %arg3[%arg1, %dma_wait3A_659, %dma_wait3A_660] : memref<16x160x125xi32, #tpu.memory_space<hbm>> -> memref<1x160x125xi32, #tpu.memory_space<hbm>>
        %dma_wait3A_662 = tpu.memref_squeeze %dma_wait3A_661 : memref<1x160x125xi32, #tpu.memory_space<hbm>> -> memref<160x125xi32, #tpu.memory_space<hbm>>
        %dma_wait3A_663 = arith.constant 0 : i32
        %dma_wait3A_664 = tpu.memref_slice %dma_wait3A_662[%add3A_651, %dma_wait3A_663] : memref<160x125xi32, #tpu.memory_space<hbm>> -> memref<1x125xi32, #tpu.memory_space<hbm>>
        %dma_wait3A_665 = tpu.memref_squeeze %dma_wait3A_664 : memref<1x125xi32, #tpu.memory_space<hbm>> -> memref<125xi32, #tpu.memory_space<hbm>>
        tpu.wait_dma2 semaphore(%arg30 : memref<!tpu.dma_semaphore, #tpu.memory_space<semaphore_mem>>) src(%dma_wait3A_665 : memref<125xi32, #tpu.memory_space<hbm>>) dst(%arg10 : memref<125xi32, #tpu.memory_space<vmem>>)
        %dma_start3A_666 = arith.constant 0 : i32
        %dma_start3A_667 = tpu.memref_slice %arg2[%arg0, %dma_start3A_666] : memref<20000x64xbf16, #tpu.memory_space<hbm>> -> memref<19999x64xbf16, #tpu.memory_space<hbm>>
        %dma_start3A_668 = arith.constant 0 : i32
        %dma_start3A_669 = arith.constant 0 : i32
        %dma_start3A_670 = tpu.memref_slice %dma_start3A_667[%dma_start3A_668, %dma_start3A_669] : memref<19999x64xbf16, #tpu.memory_space<hbm>> -> memref<19999x64xbf16, #tpu.memory_space<hbm>>
        tpu.enqueue_indirect_dma source(%dma_start3A_670 : memref<19999x64xbf16, #tpu.memory_space<hbm>>) target(%arg26 : memref<125x64xbf16, #tpu.memory_space<vmem>>) offsets(%arg10 : memref<125xi32, #tpu.memory_space<vmem>>) semaphore(%arg46 : memref<!tpu.dma_semaphore, #tpu.memory_space<semaphore_mem>>)
      } else {
      }
      %mul3A_580 = arith.constant 8 : i32
      %mul3A_581 = arith.muli %scan3A_372, %mul3A_580 : i32
      %add3A_582 = arith.constant 6 : i32
      %add3A_583 = arith.addi %mul3A_581, %add3A_582 : i32
      %dma_wait3A_584 = arith.constant 0 : i32
      %dma_wait3A_585 = tpu.memref_slice %arg2[%arg0, %dma_wait3A_584] : memref<20000x64xbf16, #tpu.memory_space<hbm>> -> memref<19999x64xbf16, #tpu.memory_space<hbm>>
      %dma_wait3A_586 = arith.constant 0 : i32
      %dma_wait3A_587 = arith.constant 0 : i32
      %dma_wait3A_588 = tpu.memref_slice %dma_wait3A_585[%dma_wait3A_586, %dma_wait3A_587] : memref<19999x64xbf16, #tpu.memory_space<hbm>> -> memref<19999x64xbf16, #tpu.memory_space<hbm>>
      tpu.wait_indirect_dma semaphore(%arg47 : memref<!tpu.dma_semaphore, #tpu.memory_space<semaphore_mem>>) src(%dma_wait3A_588 : memref<19999x64xbf16, #tpu.memory_space<hbm>>) dst(%arg27 : memref<125x64xbf16, #tpu.memory_space<vmem>>)
      %dma_wait3A_589 = arith.constant 0 : i32
      %dma_wait3A_590 = arith.constant 0 : i32
      %dma_wait3A_591 = tpu.memref_slice %arg4[%arg1, %dma_wait3A_589, %dma_wait3A_590] : memref<16x160x125xi32, #tpu.memory_space<hbm>> -> memref<1x160x125xi32, #tpu.memory_space<hbm>>
      %dma_wait3A_592 = tpu.memref_squeeze %dma_wait3A_591 : memref<1x160x125xi32, #tpu.memory_space<hbm>> -> memref<160x125xi32, #tpu.memory_space<hbm>>
      %dma_wait3A_593 = arith.constant 0 : i32
      %dma_wait3A_594 = tpu.memref_slice %dma_wait3A_592[%add3A_583, %dma_wait3A_593] : memref<160x125xi32, #tpu.memory_space<hbm>> -> memref<1x125xi32, #tpu.memory_space<hbm>>
      %dma_wait3A_595 = tpu.memref_squeeze %dma_wait3A_594 : memref<1x125xi32, #tpu.memory_space<hbm>> -> memref<125xi32, #tpu.memory_space<hbm>>
      %dma_wait3A_596 = arith.constant 0 : i32
      %dma_wait3A_597 = arith.constant 0 : i32
      %dma_wait3A_598 = tpu.memref_slice %arg4[%arg1, %dma_wait3A_596, %dma_wait3A_597] : memref<16x160x125xi32, #tpu.memory_space<hbm>> -> memref<1x160x125xi32, #tpu.memory_space<hbm>>
      %dma_wait3A_599 = tpu.memref_squeeze %dma_wait3A_598 : memref<1x160x125xi32, #tpu.memory_space<hbm>> -> memref<160x125xi32, #tpu.memory_space<hbm>>
      %dma_wait3A_600 = arith.constant 0 : i32
      %dma_wait3A_601 = tpu.memref_slice %dma_wait3A_599[%add3A_583, %dma_wait3A_600] : memref<160x125xi32, #tpu.memory_space<hbm>> -> memref<1x125xi32, #tpu.memory_space<hbm>>
      %dma_wait3A_602 = tpu.memref_squeeze %dma_wait3A_601 : memref<1x125xi32, #tpu.memory_space<hbm>> -> memref<125xi32, #tpu.memory_space<hbm>>
      tpu.wait_dma2 semaphore(%arg43 : memref<!tpu.dma_semaphore, #tpu.memory_space<semaphore_mem>>) src(%dma_wait3A_602 : memref<125xi32, #tpu.memory_space<hbm>>) dst(%arg23 : memref<125xi32, #tpu.memory_space<vmem>>)
      "tpu.region"() ({
        %run_scoped3A = tpu.sem_alloc : memref<!tpu.dma_semaphore, #tpu.memory_space<semaphore_mem>>
        %dma_start3A_650 = arith.constant 0 : i32
        %dma_start3A_651 = arith.constant 0 : i32
        %dma_start3A_652 = tpu.memref_slice %arg8[%dma_start3A_650, %dma_start3A_651] : memref<10240x64xbf16, #tpu.memory_space<vmem_shared>> -> memref<10240x64xbf16, #tpu.memory_space<vmem_shared>>
        tpu.enqueue_indirect_dma source(%arg27 : memref<125x64xbf16, #tpu.memory_space<vmem>>) target(%dma_start3A_652 : memref<10240x64xbf16, #tpu.memory_space<vmem_shared>>) offsets(%arg23 : memref<125xi32, #tpu.memory_space<vmem>>) semaphore(%run_scoped3A : memref<!tpu.dma_semaphore, #tpu.memory_space<semaphore_mem>>) {add = true}
        %dma_wait3A_653 = arith.constant 0 : i32
        %dma_wait3A_654 = arith.constant 0 : i32
        %dma_wait3A_655 = tpu.memref_slice %arg8[%dma_wait3A_653, %dma_wait3A_654] : memref<10240x64xbf16, #tpu.memory_space<vmem_shared>> -> memref<10240x64xbf16, #tpu.memory_space<vmem_shared>>
        tpu.wait_indirect_dma semaphore(%run_scoped3A : memref<!tpu.dma_semaphore, #tpu.memory_space<semaphore_mem>>) src(%arg27 : memref<125x64xbf16, #tpu.memory_space<vmem>>) dst(%dma_wait3A_655 : memref<10240x64xbf16, #tpu.memory_space<vmem_shared>>)
        tpu.yield
      }) : () -> ()
      %lt3A_603 = arith.constant 19 : i32
      %lt3A_604 = arith.cmpi slt, %scan3A_372, %lt3A_603 : i32
      %convert_element_type3A_605 = arith.extui %lt3A_604 : i1 to i32
      %cond3A_606 = arith.constant 0 : i32
      %cond3A_607 = arith.cmpi ne, %convert_element_type3A_605, %cond3A_606 : i32
      scf.if %cond3A_607 {
        %add3A_650 = arith.constant 8 : i32
        %add3A_651 = arith.addi %add3A_583, %add3A_650 : i32
        %dma_start3A_652 = arith.constant 0 : i32
        %dma_start3A_653 = arith.constant 0 : i32
        %dma_start3A_654 = tpu.memref_slice %arg3[%arg1, %dma_start3A_652, %dma_start3A_653] : memref<16x160x125xi32, #tpu.memory_space<hbm>> -> memref<1x160x125xi32, #tpu.memory_space<hbm>>
        %dma_start3A_655 = tpu.memref_squeeze %dma_start3A_654 : memref<1x160x125xi32, #tpu.memory_space<hbm>> -> memref<160x125xi32, #tpu.memory_space<hbm>>
        %dma_start3A_656 = arith.constant 0 : i32
        %dma_start3A_657 = tpu.memref_slice %dma_start3A_655[%add3A_651, %dma_start3A_656] : memref<160x125xi32, #tpu.memory_space<hbm>> -> memref<1x125xi32, #tpu.memory_space<hbm>>
        %dma_start3A_658 = tpu.memref_squeeze %dma_start3A_657 : memref<1x125xi32, #tpu.memory_space<hbm>> -> memref<125xi32, #tpu.memory_space<hbm>>
        %dma_start3A_659 = arith.constant 0 : i32
        %dma_start3A_660 = arith.constant 0 : i32
        %dma_start3A_661 = tpu.memref_slice %arg3[%arg1, %dma_start3A_659, %dma_start3A_660] : memref<16x160x125xi32, #tpu.memory_space<hbm>> -> memref<1x160x125xi32, #tpu.memory_space<hbm>>
        %dma_start3A_662 = tpu.memref_squeeze %dma_start3A_661 : memref<1x160x125xi32, #tpu.memory_space<hbm>> -> memref<160x125xi32, #tpu.memory_space<hbm>>
        %dma_start3A_663 = arith.constant 0 : i32
        %dma_start3A_664 = tpu.memref_slice %dma_start3A_662[%add3A_651, %dma_start3A_663] : memref<160x125xi32, #tpu.memory_space<hbm>> -> memref<1x125xi32, #tpu.memory_space<hbm>>
        %dma_start3A_665 = tpu.memref_squeeze %dma_start3A_664 : memref<1x125xi32, #tpu.memory_space<hbm>> -> memref<125xi32, #tpu.memory_space<hbm>>
        tpu.enqueue_dma source(%dma_start3A_665 : memref<125xi32, #tpu.memory_space<hbm>>) target(%arg15 : memref<125xi32, #tpu.memory_space<vmem>>) target_semaphore(%arg35 : memref<!tpu.dma_semaphore, #tpu.memory_space<semaphore_mem>>)
        %add3A_666 = arith.constant 8 : i32
        %add3A_667 = arith.addi %add3A_583, %add3A_666 : i32
        %dma_start3A_668 = arith.constant 0 : i32
        %dma_start3A_669 = arith.constant 0 : i32
        %dma_start3A_670 = tpu.memref_slice %arg4[%arg1, %dma_start3A_668, %dma_start3A_669] : memref<16x160x125xi32, #tpu.memory_space<hbm>> -> memref<1x160x125xi32, #tpu.memory_space<hbm>>
        %dma_start3A_671 = tpu.memref_squeeze %dma_start3A_670 : memref<1x160x125xi32, #tpu.memory_space<hbm>> -> memref<160x125xi32, #tpu.memory_space<hbm>>
        %dma_start3A_672 = arith.constant 0 : i32
        %dma_start3A_673 = tpu.memref_slice %dma_start3A_671[%add3A_667, %dma_start3A_672] : memref<160x125xi32, #tpu.memory_space<hbm>> -> memref<1x125xi32, #tpu.memory_space<hbm>>
        %dma_start3A_674 = tpu.memref_squeeze %dma_start3A_673 : memref<1x125xi32, #tpu.memory_space<hbm>> -> memref<125xi32, #tpu.memory_space<hbm>>
        %dma_start3A_675 = arith.constant 0 : i32
        %dma_start3A_676 = arith.constant 0 : i32
        %dma_start3A_677 = tpu.memref_slice %arg4[%arg1, %dma_start3A_675, %dma_start3A_676] : memref<16x160x125xi32, #tpu.memory_space<hbm>> -> memref<1x160x125xi32, #tpu.memory_space<hbm>>
        %dma_start3A_678 = tpu.memref_squeeze %dma_start3A_677 : memref<1x160x125xi32, #tpu.memory_space<hbm>> -> memref<160x125xi32, #tpu.memory_space<hbm>>
        %dma_start3A_679 = arith.constant 0 : i32
        %dma_start3A_680 = tpu.memref_slice %dma_start3A_678[%add3A_667, %dma_start3A_679] : memref<160x125xi32, #tpu.memory_space<hbm>> -> memref<1x125xi32, #tpu.memory_space<hbm>>
        %dma_start3A_681 = tpu.memref_squeeze %dma_start3A_680 : memref<1x125xi32, #tpu.memory_space<hbm>> -> memref<125xi32, #tpu.memory_space<hbm>>
        tpu.enqueue_dma source(%dma_start3A_681 : memref<125xi32, #tpu.memory_space<hbm>>) target(%arg23 : memref<125xi32, #tpu.memory_space<vmem>>) target_semaphore(%arg43 : memref<!tpu.dma_semaphore, #tpu.memory_space<semaphore_mem>>)
      } else {
      }
      %add3A_608 = arith.constant 4 : i32
      %add3A_609 = arith.addi %add3A_583, %add3A_608 : i32
      %lt3A_610 = arith.constant 160 : i32
      %lt3A_611 = arith.cmpi slt, %add3A_609, %lt3A_610 : i32
      %convert_element_type3A_612 = arith.extui %lt3A_611 : i1 to i32
      %cond3A_613 = arith.constant 0 : i32
      %cond3A_614 = arith.cmpi ne, %convert_element_type3A_612, %cond3A_613 : i32
      scf.if %cond3A_614 {
        %add3A_650 = arith.constant 4 : i32
        %add3A_651 = arith.addi %add3A_583, %add3A_650 : i32
        %dma_wait3A_652 = arith.constant 0 : i32
        %dma_wait3A_653 = arith.constant 0 : i32
        %dma_wait3A_654 = tpu.memref_slice %arg3[%arg1, %dma_wait3A_652, %dma_wait3A_653] : memref<16x160x125xi32, #tpu.memory_space<hbm>> -> memref<1x160x125xi32, #tpu.memory_space<hbm>>
        %dma_wait3A_655 = tpu.memref_squeeze %dma_wait3A_654 : memref<1x160x125xi32, #tpu.memory_space<hbm>> -> memref<160x125xi32, #tpu.memory_space<hbm>>
        %dma_wait3A_656 = arith.constant 0 : i32
        %dma_wait3A_657 = tpu.memref_slice %dma_wait3A_655[%add3A_651, %dma_wait3A_656] : memref<160x125xi32, #tpu.memory_space<hbm>> -> memref<1x125xi32, #tpu.memory_space<hbm>>
        %dma_wait3A_658 = tpu.memref_squeeze %dma_wait3A_657 : memref<1x125xi32, #tpu.memory_space<hbm>> -> memref<125xi32, #tpu.memory_space<hbm>>
        %dma_wait3A_659 = arith.constant 0 : i32
        %dma_wait3A_660 = arith.constant 0 : i32
        %dma_wait3A_661 = tpu.memref_slice %arg3[%arg1, %dma_wait3A_659, %dma_wait3A_660] : memref<16x160x125xi32, #tpu.memory_space<hbm>> -> memref<1x160x125xi32, #tpu.memory_space<hbm>>
        %dma_wait3A_662 = tpu.memref_squeeze %dma_wait3A_661 : memref<1x160x125xi32, #tpu.memory_space<hbm>> -> memref<160x125xi32, #tpu.memory_space<hbm>>
        %dma_wait3A_663 = arith.constant 0 : i32
        %dma_wait3A_664 = tpu.memref_slice %dma_wait3A_662[%add3A_651, %dma_wait3A_663] : memref<160x125xi32, #tpu.memory_space<hbm>> -> memref<1x125xi32, #tpu.memory_space<hbm>>
        %dma_wait3A_665 = tpu.memref_squeeze %dma_wait3A_664 : memref<1x125xi32, #tpu.memory_space<hbm>> -> memref<125xi32, #tpu.memory_space<hbm>>
        tpu.wait_dma2 semaphore(%arg31 : memref<!tpu.dma_semaphore, #tpu.memory_space<semaphore_mem>>) src(%dma_wait3A_665 : memref<125xi32, #tpu.memory_space<hbm>>) dst(%arg11 : memref<125xi32, #tpu.memory_space<vmem>>)
        %dma_start3A_666 = arith.constant 0 : i32
        %dma_start3A_667 = tpu.memref_slice %arg2[%arg0, %dma_start3A_666] : memref<20000x64xbf16, #tpu.memory_space<hbm>> -> memref<19999x64xbf16, #tpu.memory_space<hbm>>
        %dma_start3A_668 = arith.constant 0 : i32
        %dma_start3A_669 = arith.constant 0 : i32
        %dma_start3A_670 = tpu.memref_slice %dma_start3A_667[%dma_start3A_668, %dma_start3A_669] : memref<19999x64xbf16, #tpu.memory_space<hbm>> -> memref<19999x64xbf16, #tpu.memory_space<hbm>>
        tpu.enqueue_indirect_dma source(%dma_start3A_670 : memref<19999x64xbf16, #tpu.memory_space<hbm>>) target(%arg27 : memref<125x64xbf16, #tpu.memory_space<vmem>>) offsets(%arg11 : memref<125xi32, #tpu.memory_space<vmem>>) semaphore(%arg47 : memref<!tpu.dma_semaphore, #tpu.memory_space<semaphore_mem>>)
      } else {
      }
      %mul3A_615 = arith.constant 8 : i32
      %mul3A_616 = arith.muli %scan3A_372, %mul3A_615 : i32
      %add3A_617 = arith.constant 7 : i32
      %add3A_618 = arith.addi %mul3A_616, %add3A_617 : i32
      %dma_wait3A_619 = arith.constant 0 : i32
      %dma_wait3A_620 = tpu.memref_slice %arg2[%arg0, %dma_wait3A_619] : memref<20000x64xbf16, #tpu.memory_space<hbm>> -> memref<19999x64xbf16, #tpu.memory_space<hbm>>
      %dma_wait3A_621 = arith.constant 0 : i32
      %dma_wait3A_622 = arith.constant 0 : i32
      %dma_wait3A_623 = tpu.memref_slice %dma_wait3A_620[%dma_wait3A_621, %dma_wait3A_622] : memref<19999x64xbf16, #tpu.memory_space<hbm>> -> memref<19999x64xbf16, #tpu.memory_space<hbm>>
      tpu.wait_indirect_dma semaphore(%arg48 : memref<!tpu.dma_semaphore, #tpu.memory_space<semaphore_mem>>) src(%dma_wait3A_623 : memref<19999x64xbf16, #tpu.memory_space<hbm>>) dst(%arg28 : memref<125x64xbf16, #tpu.memory_space<vmem>>)
      %dma_wait3A_624 = arith.constant 0 : i32
      %dma_wait3A_625 = arith.constant 0 : i32
      %dma_wait3A_626 = tpu.memref_slice %arg4[%arg1, %dma_wait3A_624, %dma_wait3A_625] : memref<16x160x125xi32, #tpu.memory_space<hbm>> -> memref<1x160x125xi32, #tpu.memory_space<hbm>>
      %dma_wait3A_627 = tpu.memref_squeeze %dma_wait3A_626 : memref<1x160x125xi32, #tpu.memory_space<hbm>> -> memref<160x125xi32, #tpu.memory_space<hbm>>
      %dma_wait3A_628 = arith.constant 0 : i32
      %dma_wait3A_629 = tpu.memref_slice %dma_wait3A_627[%add3A_618, %dma_wait3A_628] : memref<160x125xi32, #tpu.memory_space<hbm>> -> memref<1x125xi32, #tpu.memory_space<hbm>>
      %dma_wait3A_630 = tpu.memref_squeeze %dma_wait3A_629 : memref<1x125xi32, #tpu.memory_space<hbm>> -> memref<125xi32, #tpu.memory_space<hbm>>
      %dma_wait3A_631 = arith.constant 0 : i32
      %dma_wait3A_632 = arith.constant 0 : i32
      %dma_wait3A_633 = tpu.memref_slice %arg4[%arg1, %dma_wait3A_631, %dma_wait3A_632] : memref<16x160x125xi32, #tpu.memory_space<hbm>> -> memref<1x160x125xi32, #tpu.memory_space<hbm>>
      %dma_wait3A_634 = tpu.memref_squeeze %dma_wait3A_633 : memref<1x160x125xi32, #tpu.memory_space<hbm>> -> memref<160x125xi32, #tpu.memory_space<hbm>>
      %dma_wait3A_635 = arith.constant 0 : i32
      %dma_wait3A_636 = tpu.memref_slice %dma_wait3A_634[%add3A_618, %dma_wait3A_635] : memref<160x125xi32, #tpu.memory_space<hbm>> -> memref<1x125xi32, #tpu.memory_space<hbm>>
      %dma_wait3A_637 = tpu.memref_squeeze %dma_wait3A_636 : memref<1x125xi32, #tpu.memory_space<hbm>> -> memref<125xi32, #tpu.memory_space<hbm>>
      tpu.wait_dma2 semaphore(%arg44 : memref<!tpu.dma_semaphore, #tpu.memory_space<semaphore_mem>>) src(%dma_wait3A_637 : memref<125xi32, #tpu.memory_space<hbm>>) dst(%arg24 : memref<125xi32, #tpu.memory_space<vmem>>)
      "tpu.region"() ({
        %run_scoped3A = tpu.sem_alloc : memref<!tpu.dma_semaphore, #tpu.memory_space<semaphore_mem>>
        %dma_start3A_650 = arith.constant 0 : i32
        %dma_start3A_651 = arith.constant 0 : i32
        %dma_start3A_652 = tpu.memref_slice %arg8[%dma_start3A_650, %dma_start3A_651] : memref<10240x64xbf16, #tpu.memory_space<vmem_shared>> -> memref<10240x64xbf16, #tpu.memory_space<vmem_shared>>
        tpu.enqueue_indirect_dma source(%arg28 : memref<125x64xbf16, #tpu.memory_space<vmem>>) target(%dma_start3A_652 : memref<10240x64xbf16, #tpu.memory_space<vmem_shared>>) offsets(%arg24 : memref<125xi32, #tpu.memory_space<vmem>>) semaphore(%run_scoped3A : memref<!tpu.dma_semaphore, #tpu.memory_space<semaphore_mem>>) {add = true}
        %dma_wait3A_653 = arith.constant 0 : i32
        %dma_wait3A_654 = arith.constant 0 : i32
        %dma_wait3A_655 = tpu.memref_slice %arg8[%dma_wait3A_653, %dma_wait3A_654] : memref<10240x64xbf16, #tpu.memory_space<vmem_shared>> -> memref<10240x64xbf16, #tpu.memory_space<vmem_shared>>
        tpu.wait_indirect_dma semaphore(%run_scoped3A : memref<!tpu.dma_semaphore, #tpu.memory_space<semaphore_mem>>) src(%arg28 : memref<125x64xbf16, #tpu.memory_space<vmem>>) dst(%dma_wait3A_655 : memref<10240x64xbf16, #tpu.memory_space<vmem_shared>>)
        tpu.yield
      }) : () -> ()
      %lt3A_638 = arith.constant 19 : i32
      %lt3A_639 = arith.cmpi slt, %scan3A_372, %lt3A_638 : i32
      %convert_element_type3A_640 = arith.extui %lt3A_639 : i1 to i32
      %cond3A_641 = arith.constant 0 : i32
      %cond3A_642 = arith.cmpi ne, %convert_element_type3A_640, %cond3A_641 : i32
      scf.if %cond3A_642 {
        %add3A_650 = arith.constant 8 : i32
        %add3A_651 = arith.addi %add3A_618, %add3A_650 : i32
        %dma_start3A_652 = arith.constant 0 : i32
        %dma_start3A_653 = arith.constant 0 : i32
        %dma_start3A_654 = tpu.memref_slice %arg3[%arg1, %dma_start3A_652, %dma_start3A_653] : memref<16x160x125xi32, #tpu.memory_space<hbm>> -> memref<1x160x125xi32, #tpu.memory_space<hbm>>
        %dma_start3A_655 = tpu.memref_squeeze %dma_start3A_654 : memref<1x160x125xi32, #tpu.memory_space<hbm>> -> memref<160x125xi32, #tpu.memory_space<hbm>>
        %dma_start3A_656 = arith.constant 0 : i32
        %dma_start3A_657 = tpu.memref_slice %dma_start3A_655[%add3A_651, %dma_start3A_656] : memref<160x125xi32, #tpu.memory_space<hbm>> -> memref<1x125xi32, #tpu.memory_space<hbm>>
        %dma_start3A_658 = tpu.memref_squeeze %dma_start3A_657 : memref<1x125xi32, #tpu.memory_space<hbm>> -> memref<125xi32, #tpu.memory_space<hbm>>
        %dma_start3A_659 = arith.constant 0 : i32
        %dma_start3A_660 = arith.constant 0 : i32
        %dma_start3A_661 = tpu.memref_slice %arg3[%arg1, %dma_start3A_659, %dma_start3A_660] : memref<16x160x125xi32, #tpu.memory_space<hbm>> -> memref<1x160x125xi32, #tpu.memory_space<hbm>>
        %dma_start3A_662 = tpu.memref_squeeze %dma_start3A_661 : memref<1x160x125xi32, #tpu.memory_space<hbm>> -> memref<160x125xi32, #tpu.memory_space<hbm>>
        %dma_start3A_663 = arith.constant 0 : i32
        %dma_start3A_664 = tpu.memref_slice %dma_start3A_662[%add3A_651, %dma_start3A_663] : memref<160x125xi32, #tpu.memory_space<hbm>> -> memref<1x125xi32, #tpu.memory_space<hbm>>
        %dma_start3A_665 = tpu.memref_squeeze %dma_start3A_664 : memref<1x125xi32, #tpu.memory_space<hbm>> -> memref<125xi32, #tpu.memory_space<hbm>>
        tpu.enqueue_dma source(%dma_start3A_665 : memref<125xi32, #tpu.memory_space<hbm>>) target(%arg16 : memref<125xi32, #tpu.memory_space<vmem>>) target_semaphore(%arg36 : memref<!tpu.dma_semaphore, #tpu.memory_space<semaphore_mem>>)
        %add3A_666 = arith.constant 8 : i32
        %add3A_667 = arith.addi %add3A_618, %add3A_666 : i32
        %dma_start3A_668 = arith.constant 0 : i32
        %dma_start3A_669 = arith.constant 0 : i32
        %dma_start3A_670 = tpu.memref_slice %arg4[%arg1, %dma_start3A_668, %dma_start3A_669] : memref<16x160x125xi32, #tpu.memory_space<hbm>> -> memref<1x160x125xi32, #tpu.memory_space<hbm>>
        %dma_start3A_671 = tpu.memref_squeeze %dma_start3A_670 : memref<1x160x125xi32, #tpu.memory_space<hbm>> -> memref<160x125xi32, #tpu.memory_space<hbm>>
        %dma_start3A_672 = arith.constant 0 : i32
        %dma_start3A_673 = tpu.memref_slice %dma_start3A_671[%add3A_667, %dma_start3A_672] : memref<160x125xi32, #tpu.memory_space<hbm>> -> memref<1x125xi32, #tpu.memory_space<hbm>>
        %dma_start3A_674 = tpu.memref_squeeze %dma_start3A_673 : memref<1x125xi32, #tpu.memory_space<hbm>> -> memref<125xi32, #tpu.memory_space<hbm>>
        %dma_start3A_675 = arith.constant 0 : i32
        %dma_start3A_676 = arith.constant 0 : i32
        %dma_start3A_677 = tpu.memref_slice %arg4[%arg1, %dma_start3A_675, %dma_start3A_676] : memref<16x160x125xi32, #tpu.memory_space<hbm>> -> memref<1x160x125xi32, #tpu.memory_space<hbm>>
        %dma_start3A_678 = tpu.memref_squeeze %dma_start3A_677 : memref<1x160x125xi32, #tpu.memory_space<hbm>> -> memref<160x125xi32, #tpu.memory_space<hbm>>
        %dma_start3A_679 = arith.constant 0 : i32
        %dma_start3A_680 = tpu.memref_slice %dma_start3A_678[%add3A_667, %dma_start3A_679] : memref<160x125xi32, #tpu.memory_space<hbm>> -> memref<1x125xi32, #tpu.memory_space<hbm>>
        %dma_start3A_681 = tpu.memref_squeeze %dma_start3A_680 : memref<1x125xi32, #tpu.memory_space<hbm>> -> memref<125xi32, #tpu.memory_space<hbm>>
        tpu.enqueue_dma source(%dma_start3A_681 : memref<125xi32, #tpu.memory_space<hbm>>) target(%arg24 : memref<125xi32, #tpu.memory_space<vmem>>) target_semaphore(%arg44 : memref<!tpu.dma_semaphore, #tpu.memory_space<semaphore_mem>>)
      } else {
      }
      %add3A_643 = arith.constant 4 : i32
      %add3A_644 = arith.addi %add3A_618, %add3A_643 : i32
      %lt3A_645 = arith.constant 160 : i32
      %lt3A_646 = arith.cmpi slt, %add3A_644, %lt3A_645 : i32
      %convert_element_type3A_647 = arith.extui %lt3A_646 : i1 to i32
      %cond3A_648 = arith.constant 0 : i32
      %cond3A_649 = arith.cmpi ne, %convert_element_type3A_647, %cond3A_648 : i32
      scf.if %cond3A_649 {
        %add3A_650 = arith.constant 4 : i32
        %add3A_651 = arith.addi %add3A_618, %add3A_650 : i32
        %dma_wait3A_652 = arith.constant 0 : i32
        %dma_wait3A_653 = arith.constant 0 : i32
        %dma_wait3A_654 = tpu.memref_slice %arg3[%arg1, %dma_wait3A_652, %dma_wait3A_653] : memref<16x160x125xi32, #tpu.memory_space<hbm>> -> memref<1x160x125xi32, #tpu.memory_space<hbm>>
        %dma_wait3A_655 = tpu.memref_squeeze %dma_wait3A_654 : memref<1x160x125xi32, #tpu.memory_space<hbm>> -> memref<160x125xi32, #tpu.memory_space<hbm>>
        %dma_wait3A_656 = arith.constant 0 : i32
        %dma_wait3A_657 = tpu.memref_slice %dma_wait3A_655[%add3A_651, %dma_wait3A_656] : memref<160x125xi32, #tpu.memory_space<hbm>> -> memref<1x125xi32, #tpu.memory_space<hbm>>
        %dma_wait3A_658 = tpu.memref_squeeze %dma_wait3A_657 : memref<1x125xi32, #tpu.memory_space<hbm>> -> memref<125xi32, #tpu.memory_space<hbm>>
        %dma_wait3A_659 = arith.constant 0 : i32
        %dma_wait3A_660 = arith.constant 0 : i32
        %dma_wait3A_661 = tpu.memref_slice %arg3[%arg1, %dma_wait3A_659, %dma_wait3A_660] : memref<16x160x125xi32, #tpu.memory_space<hbm>> -> memref<1x160x125xi32, #tpu.memory_space<hbm>>
        %dma_wait3A_662 = tpu.memref_squeeze %dma_wait3A_661 : memref<1x160x125xi32, #tpu.memory_space<hbm>> -> memref<160x125xi32, #tpu.memory_space<hbm>>
        %dma_wait3A_663 = arith.constant 0 : i32
        %dma_wait3A_664 = tpu.memref_slice %dma_wait3A_662[%add3A_651, %dma_wait3A_663] : memref<160x125xi32, #tpu.memory_space<hbm>> -> memref<1x125xi32, #tpu.memory_space<hbm>>
        %dma_wait3A_665 = tpu.memref_squeeze %dma_wait3A_664 : memref<1x125xi32, #tpu.memory_space<hbm>> -> memref<125xi32, #tpu.memory_space<hbm>>
        tpu.wait_dma2 semaphore(%arg32 : memref<!tpu.dma_semaphore, #tpu.memory_space<semaphore_mem>>) src(%dma_wait3A_665 : memref<125xi32, #tpu.memory_space<hbm>>) dst(%arg12 : memref<125xi32, #tpu.memory_space<vmem>>)
        %dma_start3A_666 = arith.constant 0 : i32
        %dma_start3A_667 = tpu.memref_slice %arg2[%arg0, %dma_start3A_666] : memref<20000x64xbf16, #tpu.memory_space<hbm>> -> memref<19999x64xbf16, #tpu.memory_space<hbm>>
        %dma_start3A_668 = arith.constant 0 : i32
        %dma_start3A_669 = arith.constant 0 : i32
        %dma_start3A_670 = tpu.memref_slice %dma_start3A_667[%dma_start3A_668, %dma_start3A_669] : memref<19999x64xbf16, #tpu.memory_space<hbm>> -> memref<19999x64xbf16, #tpu.memory_space<hbm>>
        tpu.enqueue_indirect_dma source(%dma_start3A_670 : memref<19999x64xbf16, #tpu.memory_space<hbm>>) target(%arg28 : memref<125x64xbf16, #tpu.memory_space<vmem>>) offsets(%arg12 : memref<125xi32, #tpu.memory_space<vmem>>) semaphore(%arg48 : memref<!tpu.dma_semaphore, #tpu.memory_space<semaphore_mem>>)
      } else {
      }
    }
    %scan3A_340 = arith.constant 20 : i32
    %barrier3A_341 = arith.constant 0 : index
    tpu.barrier barrier_id(%barrier3A_341)
    %mul3A_342 = arith.constant 640 : i32
    %mul3A_343 = arith.muli %arg1, %mul3A_342 : i32
    %add3A_344 = arith.constant 0 : i32
    %add3A_345 = arith.addi %mul3A_343, %add3A_344 : i32
    "tpu.region"() ({
      %run_scoped3A = tpu.sem_alloc : memref<!tpu.dma_semaphore, #tpu.memory_space<semaphore_mem>>
      %dma_start3A_372 = arith.constant 0 : i32
      %dma_start3A_373 = tpu.memref_slice %arg8[%add3A_345, %dma_start3A_372] : memref<10240x64xbf16, #tpu.memory_space<vmem_shared>> -> memref<128x64xbf16, #tpu.memory_space<vmem_shared>>
      %dma_start3A_374 = arith.constant 0 : i32
      %dma_start3A_375 = tpu.memref_slice %arg8[%add3A_345, %dma_start3A_374] : memref<10240x64xbf16, #tpu.memory_space<vmem_shared>> -> memref<128x64xbf16, #tpu.memory_space<vmem_shared>>
      tpu.enqueue_dma source(%dma_start3A_375 : memref<128x64xbf16, #tpu.memory_space<vmem_shared>>) target(%arg7 : memref<128x64xbf16, #tpu.memory_space<vmem>>) target_semaphore(%run_scoped3A : memref<!tpu.dma_semaphore, #tpu.memory_space<semaphore_mem>>)
      %dma_wait3A_376 = arith.constant 0 : i32
      %dma_wait3A_377 = tpu.memref_slice %arg8[%add3A_345, %dma_wait3A_376] : memref<10240x64xbf16, #tpu.memory_space<vmem_shared>> -> memref<128x64xbf16, #tpu.memory_space<vmem_shared>>
      %dma_wait3A_378 = arith.constant 0 : i32
      %dma_wait3A_379 = tpu.memref_slice %arg8[%add3A_345, %dma_wait3A_378] : memref<10240x64xbf16, #tpu.memory_space<vmem_shared>> -> memref<128x64xbf16, #tpu.memory_space<vmem_shared>>
      tpu.wait_dma2 semaphore(%run_scoped3A : memref<!tpu.dma_semaphore, #tpu.memory_space<semaphore_mem>>) src(%dma_wait3A_379 : memref<128x64xbf16, #tpu.memory_space<vmem_shared>>) dst(%arg7 : memref<128x64xbf16, #tpu.memory_space<vmem>>)
      tpu.yield
    }) : () -> ()
    %mul3A_346 = arith.constant 64 : i32
    %mul3A_347 = arith.muli %arg0, %mul3A_346 : i32
    "tpu.region"() ({
      %run_scoped3A = tpu.sem_alloc : memref<!tpu.dma_semaphore, #tpu.memory_space<semaphore_mem>>
      %dma_start3A_372 = tpu.memref_slice %arg6[%add3A_345, %mul3A_347] : memref<10240x128xbf16, #tpu.memory_space<hbm>> -> memref<128x64xbf16, #tpu.memory_space<hbm>>
      %dma_start3A_373 = tpu.memref_slice %arg6[%add3A_345, %mul3A_347] : memref<10240x128xbf16, #tpu.memory_space<hbm>> -> memref<128x64xbf16, #tpu.memory_space<hbm>>
      tpu.enqueue_dma source(%arg7 : memref<128x64xbf16, #tpu.memory_space<vmem>>) target(%dma_start3A_373 : memref<128x64xbf16, #tpu.memory_space<hbm>>) target_semaphore(%run_scoped3A : memref<!tpu.dma_semaphore, #tpu.memory_space<semaphore_mem>>)
      %dma_wait3A_374 = tpu.memref_slice %arg6[%add3A_345, %mul3A_347] : memref<10240x128xbf16, #tpu.memory_space<hbm>> -> memref<128x64xbf16, #tpu.memory_space<hbm>>
      %dma_wait3A_375 = tpu.memref_slice %arg6[%add3A_345, %mul3A_347] : memref<10240x128xbf16, #tpu.memory_space<hbm>> -> memref<128x64xbf16, #tpu.memory_space<hbm>>
      tpu.wait_dma2 semaphore(%run_scoped3A : memref<!tpu.dma_semaphore, #tpu.memory_space<semaphore_mem>>) src(%arg7 : memref<128x64xbf16, #tpu.memory_space<vmem>>) dst(%dma_wait3A_375 : memref<128x64xbf16, #tpu.memory_space<hbm>>)
      tpu.yield
    }) : () -> ()
    %mul3A_348 = arith.constant 640 : i32
    %mul3A_349 = arith.muli %arg1, %mul3A_348 : i32
    %add3A_350 = arith.constant 128 : i32
    %add3A_351 = arith.addi %mul3A_349, %add3A_350 : i32
    "tpu.region"() ({
      %run_scoped3A = tpu.sem_alloc : memref<!tpu.dma_semaphore, #tpu.memory_space<semaphore_mem>>
      %dma_start3A_372 = arith.constant 0 : i32
      %dma_start3A_373 = tpu.memref_slice %arg8[%add3A_351, %dma_start3A_372] : memref<10240x64xbf16, #tpu.memory_space<vmem_shared>> -> memref<128x64xbf16, #tpu.memory_space<vmem_shared>>
      %dma_start3A_374 = arith.constant 0 : i32
      %dma_start3A_375 = tpu.memref_slice %arg8[%add3A_351, %dma_start3A_374] : memref<10240x64xbf16, #tpu.memory_space<vmem_shared>> -> memref<128x64xbf16, #tpu.memory_space<vmem_shared>>
      tpu.enqueue_dma source(%dma_start3A_375 : memref<128x64xbf16, #tpu.memory_space<vmem_shared>>) target(%arg7 : memref<128x64xbf16, #tpu.memory_space<vmem>>) target_semaphore(%run_scoped3A : memref<!tpu.dma_semaphore, #tpu.memory_space<semaphore_mem>>)
      %dma_wait3A_376 = arith.constant 0 : i32
      %dma_wait3A_377 = tpu.memref_slice %arg8[%add3A_351, %dma_wait3A_376] : memref<10240x64xbf16, #tpu.memory_space<vmem_shared>> -> memref<128x64xbf16, #tpu.memory_space<vmem_shared>>
      %dma_wait3A_378 = arith.constant 0 : i32
      %dma_wait3A_379 = tpu.memref_slice %arg8[%add3A_351, %dma_wait3A_378] : memref<10240x64xbf16, #tpu.memory_space<vmem_shared>> -> memref<128x64xbf16, #tpu.memory_space<vmem_shared>>
      tpu.wait_dma2 semaphore(%run_scoped3A : memref<!tpu.dma_semaphore, #tpu.memory_space<semaphore_mem>>) src(%dma_wait3A_379 : memref<128x64xbf16, #tpu.memory_space<vmem_shared>>) dst(%arg7 : memref<128x64xbf16, #tpu.memory_space<vmem>>)
      tpu.yield
    }) : () -> ()
    %mul3A_352 = arith.constant 64 : i32
    %mul3A_353 = arith.muli %arg0, %mul3A_352 : i32
    "tpu.region"() ({
      %run_scoped3A = tpu.sem_alloc : memref<!tpu.dma_semaphore, #tpu.memory_space<semaphore_mem>>
      %dma_start3A_372 = tpu.memref_slice %arg6[%add3A_351, %mul3A_353] : memref<10240x128xbf16, #tpu.memory_space<hbm>> -> memref<128x64xbf16, #tpu.memory_space<hbm>>
      %dma_start3A_373 = tpu.memref_slice %arg6[%add3A_351, %mul3A_353] : memref<10240x128xbf16, #tpu.memory_space<hbm>> -> memref<128x64xbf16, #tpu.memory_space<hbm>>
      tpu.enqueue_dma source(%arg7 : memref<128x64xbf16, #tpu.memory_space<vmem>>) target(%dma_start3A_373 : memref<128x64xbf16, #tpu.memory_space<hbm>>) target_semaphore(%run_scoped3A : memref<!tpu.dma_semaphore, #tpu.memory_space<semaphore_mem>>)
      %dma_wait3A_374 = tpu.memref_slice %arg6[%add3A_351, %mul3A_353] : memref<10240x128xbf16, #tpu.memory_space<hbm>> -> memref<128x64xbf16, #tpu.memory_space<hbm>>
      %dma_wait3A_375 = tpu.memref_slice %arg6[%add3A_351, %mul3A_353] : memref<10240x128xbf16, #tpu.memory_space<hbm>> -> memref<128x64xbf16, #tpu.memory_space<hbm>>
      tpu.wait_dma2 semaphore(%run_scoped3A : memref<!tpu.dma_semaphore, #tpu.memory_space<semaphore_mem>>) src(%arg7 : memref<128x64xbf16, #tpu.memory_space<vmem>>) dst(%dma_wait3A_375 : memref<128x64xbf16, #tpu.memory_space<hbm>>)
      tpu.yield
    }) : () -> ()
    %mul3A_354 = arith.constant 640 : i32
    %mul3A_355 = arith.muli %arg1, %mul3A_354 : i32
    %add3A_356 = arith.constant 256 : i32
    %add3A_357 = arith.addi %mul3A_355, %add3A_356 : i32
    "tpu.region"() ({
      %run_scoped3A = tpu.sem_alloc : memref<!tpu.dma_semaphore, #tpu.memory_space<semaphore_mem>>
      %dma_start3A_372 = arith.constant 0 : i32
      %dma_start3A_373 = tpu.memref_slice %arg8[%add3A_357, %dma_start3A_372] : memref<10240x64xbf16, #tpu.memory_space<vmem_shared>> -> memref<128x64xbf16, #tpu.memory_space<vmem_shared>>
      %dma_start3A_374 = arith.constant 0 : i32
      %dma_start3A_375 = tpu.memref_slice %arg8[%add3A_357, %dma_start3A_374] : memref<10240x64xbf16, #tpu.memory_space<vmem_shared>> -> memref<128x64xbf16, #tpu.memory_space<vmem_shared>>
      tpu.enqueue_dma source(%dma_start3A_375 : memref<128x64xbf16, #tpu.memory_space<vmem_shared>>) target(%arg7 : memref<128x64xbf16, #tpu.memory_space<vmem>>) target_semaphore(%run_scoped3A : memref<!tpu.dma_semaphore, #tpu.memory_space<semaphore_mem>>)
      %dma_wait3A_376 = arith.constant 0 : i32
      %dma_wait3A_377 = tpu.memref_slice %arg8[%add3A_357, %dma_wait3A_376] : memref<10240x64xbf16, #tpu.memory_space<vmem_shared>> -> memref<128x64xbf16, #tpu.memory_space<vmem_shared>>
      %dma_wait3A_378 = arith.constant 0 : i32
      %dma_wait3A_379 = tpu.memref_slice %arg8[%add3A_357, %dma_wait3A_378] : memref<10240x64xbf16, #tpu.memory_space<vmem_shared>> -> memref<128x64xbf16, #tpu.memory_space<vmem_shared>>
      tpu.wait_dma2 semaphore(%run_scoped3A : memref<!tpu.dma_semaphore, #tpu.memory_space<semaphore_mem>>) src(%dma_wait3A_379 : memref<128x64xbf16, #tpu.memory_space<vmem_shared>>) dst(%arg7 : memref<128x64xbf16, #tpu.memory_space<vmem>>)
      tpu.yield
    }) : () -> ()
    %mul3A_358 = arith.constant 64 : i32
    %mul3A_359 = arith.muli %arg0, %mul3A_358 : i32
    "tpu.region"() ({
      %run_scoped3A = tpu.sem_alloc : memref<!tpu.dma_semaphore, #tpu.memory_space<semaphore_mem>>
      %dma_start3A_372 = tpu.memref_slice %arg6[%add3A_357, %mul3A_359] : memref<10240x128xbf16, #tpu.memory_space<hbm>> -> memref<128x64xbf16, #tpu.memory_space<hbm>>
      %dma_start3A_373 = tpu.memref_slice %arg6[%add3A_357, %mul3A_359] : memref<10240x128xbf16, #tpu.memory_space<hbm>> -> memref<128x64xbf16, #tpu.memory_space<hbm>>
      tpu.enqueue_dma source(%arg7 : memref<128x64xbf16, #tpu.memory_space<vmem>>) target(%dma_start3A_373 : memref<128x64xbf16, #tpu.memory_space<hbm>>) target_semaphore(%run_scoped3A : memref<!tpu.dma_semaphore, #tpu.memory_space<semaphore_mem>>)
      %dma_wait3A_374 = tpu.memref_slice %arg6[%add3A_357, %mul3A_359] : memref<10240x128xbf16, #tpu.memory_space<hbm>> -> memref<128x64xbf16, #tpu.memory_space<hbm>>
      %dma_wait3A_375 = tpu.memref_slice %arg6[%add3A_357, %mul3A_359] : memref<10240x128xbf16, #tpu.memory_space<hbm>> -> memref<128x64xbf16, #tpu.memory_space<hbm>>
      tpu.wait_dma2 semaphore(%run_scoped3A : memref<!tpu.dma_semaphore, #tpu.memory_space<semaphore_mem>>) src(%arg7 : memref<128x64xbf16, #tpu.memory_space<vmem>>) dst(%dma_wait3A_375 : memref<128x64xbf16, #tpu.memory_space<hbm>>)
      tpu.yield
    }) : () -> ()
    %mul3A_360 = arith.constant 640 : i32
    %mul3A_361 = arith.muli %arg1, %mul3A_360 : i32
    %add3A_362 = arith.constant 384 : i32
    %add3A_363 = arith.addi %mul3A_361, %add3A_362 : i32
    "tpu.region"() ({
      %run_scoped3A = tpu.sem_alloc : memref<!tpu.dma_semaphore, #tpu.memory_space<semaphore_mem>>
      %dma_start3A_372 = arith.constant 0 : i32
      %dma_start3A_373 = tpu.memref_slice %arg8[%add3A_363, %dma_start3A_372] : memref<10240x64xbf16, #tpu.memory_space<vmem_shared>> -> memref<128x64xbf16, #tpu.memory_space<vmem_shared>>
      %dma_start3A_374 = arith.constant 0 : i32
      %dma_start3A_375 = tpu.memref_slice %arg8[%add3A_363, %dma_start3A_374] : memref<10240x64xbf16, #tpu.memory_space<vmem_shared>> -> memref<128x64xbf16, #tpu.memory_space<vmem_shared>>
      tpu.enqueue_dma source(%dma_start3A_375 : memref<128x64xbf16, #tpu.memory_space<vmem_shared>>) target(%arg7 : memref<128x64xbf16, #tpu.memory_space<vmem>>) target_semaphore(%run_scoped3A : memref<!tpu.dma_semaphore, #tpu.memory_space<semaphore_mem>>)
      %dma_wait3A_376 = arith.constant 0 : i32
      %dma_wait3A_377 = tpu.memref_slice %arg8[%add3A_363, %dma_wait3A_376] : memref<10240x64xbf16, #tpu.memory_space<vmem_shared>> -> memref<128x64xbf16, #tpu.memory_space<vmem_shared>>
      %dma_wait3A_378 = arith.constant 0 : i32
      %dma_wait3A_379 = tpu.memref_slice %arg8[%add3A_363, %dma_wait3A_378] : memref<10240x64xbf16, #tpu.memory_space<vmem_shared>> -> memref<128x64xbf16, #tpu.memory_space<vmem_shared>>
      tpu.wait_dma2 semaphore(%run_scoped3A : memref<!tpu.dma_semaphore, #tpu.memory_space<semaphore_mem>>) src(%dma_wait3A_379 : memref<128x64xbf16, #tpu.memory_space<vmem_shared>>) dst(%arg7 : memref<128x64xbf16, #tpu.memory_space<vmem>>)
      tpu.yield
    }) : () -> ()
    %mul3A_364 = arith.constant 64 : i32
    %mul3A_365 = arith.muli %arg0, %mul3A_364 : i32
    "tpu.region"() ({
      %run_scoped3A = tpu.sem_alloc : memref<!tpu.dma_semaphore, #tpu.memory_space<semaphore_mem>>
      %dma_start3A_372 = tpu.memref_slice %arg6[%add3A_363, %mul3A_365] : memref<10240x128xbf16, #tpu.memory_space<hbm>> -> memref<128x64xbf16, #tpu.memory_space<hbm>>
      %dma_start3A_373 = tpu.memref_slice %arg6[%add3A_363, %mul3A_365] : memref<10240x128xbf16, #tpu.memory_space<hbm>> -> memref<128x64xbf16, #tpu.memory_space<hbm>>
      tpu.enqueue_dma source(%arg7 : memref<128x64xbf16, #tpu.memory_space<vmem>>) target(%dma_start3A_373 : memref<128x64xbf16, #tpu.memory_space<hbm>>) target_semaphore(%run_scoped3A : memref<!tpu.dma_semaphore, #tpu.memory_space<semaphore_mem>>)
      %dma_wait3A_374 = tpu.memref_slice %arg6[%add3A_363, %mul3A_365] : memref<10240x128xbf16, #tpu.memory_space<hbm>> -> memref<128x64xbf16, #tpu.memory_space<hbm>>
      %dma_wait3A_375 = tpu.memref_slice %arg6[%add3A_363, %mul3A_365] : memref<10240x128xbf16, #tpu.memory_space<hbm>> -> memref<128x64xbf16, #tpu.memory_space<hbm>>
      tpu.wait_dma2 semaphore(%run_scoped3A : memref<!tpu.dma_semaphore, #tpu.memory_space<semaphore_mem>>) src(%arg7 : memref<128x64xbf16, #tpu.memory_space<vmem>>) dst(%dma_wait3A_375 : memref<128x64xbf16, #tpu.memory_space<hbm>>)
      tpu.yield
    }) : () -> ()
    %mul3A_366 = arith.constant 640 : i32
    %mul3A_367 = arith.muli %arg1, %mul3A_366 : i32
    %add3A_368 = arith.constant 512 : i32
    %add3A_369 = arith.addi %mul3A_367, %add3A_368 : i32
    "tpu.region"() ({
      %run_scoped3A = tpu.sem_alloc : memref<!tpu.dma_semaphore, #tpu.memory_space<semaphore_mem>>
      %dma_start3A_372 = arith.constant 0 : i32
      %dma_start3A_373 = tpu.memref_slice %arg8[%add3A_369, %dma_start3A_372] : memref<10240x64xbf16, #tpu.memory_space<vmem_shared>> -> memref<128x64xbf16, #tpu.memory_space<vmem_shared>>
      %dma_start3A_374 = arith.constant 0 : i32
      %dma_start3A_375 = tpu.memref_slice %arg8[%add3A_369, %dma_start3A_374] : memref<10240x64xbf16, #tpu.memory_space<vmem_shared>> -> memref<128x64xbf16, #tpu.memory_space<vmem_shared>>
      tpu.enqueue_dma source(%dma_start3A_375 : memref<128x64xbf16, #tpu.memory_space<vmem_shared>>) target(%arg7 : memref<128x64xbf16, #tpu.memory_space<vmem>>) target_semaphore(%run_scoped3A : memref<!tpu.dma_semaphore, #tpu.memory_space<semaphore_mem>>)
      %dma_wait3A_376 = arith.constant 0 : i32
      %dma_wait3A_377 = tpu.memref_slice %arg8[%add3A_369, %dma_wait3A_376] : memref<10240x64xbf16, #tpu.memory_space<vmem_shared>> -> memref<128x64xbf16, #tpu.memory_space<vmem_shared>>
      %dma_wait3A_378 = arith.constant 0 : i32
      %dma_wait3A_379 = tpu.memref_slice %arg8[%add3A_369, %dma_wait3A_378] : memref<10240x64xbf16, #tpu.memory_space<vmem_shared>> -> memref<128x64xbf16, #tpu.memory_space<vmem_shared>>
      tpu.wait_dma2 semaphore(%run_scoped3A : memref<!tpu.dma_semaphore, #tpu.memory_space<semaphore_mem>>) src(%dma_wait3A_379 : memref<128x64xbf16, #tpu.memory_space<vmem_shared>>) dst(%arg7 : memref<128x64xbf16, #tpu.memory_space<vmem>>)
      tpu.yield
    }) : () -> ()
    %mul3A_370 = arith.constant 64 : i32
    %mul3A_371 = arith.muli %arg0, %mul3A_370 : i32
    "tpu.region"() ({
      %run_scoped3A = tpu.sem_alloc : memref<!tpu.dma_semaphore, #tpu.memory_space<semaphore_mem>>
      %dma_start3A_372 = tpu.memref_slice %arg6[%add3A_369, %mul3A_371] : memref<10240x128xbf16, #tpu.memory_space<hbm>> -> memref<128x64xbf16, #tpu.memory_space<hbm>>
      %dma_start3A_373 = tpu.memref_slice %arg6[%add3A_369, %mul3A_371] : memref<10240x128xbf16, #tpu.memory_space<hbm>> -> memref<128x64xbf16, #tpu.memory_space<hbm>>
      tpu.enqueue_dma source(%arg7 : memref<128x64xbf16, #tpu.memory_space<vmem>>) target(%dma_start3A_373 : memref<128x64xbf16, #tpu.memory_space<hbm>>) target_semaphore(%run_scoped3A : memref<!tpu.dma_semaphore, #tpu.memory_space<semaphore_mem>>)
      %dma_wait3A_374 = tpu.memref_slice %arg6[%add3A_369, %mul3A_371] : memref<10240x128xbf16, #tpu.memory_space<hbm>> -> memref<128x64xbf16, #tpu.memory_space<hbm>>
      %dma_wait3A_375 = tpu.memref_slice %arg6[%add3A_369, %mul3A_371] : memref<10240x128xbf16, #tpu.memory_space<hbm>> -> memref<128x64xbf16, #tpu.memory_space<hbm>>
      tpu.wait_dma2 semaphore(%run_scoped3A : memref<!tpu.dma_semaphore, #tpu.memory_space<semaphore_mem>>) src(%arg7 : memref<128x64xbf16, #tpu.memory_space<vmem>>) dst(%dma_wait3A_375 : memref<128x64xbf16, #tpu.memory_space<hbm>>)
      tpu.yield
    }) : () -> ()
    return
  }
}

module attributes {stable_mosaic.version = 14 : i64} {
  func.func @body(%arg0: i32, %arg1: memref<2000x128xf32, #tpu.memory_space<vmem>>, %arg2: memref<2000x128xbf16, #tpu.memory_space<vmem>>, %arg3: memref<1x2000x8xf32, #tpu.memory_space<vmem>>, %arg4: memref<1x2000x8xf32, #tpu.memory_space<vmem>>, %arg5: memref<128x256xf32, #tpu.memory_space<vmem>>, %arg6: memref<2000x128xf32, #tpu.memory_space<vmem>>, %arg7: memref<2000x128xbf16, #tpu.memory_space<vmem>>) attributes {dimension_semantics = [#tpu.dimension_semantics<parallel>], iteration_bounds = array<i64: 5>, scalar_prefetch = 0 : i64, scratch_operands = 0 : i64, tpu.core_type = #tpu.core_type<tc>, window_params = [{transform_indices = @transform_0, window_bounds = array<i64: 2000, 128>}, {transform_indices = @transform_1, window_bounds = array<i64: 2000, 128>}, {transform_indices = @transform_2, window_bounds = array<i64: 1, 2000, 8>}, {transform_indices = @transform_3, window_bounds = array<i64: 1, 2000, 8>}, {pipeline_mode = #tpu.pipeline_mode<synchronous>, transform_indices = @transform_4, window_bounds = array<i64: 128, 256>}, {transform_indices = @transform_5, window_bounds = array<i64: 2000, 128>}, {transform_indices = @transform_6, window_bounds = array<i64: 2000, 128>}]} {
    %get3A = arith.constant 0 : index
    %get3A_0 = arith.constant 0 : index
    %get3A_1 = arith.constant 0 : index
    %get3A_2 = vector.load %arg3[%get3A, %get3A_0, %get3A_1] : memref<1x2000x8xf32, #tpu.memory_space<vmem>>, vector<1x2000x8xf32>
    %get3A_3 = vector.shape_cast %get3A_2 : vector<1x2000x8xf32> to vector<2000x8xf32>
    %get3A_4 = arith.constant 0 : index
    %get3A_5 = arith.constant 0 : index
    %get3A_6 = arith.constant 0 : index
    %get3A_7 = vector.load %arg4[%get3A_4, %get3A_5, %get3A_6] : memref<1x2000x8xf32, #tpu.memory_space<vmem>>, vector<1x2000x8xf32>
    %get3A_8 = vector.shape_cast %get3A_7 : vector<1x2000x8xf32> to vector<2000x8xf32>
    %add3A = arith.addf %get3A_3, %get3A_8 : vector<2000x8xf32>
    %slice3A = vector.extract_strided_slice %add3A {offsets = [0, 0], sizes = [2000, 1], strides = [1, 1]} : vector<2000x8xf32> to vector<2000x1xf32>
    %max3A = arith.constant 1.000000e+00 : f32
    %max3A_9 = vector.broadcast %max3A : f32 to vector<2000x1xf32>
    %max3A_10 = arith.maximumf %slice3A, %max3A_9 : vector<2000x1xf32>
    %get3A_11 = arith.constant 0 : index
    %get3A_12 = arith.constant 0 : index
    %get3A_13 = vector.load %arg2[%get3A_11, %get3A_12] : memref<2000x128xbf16, #tpu.memory_space<vmem>>, vector<2000x128xbf16>
    %convert_element_type3A = arith.extf %get3A_13 : vector<2000x128xbf16> to vector<2000x128xf32>
    %div3A = vector.broadcast %max3A_10 : vector<2000x1xf32> to vector<2000x128xf32>
    %div3A_14 = arith.divf %convert_element_type3A, %div3A : vector<2000x128xf32>
    %get3A_15 = arith.constant 0 : index
    %get3A_16 = arith.constant 0 : index
    %get3A_17 = vector.load %arg1[%get3A_15, %get3A_16] : memref<2000x128xf32, #tpu.memory_space<vmem>>, vector<2000x128xf32>
    %get3A_18 = arith.constant 0 : index
    %get3A_19 = arith.constant 0 : index
    %get3A_20 = vector.load %arg5[%get3A_18, %get3A_19] : memref<128x256xf32, #tpu.memory_space<vmem>>, vector<128x128xf32>
    %get3A_21 = arith.constant 0 : index
    %get3A_22 = arith.constant 128 : index
    %get3A_23 = vector.load %arg5[%get3A_21, %get3A_22] : memref<128x256xf32, #tpu.memory_space<vmem>>, vector<128x128xf32>
    %dot_general3A = arith.constant dense<0.000000e+00> : vector<2000x128xf32>
    %dot_general3A_24 = tpu.matmul %get3A_17, %get3A_20, %dot_general3A {dimension_numbers = #tpu.dot_dimension_numbers<[1], [1], [0], [0], [0, 0, 1, 0], [], []>, transpose_lhs_hint = false} : vector<2000x128xf32>, vector<128x128xf32>, vector<2000x128xf32> -> vector<2000x128xf32>
    %dot_general3A_25 = arith.constant dense<0.000000e+00> : vector<2000x128xf32>
    %dot_general3A_26 = tpu.matmul %div3A_14, %get3A_23, %dot_general3A_25 {dimension_numbers = #tpu.dot_dimension_numbers<[1], [1], [0], [0], [0, 0, 1, 0], [], []>, transpose_lhs_hint = false} : vector<2000x128xf32>, vector<128x128xf32>, vector<2000x128xf32> -> vector<2000x128xf32>
    %add3A_27 = arith.addf %dot_general3A_24, %dot_general3A_26 : vector<2000x128xf32>
    %logistic3A = arith.negf %add3A_27 : vector<2000x128xf32>
    %logistic3A_28 = math.exp %logistic3A : vector<2000x128xf32>
    %logistic3A_29 = arith.constant 1.000000e+00 : f32
    %logistic3A_30 = vector.broadcast %logistic3A_29 : f32 to vector<2000x128xf32>
    %logistic3A_31 = arith.addf %logistic3A_30, %logistic3A_28 : vector<2000x128xf32>
    %logistic3A_32 = arith.divf %logistic3A_30, %logistic3A_31 : vector<2000x128xf32>
    %mul3A = arith.mulf %logistic3A_32, %logistic3A_32 : vector<2000x128xf32>
    %reduce_sum3A = arith.constant dense<0.000000e+00> : vector<2000xf32>
    %reduce_sum3A_33 = vector.multi_reduction <add>, %mul3A, %reduce_sum3A [1] : vector<2000x128xf32> to vector<2000xf32>
    %broadcast_in_dim3A = vector.shape_cast %reduce_sum3A_33 : vector<2000xf32> to vector<2000x1xf32>
    %sqrt3A = math.sqrt %broadcast_in_dim3A : vector<2000x1xf32>
    %add3A_34 = arith.constant 9.99999996E-13 : f32
    %add3A_35 = vector.broadcast %add3A_34 : f32 to vector<2000x1xf32>
    %add3A_36 = arith.addf %sqrt3A, %add3A_35 : vector<2000x1xf32>
    %div3A_37 = vector.broadcast %add3A_36 : vector<2000x1xf32> to vector<2000x128xf32>
    %div3A_38 = arith.divf %logistic3A_32, %div3A_37 : vector<2000x128xf32>
    %swap3A = arith.constant 0 : index
    %swap3A_39 = arith.constant 0 : index
    %swap3A_40 = vector.load %arg6[%swap3A, %swap3A_39] : memref<2000x128xf32, #tpu.memory_space<vmem>>, vector<2000x128xf32>
    tpu.vector_store %arg6[%swap3A, %swap3A_39], %div3A_38 {strides = array<i32>} : memref<2000x128xf32, #tpu.memory_space<vmem>>, vector<2000x128xf32>,
    %convert_element_type3A_41 = arith.truncf %div3A_38 : vector<2000x128xf32> to vector<2000x128xbf16>
    %swap3A_42 = arith.constant 0 : index
    %swap3A_43 = arith.constant 0 : index
    %swap3A_44 = vector.load %arg7[%swap3A_42, %swap3A_43] : memref<2000x128xbf16, #tpu.memory_space<vmem>>, vector<2000x128xbf16>
    tpu.vector_store %arg7[%swap3A_42, %swap3A_43], %convert_element_type3A_41 {strides = array<i32>} : memref<2000x128xbf16, #tpu.memory_space<vmem>>, vector<2000x128xbf16>,
    return
  }
  func.func @transform_0(%arg0: i32) -> (i32, i32) {
    %c0_i32 = arith.constant 0 : i32
    %c0_i32_0 = arith.constant 0 : i32
    return %arg0, %c0_i32 : i32, i32
  }
  func.func @transform_1(%arg0: i32) -> (i32, i32) {
    %c0_i32 = arith.constant 0 : i32
    %c0_i32_0 = arith.constant 0 : i32
    return %arg0, %c0_i32 : i32, i32
  }
  func.func @transform_2(%arg0: i32) -> (i32, i32, i32) {
    %c0_i32 = arith.constant 0 : i32
    %c0_i32_0 = arith.constant 0 : i32
    %c0_i32_1 = arith.constant 0 : i32
    return %c0_i32, %arg0, %c0_i32_0 : i32, i32, i32
  }
  func.func @transform_3(%arg0: i32) -> (i32, i32, i32) {
    %c1_i32 = arith.constant 1 : i32
    %c0_i32 = arith.constant 0 : i32
    %c0_i32_0 = arith.constant 0 : i32
    return %c1_i32, %arg0, %c0_i32 : i32, i32, i32
  }
  func.func @transform_4(%arg0: i32) -> (i32, i32) {
    %c0_i32 = arith.constant 0 : i32
    %c0_i32_0 = arith.constant 0 : i32
    %c0_i32_1 = arith.constant 0 : i32
    return %c0_i32, %c0_i32_0 : i32, i32
  }
  func.func @transform_5(%arg0: i32) -> (i32, i32) {
    %c0_i32 = arith.constant 0 : i32
    %c0_i32_0 = arith.constant 0 : i32
    return %arg0, %c0_i32 : i32, i32
  }
  func.func @transform_6(%arg0: i32) -> (i32, i32) {
    %c0_i32 = arith.constant 0 : i32
    %c0_i32_0 = arith.constant 0 : i32
    return %arg0, %c0_i32 : i32, i32
  }
}

module attributes {stable_mosaic.version = 14 : i64} {
  func.func @body(%arg0: i32, %arg1: memref<2000x128xf32, #tpu.memory_space<vmem>>, %arg2: memref<2000x128xbf16, #tpu.memory_space<vmem>>, %arg3: memref<1x2000x8xf32, #tpu.memory_space<vmem>>, %arg4: memref<1x2000x8xf32, #tpu.memory_space<vmem>>, %arg5: memref<128x256xf32, #tpu.memory_space<vmem>>, %arg6: memref<2000x128xf32, #tpu.memory_space<vmem>>) attributes {dimension_semantics = [#tpu.dimension_semantics<parallel>], iteration_bounds = array<i64: 5>, scalar_prefetch = 0 : i64, scratch_operands = 0 : i64, tpu.core_type = #tpu.core_type<tc>, window_params = [{transform_indices = @transform_0, window_bounds = array<i64: 2000, 128>}, {transform_indices = @transform_1, window_bounds = array<i64: 2000, 128>}, {transform_indices = @transform_2, window_bounds = array<i64: 1, 2000, 8>}, {transform_indices = @transform_3, window_bounds = array<i64: 1, 2000, 8>}, {pipeline_mode = #tpu.pipeline_mode<synchronous>, transform_indices = @transform_4, window_bounds = array<i64: 128, 256>}, {transform_indices = @transform_5, window_bounds = array<i64: 2000, 128>}]} {
    %get3A = arith.constant 0 : index
    %get3A_0 = arith.constant 0 : index
    %get3A_1 = arith.constant 0 : index
    %get3A_2 = vector.load %arg3[%get3A, %get3A_0, %get3A_1] : memref<1x2000x8xf32, #tpu.memory_space<vmem>>, vector<1x2000x8xf32>
    %get3A_3 = vector.shape_cast %get3A_2 : vector<1x2000x8xf32> to vector<2000x8xf32>
    %get3A_4 = arith.constant 0 : index
    %get3A_5 = arith.constant 0 : index
    %get3A_6 = arith.constant 0 : index
    %get3A_7 = vector.load %arg4[%get3A_4, %get3A_5, %get3A_6] : memref<1x2000x8xf32, #tpu.memory_space<vmem>>, vector<1x2000x8xf32>
    %get3A_8 = vector.shape_cast %get3A_7 : vector<1x2000x8xf32> to vector<2000x8xf32>
    %add3A = arith.addf %get3A_3, %get3A_8 : vector<2000x8xf32>
    %slice3A = vector.extract_strided_slice %add3A {offsets = [0, 0], sizes = [2000, 1], strides = [1, 1]} : vector<2000x8xf32> to vector<2000x1xf32>
    %max3A = arith.constant 1.000000e+00 : f32
    %max3A_9 = vector.broadcast %max3A : f32 to vector<2000x1xf32>
    %max3A_10 = arith.maximumf %slice3A, %max3A_9 : vector<2000x1xf32>
    %get3A_11 = arith.constant 0 : index
    %get3A_12 = arith.constant 0 : index
    %get3A_13 = vector.load %arg2[%get3A_11, %get3A_12] : memref<2000x128xbf16, #tpu.memory_space<vmem>>, vector<2000x128xbf16>
    %convert_element_type3A = arith.extf %get3A_13 : vector<2000x128xbf16> to vector<2000x128xf32>
    %div3A = vector.broadcast %max3A_10 : vector<2000x1xf32> to vector<2000x128xf32>
    %div3A_14 = arith.divf %convert_element_type3A, %div3A : vector<2000x128xf32>
    %get3A_15 = arith.constant 0 : index
    %get3A_16 = arith.constant 0 : index
    %get3A_17 = vector.load %arg1[%get3A_15, %get3A_16] : memref<2000x128xf32, #tpu.memory_space<vmem>>, vector<2000x128xf32>
    %get3A_18 = arith.constant 0 : index
    %get3A_19 = arith.constant 0 : index
    %get3A_20 = vector.load %arg5[%get3A_18, %get3A_19] : memref<128x256xf32, #tpu.memory_space<vmem>>, vector<128x128xf32>
    %get3A_21 = arith.constant 0 : index
    %get3A_22 = arith.constant 128 : index
    %get3A_23 = vector.load %arg5[%get3A_21, %get3A_22] : memref<128x256xf32, #tpu.memory_space<vmem>>, vector<128x128xf32>
    %dot_general3A = arith.constant dense<0.000000e+00> : vector<2000x128xf32>
    %dot_general3A_24 = tpu.matmul %get3A_17, %get3A_20, %dot_general3A {dimension_numbers = #tpu.dot_dimension_numbers<[1], [1], [0], [0], [0, 0, 1, 0], [], []>, transpose_lhs_hint = false} : vector<2000x128xf32>, vector<128x128xf32>, vector<2000x128xf32> -> vector<2000x128xf32>
    %dot_general3A_25 = arith.constant dense<0.000000e+00> : vector<2000x128xf32>
    %dot_general3A_26 = tpu.matmul %div3A_14, %get3A_23, %dot_general3A_25 {dimension_numbers = #tpu.dot_dimension_numbers<[1], [1], [0], [0], [0, 0, 1, 0], [], []>, transpose_lhs_hint = false} : vector<2000x128xf32>, vector<128x128xf32>, vector<2000x128xf32> -> vector<2000x128xf32>
    %add3A_27 = arith.addf %dot_general3A_24, %dot_general3A_26 : vector<2000x128xf32>
    %logistic3A = arith.negf %add3A_27 : vector<2000x128xf32>
    %logistic3A_28 = math.exp %logistic3A : vector<2000x128xf32>
    %logistic3A_29 = arith.constant 1.000000e+00 : f32
    %logistic3A_30 = vector.broadcast %logistic3A_29 : f32 to vector<2000x128xf32>
    %logistic3A_31 = arith.addf %logistic3A_30, %logistic3A_28 : vector<2000x128xf32>
    %logistic3A_32 = arith.divf %logistic3A_30, %logistic3A_31 : vector<2000x128xf32>
    %mul3A = arith.mulf %logistic3A_32, %logistic3A_32 : vector<2000x128xf32>
    %reduce_sum3A = arith.constant dense<0.000000e+00> : vector<2000xf32>
    %reduce_sum3A_33 = vector.multi_reduction <add>, %mul3A, %reduce_sum3A [1] : vector<2000x128xf32> to vector<2000xf32>
    %broadcast_in_dim3A = vector.shape_cast %reduce_sum3A_33 : vector<2000xf32> to vector<2000x1xf32>
    %sqrt3A = math.sqrt %broadcast_in_dim3A : vector<2000x1xf32>
    %add3A_34 = arith.constant 9.99999996E-13 : f32
    %add3A_35 = vector.broadcast %add3A_34 : f32 to vector<2000x1xf32>
    %add3A_36 = arith.addf %sqrt3A, %add3A_35 : vector<2000x1xf32>
    %div3A_37 = vector.broadcast %add3A_36 : vector<2000x1xf32> to vector<2000x128xf32>
    %div3A_38 = arith.divf %logistic3A_32, %div3A_37 : vector<2000x128xf32>
    %swap3A = arith.constant 0 : index
    %swap3A_39 = arith.constant 0 : index
    %swap3A_40 = vector.load %arg6[%swap3A, %swap3A_39] : memref<2000x128xf32, #tpu.memory_space<vmem>>, vector<2000x128xf32>
    tpu.vector_store %arg6[%swap3A, %swap3A_39], %div3A_38 {strides = array<i32>} : memref<2000x128xf32, #tpu.memory_space<vmem>>, vector<2000x128xf32>,
    return
  }
  func.func @transform_0(%arg0: i32) -> (i32, i32) {
    %c0_i32 = arith.constant 0 : i32
    %c0_i32_0 = arith.constant 0 : i32
    return %arg0, %c0_i32 : i32, i32
  }
  func.func @transform_1(%arg0: i32) -> (i32, i32) {
    %c0_i32 = arith.constant 0 : i32
    %c0_i32_0 = arith.constant 0 : i32
    return %arg0, %c0_i32 : i32, i32
  }
  func.func @transform_2(%arg0: i32) -> (i32, i32, i32) {
    %c0_i32 = arith.constant 0 : i32
    %c0_i32_0 = arith.constant 0 : i32
    %c0_i32_1 = arith.constant 0 : i32
    return %c0_i32, %arg0, %c0_i32_0 : i32, i32, i32
  }
  func.func @transform_3(%arg0: i32) -> (i32, i32, i32) {
    %c1_i32 = arith.constant 1 : i32
    %c0_i32 = arith.constant 0 : i32
    %c0_i32_0 = arith.constant 0 : i32
    return %c1_i32, %arg0, %c0_i32 : i32, i32, i32
  }
  func.func @transform_4(%arg0: i32) -> (i32, i32) {
    %c0_i32 = arith.constant 0 : i32
    %c0_i32_0 = arith.constant 0 : i32
    %c0_i32_1 = arith.constant 0 : i32
    return %c0_i32, %c0_i32_0 : i32, i32
  }
  func.func @transform_5(%arg0: i32) -> (i32, i32) {
    %c0_i32 = arith.constant 0 : i32
    %c0_i32_0 = arith.constant 0 : i32
    return %arg0, %c0_i32 : i32, i32
  }
}

</mosaic_0001>

<sc_bundles>
// kernel: kernel.6.cloned.1.call-start
scs
__scs_entry_jumppad:
0x0: {  	(pc) =	sbr.rel $0x88, $3  }
0x1: {  	(tag) =	ssettag $0x0;
	lr =	simm.s32 $0x1  }
0x2: {  	[smem:$0x3F9D] =	sst lr;
	_ =	strace $0xD0000000  }
0x3: {  	_ = 	snop  }
0x4: {  	_ = 	snop  }
0x5: {  	_ = 	snop  }
0x6: {  	_ = 	snop  }
0x7: {  	_ = 	snop  }
__scs_overlays_trampoline_lowered:
0x8: {  	[smem:$0x3FAC] =	sst s0  }
0x9: {  	[smem:$0x3FAD] =	sst s1  }
0xa: {  	[smem:$0x3FAE] =	sst s2  }
0xb: {  	[smem:$0x3FAF] =	sst s3  }
0xc: {  	[smem:$0x3FB0] =	sst s4  }
0xd: {  	[smem:$0x3FB1] =	sst s5  }
0xe: {  	[smem:$0x3FB2] =	sst s6  }
0xf: {  	[smem:$0x3FB3] =	sst s7  }
0x10: {  	[smem:$0x3FB4] =	sst s8  }
0x11: {  	[smem:$0x3FB5] =	sst s9;
	s0 =	simm.s32 @!p0 $0x0  }
0x12: {  	s1 =	sld [smem:$0x3F9B];
	s0 =	simm.s32 @p0 $0x1  }
0x13: {  	[smem:$0x3FB6] =	sst s0;
	s0 =	simm.s32 @!p1 $0x0  }
0x14: {  	s2 =	sld [smem:$0x3F9A];
	s0 =	simm.s32 @p1 $0x1  }
0x15: {  	[smem:$0x3FB7] =	sst s0;
	s0 =	simm.s32 @!p2 $0x0  }
0x16: {  	s3 =	sld [smem:$0x3FDB];
	s0 =	simm.s32 @p2 $0x1  }
0x17: {  	s4 =	simm.s32 $0x1BF5;
	[smem:$0x3FB9] =	sst s0  }
0x18: {  	s0 =	sld [smem:$0x3F9C];
	_ =	swait.ge [sflag:s4], $0x0  }
0x19: {  	s7 =	sld [smem:$0x3F9D]  }
0x1a: {  	s8 =	sadd.s32 $0xFFFFE003, lr  }
0x1b: {  	s9 =	sadd.s32 $0xFFFFFEF7, lr;
	s5 =	simm.s32 $0xFFFFFFFF;
	p2 =	slt.u32 s8, $0xFFFFF086  }
0x1c: {  	p1 =	slt.u32 s9, $0xF7A;
	s5 =	simm.s32 @!p2 $0x0  }
0x1d: {  	s5 =	simm.s32 @p1 $0x1;
	p0 =	seq.s32 s7, s2  }
0x1e: {  	s7 =	smul.u32 @!p0 $0xF7A, s2;
	p2 =	seq.s32 @!p0 s5, $0x0  }
0x1f: {  	s9 =	smul.u32 $0xF7A, s1;
	s8 =	simm.s32 @!p0 $0x1BF5;
	p2 =	por !p2, p0  }
0x20: {  	[sflag:s8] =	ssyncset.s32 @!p0 $0xFFFFF086;
	s6 =	sadd.s32 @!p0 s3, s7;
	s7 =	simm.s32 @!p0 $0x108  }
0x21: {  	s3 =	sadd.s32 s3, s9;
	s6 =	sadd.s32 @!p0 $0x88, s6;
	s7 =	simm.s32 @p2 $0x1082  }
0x22: {  	[simem:s7], [sflag:s8] =	dma.local @!p0 [hbm:s6], $0xF7A  }
0x23: {  	s9 =	sor.u32 $0xD0000000, s2;
	s6 =	simm.s32 $0x108;
	_ =	swait.ge @!p0 [sflag:s8], $0x0  }
0x24: {  	s3 =	sadd.s32 $0x88, s3;
	s6 =	simm.s32 @!p1 $0x1082;
	[sflag:s4] =	ssyncset.s32 $0xFFFFF086  }
0x25: {  	[simem:s6], [sflag:s4] =	dma.local [hbm:s3], $0xF7A  }
0x26: {  	[smem:$0x3F9D] =	sst s1;
	(tag) =	ssettag s2;
	_ =	strace s9  }
0x27: {  	s1 =	sld [smem:$0x3FAD]  }
0x28: {  	s2 =	sld [smem:$0x3FAE]  }
0x29: {  	s4 =	sld [smem:$0x3FB0]  }
0x2a: {  	p0 =	seq.s32 s5, $0x0;
	s5 =	sld [smem:$0x3FB1]  }
0x2b: {  	s6 =	sld [smem:$0x3FB2]  }
0x2c: {  	s7 =	sld [smem:$0x3FB3]  }
0x2d: {  	s3 =	simm.s32 $0x108;
	s8 =	sld [smem:$0x3FB4]  }
0x2e: {  	s3 =	simm.s32 @!p0 $0x1082;
	s9 =	sld [smem:$0x3FB5]  }
0x2f: {  	lr =	sadd.s32 s0, s3;
	s0 =	sld [smem:$0x3FAC]  }
0x30: {  	s3 =	sld [smem:$0x3FAF]  }
0x31: {  	[smem:$0x3FB8] =	sst s10  }
0x32: {  	s10 =	sld [smem:$0x3FB6];
	_ =	sdelay $0x3  }
0x33: {  	p0 =	seq.s32 s10, $0x1;
	s10 =	sld [smem:$0x3FB8];
	_ =	sdelay $0x3  }
0x34: {  	[smem:$0x3FB8] =	sst s10  }
0x35: {  	s10 =	sld [smem:$0x3FB7];
	_ =	sdelay $0x3  }
0x36: {  	p1 =	seq.s32 s10, $0x1;
	s10 =	sld [smem:$0x3FB8];
	_ =	sdelay $0x3  }
0x37: {  	[smem:$0x3FB8] =	sst s10  }
0x38: {  	s10 =	sld [smem:$0x3FB9]  }
0x39: {  	_ = 	snop;
	(pc) =	sbr.ind lr, $3  }
0x3a: {  	_ = 	snop  }
0x3b: {  	_ = 	snop  }
0x3c: {  	p2 =	seq.s32 s10, $0x1;
	s10 =	sld [smem:$0x3FB8]  }
0x3d: {  	_ =	shalt  }
0x3e: {  	_ =	shalt  }
0x3f: {  	_ =	shalt  }
0x40: {  	_ =	shalt  }
0x41: {  	_ =	shalt  }
0x42: {  	_ =	shalt  }
0x43: {  	_ =	shalt  }
0x44: {  	_ =	shalt  }
0x45: {  	_ =	shalt  }
0x46: {  	_ =	shalt  }
0x47: {  	_ =	shalt  }
0x48: {  	_ =	shalt  }
0x49: {  	_ =	shalt  }
0x4a: {  	_ =	shalt  }
0x4b: {  	_ =	shalt  }
0x4c: {  	_ =	shalt  }
0x4d: {  	_ =	shalt  }
0x4e: {  	_ =	shalt  }
0x4f: {  	_ =	shalt  }
0x50: {  	_ =	shalt  }
0x51: {  	_ =	shalt  }
0x52: {  	_ =	shalt  }
0x53: {  	_ =	shalt  }
0x54: {  	_ =	shalt  }
0x55: {  	_ =	shalt  }
0x56: {  	_ =	shalt  }
0x57: {  	_ =	shalt  }
0x58: {  	_ =	shalt  }
0x59: {  	_ =	shalt  }
0x5a: {  	_ =	shalt  }
0x5b: {  	_ =	shalt  }
0x5c: {  	_ =	shalt  }
0x5d: {  	_ =	shalt  }
0x5e: {  	_ =	shalt  }
0x5f: {  	_ =	shalt  }
0x60: {  	_ =	shalt  }
0x61: {  	_ =	shalt  }
0x62: {  	_ =	shalt  }
0x63: {  	_ =	shalt  }
0x64: {  	_ =	shalt  }
0x65: {  	_ =	shalt  }
0x66: {  	_ =	shalt  }
0x67: {  	_ =	shalt  }
0x68: {  	_ =	shalt  }
0x69: {  	_ =	shalt  }
0x6a: {  	_ =	shalt  }
0x6b: {  	_ =	shalt  }
0x6c: {  	_ =	shalt  }
0x6d: {  	_ =	shalt  }
0x6e: {  	_ =	shalt  }
0x6f: {  	_ =	shalt  }
0x70: {  	_ =	shalt  }
0x71: {  	_ =	shalt  }
0x72: {  	_ =	shalt  }
0x73: {  	_ =	shalt  }
0x74: {  	_ =	shalt  }
0x75: {  	_ =	shalt  }
0x76: {  	_ =	shalt  }
0x77: {  	_ =	shalt  }
0x78: {  	_ =	shalt  }
0x79: {  	_ =	shalt  }
0x7a: {  	_ =	shalt  }
0x7b: {  	_ =	shalt  }
0x7c: {  	_ =	shalt  }
0x7d: {  	_ =	shalt  }
0x7e: {  	_ =	shalt  }
0x7f: {  	_ =	shalt  }
0x80: {  	_ =	shalt  }
0x81: {  	_ =	shalt  }
0x82: {  	_ =	shalt  }
0x83: {  	_ =	shalt  }
0x84: {  	_ =	shalt  }
0x85: {  	_ =	shalt  }
0x86: {  	_ =	shalt  }
0x87: {  	_ =	shalt  }
.Lfunc_end0:
.L_simem_size_0:
called_computation_lowered:
.L_overlay_start_0:
0x88: {  	s2 =	sld [smem:$0x3FD9]  }
0x89: {  	s3 =	sld [smem:$0x3FFE];
	_ =	sdelay $0x1  }
0x8a: {  	s1 =	srdreg.scid  }
0x8b: {  	s0 =	sand.u32 $0x1, s1  }
0x8c: {  	s17 =	sshll.u32 s0, $0xA;
	s2 =	sadd.s32 s3, s2  }
0x8d: {  	s2 =	sadd.s32 s2, s17  }
0x8e: {  	[smem:$0x3FC4] =	sst s2  }
0x8f: {  	_ = 	snop  }
0x90: {  	s2 =	sld [smem:$0x3FD0];
	(tm) =	ssettm $0x1  }
0x91: {  	s18 =	sld [smem:$0x3FFB];
	_ =	sdelay $0x3  }
0x92: {  	_ =	strace s18  }
0x93: {  	s3 =	sld [smem:$0x3FFC];
	_ =	sdelay $0x3  }
0x94: {  	_ =	strace s3  }
0x95: {  	s3 =	sld [smem:$0x3FFD];
	_ =	sdelay $0x3  }
0x96: {  	_ =	strace s3  }
0x97: {  	_ =	strace $0x8FFFFFFF  }
0x98: {  	s19 =	sld [smem:$0x3FDB];
	_ =	sdelay $0x1  }
0x99: {  	s4 =	simm.s32 $_scs_section_size  }
0x9a: {  	s5 =	simm.s32 $_size__tile_overlayer_lowered;
	s6 =	simm.s32 $_tile_overlayer_lowered  }
0x9b: {  	s22 =	simm.s32 $0x1BFF;
	s21 =	sshll.u32 s6, $0x1;
	s3 =	sadd.s32 s4, s19  }
0x9c: {  	s7 =	simm.s32 $0x0;
	s20 =	sshll.u32 s5, $0x1;
	s5 =	sadd.s32 s21, s3  }
0x9d: {  	[timem:s7], [sflag:s22] =	dma.local [hbm:s5], s20  }
0x9e: {  	_ =	swait.ge [sflag:s22], s20  }
0x9f: {  	s4 =	ssub.s32 $0x0, s20;
	[sflag:s22] =	ssyncset.done $0x0  }
0xa0: {  	[sflag:s22] =	ssyncadd.s32 s4;
	_ =	sdelay $0x1  }
0xa1: {  	s23 =	simm.s32 $0x1B8B  }
0xa2: {  	_ =	swait.ge [sflag:s23], $0x1  }
0xa3: {  	[sflag:s23] =	ssyncset.done $0x0  }
0xa4: {  	s25 =	simm.s32 $0x1B8E;
	s24 =	sld [smem:$0x3FFE];
	[sflag:s23] =	ssyncadd.s32 $0xFFFFFFFF  }
0xa5: {  	s26 =	simm.s32 $execute0_lowered;
	[smem:$0x3FD2] =	sst s25  }
0xa6: {  	s5 =	sshll.u32 s26, $0x1;
	_ =	strace $0x80000046;
	[dreg:$0x1] =	wrdreg $0xFFFFFFFF  }
0xa7: {  	s28 =	simm.s32 $_size_execute0_lowered;
	s3 =	sadd.s32 s3, s5;
	[dreg:$0x0] =	wrdreg $0x0  }
0xa8: {  	s5 =	sshll.u32 s28, $0x1;
	[dreg:$0x2] =	wrdreg s3  }
0xa9: {  	[dreg:$0x3] =	wrdreg s5  }
0xaa: {  	[dreg:$0x4] =	wrdreg $0xC0  }
0xab: {  	_ =	task [dreg:s7], $0x5FFFF  }
0xac: {  	[dreg:$0x1] =	wrdreg $0xFFFFFFFF  }
0xad: {  	[dreg:$0x0] =	wrdreg $0x60  }
0xae: {  	[dreg:$0x2] =	wrdreg s24  }
0xaf: {  	[dreg:$0x3] =	wrdreg s2  }
0xb0: {  	[dreg:$0x4] =	wrdreg $0x10000  }
0xb1: {  	[dreg:$0x5] =	wrdreg $0x77E80  }
0xb2: {  	[dreg:$0x6] =	wrdreg $0x9  }
0xb3: {  	_ =	task.clear_ibuf [dreg:s7], $0x7FFFF;
	_ =	strace $0x90000046  }
0xb4: {  	s29 =	simm.s32 $0x9;
	_ =	strace $0x80000048  }
0xb5: {  	_ =	swait.ge [sflag:s29], $0x1  }
0xb6: {  	[sflag:s29] =	ssyncadd.s32 $0xFFFFFFFF  }
0xb7: {  	_ =	strace $0x90000048  }
0xb8: {  	_ =	sfence  }
0xb9: {  	s30 =	sld [smem:$0x0];
	_ =	sdelay $0x2  }
0xba: {  	s31 =	sshll.u32 s1, $0xD;
	s1 =	sshrl.u32 s1, $0x2  }
0xbb: {  	s3 =	sand.u32 $0x4000, s31;
	s1 =	sadd.s32 s1, s30  }
0xbc: {  	s0 =	sor.u32 s3, s0;
	s1 =	sshll.u32 s1, $0x11  }
0xbd: {  	s0 =	sor.u32 s1, s0  }
0xbe: {  	s0 =	sadd.s32 $0x8F2B, s0  }
0xbf: {  	[sflag:s0] =	ssyncadd.remote.s32 $0x1  }
0xc0: {  	_ =	sfence.sel $0xFFFF  }
0xc1: {  	[dreg:$0x0] =	wrdreg $0xFFFFFFFF;
	(pc) =	sbr.abs _section_cstart, $3  }
0xc2: {  	[dreg:$0x1] =	wrdreg $0xFFFFFFFF  }
0xc3: {  	_ =	task.clear_ibuf [dreg:s7], $0x2FFFF;
	_ =	strace $0x9FFFFFFF  }
0xc4: {  	(tm) =	ssettm $0x7FFFFFFF  }
0xc5: {  	_ =	shalt  }
tec
execute0_lowered:
.L_overlay_start_1:
0x0: {  	(tag) =	ssettag $0x1  }
0x1: {  	s1 =	rddreg [dreg:$0x0]  }
0x2: {  	s4 =	rddreg [dreg:$0x1]  }
0x3: {  	s2 =	rddreg [dreg:$0x2]  }
0x4: {  	s3 =	rddreg [dreg:$0x3];
	s11 =	stileid.u32  }
0x5: {  	s18 =	simm.s32 $0x0;
	s0 =	srdreg.scid;
	s31 =	simm.s32 $0x15  }
0x6: {  	s28 =	simm.s32 $0x63E8;
	s5 =	smul.u32 $0xA00, s11;
	[smem:$0x7FF] =	sst s18  }
0x7: {  	s6 =	sand.u32 $0x1, s0;
	s0 =	smul.u32 $0x1400, s11;
	s9 =	sadd.s32 $0x2200, s1  }
0x8: {  	s21 =	sadd.s32 $0x2A000, s1;
	s11 =	smul.u32 $0x14000, s11;
	s12 =	sadd.s32 $0x29E00, s1  }
0x9: {  	_ =	strace $0x80000047;
	s7 =	sshll.u32 s6, $0x2;
	[dreg:$0x5] =	wrdreg s9  }
0xa: {  	s8 =	smul.u32 $0x14000, s6;
	[dreg:$0x6] =	wrdreg s21;
	s22 =	ssub.s32 $0x2, s6  }
0xb: {  	[dreg:$0x7] =	wrdreg s12;
	s23 =	sshll.u32 s6, $0x6;
	p0 =	sne.s32 s6, $0x0  }
0xc: {  	p1 =	seq.s32 s6, $0x0;
	s7 =	sadd.s32 s7, s1;
	s5 =	sadd.s32 s5, s1  }
0xd: {  	s10 =	sshrl.u32 s22, $0x1;
	s12 =	sadd.s32 $0x4000, s11;
	s13 =	sadd.s32 $0x8000, s11  }
0xe: {  	s14 =	sor.u32 s23, s11;
	s16 =	sadd.s32 $0xC000, s11;
	s17 =	sadd.s32 $0x10000, s11  }
0xf: {  	s8 =	sadd.s32 s0, s8;
	s9 =	ssub.s32 s22, s10;
	s29 =	sadd.s32 $0x1FE00, s5  }
0x10: {  	s15 =	sor.u32 s23, s12;
	s14 =	sshrl.u32 s14, $0x4;
	s19 =	sadd.s32 $0x15E10, s5  }
0x11: {  	s25 =	sor.u32 s23, s13;
	s20 =	sadd.s32 $0x1FE20, s5;
	[dreg:$0xe] =	wrdreg s19  }
0x12: {  	s26 =	sor.u32 s23, s16;
	s21 =	sadd.s32 $0x15E20, s5;
	[dreg:$0xf] =	wrdreg s20  }
0x13: {  	s10 =	sor.u32 s23, s17;
	s22 =	sadd.s32 $0x1FE30, s5;
	[dreg:$0x10] =	wrdreg s21  }
0x14: {  	s23 =	sadd.s32 $0x15E30, s5;
	s6 =	sadd.s32 $0x15E50, s5;
	[dreg:$0x11] =	wrdreg s22  }
0x15: {  	s30 =	sadd.s32 $0x2400, s7;
	s7 =	simm.s32 $0x12;
	[dreg:$0x12] =	wrdreg s23  }
0x16: {  	s8 =	sshrl.u32 s8, $0x3;
	s14 =	sadd.s32 s4, s14;
	[dreg:$0x16] =	wrdreg s6  }
0x17: {  	s15 =	sshrl.u32 s15, $0x4;
	s19 =	sadd.s32 $0x15E70, s5;
	[dreg:$0x8] =	wrdreg s14  }
0x18: {  	s23 =	sshrl.u32 s16, $0x2;
	s16 =	sadd.s32 s0, s3;
	[dreg:$0x1a] =	wrdreg s19  }
0x19: {  	s20 =	sshrl.u32 s11, $0x2;
	s24 =	sadd.s32 s4, s15;
	[smem:$0x7FD] =	sst s16  }
0x1a: {  	s14 =	sshrl.u32 s25, $0x4;
	s25 =	sadd.s32 $0x15E40, s5;
	[dreg:$0x9] =	wrdreg s24  }
0x1b: {  	s15 =	sshrl.u32 s26, $0x4;
	s26 =	sadd.s32 $0x1FE50, s5;
	[dreg:$0x14] =	wrdreg s25  }
0x1c: {  	s21 =	sshrl.u32 s12, $0x2;
	s6 =	sadd.s32 s20, s2;
	[dreg:$0x15] =	wrdreg s26  }
0x1d: {  	s22 =	sshrl.u32 s13, $0x2;
	s12 =	sadd.s32 s21, s2;
	[dreg:$0x1b] =	wrdreg s6  }
0x1e: {  	s10 =	sshrl.u32 s10, $0x4;
	s13 =	sadd.s32 s22, s2;
	[dreg:$0x1c] =	wrdreg s12  }
0x1f: {  	s11 =	simm.s32 $0x7D;
	s14 =	sadd.s32 s4, s14;
	[dreg:$0x1d] =	wrdreg s13  }
0x20: {  	s1 =	sadd.s32 s8, s1;
	s8 =	sadd.s32 s4, s15;
	[dreg:$0xa] =	wrdreg s14  }
0x21: {  	s22 =	simm.s32 $0xB328;
	s4 =	sadd.s32 s4, s10;
	[dreg:$0xb] =	wrdreg s8  }
0x22: {  	s19 =	simm.s32 $0x14;
	s15 =	sadd.s32 $0x1FE10, s5;
	[dreg:$0xc] =	wrdreg s4  }
0x23: {  	s10 =	sadd.s32 $0x15E00, s5;
	s24 =	sadd.s32 $0x1FE40, s5;
	[dreg:$0xd] =	wrdreg s15  }
0x24: {  	s25 =	sadd.s32 $0x2A400, s1;
	s26 =	smax.u32 s9, $0x1;
	[dreg:$0x13] =	wrdreg s24  }
0x25: {  	s1 =	simm.s32 $0xC2C8;
	s9 =	simm.s32 $0x0;
	[smem:$0x7FB] =	sst s25  }
0x26: {  	s8 =	sadd.s32 $0x1FE60, s5;
	s14 =	sadd.s32 $0x15E60, s5;
	[smem:$0x7FC] =	sst s26  }
.Ltmp0:
0x27: {  	s15 =	sadd.s32 $0x1FE70, s5;
	[dreg:$0x17] =	wrdreg s8;
	(pc) =	sbr.rel .LBB2_1-.Ltmp0, $4  }
0x28: {  	s5 =	sadd.s32 s23, s2;
	s24 =	sshrl.u32 s17, $0x2;
	[dreg:$0x18] =	wrdreg s14  }
0x29: {  	s23 =	simm.s32 $0x9368;
	s25 =	simm.s32 $0xA388;
	[dreg:$0x19] =	wrdreg s15  }
0x2a: {  	s4 =	sadd.s32 s24, s2;
	s8 =	simm.s32 $0x8F68;
	[dreg:$0x1e] =	wrdreg s5  }
0x2b: {  	s24 =	simm.s32 $0x93E8;
	s15 =	simm.s32 $0x13;
	[dreg:$0x1f] =	wrdreg s4  }
.LBB2_4:
0x2c: {  	[bflag:$0x0] =	sbarrier.arrive $0xFFFF  }
0x2d: {  	s18 =	simm.s32 $0x0;
	s6 =	rddreg [dreg:$0x1b]  }
0x2e: {  	[tilespmem:s18], [sflag:$0x15] =	stream.linear.gather [spmem:s6], $0x1000, $0x38;
	[tilespmem:$0xD268] =	vst v63  }
0x2f: {  	_ =	swait.ge [sflag:s31], $0x1000  }
0x30: {  	s8 =	simm.s32 $0x20;
	[sflag:s31] =	ssyncset.done $0x0  }
0x31: {  	s9 =	simm.s32 $0x40;
	s0 =	rddreg [dreg:$0x8];
	[sflag:s31] =	ssyncadd.s32 $0xFFFFF000  }
0x32: {  	[hbm4b:s0+s8] =	stream.strided.scatter [tilespmem:s18], [sflag:$0x15], $0x1000, s9, s8, $0x38;
	[tilespmem:$0xD268] =	vst v63  }
0x33: {  	_ =	swait.ge [sflag:s31], $0x1000  }
0x34: {  	[sflag:s31] =	ssyncset.done $0x0  }
0x35: {  	s12 =	rddreg [dreg:$0x1c];
	[sflag:s31] =	ssyncadd.s32 $0xFFFFF000  }
0x36: {  	[tilespmem:s18], [sflag:$0x15] =	stream.linear.gather [spmem:s12], $0x1000, $0x38;
	[tilespmem:$0xD268] =	vst v63  }
0x37: {  	_ =	swait.ge [sflag:s31], $0x1000  }
0x38: {  	[sflag:s31] =	ssyncset.done $0x0  }
0x39: {  	s4 =	rddreg [dreg:$0x9];
	[sflag:s31] =	ssyncadd.s32 $0xFFFFF000  }
0x3a: {  	[hbm4b:s4+s8] =	stream.strided.scatter [tilespmem:s18], [sflag:$0x15], $0x1000, s9, s8, $0x38;
	[tilespmem:$0xD268] =	vst v63  }
0x3b: {  	_ =	swait.ge [sflag:s31], $0x1000  }
0x3c: {  	[sflag:s31] =	ssyncset.done $0x0  }
0x3d: {  	s13 =	rddreg [dreg:$0x1d];
	[sflag:s31] =	ssyncadd.s32 $0xFFFFF000  }
0x3e: {  	[tilespmem:s18], [sflag:$0x15] =	stream.linear.gather [spmem:s13], $0x1000, $0x38;
	[tilespmem:$0xD268] =	vst v63  }
0x3f: {  	_ =	swait.ge [sflag:s31], $0x1000  }
0x40: {  	[sflag:s31] =	ssyncset.done $0x0  }
0x41: {  	s5 =	rddreg [dreg:$0xa];
	[sflag:s31] =	ssyncadd.s32 $0xFFFFF000  }
0x42: {  	[hbm4b:s5+s8] =	stream.strided.scatter [tilespmem:s18], [sflag:$0x15], $0x1000, s9, s8, $0x38;
	[tilespmem:$0xD268] =	vst v63  }
0x43: {  	_ =	swait.ge [sflag:s31], $0x1000  }
0x44: {  	[sflag:s31] =	ssyncset.done $0x0  }
0x45: {  	s5 =	rddreg [dreg:$0x1e];
	[sflag:s31] =	ssyncadd.s32 $0xFFFFF000  }
0x46: {  	[tilespmem:s18], [sflag:$0x15] =	stream.linear.gather [spmem:s5], $0x1000, $0x38;
	[tilespmem:$0xD268] =	vst v63  }
0x47: {  	_ =	swait.ge [sflag:s31], $0x1000  }
0x48: {  	[sflag:s31] =	ssyncset.done $0x0  }
0x49: {  	s16 =	rddreg [dreg:$0xb];
	[sflag:s31] =	ssyncadd.s32 $0xFFFFF000  }
0x4a: {  	[hbm4b:s16+s8] =	stream.strided.scatter [tilespmem:s18], [sflag:$0x15], $0x1000, s9, s8, $0x38;
	[tilespmem:$0xD268] =	vst v63  }
0x4b: {  	_ =	swait.ge [sflag:s31], $0x1000  }
0x4c: {  	[sflag:s31] =	ssyncset.done $0x0  }
0x4d: {  	s4 =	rddreg [dreg:$0x1f];
	[sflag:s31] =	ssyncadd.s32 $0xFFFFF000  }
0x4e: {  	[tilespmem:s18], [sflag:$0x15] =	stream.linear.gather [spmem:s4], $0x1000, $0x38;
	[tilespmem:$0xD268] =	vst v63  }
0x4f: {  	_ =	swait.ge [sflag:s31], $0x1000  }
0x50: {  	[sflag:s31] =	ssyncset.done $0x0  }
0x51: {  	s17 =	rddreg [dreg:$0xc];
	[sflag:s31] =	ssyncadd.s32 $0xFFFFF000  }
0x52: {  	[hbm4b:s17+s8] =	stream.strided.scatter [tilespmem:s18], [sflag:$0x15], $0x1000, s9, s8, $0x38;
	[tilespmem:$0xD268] =	vst v63  }
0x53: {  	_ =	swait.ge [sflag:s31], $0x1000  }
0x54: {  	s16 =	sld [smem:$0x7FD]  }
0x55: {  	[sflag:s31] =	ssyncset.done $0x0  }
0x56: {  	s28 =	simm.s32 $0x63E8;
	[sflag:s31] =	ssyncadd.s32 $0xFFFFF000  }
0x57: {  	[tilespmem:s28], [sflag:$0x15] =	stream.linear.gather [spmem:s16], $0x1400, $0x38;
	[tilespmem:$0xD268] =	vst v63  }
0x58: {  	_ =	swait.ge [sflag:s31], $0x1400  }
0x59: {  	s20 =	sld [smem:$0x7FB]  }
0x5a: {  	[sflag:s31] =	ssyncset.done $0x0  }
0x5b: {  	[sflag:s31] =	ssyncadd.s32 $0xFFFFEC00  }
0x5c: {  	[hbm4b:s20+s18] =	stream.linear.scatter [tilespmem:s28], [sflag:$0x15], $0x1400, $0x38;
	[tilespmem:$0xD268] =	vst v63  }
0x5d: {  	_ =	swait.ge [sflag:s31], $0x1400  }
0x5e: {  	s21 =	sld [smem:$0x7FA]  }
0x5f: {  	s26 =	sld [smem:$0x7FC];
	_ =	sdelay $0x1  }
0x60: {  	s9 =	sadd.s32 $0x1, s21  }
0x61: {  	p2 =	sne.s32 s9, s26  }
.Ltmp1:
0x62: {  	_ = 	snop;
	(pc) =	sbr.rel @!p2 .LBB2_5-.Ltmp1, $3  }
0x63: {  	_ =	sdelay $0x1  }
0x64: {  	[sflag:s31] =	ssyncset.done $0x0  }
0x65: {  	s29 =	smov.u32 s14;
	s8 =	simm.s32 $0x8F68;
	[sflag:s31] =	ssyncadd.s32 $0xFFFFEC00  }
.LBB2_1:
0x66: {  	[smem:$0x7FA] =	sst s9;
	s9 =	simm.s32 $0x8BE8  }
0x67: {  	[tilespmem:s9], [sflag:$0x1] =	stream.linear.gather [hbm4b:s29+s18], $0x80, $0x38;
	[tilespmem:$0xD268] =	vst v63  }
0x68: {  	s0 =	simm.s32 $0x8FE8  }
0x69: {  	[tilespmem:s0], [sflag:$0x9] =	stream.linear.gather [hbm4b:s10+s18], $0x80, $0x38;
	[tilespmem:$0xD268] =	vst v63  }
0x6a: {  	s20 =	rddreg [dreg:$0xd];
	s17 =	simm.s32 $0x8C68  }
0x6b: {  	[tilespmem:s17], [sflag:$0x2] =	stream.linear.gather [hbm4b:s20+s18], $0x80, $0x38;
	[tilespmem:$0xD268] =	vst v63  }
0x6c: {  	s21 =	rddreg [dreg:$0xe];
	s20 =	simm.s32 $0x9068  }
0x6d: {  	[tilespmem:s20], [sflag:$0xA] =	stream.linear.gather [hbm4b:s21+s18], $0x80, $0x38;
	[tilespmem:$0xD268] =	vst v63  }
0x6e: {  	s26 =	rddreg [dreg:$0xf];
	s20 =	simm.s32 $0x8CE8  }
0x6f: {  	[tilespmem:s20], [sflag:$0x3] =	stream.linear.gather [hbm4b:s26+s18], $0x80, $0x38;
	[tilespmem:$0xD268] =	vst v63  }
0x70: {  	s14 =	rddreg [dreg:$0x10];
	s21 =	simm.s32 $0x90E8  }
0x71: {  	[tilespmem:s21], [sflag:$0xB] =	stream.linear.gather [hbm4b:s14+s18], $0x80, $0x38;
	[tilespmem:$0xD268] =	vst v63  }
0x72: {  	s26 =	rddreg [dreg:$0x11];
	s21 =	simm.s32 $0x8D68  }
0x73: {  	[tilespmem:s21], [sflag:$0x4] =	stream.linear.gather [hbm4b:s26+s18], $0x80, $0x38;
	[tilespmem:$0xD268] =	vst v63  }
0x74: {  	s14 =	rddreg [dreg:$0x12];
	s26 =	simm.s32 $0x9168  }
0x75: {  	[tilespmem:s26], [sflag:$0xC] =	stream.linear.gather [hbm4b:s14+s18], $0x80, $0x38;
	[tilespmem:$0xD268] =	vst v63  }
0x76: {  	s26 =	rddreg [dreg:$0x13];
	s14 =	simm.s32 $0x8DE8  }
0x77: {  	[tilespmem:s14], [sflag:$0x5] =	stream.linear.gather [hbm4b:s26+s18], $0x80, $0x38;
	[tilespmem:$0xD268] =	vst v63  }
0x78: {  	s26 =	rddreg [dreg:$0x14];
	s14 =	simm.s32 $0x91E8  }
0x79: {  	[tilespmem:s14], [sflag:$0xD] =	stream.linear.gather [hbm4b:s26+s18], $0x80, $0x38;
	[tilespmem:$0xD268] =	vst v63  }
0x7a: {  	s26 =	rddreg [dreg:$0x15];
	s14 =	simm.s32 $0x8E68  }
0x7b: {  	[tilespmem:s14], [sflag:$0x6] =	stream.linear.gather [hbm4b:s26+s18], $0x80, $0x38;
	[tilespmem:$0xD268] =	vst v63  }
0x7c: {  	s26 =	rddreg [dreg:$0x16];
	s14 =	simm.s32 $0x9268  }
0x7d: {  	[tilespmem:s14], [sflag:$0xE] =	stream.linear.gather [hbm4b:s26+s18], $0x80, $0x38;
	[tilespmem:$0xD268] =	vst v63  }
0x7e: {  	s26 =	rddreg [dreg:$0x17];
	s14 =	simm.s32 $0x8EE8  }
0x7f: {  	[tilespmem:s14], [sflag:$0x7] =	stream.linear.gather [hbm4b:s26+s18], $0x80, $0x38;
	[tilespmem:$0xD268] =	vst v63  }
0x80: {  	s26 =	rddreg [dreg:$0x18];
	s14 =	simm.s32 $0x92E8  }
0x81: {  	[tilespmem:s14], [sflag:$0xF] =	stream.linear.gather [hbm4b:s26+s18], $0x80, $0x38;
	[tilespmem:$0xD268] =	vst v63  }
0x82: {  	s14 =	rddreg [dreg:$0x19]  }
0x83: {  	[tilespmem:s8], [sflag:$0x8] =	stream.linear.gather [hbm4b:s14+s18], $0x80, $0x38;
	[tilespmem:$0xD268] =	vst v63  }
0x84: {  	s26 =	rddreg [dreg:$0x1a];
	s8 =	simm.s32 $0x1  }
0x85: {  	[tilespmem:s23], [sflag:$0x10] =	stream.linear.gather [hbm4b:s26+s18], $0x80, $0x38;
	[tilespmem:$0xD268] =	vst v63  }
0x86: {  	_ =	swait.ge [sflag:s8], $0x80  }
0x87: {  	[sflag:s8] =	ssyncset.done $0x0  }
0x88: {  	s14 =	simm.s32 $0x2;
	[sflag:s8] =	ssyncadd.s32 $0xFFFFFF80  }
0x89: {  	[tilespmem:s24], [sflag:$0x11] =	stream.indirect.gather [hbm4b:s30+s11], $0x20, s9, s11, $0xb8;
	[tilespmem:$0xD268] =	vst v63  }
0x8a: {  	_ =	swait.ge [sflag:s14], $0x80  }
0x8b: {  	[sflag:s14] =	ssyncset.done $0x0  }
0x8c: {  	[sflag:s14] =	ssyncadd.s32 $0xFFFFFF80  }
0x8d: {  	[tilespmem:s25], [sflag:$0x12] =	stream.indirect.gather [hbm4b:s30+s11], $0x20, s17, s11, $0xb8;
	[tilespmem:$0xD268] =	vst v63  }
0x8e: {  	s17 =	simm.s32 $0x3  }
0x8f: {  	_ =	swait.ge [sflag:s17], $0x80  }
0x90: {  	[sflag:s17] =	ssyncset.done $0x0  }
0x91: {  	[sflag:s17] =	ssyncadd.s32 $0xFFFFFF80  }
0x92: {  	[tilespmem:s22], [sflag:$0x13] =	stream.indirect.gather [hbm4b:s30+s11], $0x20, s20, s11, $0xb8;
	[tilespmem:$0xD268] =	vst v63  }
0x93: {  	s22 =	simm.s32 $0x4  }
0x94: {  	_ =	swait.ge [sflag:s22], $0x80  }
0x95: {  	[sflag:s22] =	ssyncset.done $0x0  }
0x96: {  	[sflag:s22] =	ssyncadd.s32 $0xFFFFFF80  }
0x97: {  	[tilespmem:s1], [sflag:$0x14] =	stream.indirect.gather [hbm4b:s30+s11], $0x20, s21, s11, $0xb8;
	[tilespmem:$0xD268] =	vst v63  }
0x98: {  	s23 =	rddreg [dreg:$0x5]  }
0x99: {  	[tilespmem:s18], [sflag:$0x15] =	stream.linear.gather [hbm4b:s23+s18], $0x1000, $0x38;
	[tilespmem:$0xD268] =	vst v63  }
0x9a: {  	_ =	swait.ge [sflag:s31], $0x1000  }
0x9b: {  	[sflag:s31] =	ssyncset.done $0x0  }
0x9c: {  	[sflag:s31] =	ssyncadd.s32 $0xFFFFF000  }
0x9d: {  	[spmem:s6] =	stream.linear.scatter [tilespmem:s18], [sflag:$0x15], $0x1000, $0x38;
	[tilespmem:$0xD268] =	vst v63  }
0x9e: {  	_ =	swait.ge [sflag:s31], $0x1000  }
0x9f: {  	[sflag:s31] =	ssyncset.done $0x0  }
0xa0: {  	[sflag:s31] =	ssyncadd.s32 $0xFFFFF000  }
0xa1: {  	[spmem:s12] =	stream.linear.scatter [tilespmem:s18], [sflag:$0x15], $0x1000, $0x38;
	[tilespmem:$0xD268] =	vst v63  }
0xa2: {  	_ =	swait.ge [sflag:s31], $0x1000  }
0xa3: {  	[sflag:s31] =	ssyncset.done $0x0  }
0xa4: {  	[sflag:s31] =	ssyncadd.s32 $0xFFFFF000  }
0xa5: {  	[spmem:s13] =	stream.linear.scatter [tilespmem:s18], [sflag:$0x15], $0x1000, $0x38;
	[tilespmem:$0xD268] =	vst v63  }
0xa6: {  	_ =	swait.ge [sflag:s31], $0x1000  }
0xa7: {  	[sflag:s31] =	ssyncset.done $0x0  }
0xa8: {  	[sflag:s31] =	ssyncadd.s32 $0xFFFFF000  }
0xa9: {  	[spmem:s5] =	stream.linear.scatter [tilespmem:s18], [sflag:$0x15], $0x1000, $0x38;
	[tilespmem:$0xD268] =	vst v63  }
0xaa: {  	_ =	swait.ge [sflag:s31], $0x1000  }
0xab: {  	[sflag:s31] =	ssyncset.done $0x0  }
0xac: {  	[sflag:s31] =	ssyncadd.s32 $0xFFFFF000  }
0xad: {  	[spmem:s4] =	stream.linear.scatter [tilespmem:s18], [sflag:$0x15], $0x1000, $0x38;
	[tilespmem:$0xD268] =	vst v63  }
0xae: {  	_ =	swait.ge [sflag:s31], $0x1000  }
0xaf: {  	[sflag:s31] =	ssyncset.done $0x0  }
0xb0: {  	s25 =	simm.s32 $0x6000;
	s24 =	rddreg [dreg:$0x7];
	[sflag:s31] =	ssyncadd.s32 $0xFFFFF000  }
0xb1: {  	[tilespmem:s25], [sflag:$0x15] =	stream.linear.gather [hbm4b:s24+s18], $0x3E8, $0x38;
	[tilespmem:$0xD268] =	vst v63  }
0xb2: {  	_ =	swait.ge [sflag:s31], $0x3E8  }
0xb3: {  	[sflag:s31] =	ssyncset.done $0x0  }
0xb4: {  	s26 =	rddreg [dreg:$0x6];
	[sflag:s31] =	ssyncadd.s32 $0xFFFFFC18  }
0xb5: {  	[tilespmem:s28], [sflag:$0x15] =	stream.linear.gather [hbm4b:s26+s18], $0x1400, $0x38;
	[tilespmem:$0xD268] =	vst v63  }
0xb6: {  	_ =	swait.ge [sflag:s31], $0x1400  }
0xb7: {  	[sflag:s31] =	ssyncset.done $0x0  }
0xb8: {  	[sflag:s31] =	ssyncadd.s32 $0xFFFFEC00  }
0xb9: {  	[spmem:s16] =	stream.linear.scatter [tilespmem:s28], [sflag:$0x15], $0x1400, $0x38;
	[tilespmem:$0xD268] =	vst v63  }
0xba: {  	_ =	swait.ge [sflag:s31], $0x1400  }
0xbb: {  	[sflag:s31] =	ssyncset.done $0x0  }
0xbc: {  	s1 =	simm.s32 $0xC2C8;
	[sflag:s31] =	ssyncadd.s32 $0xFFFFEC00  }
0xbd: {  	s23 =	simm.s32 $0x9368;
	s26 =	simm.s32 $0x0;
	[bflag:$0x0] =	sbarrier.arrive $0xFFFF  }
.LBB2_2:
0xbe: {  	s24 =	simm.s32 $0x11  }
0xbf: {  	_ =	swait.ge [sflag:s24], $0xFA0  }
0xc0: {  	[sflag:s24] =	ssyncset.done $0x0  }
0xc1: {  	s0 =	simm.s32 $0x9;
	[sflag:s24] =	ssyncadd.s32 $0xFFFFF060  }
0xc2: {  	_ =	swait.ge [sflag:s0], $0x80  }
0xc3: {  	[sflag:s0] =	ssyncset.done $0x0  }
0xc4: {  	s18 =	simm.s32 $0x8FE8;
	s25 =	simm.s32 $0x93E8;
	[sflag:s0] =	ssyncadd.s32 $0xFFFFFF80  }
0xc5: {  	[spmem:s2] =	stream.indirect.scatter.add.bf16 [tilespmem:s25], [sflag:$0x15], $0x20, s18, s11, $0xb8;
	[tilespmem:$0xD268] =	vst v63  }
0xc6: {  	s28 =	simm.s32 @!p0 $0x7D;
	_ =	swait.ge [sflag:s31], $0xFA0  }
0xc7: {  	s13 =	simm.s32 @!p0 $0x6000;
	s4 =	simm.s32 @!p0 $0x15;
	[sflag:s31] =	ssyncset.done $0x0  }
0xc8: {  	p2 =	seq.s32 s26, $0x980;
	s0 =	simm.s32 @!p0 $0x8FE8;
	[sflag:s31] =	ssyncadd.s32 $0xFFFFF060  }
0xc9: {  	[spmem:s3] =	stream.indirect.scatter.add.f32 @!p0 [tilespmem:s13], [sflag:$0x15], $0x8, s0, s28, $0xb8;
	[tilespmem:$0xD268] =	vst v63  }
0xca: {  	s9 =	sadd.s32 @!p2 s26, s29;
	_ =	swait.ge @!p0 [sflag:s4], $0x3E8  }
0xcb: {  	s16 =	simm.s32 @!p2 $0x0;
	s12 =	simm.s32 @!p2 $0x8BE8;
	[sflag:s4] =	ssyncset.done @!p0 $0x0  }
0xcc: {  	s6 =	sadd.s32 @!p2 s26, s10;
	s0 =	sadd.s32 @!p2 $0x80, s9;
	[sflag:s4] =	ssyncadd.s32 @!p0 $0xFFFFFC18  }
0xcd: {  	[tilespmem:s12], [sflag:$0x1] =	stream.linear.gather @!p2 [hbm4b:s0+s16], $0x80, $0x38;
	[tilespmem:$0xD268] =	vst v63  }
0xce: {  	s20 =	simm.s32 $0x5;
	s5 =	simm.s32 @!p2 $0x8FE8;
	s0 =	sadd.s32 @!p2 $0x80, s6  }
0xcf: {  	[tilespmem:s5], [sflag:$0x9] =	stream.linear.gather @!p2 [hbm4b:s0+s16], $0x80, $0x38;
	[tilespmem:$0xD268] =	vst v63  }
0xd0: {  	_ =	swait.ge [sflag:s20], $0x80  }
0xd1: {  	[sflag:s20] =	ssyncset.done $0x0  }
0xd2: {  	s21 =	simm.s32 $0x8DE8;
	[sflag:s20] =	ssyncadd.s32 $0xFFFFFF80  }
0xd3: {  	[tilespmem:s25], [sflag:$0x11] =	stream.indirect.gather [hbm4b:s30+s11], $0x20, s21, s11, $0xb8;
	[tilespmem:$0xD268] =	vst v63  }
0xd4: {  	_ =	swait.ge [sflag:s7], $0xFA0  }
0xd5: {  	[sflag:s7] =	ssyncset.done $0x0  }
0xd6: {  	s22 =	simm.s32 $0xA;
	[sflag:s7] =	ssyncadd.s32 $0xFFFFF060  }
0xd7: {  	_ =	swait.ge [sflag:s22], $0x80  }
0xd8: {  	[sflag:s22] =	ssyncset.done $0x0  }
0xd9: {  	s5 =	simm.s32 $0x9068;
	[sflag:s22] =	ssyncadd.s32 $0xFFFFFF80;
	s22 =	simm.s32 $0xA388  }
0xda: {  	[spmem:s2] =	stream.indirect.scatter.add.bf16 [tilespmem:s22], [sflag:$0x15], $0x20, s5, s11, $0xb8;
	[tilespmem:$0xD268] =	vst v63  }
0xdb: {  	_ =	swait.ge [sflag:s31], $0xFA0  }
0xdc: {  	s14 =	smov.u32 s29;
	s29 =	simm.s32 @!p1 $0x7D;
	[sflag:s31] =	ssyncset.done $0x0  }
0xdd: {  	s0 =	simm.s32 @!p1 $0x6000;
	s5 =	simm.s32 @!p1 $0x9068;
	[sflag:s31] =	ssyncadd.s32 $0xFFFFF060  }
0xde: {  	[spmem:s3] =	stream.indirect.scatter.add.f32 @!p1 [tilespmem:s0], [sflag:$0x15], $0x8, s5, s29, $0xb8;
	[tilespmem:$0xD268] =	vst v63  }
0xdf: {  	s5 =	simm.s32 @!p1 $0x15  }
0xe0: {  	_ =	swait.ge @!p1 [sflag:s5], $0x3E8  }
0xe1: {  	[sflag:s5] =	ssyncset.done @!p1 $0x0  }
0xe2: {  	s17 =	sadd.s32 @!p2 $0x90, s9;
	s18 =	simm.s32 @!p2 $0x8C68;
	[sflag:s5] =	ssyncadd.s32 @!p1 $0xFFFFFC18  }
0xe3: {  	[tilespmem:s18], [sflag:$0x2] =	stream.linear.gather @!p2 [hbm4b:s17+s16], $0x80, $0x38;
	[tilespmem:$0xD268] =	vst v63  }
0xe4: {  	s8 =	simm.s32 $0x6;
	s20 =	simm.s32 @!p2 $0x9068;
	s17 =	sadd.s32 @!p2 $0x90, s6  }
0xe5: {  	[tilespmem:s20], [sflag:$0xA] =	stream.linear.gather @!p2 [hbm4b:s17+s16], $0x80, $0x38;
	[tilespmem:$0xD268] =	vst v63  }
0xe6: {  	_ =	swait.ge [sflag:s8], $0x80  }
0xe7: {  	[sflag:s8] =	ssyncset.done $0x0  }
0xe8: {  	[sflag:s8] =	ssyncadd.s32 $0xFFFFFF80;
	s8 =	simm.s32 $0x8E68  }
0xe9: {  	[tilespmem:s22], [sflag:$0x12] =	stream.indirect.gather [hbm4b:s30+s11], $0x20, s8, s11, $0xb8;
	[tilespmem:$0xD268] =	vst v63  }
0xea: {  	_ =	swait.ge [sflag:s15], $0xFA0  }
0xeb: {  	[sflag:s15] =	ssyncset.done $0x0  }
0xec: {  	s17 =	simm.s32 $0xB;
	[sflag:s15] =	ssyncadd.s32 $0xFFFFF060  }
0xed: {  	_ =	swait.ge [sflag:s17], $0x80  }
0xee: {  	[sflag:s17] =	ssyncset.done $0x0  }
0xef: {  	s20 =	simm.s32 $0x90E8;
	s8 =	simm.s32 $0xB328;
	[sflag:s17] =	ssyncadd.s32 $0xFFFFFF80  }
0xf0: {  	[spmem:s2] =	stream.indirect.scatter.add.bf16 [tilespmem:s8], [sflag:$0x15], $0x20, s20, s11, $0xb8;
	[tilespmem:$0xD268] =	vst v63  }
0xf1: {  	_ =	swait.ge [sflag:s31], $0xFA0  }
0xf2: {  	[sflag:s31] =	ssyncset.done $0x0  }
0xf3: {  	s17 =	simm.s32 @!p0 $0x90E8;
	[sflag:s31] =	ssyncadd.s32 $0xFFFFF060  }
0xf4: {  	[spmem:s3] =	stream.indirect.scatter.add.f32 @!p0 [tilespmem:s13], [sflag:$0x15], $0x8, s17, s28, $0xb8;
	[tilespmem:$0xD268] =	vst v63  }
0xf5: {  	_ =	swait.ge @!p0 [sflag:s4], $0x3E8  }
0xf6: {  	[sflag:s4] =	ssyncset.done @!p0 $0x0  }
0xf7: {  	s20 =	sadd.s32 @!p2 $0xA0, s9;
	s17 =	simm.s32 @!p2 $0x8CE8;
	[sflag:s4] =	ssyncadd.s32 @!p0 $0xFFFFFC18  }
0xf8: {  	[tilespmem:s17], [sflag:$0x3] =	stream.linear.gather @!p2 [hbm4b:s20+s16], $0x80, $0x38;
	[tilespmem:$0xD268] =	vst v63  }
0xf9: {  	s21 =	simm.s32 @!p2 $0x90E8;
	s20 =	sadd.s32 @!p2 $0xA0, s6  }
0xfa: {  	[tilespmem:s21], [sflag:$0xB] =	stream.linear.gather @!p2 [hbm4b:s20+s16], $0x80, $0x38;
	[tilespmem:$0xD268] =	vst v63  }
0xfb: {  	s21 =	simm.s32 $0x7  }
0xfc: {  	_ =	swait.ge [sflag:s21], $0x80  }
0xfd: {  	[sflag:s21] =	ssyncset.done $0x0  }
0xfe: {  	[sflag:s21] =	ssyncadd.s32 $0xFFFFFF80;
	s21 =	simm.s32 $0x8EE8  }
0xff: {  	[tilespmem:s8], [sflag:$0x13] =	stream.indirect.gather [hbm4b:s30+s11], $0x20, s21, s11, $0xb8;
	[tilespmem:$0xD268] =	vst v63  }
0x100: {  	_ =	swait.ge [sflag:s19], $0xFA0  }
0x101: {  	[sflag:s19] =	ssyncset.done $0x0  }
0x102: {  	s21 =	simm.s32 $0xC;
	[sflag:s19] =	ssyncadd.s32 $0xFFFFF060  }
0x103: {  	_ =	swait.ge [sflag:s21], $0x80  }
0x104: {  	[sflag:s21] =	ssyncset.done $0x0  }
0x105: {  	[sflag:s21] =	ssyncadd.s32 $0xFFFFFF80;
	s21 =	simm.s32 $0x9168  }
0x106: {  	[spmem:s2] =	stream.indirect.scatter.add.bf16 [tilespmem:s1], [sflag:$0x15], $0x20, s21, s11, $0xb8;
	[tilespmem:$0xD268] =	vst v63  }
0x107: {  	_ =	swait.ge [sflag:s31], $0xFA0  }
0x108: {  	[sflag:s31] =	ssyncset.done $0x0  }
0x109: {  	s20 =	simm.s32 @!p1 $0x9168;
	[sflag:s31] =	ssyncadd.s32 $0xFFFFF060  }
0x10a: {  	[spmem:s3] =	stream.indirect.scatter.add.f32 @!p1 [tilespmem:s0], [sflag:$0x15], $0x8, s20, s29, $0xb8;
	[tilespmem:$0xD268] =	vst v63  }
0x10b: {  	_ =	swait.ge @!p1 [sflag:s5], $0x3E8  }
0x10c: {  	[sflag:s5] =	ssyncset.done @!p1 $0x0  }
0x10d: {  	s21 =	simm.s32 @!p2 $0x8D68;
	s20 =	sadd.s32 @!p2 $0xB0, s9;
	[sflag:s5] =	ssyncadd.s32 @!p1 $0xFFFFFC18  }
0x10e: {  	[tilespmem:s21], [sflag:$0x4] =	stream.linear.gather @!p2 [hbm4b:s20+s16], $0x80, $0x38;
	[tilespmem:$0xD268] =	vst v63  }
0x10f: {  	s20 =	sadd.s32 @!p2 $0xB0, s6;
	s21 =	simm.s32 @!p2 $0x9168  }
0x110: {  	[tilespmem:s21], [sflag:$0xC] =	stream.linear.gather @!p2 [hbm4b:s20+s16], $0x80, $0x38;
	[tilespmem:$0xD268] =	vst v63  }
0x111: {  	s21 =	simm.s32 $0x8  }
0x112: {  	_ =	swait.ge [sflag:s21], $0x80  }
0x113: {  	[sflag:s21] =	ssyncset.done $0x0  }
0x114: {  	[sflag:s21] =	ssyncadd.s32 $0xFFFFFF80;
	s21 =	simm.s32 $0x8F68  }
0x115: {  	[tilespmem:s1], [sflag:$0x14] =	stream.indirect.gather [hbm4b:s30+s11], $0x20, s21, s11, $0xb8;
	[tilespmem:$0xD268] =	vst v63  }
0x116: {  	_ =	swait.ge [sflag:s24], $0xFA0  }
0x117: {  	[sflag:s24] =	ssyncset.done $0x0  }
0x118: {  	[sflag:s24] =	ssyncadd.s32 $0xFFFFF060;
	s24 =	simm.s32 $0xD  }
0x119: {  	_ =	swait.ge [sflag:s24], $0x80  }
0x11a: {  	[sflag:s24] =	ssyncset.done $0x0  }
0x11b: {  	s21 =	simm.s32 $0x91E8;
	[sflag:s24] =	ssyncadd.s32 $0xFFFFFF80  }
0x11c: {  	[spmem:s2] =	stream.indirect.scatter.add.bf16 [tilespmem:s25], [sflag:$0x15], $0x20, s21, s11, $0xb8;
	[tilespmem:$0xD268] =	vst v63  }
0x11d: {  	_ =	swait.ge [sflag:s31], $0xFA0  }
0x11e: {  	[sflag:s31] =	ssyncset.done $0x0  }
0x11f: {  	s20 =	simm.s32 @!p0 $0x91E8;
	[sflag:s31] =	ssyncadd.s32 $0xFFFFF060  }
0x120: {  	[spmem:s3] =	stream.indirect.scatter.add.f32 @!p0 [tilespmem:s13], [sflag:$0x15], $0x8, s20, s28, $0xb8;
	[tilespmem:$0xD268] =	vst v63  }
0x121: {  	_ =	swait.ge @!p0 [sflag:s4], $0x3E8  }
0x122: {  	[sflag:s4] =	ssyncset.done @!p0 $0x0  }
0x123: {  	s21 =	simm.s32 @!p2 $0x8DE8;
	s20 =	sadd.s32 @!p2 $0xC0, s9;
	[sflag:s4] =	ssyncadd.s32 @!p0 $0xFFFFFC18  }
0x124: {  	[tilespmem:s21], [sflag:$0x5] =	stream.linear.gather @!p2 [hbm4b:s20+s16], $0x80, $0x38;
	[tilespmem:$0xD268] =	vst v63  }
0x125: {  	s20 =	sadd.s32 @!p2 $0xC0, s6;
	s21 =	simm.s32 @!p2 $0x91E8  }
0x126: {  	[tilespmem:s21], [sflag:$0xD] =	stream.linear.gather @!p2 [hbm4b:s20+s16], $0x80, $0x38;
	[tilespmem:$0xD268] =	vst v63  }
0x127: {  	s20 =	simm.s32 @!p2 $0x1  }
0x128: {  	_ =	swait.ge @!p2 [sflag:s20], $0x80  }
0x129: {  	[sflag:s20] =	ssyncset.done @!p2 $0x0  }
0x12a: {  	s21 =	simm.s32 @!p2 $0x93E8;
	[sflag:s20] =	ssyncadd.s32 @!p2 $0xFFFFFF80;
	s20 =	simm.s32 @!p2 $0x7D  }
0x12b: {  	[tilespmem:s21], [sflag:$0x11] =	stream.indirect.gather @!p2 [hbm4b:s30+s20], $0x20, s12, s20, $0xb8;
	[tilespmem:$0xD268] =	vst v63  }
0x12c: {  	_ =	swait.ge [sflag:s7], $0xFA0  }
0x12d: {  	[sflag:s7] =	ssyncset.done $0x0  }
0x12e: {  	s25 =	simm.s32 $0xE;
	[sflag:s7] =	ssyncadd.s32 $0xFFFFF060  }
0x12f: {  	_ =	swait.ge [sflag:s25], $0x80  }
0x130: {  	[sflag:s25] =	ssyncset.done $0x0  }
0x131: {  	s21 =	simm.s32 $0x9268;
	[sflag:s25] =	ssyncadd.s32 $0xFFFFFF80  }
0x132: {  	[spmem:s2] =	stream.indirect.scatter.add.bf16 [tilespmem:s22], [sflag:$0x15], $0x20, s21, s11, $0xb8;
	[tilespmem:$0xD268] =	vst v63  }
0x133: {  	_ =	swait.ge [sflag:s31], $0xFA0  }
0x134: {  	[sflag:s31] =	ssyncset.done $0x0  }
0x135: {  	s12 =	simm.s32 @!p1 $0x9268;
	[sflag:s31] =	ssyncadd.s32 $0xFFFFF060  }
0x136: {  	[spmem:s3] =	stream.indirect.scatter.add.f32 @!p1 [tilespmem:s0], [sflag:$0x15], $0x8, s12, s29, $0xb8;
	[tilespmem:$0xD268] =	vst v63  }
0x137: {  	_ =	swait.ge @!p1 [sflag:s5], $0x3E8  }
0x138: {  	[sflag:s5] =	ssyncset.done @!p1 $0x0  }
0x139: {  	s21 =	simm.s32 @!p2 $0x8E68;
	s12 =	sadd.s32 @!p2 $0xD0, s9;
	[sflag:s5] =	ssyncadd.s32 @!p1 $0xFFFFFC18  }
0x13a: {  	[tilespmem:s21], [sflag:$0x6] =	stream.linear.gather @!p2 [hbm4b:s12+s16], $0x80, $0x38;
	[tilespmem:$0xD268] =	vst v63  }
0x13b: {  	s12 =	sadd.s32 @!p2 $0xD0, s6;
	s21 =	simm.s32 @!p2 $0x9268  }
0x13c: {  	[tilespmem:s21], [sflag:$0xE] =	stream.linear.gather @!p2 [hbm4b:s12+s16], $0x80, $0x38;
	[tilespmem:$0xD268] =	vst v63  }
0x13d: {  	s12 =	simm.s32 @!p2 $0x2  }
0x13e: {  	_ =	swait.ge @!p2 [sflag:s12], $0x80  }
0x13f: {  	[sflag:s12] =	ssyncset.done @!p2 $0x0  }
0x140: {  	[sflag:s12] =	ssyncadd.s32 @!p2 $0xFFFFFF80;
	s12 =	simm.s32 @!p2 $0xA388  }
0x141: {  	[tilespmem:s12], [sflag:$0x12] =	stream.indirect.gather @!p2 [hbm4b:s30+s20], $0x20, s18, s20, $0xb8;
	[tilespmem:$0xD268] =	vst v63  }
0x142: {  	_ =	swait.ge [sflag:s15], $0xFA0  }
0x143: {  	[sflag:s15] =	ssyncset.done $0x0  }
0x144: {  	s18 =	simm.s32 $0xF;
	[sflag:s15] =	ssyncadd.s32 $0xFFFFF060  }
0x145: {  	_ =	swait.ge [sflag:s18], $0x80  }
0x146: {  	[sflag:s18] =	ssyncset.done $0x0  }
0x147: {  	s21 =	simm.s32 $0x92E8;
	[sflag:s18] =	ssyncadd.s32 $0xFFFFFF80  }
0x148: {  	[spmem:s2] =	stream.indirect.scatter.add.bf16 [tilespmem:s8], [sflag:$0x15], $0x20, s21, s11, $0xb8;
	[tilespmem:$0xD268] =	vst v63  }
0x149: {  	_ =	swait.ge [sflag:s31], $0xFA0  }
0x14a: {  	[sflag:s31] =	ssyncset.done $0x0  }
0x14b: {  	s12 =	simm.s32 @!p0 $0x92E8;
	[sflag:s31] =	ssyncadd.s32 $0xFFFFF060  }
0x14c: {  	[spmem:s3] =	stream.indirect.scatter.add.f32 @!p0 [tilespmem:s13], [sflag:$0x15], $0x8, s12, s28, $0xb8;
	[tilespmem:$0xD268] =	vst v63  }
0x14d: {  	_ =	swait.ge @!p0 [sflag:s4], $0x3E8  }
0x14e: {  	[sflag:s4] =	ssyncset.done @!p0 $0x0  }
0x14f: {  	[sflag:s4] =	ssyncadd.s32 @!p0 $0xFFFFFC18;
	s4 =	sadd.s32 @!p2 $0xE0, s9;
	s9 =	simm.s32 @!p2 $0x8EE8  }
0x150: {  	[tilespmem:s9], [sflag:$0x7] =	stream.linear.gather @!p2 [hbm4b:s4+s16], $0x80, $0x38;
	[tilespmem:$0xD268] =	vst v63  }
0x151: {  	s4 =	sadd.s32 @!p2 $0xE0, s6;
	s6 =	simm.s32 @!p2 $0x92E8  }
0x152: {  	[tilespmem:s6], [sflag:$0xF] =	stream.linear.gather @!p2 [hbm4b:s4+s16], $0x80, $0x38;
	[tilespmem:$0xD268] =	vst v63  }
0x153: {  	s4 =	simm.s32 @!p2 $0x3  }
0x154: {  	_ =	swait.ge @!p2 [sflag:s4], $0x80  }
0x155: {  	[sflag:s4] =	ssyncset.done @!p2 $0x0  }
0x156: {  	[sflag:s4] =	ssyncadd.s32 @!p2 $0xFFFFFF80;
	s4 =	simm.s32 @!p2 $0xB328  }
0x157: {  	[tilespmem:s4], [sflag:$0x13] =	stream.indirect.gather @!p2 [hbm4b:s30+s20], $0x20, s17, s20, $0xb8;
	[tilespmem:$0xD268] =	vst v63  }
0x158: {  	_ =	swait.ge [sflag:s19], $0xFA0  }
0x159: {  	[sflag:s19] =	ssyncset.done $0x0  }
0x15a: {  	s28 =	simm.s32 $0x10;
	[sflag:s19] =	ssyncadd.s32 $0xFFFFF060  }
0x15b: {  	_ =	swait.ge [sflag:s28], $0x80  }
0x15c: {  	[sflag:s28] =	ssyncset.done $0x0  }
0x15d: {  	[sflag:s28] =	ssyncadd.s32 $0xFFFFFF80  }
0x15e: {  	[spmem:s2] =	stream.indirect.scatter.add.bf16 [tilespmem:s1], [sflag:$0x15], $0x20, s23, s11, $0xb8;
	[tilespmem:$0xD268] =	vst v63  }
0x15f: {  	_ =	swait.ge [sflag:s31], $0xFA0  }
0x160: {  	[sflag:s31] =	ssyncset.done $0x0  }
.Ltmp2:
0x161: {  	s4 =	simm.s32 @!p1 $0x9368;
	[sflag:s31] =	ssyncadd.s32 $0xFFFFF060;
	(pc) =	sbr.rel @p2 .LBB2_4-.Ltmp2, $4  }
0x162: {  	[spmem:s3] =	stream.indirect.scatter.add.f32 @!p1 [tilespmem:s0], [sflag:$0x15], $0x8, s4, s29, $0xb8;
	[tilespmem:$0xD268] =	vst v63  }
0x163: {  	s24 =	simm.s32 $0x93E8;
	_ =	swait.ge @!p1 [sflag:s5], $0x3E8  }
0x164: {  	s25 =	simm.s32 $0xA388;
	s22 =	simm.s32 $0xB328;
	[sflag:s5] =	ssyncset.done @!p1 $0x0  }
0x165: {  	s23 =	simm.s32 $0x9368;
	s1 =	simm.s32 $0xC2C8;
	[sflag:s5] =	ssyncadd.s32 @!p1 $0xFFFFFC18  }
0x166: {  	s0 =	sadd.s32 s26, s14;
	s4 =	simm.s32 $0x0  }
0x167: {  	s5 =	simm.s32 $0x8F68;
	s24 =	sadd.s32 s26, s10;
	s0 =	sadd.s32 $0xF0, s0  }
0x168: {  	[tilespmem:s5], [sflag:$0x8] =	stream.linear.gather [hbm4b:s0+s4], $0x80, $0x38;
	[tilespmem:$0xD268] =	vst v63  }
0x169: {  	s25 =	simm.s32 $0x4;
	s0 =	sadd.s32 $0xF0, s24  }
0x16a: {  	[tilespmem:s23], [sflag:$0x10] =	stream.linear.gather [hbm4b:s0+s4], $0x80, $0x38;
	[tilespmem:$0xD268] =	vst v63  }
.Ltmp3:
0x16b: {  	_ =	swait.ge [sflag:s25], $0x80;
	(pc) =	sbr.rel .LBB2_2-.Ltmp3, $4  }
0x16c: {  	[sflag:s25] =	ssyncset.done $0x0  }
0x16d: {  	s28 =	simm.s32 $0x8D68;
	s26 =	sadd.s32 $0x80, s26;
	[sflag:s25] =	ssyncadd.s32 $0xFFFFFF80  }
0x16e: {  	[tilespmem:s1], [sflag:$0x14] =	stream.indirect.gather [hbm4b:s30+s11], $0x20, s28, s11, $0xb8;
	[tilespmem:$0xD268] =	vst v63  }
0x16f: {  	s29 =	smov.u32 s14;
	s23 =	simm.s32 $0x9368;
	s1 =	simm.s32 $0xC2C8  }
.LBB2_5:
0x170: {  	_ =	sfence.sel $0x180000  }
0x171: {  	[bflag:$0x0] =	sbarrier.arrive $0xFFFF  }
0x172: {  	_ =	strace $0x90000047  }
0x173: {  	s0 =	stileid.u32;
	[bflag:$0x2] =	sbarrier.arrive $0xFFFF  }
0x174: {  	p0 =	sne.s32 s0, $0x0;
	s0 =	rddreg [dreg:$0x4]  }
0x175: {  	s0 =	sadd.s32 @!p0 $0x100000, s0  }
0x176: {  	[sflag:s0] =	ssyncadd.tile.s32 @!p0 $0x1;
	_ =	shalt  }
.Lfunc_end2:
_tile_overlayer_lowered:
.L_overlay_start_2:
0x177: {  	(tag) =	ssettag $0x2  }
0x178: {  	s0 =	rddreg [dreg:$0x0];
	s2 =	stileid.u32  }
0x179: {  	s1 =	rddreg [dreg:$0x1];
	p0 =	sne.s32 s2, $0x0  }
0x17a: {  	s3 =	rddreg [dreg:$0x2];
	[bflag:$0x3] =	sbarrier.arrive $0xFFFF;
	s2 =	simm.s32 @!p0 $0x1C15  }
0x17b: {  	[timem:s3], [sflag:s2] =	dma.local @!p0 [hbm:s0], s1  }
0x17c: {  	s0 =	simm.s32 @!p0 $0x15  }
0x17d: {  	_ =	swait.ge @!p0 [sflag:s0], s1  }
0x17e: {  	s1 =	ssub.s32 @!p0 $0x0, s1;
	[sflag:s0] =	ssyncset.done @!p0 $0x0  }
0x17f: {  	[sflag:s0] =	ssyncadd.s32 @!p0 s1  }
0x180: {  	[bflag:$0x3] =	sbarrier.arrive $0xFFFF  }
0x181: {  	_ =	shalt  }

// kernel: kernel.9.cloned.1.call-start
scs
__scs_entry_jumppad:
0x0: {  	(pc) =	sbr.rel $0x88, $3  }
0x1: {  	(tag) =	ssettag $0x0;
	lr =	simm.s32 $0x1  }
0x2: {  	[smem:$0x3F9D] =	sst lr;
	_ =	strace $0xD0000000  }
0x3: {  	_ = 	snop  }
0x4: {  	_ = 	snop  }
0x5: {  	_ = 	snop  }
0x6: {  	_ = 	snop  }
0x7: {  	_ = 	snop  }
__scs_overlays_trampoline_lowered:
0x8: {  	[smem:$0x3FAC] =	sst s0  }
0x9: {  	[smem:$0x3FAD] =	sst s1  }
0xa: {  	[smem:$0x3FAE] =	sst s2  }
0xb: {  	[smem:$0x3FAF] =	sst s3  }
0xc: {  	[smem:$0x3FB0] =	sst s4  }
0xd: {  	[smem:$0x3FB1] =	sst s5  }
0xe: {  	[smem:$0x3FB2] =	sst s6  }
0xf: {  	[smem:$0x3FB3] =	sst s7  }
0x10: {  	[smem:$0x3FB4] =	sst s8  }
0x11: {  	[smem:$0x3FB5] =	sst s9;
	s0 =	simm.s32 @!p0 $0x0  }
0x12: {  	s1 =	sld [smem:$0x3F9B];
	s0 =	simm.s32 @p0 $0x1  }
0x13: {  	[smem:$0x3FB6] =	sst s0;
	s0 =	simm.s32 @!p1 $0x0  }
0x14: {  	s2 =	sld [smem:$0x3F9A];
	s0 =	simm.s32 @p1 $0x1  }
0x15: {  	[smem:$0x3FB7] =	sst s0;
	s0 =	simm.s32 @!p2 $0x0  }
0x16: {  	s3 =	sld [smem:$0x3FDB];
	s0 =	simm.s32 @p2 $0x1  }
0x17: {  	s4 =	simm.s32 $0x1BF5;
	[smem:$0x3FB9] =	sst s0  }
0x18: {  	s0 =	sld [smem:$0x3F9C];
	_ =	swait.ge [sflag:s4], $0x0  }
0x19: {  	s7 =	sld [smem:$0x3F9D]  }
0x1a: {  	s8 =	sadd.s32 $0xFFFFE003, lr  }
0x1b: {  	s9 =	sadd.s32 $0xFFFFFEF7, lr;
	s5 =	simm.s32 $0xFFFFFFFF;
	p2 =	slt.u32 s8, $0xFFFFF086  }
0x1c: {  	p1 =	slt.u32 s9, $0xF7A;
	s5 =	simm.s32 @!p2 $0x0  }
0x1d: {  	s5 =	simm.s32 @p1 $0x1;
	p0 =	seq.s32 s7, s2  }
0x1e: {  	s7 =	smul.u32 @!p0 $0xF7A, s2;
	p2 =	seq.s32 @!p0 s5, $0x0  }
0x1f: {  	s9 =	smul.u32 $0xF7A, s1;
	s8 =	simm.s32 @!p0 $0x1BF5;
	p2 =	por !p2, p0  }
0x20: {  	[sflag:s8] =	ssyncset.s32 @!p0 $0xFFFFF086;
	s6 =	sadd.s32 @!p0 s3, s7;
	s7 =	simm.s32 @!p0 $0x108  }
0x21: {  	s3 =	sadd.s32 s3, s9;
	s6 =	sadd.s32 @!p0 $0x88, s6;
	s7 =	simm.s32 @p2 $0x1082  }
0x22: {  	[simem:s7], [sflag:s8] =	dma.local @!p0 [hbm:s6], $0xF7A  }
0x23: {  	s9 =	sor.u32 $0xD0000000, s2;
	s6 =	simm.s32 $0x108;
	_ =	swait.ge @!p0 [sflag:s8], $0x0  }
0x24: {  	s3 =	sadd.s32 $0x88, s3;
	s6 =	simm.s32 @!p1 $0x1082;
	[sflag:s4] =	ssyncset.s32 $0xFFFFF086  }
0x25: {  	[simem:s6], [sflag:s4] =	dma.local [hbm:s3], $0xF7A  }
0x26: {  	[smem:$0x3F9D] =	sst s1;
	(tag) =	ssettag s2;
	_ =	strace s9  }
0x27: {  	s1 =	sld [smem:$0x3FAD]  }
0x28: {  	s2 =	sld [smem:$0x3FAE]  }
0x29: {  	s4 =	sld [smem:$0x3FB0]  }
0x2a: {  	p0 =	seq.s32 s5, $0x0;
	s5 =	sld [smem:$0x3FB1]  }
0x2b: {  	s6 =	sld [smem:$0x3FB2]  }
0x2c: {  	s7 =	sld [smem:$0x3FB3]  }
0x2d: {  	s3 =	simm.s32 $0x108;
	s8 =	sld [smem:$0x3FB4]  }
0x2e: {  	s3 =	simm.s32 @!p0 $0x1082;
	s9 =	sld [smem:$0x3FB5]  }
0x2f: {  	lr =	sadd.s32 s0, s3;
	s0 =	sld [smem:$0x3FAC]  }
0x30: {  	s3 =	sld [smem:$0x3FAF]  }
0x31: {  	[smem:$0x3FB8] =	sst s10  }
0x32: {  	s10 =	sld [smem:$0x3FB6];
	_ =	sdelay $0x3  }
0x33: {  	p0 =	seq.s32 s10, $0x1;
	s10 =	sld [smem:$0x3FB8];
	_ =	sdelay $0x3  }
0x34: {  	[smem:$0x3FB8] =	sst s10  }
0x35: {  	s10 =	sld [smem:$0x3FB7];
	_ =	sdelay $0x3  }
0x36: {  	p1 =	seq.s32 s10, $0x1;
	s10 =	sld [smem:$0x3FB8];
	_ =	sdelay $0x3  }
0x37: {  	[smem:$0x3FB8] =	sst s10  }
0x38: {  	s10 =	sld [smem:$0x3FB9]  }
0x39: {  	_ = 	snop;
	(pc) =	sbr.ind lr, $3  }
0x3a: {  	_ = 	snop  }
0x3b: {  	_ = 	snop  }
0x3c: {  	p2 =	seq.s32 s10, $0x1;
	s10 =	sld [smem:$0x3FB8]  }
0x3d: {  	_ =	shalt  }
0x3e: {  	_ =	shalt  }
0x3f: {  	_ =	shalt  }
0x40: {  	_ =	shalt  }
0x41: {  	_ =	shalt  }
0x42: {  	_ =	shalt  }
0x43: {  	_ =	shalt  }
0x44: {  	_ =	shalt  }
0x45: {  	_ =	shalt  }
0x46: {  	_ =	shalt  }
0x47: {  	_ =	shalt  }
0x48: {  	_ =	shalt  }
0x49: {  	_ =	shalt  }
0x4a: {  	_ =	shalt  }
0x4b: {  	_ =	shalt  }
0x4c: {  	_ =	shalt  }
0x4d: {  	_ =	shalt  }
0x4e: {  	_ =	shalt  }
0x4f: {  	_ =	shalt  }
0x50: {  	_ =	shalt  }
0x51: {  	_ =	shalt  }
0x52: {  	_ =	shalt  }
0x53: {  	_ =	shalt  }
0x54: {  	_ =	shalt  }
0x55: {  	_ =	shalt  }
0x56: {  	_ =	shalt  }
0x57: {  	_ =	shalt  }
0x58: {  	_ =	shalt  }
0x59: {  	_ =	shalt  }
0x5a: {  	_ =	shalt  }
0x5b: {  	_ =	shalt  }
0x5c: {  	_ =	shalt  }
0x5d: {  	_ =	shalt  }
0x5e: {  	_ =	shalt  }
0x5f: {  	_ =	shalt  }
0x60: {  	_ =	shalt  }
0x61: {  	_ =	shalt  }
0x62: {  	_ =	shalt  }
0x63: {  	_ =	shalt  }
0x64: {  	_ =	shalt  }
0x65: {  	_ =	shalt  }
0x66: {  	_ =	shalt  }
0x67: {  	_ =	shalt  }
0x68: {  	_ =	shalt  }
0x69: {  	_ =	shalt  }
0x6a: {  	_ =	shalt  }
0x6b: {  	_ =	shalt  }
0x6c: {  	_ =	shalt  }
0x6d: {  	_ =	shalt  }
0x6e: {  	_ =	shalt  }
0x6f: {  	_ =	shalt  }
0x70: {  	_ =	shalt  }
0x71: {  	_ =	shalt  }
0x72: {  	_ =	shalt  }
0x73: {  	_ =	shalt  }
0x74: {  	_ =	shalt  }
0x75: {  	_ =	shalt  }
0x76: {  	_ =	shalt  }
0x77: {  	_ =	shalt  }
0x78: {  	_ =	shalt  }
0x79: {  	_ =	shalt  }
0x7a: {  	_ =	shalt  }
0x7b: {  	_ =	shalt  }
0x7c: {  	_ =	shalt  }
0x7d: {  	_ =	shalt  }
0x7e: {  	_ =	shalt  }
0x7f: {  	_ =	shalt  }
0x80: {  	_ =	shalt  }
0x81: {  	_ =	shalt  }
0x82: {  	_ =	shalt  }
0x83: {  	_ =	shalt  }
0x84: {  	_ =	shalt  }
0x85: {  	_ =	shalt  }
0x86: {  	_ =	shalt  }
0x87: {  	_ =	shalt  }
.Lfunc_end0:
.L_simem_size_0:
called_computation.1_lowered:
.L_overlay_start_0:
0x88: {  	s2 =	sld [smem:$0x3FD9]  }
0x89: {  	s3 =	sld [smem:$0x3FFE];
	_ =	sdelay $0x1  }
0x8a: {  	s1 =	srdreg.scid  }
0x8b: {  	s0 =	sand.u32 $0x1, s1  }
0x8c: {  	s17 =	sshll.u32 s0, $0xA;
	s2 =	sadd.s32 s3, s2  }
0x8d: {  	s2 =	sadd.s32 s2, s17  }
0x8e: {  	[smem:$0x3FC4] =	sst s2  }
0x8f: {  	_ = 	snop  }
0x90: {  	s2 =	sld [smem:$0x3FD0];
	(tm) =	ssettm $0x1  }
0x91: {  	s18 =	sld [smem:$0x3FFB];
	_ =	sdelay $0x3  }
0x92: {  	_ =	strace s18  }
0x93: {  	s3 =	sld [smem:$0x3FFC];
	_ =	sdelay $0x3  }
0x94: {  	_ =	strace s3  }
0x95: {  	s3 =	sld [smem:$0x3FFD];
	_ =	sdelay $0x3  }
0x96: {  	_ =	strace s3  }
0x97: {  	_ =	strace $0x8FFFFFFF  }
0x98: {  	s19 =	sld [smem:$0x3FDB];
	_ =	sdelay $0x1  }
0x99: {  	s4 =	simm.s32 $_scs_section_size  }
0x9a: {  	s5 =	simm.s32 $_size__tile_overlayer_lowered;
	s6 =	simm.s32 $_tile_overlayer_lowered  }
0x9b: {  	s22 =	simm.s32 $0x1BFF;
	s21 =	sshll.u32 s6, $0x1;
	s3 =	sadd.s32 s4, s19  }
0x9c: {  	s7 =	simm.s32 $0x0;
	s20 =	sshll.u32 s5, $0x1;
	s5 =	sadd.s32 s21, s3  }
0x9d: {  	[timem:s7], [sflag:s22] =	dma.local [hbm:s5], s20  }
0x9e: {  	_ =	swait.ge [sflag:s22], s20  }
0x9f: {  	s4 =	ssub.s32 $0x0, s20;
	[sflag:s22] =	ssyncset.done $0x0  }
0xa0: {  	[sflag:s22] =	ssyncadd.s32 s4;
	_ =	sdelay $0x1  }
0xa1: {  	s23 =	simm.s32 $0x1B8B  }
0xa2: {  	_ =	swait.ge [sflag:s23], $0x1  }
0xa3: {  	[sflag:s23] =	ssyncset.done $0x0  }
0xa4: {  	s25 =	simm.s32 $0x1B8E;
	s24 =	sld [smem:$0x3FFE];
	[sflag:s23] =	ssyncadd.s32 $0xFFFFFFFF  }
0xa5: {  	s26 =	simm.s32 $execute0_lowered;
	[smem:$0x3FD2] =	sst s25  }
0xa6: {  	s5 =	sshll.u32 s26, $0x1;
	_ =	strace $0x80000049;
	[dreg:$0x1] =	wrdreg $0xFFFFFFFF  }
0xa7: {  	s28 =	simm.s32 $_size_execute0_lowered;
	s3 =	sadd.s32 s3, s5;
	[dreg:$0x0] =	wrdreg $0x0  }
0xa8: {  	s5 =	sshll.u32 s28, $0x1;
	[dreg:$0x2] =	wrdreg s3  }
0xa9: {  	[dreg:$0x3] =	wrdreg s5  }
0xaa: {  	[dreg:$0x4] =	wrdreg $0xC0  }
0xab: {  	_ =	task [dreg:s7], $0x5FFFF  }
0xac: {  	[dreg:$0x1] =	wrdreg $0xFFFFFFFF  }
0xad: {  	[dreg:$0x0] =	wrdreg $0x60  }
0xae: {  	[dreg:$0x2] =	wrdreg s24  }
0xaf: {  	[dreg:$0x3] =	wrdreg s2  }
0xb0: {  	[dreg:$0x4] =	wrdreg $0x10000  }
0xb1: {  	[dreg:$0x5] =	wrdreg $0x9  }
0xb2: {  	_ =	task.clear_ibuf [dreg:s7], $0x6FFFF;
	_ =	strace $0x90000049  }
0xb3: {  	s29 =	simm.s32 $0x9;
	_ =	strace $0x8000004B  }
0xb4: {  	_ =	swait.ge [sflag:s29], $0x1  }
0xb5: {  	[sflag:s29] =	ssyncadd.s32 $0xFFFFFFFF  }
0xb6: {  	_ =	strace $0x9000004B  }
0xb7: {  	_ =	sfence  }
0xb8: {  	s30 =	sld [smem:$0x0];
	_ =	sdelay $0x2  }
0xb9: {  	s31 =	sshll.u32 s1, $0xD;
	s1 =	sshrl.u32 s1, $0x2  }
0xba: {  	s3 =	sand.u32 $0x4000, s31;
	s1 =	sadd.s32 s1, s30  }
0xbb: {  	s0 =	sor.u32 s3, s0;
	s1 =	sshll.u32 s1, $0x11  }
0xbc: {  	s0 =	sor.u32 s1, s0  }
0xbd: {  	s0 =	sadd.s32 $0x8F2B, s0  }
0xbe: {  	[sflag:s0] =	ssyncadd.remote.s32 $0x1  }
0xbf: {  	_ =	sfence.sel $0xFFFF  }
0xc0: {  	[dreg:$0x0] =	wrdreg $0xFFFFFFFF;
	(pc) =	sbr.abs _section_cstart, $3  }
0xc1: {  	[dreg:$0x1] =	wrdreg $0xFFFFFFFF  }
0xc2: {  	_ =	task.clear_ibuf [dreg:s7], $0x2FFFF;
	_ =	strace $0x9FFFFFFF  }
0xc3: {  	(tm) =	ssettm $0x7FFFFFFF  }
tec
execute0_lowered:
.L_overlay_start_1:
0x0: {  	(tag) =	ssettag $0x1  }
0x1: {  	s0 =	rddreg [dreg:$0x0]  }
0x2: {  	s2 =	rddreg [dreg:$0x1]  }
0x3: {  	s1 =	rddreg [dreg:$0x2];
	s3 =	simm.s32 $0x0  }
0x4: {  	s4 =	srdreg.scid;
	s10 =	stileid.u32;
	s31 =	simm.s32 $0x6380  }
0x5: {  	s28 =	simm.s32 $0x11;
	s4 =	sand.u32 $0x1, s4;
	s6 =	smul.u32 $0xA00, s10  }
0x6: {  	[smem:$0x7FF] =	sst s3;
	s5 =	sshll.u32 s4, $0x2;
	s7 =	ssub.s32 $0x2, s4  }
0x7: {  	s8 =	sadd.s32 s5, s0;
	s9 =	sadd.s32 s6, s0;
	s0 =	sadd.s32 $0x2200, s0  }
0x8: {  	_ =	strace $0x8000004A;
	[dreg:$0x4] =	wrdreg s0;
	s19 =	sadd.s32 $0x1FE10, s9  }
0x9: {  	s4 =	sshll.u32 s4, $0x6;
	s20 =	sadd.s32 $0x15E10, s9;
	[dreg:$0x5] =	wrdreg s19  }
0xa: {  	s18 =	sshrl.u32 s7, $0x1;
	s21 =	sadd.s32 $0x1FE20, s9;
	[dreg:$0x6] =	wrdreg s20  }
0xb: {  	s0 =	ssub.s32 s7, s18;
	s22 =	sadd.s32 $0x15E20, s9;
	[dreg:$0x7] =	wrdreg s21  }
0xc: {  	s5 =	sadd.s32 $0x1FE00, s9;
	s23 =	sadd.s32 $0x1FE30, s9;
	[dreg:$0x8] =	wrdreg s22  }
0xd: {  	s6 =	sadd.s32 $0x15E00, s9;
	s16 =	sadd.s32 $0x15E40, s9;
	[dreg:$0x9] =	wrdreg s23  }
0xe: {  	s7 =	smul.u32 $0x14000, s10;
	s17 =	sadd.s32 $0x1FE50, s9;
	[dreg:$0x11] =	wrdreg s16  }
0xf: {  	s18 =	sadd.s32 $0x15E50, s9;
	s10 =	simm.s32 $0x6800;
	[dreg:$0x12] =	wrdreg s17  }
0x10: {  	[dreg:$0x13] =	wrdreg s18;
	s19 =	sadd.s32 $0x1FE60, s9;
	s20 =	sadd.s32 $0x15E60, s9  }
0x11: {  	s21 =	sadd.s32 $0x1FE70, s9;
	s22 =	sadd.s32 $0x15E70, s9;
	s0 =	smax.u32 s0, $0x1  }
0x12: {  	s16 =	simm.s32 $0xF;
	s17 =	simm.s32 $0x10;
	[dreg:$0x14] =	wrdreg s19  }
0x13: {  	s24 =	sadd.s32 $0x4000, s7;
	s11 =	sadd.s32 $0x8000, s7;
	[dreg:$0x15] =	wrdreg s20  }
0x14: {  	s12 =	sor.u32 s4, s7;
	s13 =	sadd.s32 $0xC000, s7;
	[dreg:$0x16] =	wrdreg s21  }
0x15: {  	s15 =	sadd.s32 $0x10000, s7;
	[dreg:$0x17] =	wrdreg s22;
	s23 =	sshrl.u32 s7, $0x2  }
0x16: {  	[dreg:$0x1d] =	wrdreg s0;
	s22 =	simm.s32 $0x7D;
	s21 =	simm.s32 $0x96E0  }
0x17: {  	s0 =	simm.s32 $0x0;
	s12 =	sshrl.u32 s12, $0x4;
	s14 =	sor.u32 s4, s24  }
0x18: {  	s26 =	sor.u32 s4, s11;
	s29 =	sor.u32 s4, s13;
	s4 =	sor.u32 s4, s15  }
0x19: {  	s24 =	sshrl.u32 s24, $0x2;
	s18 =	sadd.s32 s23, s1;
	s12 =	sadd.s32 s2, s12  }
0x1a: {  	s25 =	sshrl.u32 s14, $0x4;
	s14 =	sshrl.u32 s29, $0x4;
	s4 =	sshrl.u32 s4, $0x4  }
0x1b: {  	s19 =	sadd.s32 s24, s1;
	s29 =	sshrl.u32 s13, $0x2;
	[dreg:$0x18] =	wrdreg s18  }
0x1c: {  	s24 =	simm.s32 $0x15;
	s13 =	simm.s32 $0xC;
	[dreg:$0xa] =	wrdreg s12  }
0x1d: {  	s12 =	sadd.s32 s2, s25;
	s30 =	sadd.s32 s2, s14;
	[dreg:$0x19] =	wrdreg s19  }
0x1e: {  	s14 =	sadd.s32 $0x1FE40, s9;
	s25 =	sshrl.u32 s11, $0x2;
	[dreg:$0xb] =	wrdreg s12  }
0x1f: {  	s11 =	simm.s32 $0x77A0;
	s12 =	sshrl.u32 s26, $0x4;
	[dreg:$0xd] =	wrdreg s30  }
0x20: {  	[dreg:$0x10] =	wrdreg s14;
	s26 =	sadd.s32 $0x2400, s8;
	s20 =	sadd.s32 s25, s1  }
0x21: {  	s30 =	sshrl.u32 s15, $0x2;
	s12 =	sadd.s32 s2, s12;
	[dreg:$0x1a] =	wrdreg s20  }
.Ltmp0:
0x22: {  	s2 =	sadd.s32 s2, s4;
	[dreg:$0xc] =	wrdreg s12;
	(pc) =	sbr.rel .LBB2_1-.Ltmp0, $4  }
0x23: {  	s8 =	simm.s32 $0x8740;
	s4 =	sadd.s32 s29, s1;
	[dreg:$0xe] =	wrdreg s2  }
0x24: {  	s14 =	simm.s32 $0x8;
	s23 =	sadd.s32 s30, s1;
	[dreg:$0x1b] =	wrdreg s4  }
0x25: {  	s15 =	simm.s32 $0xD;
	s12 =	sadd.s32 $0x15E30, s9;
	[dreg:$0x1c] =	wrdreg s23  }
0x26: {  	s9 =	simm.s32 $0x13;
	[dreg:$0xf] =	wrdreg s12;
	s12 =	simm.s32 $0x14  }
.LBB2_4:
0x27: {  	_ =	swait.ge [sflag:s12], $0xFA0  }
0x28: {  	[sflag:s12] =	ssyncset.done $0x0  }
0x29: {  	[sflag:s12] =	ssyncadd.s32 $0xFFFFF060  }
0x2a: {  	_ =	swait.ge [sflag:s17], $0x80  }
0x2b: {  	[sflag:s17] =	ssyncset.done $0x0  }
0x2c: {  	s0 =	simm.s32 $0x6780;
	[sflag:s17] =	ssyncadd.s32 $0xFFFFFF80  }
0x2d: {  	[spmem:s1] =	stream.indirect.scatter.add.bf16 [tilespmem:s21], [sflag:$0x15], $0x20, s0, s22, $0xb8;
	[tilespmem:$0xA680] =	vst v63  }
0x2e: {  	_ =	swait.ge [sflag:s24], $0xFA0  }
0x2f: {  	[sflag:s24] =	ssyncset.done $0x0  }
0x30: {  	[sflag:s24] =	ssyncadd.s32 $0xFFFFF060  }
0x31: {  	[bflag:$0x0] =	sbarrier.arrive $0xFFFF  }
0x32: {  	s18 =	rddreg [dreg:$0x18]  }
0x33: {  	[tilespmem:s3], [sflag:$0x15] =	stream.linear.gather [spmem:s18], $0x1000, $0x38;
	[tilespmem:$0xA680] =	vst v63  }
0x34: {  	_ =	swait.ge [sflag:s24], $0x1000  }
0x35: {  	s29 =	simm.s32 $0x20;
	[sflag:s24] =	ssyncset.done $0x0  }
0x36: {  	s7 =	simm.s32 $0x40;
	s2 =	rddreg [dreg:$0xa];
	[sflag:s24] =	ssyncadd.s32 $0xFFFFF000  }
0x37: {  	[hbm4b:s2+s29] =	stream.strided.scatter [tilespmem:s3], [sflag:$0x15], $0x1000, s7, s29, $0x38;
	[tilespmem:$0xA680] =	vst v63  }
0x38: {  	_ =	swait.ge [sflag:s24], $0x1000  }
0x39: {  	[sflag:s24] =	ssyncset.done $0x0  }
0x3a: {  	s19 =	rddreg [dreg:$0x19];
	[sflag:s24] =	ssyncadd.s32 $0xFFFFF000  }
0x3b: {  	[tilespmem:s3], [sflag:$0x15] =	stream.linear.gather [spmem:s19], $0x1000, $0x38;
	[tilespmem:$0xA680] =	vst v63  }
0x3c: {  	_ =	swait.ge [sflag:s24], $0x1000  }
0x3d: {  	[sflag:s24] =	ssyncset.done $0x0  }
0x3e: {  	s30 =	rddreg [dreg:$0xb];
	[sflag:s24] =	ssyncadd.s32 $0xFFFFF000  }
0x3f: {  	[hbm4b:s30+s29] =	stream.strided.scatter [tilespmem:s3], [sflag:$0x15], $0x1000, s7, s29, $0x38;
	[tilespmem:$0xA680] =	vst v63  }
0x40: {  	_ =	swait.ge [sflag:s24], $0x1000  }
0x41: {  	[sflag:s24] =	ssyncset.done $0x0  }
0x42: {  	s20 =	rddreg [dreg:$0x1a];
	[sflag:s24] =	ssyncadd.s32 $0xFFFFF000  }
0x43: {  	[tilespmem:s3], [sflag:$0x15] =	stream.linear.gather [spmem:s20], $0x1000, $0x38;
	[tilespmem:$0xA680] =	vst v63  }
0x44: {  	_ =	swait.ge [sflag:s24], $0x1000  }
0x45: {  	[sflag:s24] =	ssyncset.done $0x0  }
0x46: {  	s4 =	rddreg [dreg:$0xc];
	[sflag:s24] =	ssyncadd.s32 $0xFFFFF000  }
0x47: {  	[hbm4b:s4+s29] =	stream.strided.scatter [tilespmem:s3], [sflag:$0x15], $0x1000, s7, s29, $0x38;
	[tilespmem:$0xA680] =	vst v63  }
0x48: {  	_ =	swait.ge [sflag:s24], $0x1000  }
0x49: {  	[sflag:s24] =	ssyncset.done $0x0  }
0x4a: {  	s4 =	rddreg [dreg:$0x1b];
	[sflag:s24] =	ssyncadd.s32 $0xFFFFF000  }
0x4b: {  	[tilespmem:s3], [sflag:$0x15] =	stream.linear.gather [spmem:s4], $0x1000, $0x38;
	[tilespmem:$0xA680] =	vst v63  }
0x4c: {  	_ =	swait.ge [sflag:s24], $0x1000  }
0x4d: {  	[sflag:s24] =	ssyncset.done $0x0  }
0x4e: {  	s23 =	rddreg [dreg:$0xd];
	[sflag:s24] =	ssyncadd.s32 $0xFFFFF000  }
0x4f: {  	[hbm4b:s23+s29] =	stream.strided.scatter [tilespmem:s3], [sflag:$0x15], $0x1000, s7, s29, $0x38;
	[tilespmem:$0xA680] =	vst v63  }
0x50: {  	_ =	swait.ge [sflag:s24], $0x1000  }
0x51: {  	[sflag:s24] =	ssyncset.done $0x0  }
0x52: {  	s23 =	rddreg [dreg:$0x1c];
	[sflag:s24] =	ssyncadd.s32 $0xFFFFF000  }
0x53: {  	[tilespmem:s3], [sflag:$0x15] =	stream.linear.gather [spmem:s23], $0x1000, $0x38;
	[tilespmem:$0xA680] =	vst v63  }
0x54: {  	_ =	swait.ge [sflag:s24], $0x1000  }
0x55: {  	[sflag:s24] =	ssyncset.done $0x0  }
0x56: {  	s25 =	rddreg [dreg:$0xe];
	[sflag:s24] =	ssyncadd.s32 $0xFFFFF000  }
0x57: {  	[hbm4b:s25+s29] =	stream.strided.scatter [tilespmem:s3], [sflag:$0x15], $0x1000, s7, s29, $0x38;
	[tilespmem:$0xA680] =	vst v63  }
0x58: {  	_ =	swait.ge [sflag:s24], $0x1000  }
0x59: {  	s29 =	rddreg [dreg:$0x1e]  }
0x5a: {  	s30 =	rddreg [dreg:$0x1d];
	s0 =	sadd.s32 $0x1, s29  }
0x5b: {  	p0 =	sne.s32 s0, s30  }
.Ltmp1:
0x5c: {  	_ = 	snop;
	(pc) =	sbr.rel @!p0 .LBB2_5-.Ltmp1, $3  }
0x5d: {  	_ =	sdelay $0x1  }
0x5e: {  	[sflag:s24] =	ssyncset.done $0x0  }
0x5f: {  	s31 =	simm.s32 $0x6380;
	[sflag:s24] =	ssyncadd.s32 $0xFFFFF000  }
.LBB2_1:
0x60: {  	s25 =	simm.s32 $0x6000  }
0x61: {  	[tilespmem:s25], [sflag:$0x1] =	stream.linear.gather [hbm4b:s5+s3], $0x80, $0x38;
	[tilespmem:$0xA680] =	vst v63  }
0x62: {  	[dreg:$0x1e] =	wrdreg s0;
	s2 =	simm.s32 $0x6400  }
0x63: {  	[tilespmem:s2], [sflag:$0x9] =	stream.linear.gather [hbm4b:s6+s3], $0x80, $0x38;
	[tilespmem:$0xA680] =	vst v63  }
0x64: {  	s29 =	simm.s32 $0x6080;
	s2 =	rddreg [dreg:$0x5]  }
0x65: {  	[tilespmem:s29], [sflag:$0x2] =	stream.linear.gather [hbm4b:s2+s3], $0x80, $0x38;
	[tilespmem:$0xA680] =	vst v63  }
0x66: {  	s30 =	simm.s32 $0x6480;
	s2 =	rddreg [dreg:$0x6]  }
0x67: {  	[tilespmem:s30], [sflag:$0xA] =	stream.linear.gather [hbm4b:s2+s3], $0x80, $0x38;
	[tilespmem:$0xA680] =	vst v63  }
0x68: {  	s2 =	rddreg [dreg:$0x7];
	s30 =	simm.s32 $0x6100  }
0x69: {  	[tilespmem:s30], [sflag:$0x3] =	stream.linear.gather [hbm4b:s2+s3], $0x80, $0x38;
	[tilespmem:$0xA680] =	vst v63  }
0x6a: {  	s2 =	rddreg [dreg:$0x8];
	s30 =	simm.s32 $0x6500  }
0x6b: {  	[tilespmem:s30], [sflag:$0xB] =	stream.linear.gather [hbm4b:s2+s3], $0x80, $0x38;
	[tilespmem:$0xA680] =	vst v63  }
0x6c: {  	s2 =	rddreg [dreg:$0x9];
	s30 =	simm.s32 $0x6180  }
0x6d: {  	[tilespmem:s30], [sflag:$0x4] =	stream.linear.gather [hbm4b:s2+s3], $0x80, $0x38;
	[tilespmem:$0xA680] =	vst v63  }
0x6e: {  	s2 =	rddreg [dreg:$0xf];
	s30 =	simm.s32 $0x6580  }
0x6f: {  	[tilespmem:s30], [sflag:$0xC] =	stream.linear.gather [hbm4b:s2+s3], $0x80, $0x38;
	[tilespmem:$0xA680] =	vst v63  }
0x70: {  	s2 =	rddreg [dreg:$0x10];
	s30 =	simm.s32 $0x6200  }
0x71: {  	[tilespmem:s30], [sflag:$0x5] =	stream.linear.gather [hbm4b:s2+s3], $0x80, $0x38;
	[tilespmem:$0xA680] =	vst v63  }
0x72: {  	s2 =	rddreg [dreg:$0x11];
	s30 =	simm.s32 $0x6600  }
0x73: {  	[tilespmem:s30], [sflag:$0xD] =	stream.linear.gather [hbm4b:s2+s3], $0x80, $0x38;
	[tilespmem:$0xA680] =	vst v63  }
0x74: {  	s2 =	rddreg [dreg:$0x12];
	s30 =	simm.s32 $0x6280  }
0x75: {  	[tilespmem:s30], [sflag:$0x6] =	stream.linear.gather [hbm4b:s2+s3], $0x80, $0x38;
	[tilespmem:$0xA680] =	vst v63  }
0x76: {  	s2 =	rddreg [dreg:$0x13];
	s30 =	simm.s32 $0x6680  }
0x77: {  	[tilespmem:s30], [sflag:$0xE] =	stream.linear.gather [hbm4b:s2+s3], $0x80, $0x38;
	[tilespmem:$0xA680] =	vst v63  }
0x78: {  	s2 =	rddreg [dreg:$0x14];
	s30 =	simm.s32 $0x6300  }
0x79: {  	[tilespmem:s30], [sflag:$0x7] =	stream.linear.gather [hbm4b:s2+s3], $0x80, $0x38;
	[tilespmem:$0xA680] =	vst v63  }
0x7a: {  	s0 =	simm.s32 $0x6700;
	s2 =	rddreg [dreg:$0x15]  }
0x7b: {  	[tilespmem:s0], [sflag:$0xF] =	stream.linear.gather [hbm4b:s2+s3], $0x80, $0x38;
	[tilespmem:$0xA680] =	vst v63  }
0x7c: {  	s2 =	rddreg [dreg:$0x16]  }
0x7d: {  	[tilespmem:s31], [sflag:$0x8] =	stream.linear.gather [hbm4b:s2+s3], $0x80, $0x38;
	[tilespmem:$0xA680] =	vst v63  }
0x7e: {  	s7 =	simm.s32 $0x6780;
	s2 =	rddreg [dreg:$0x17]  }
0x7f: {  	[tilespmem:s7], [sflag:$0x10] =	stream.linear.gather [hbm4b:s2+s3], $0x80, $0x38;
	[tilespmem:$0xA680] =	vst v63  }
0x80: {  	s7 =	simm.s32 $0x1  }
0x81: {  	_ =	swait.ge [sflag:s7], $0x80  }
0x82: {  	[sflag:s7] =	ssyncset.done $0x0  }
0x83: {  	[sflag:s7] =	ssyncadd.s32 $0xFFFFFF80  }
0x84: {  	[tilespmem:s10], [sflag:$0x11] =	stream.indirect.gather [hbm4b:s26+s22], $0x20, s25, s22, $0xb8;
	[tilespmem:$0xA680] =	vst v63  }
0x85: {  	s25 =	simm.s32 $0x2  }
0x86: {  	_ =	swait.ge [sflag:s25], $0x80  }
0x87: {  	[sflag:s25] =	ssyncset.done $0x0  }
0x88: {  	s7 =	simm.s32 $0x3;
	[sflag:s25] =	ssyncadd.s32 $0xFFFFFF80  }
0x89: {  	[tilespmem:s11], [sflag:$0x12] =	stream.indirect.gather [hbm4b:s26+s22], $0x20, s29, s22, $0xb8;
	[tilespmem:$0xA680] =	vst v63  }
0x8a: {  	_ =	swait.ge [sflag:s7], $0x80  }
0x8b: {  	[sflag:s7] =	ssyncset.done $0x0  }
0x8c: {  	s10 =	simm.s32 $0x6100;
	s11 =	simm.s32 $0x4;
	[sflag:s7] =	ssyncadd.s32 $0xFFFFFF80  }
0x8d: {  	[tilespmem:s8], [sflag:$0x13] =	stream.indirect.gather [hbm4b:s26+s22], $0x20, s10, s22, $0xb8;
	[tilespmem:$0xA680] =	vst v63  }
0x8e: {  	_ =	swait.ge [sflag:s11], $0x80  }
0x8f: {  	[sflag:s11] =	ssyncset.done $0x0  }
0x90: {  	s25 =	simm.s32 $0x6180;
	[sflag:s11] =	ssyncadd.s32 $0xFFFFFF80  }
0x91: {  	[tilespmem:s21], [sflag:$0x14] =	stream.indirect.gather [hbm4b:s26+s22], $0x20, s25, s22, $0xb8;
	[tilespmem:$0xA680] =	vst v63  }
0x92: {  	s29 =	rddreg [dreg:$0x4]  }
0x93: {  	[tilespmem:s3], [sflag:$0x15] =	stream.linear.gather [hbm4b:s29+s3], $0x1000, $0x38;
	[tilespmem:$0xA680] =	vst v63  }
0x94: {  	_ =	swait.ge [sflag:s24], $0x1000  }
0x95: {  	[sflag:s24] =	ssyncset.done $0x0  }
0x96: {  	[sflag:s24] =	ssyncadd.s32 $0xFFFFF000  }
0x97: {  	[spmem:s18] =	stream.linear.scatter [tilespmem:s3], [sflag:$0x15], $0x1000, $0x38;
	[tilespmem:$0xA680] =	vst v63  }
0x98: {  	_ =	swait.ge [sflag:s24], $0x1000  }
0x99: {  	[sflag:s24] =	ssyncset.done $0x0  }
0x9a: {  	[sflag:s24] =	ssyncadd.s32 $0xFFFFF000  }
0x9b: {  	[spmem:s19] =	stream.linear.scatter [tilespmem:s3], [sflag:$0x15], $0x1000, $0x38;
	[tilespmem:$0xA680] =	vst v63  }
0x9c: {  	_ =	swait.ge [sflag:s24], $0x1000  }
0x9d: {  	[sflag:s24] =	ssyncset.done $0x0  }
0x9e: {  	[sflag:s24] =	ssyncadd.s32 $0xFFFFF000  }
0x9f: {  	[spmem:s20] =	stream.linear.scatter [tilespmem:s3], [sflag:$0x15], $0x1000, $0x38;
	[tilespmem:$0xA680] =	vst v63  }
0xa0: {  	_ =	swait.ge [sflag:s24], $0x1000  }
0xa1: {  	[sflag:s24] =	ssyncset.done $0x0  }
0xa2: {  	[sflag:s24] =	ssyncadd.s32 $0xFFFFF000  }
0xa3: {  	[spmem:s4] =	stream.linear.scatter [tilespmem:s3], [sflag:$0x15], $0x1000, $0x38;
	[tilespmem:$0xA680] =	vst v63  }
0xa4: {  	_ =	swait.ge [sflag:s24], $0x1000  }
0xa5: {  	[sflag:s24] =	ssyncset.done $0x0  }
0xa6: {  	[sflag:s24] =	ssyncadd.s32 $0xFFFFF000  }
0xa7: {  	[spmem:s23] =	stream.linear.scatter [tilespmem:s3], [sflag:$0x15], $0x1000, $0x38;
	[tilespmem:$0xA680] =	vst v63  }
0xa8: {  	_ =	swait.ge [sflag:s24], $0x1000  }
0xa9: {  	[sflag:s24] =	ssyncset.done $0x0  }
0xaa: {  	[sflag:s24] =	ssyncadd.s32 $0xFFFFF000  }
0xab: {  	s18 =	simm.s32 $0x0;
	[bflag:$0x0] =	sbarrier.arrive $0xFFFF  }
.LBB2_2:
0xac: {  	_ =	swait.ge [sflag:s28], $0xFA0  }
0xad: {  	[sflag:s28] =	ssyncset.done $0x0  }
0xae: {  	s2 =	simm.s32 $0x9;
	[sflag:s28] =	ssyncadd.s32 $0xFFFFF060  }
0xaf: {  	_ =	swait.ge [sflag:s2], $0x80  }
0xb0: {  	s29 =	simm.s32 $0x6400;
	[sflag:s2] =	ssyncset.done $0x0  }
0xb1: {  	s7 =	simm.s32 $0x6800;
	p0 =	seq.s32 s18, $0x980;
	[sflag:s2] =	ssyncadd.s32 $0xFFFFFF80  }
0xb2: {  	[spmem:s1] =	stream.indirect.scatter.add.bf16 [tilespmem:s7], [sflag:$0x15], $0x20, s29, s22, $0xb8;
	[tilespmem:$0xA680] =	vst v63  }
0xb3: {  	s20 =	sadd.s32 @!p0 s18, s5;
	_ =	swait.ge [sflag:s24], $0xFA0  }
0xb4: {  	s19 =	simm.s32 @!p0 $0x0;
	s23 =	simm.s32 @!p0 $0x6000;
	[sflag:s24] =	ssyncset.done $0x0  }
0xb5: {  	s25 =	sadd.s32 @!p0 s18, s6;
	s4 =	sadd.s32 @!p0 $0x80, s20;
	[sflag:s24] =	ssyncadd.s32 $0xFFFFF060  }
0xb6: {  	[tilespmem:s23], [sflag:$0x1] =	stream.linear.gather @!p0 [hbm4b:s4+s19], $0x80, $0x38;
	[tilespmem:$0xA680] =	vst v63  }
0xb7: {  	s2 =	simm.s32 @!p0 $0x6400;
	s4 =	sadd.s32 @!p0 $0x80, s25  }
0xb8: {  	[tilespmem:s2], [sflag:$0x9] =	stream.linear.gather @!p0 [hbm4b:s4+s19], $0x80, $0x38;
	[tilespmem:$0xA680] =	vst v63  }
0xb9: {  	s4 =	simm.s32 $0x5  }
0xba: {  	_ =	swait.ge [sflag:s4], $0x80  }
0xbb: {  	[sflag:s4] =	ssyncset.done $0x0  }
0xbc: {  	s10 =	simm.s32 $0x6200;
	s11 =	simm.s32 $0x12;
	[sflag:s4] =	ssyncadd.s32 $0xFFFFFF80  }
0xbd: {  	[tilespmem:s7], [sflag:$0x11] =	stream.indirect.gather [hbm4b:s26+s22], $0x20, s10, s22, $0xb8;
	[tilespmem:$0xA680] =	vst v63  }
0xbe: {  	_ =	swait.ge [sflag:s11], $0xFA0  }
0xbf: {  	[sflag:s11] =	ssyncset.done $0x0  }
0xc0: {  	s29 =	simm.s32 $0xA;
	[sflag:s11] =	ssyncadd.s32 $0xFFFFF060  }
0xc1: {  	_ =	swait.ge [sflag:s29], $0x80  }
0xc2: {  	[sflag:s29] =	ssyncset.done $0x0  }
0xc3: {  	s4 =	simm.s32 $0x6480;
	s10 =	simm.s32 $0x77A0;
	[sflag:s29] =	ssyncadd.s32 $0xFFFFFF80  }
0xc4: {  	[spmem:s1] =	stream.indirect.scatter.add.bf16 [tilespmem:s10], [sflag:$0x15], $0x20, s4, s22, $0xb8;
	[tilespmem:$0xA680] =	vst v63  }
0xc5: {  	_ =	swait.ge [sflag:s24], $0xFA0  }
0xc6: {  	[sflag:s24] =	ssyncset.done $0x0  }
0xc7: {  	s2 =	sadd.s32 @!p0 $0x90, s20;
	s4 =	simm.s32 @!p0 $0x6080;
	[sflag:s24] =	ssyncadd.s32 $0xFFFFF060  }
0xc8: {  	[tilespmem:s4], [sflag:$0x2] =	stream.linear.gather @!p0 [hbm4b:s2+s19], $0x80, $0x38;
	[tilespmem:$0xA680] =	vst v63  }
0xc9: {  	s11 =	simm.s32 $0x6;
	s29 =	simm.s32 @!p0 $0x6480;
	s2 =	sadd.s32 @!p0 $0x90, s25  }
0xca: {  	[tilespmem:s29], [sflag:$0xA] =	stream.linear.gather @!p0 [hbm4b:s2+s19], $0x80, $0x38;
	[tilespmem:$0xA680] =	vst v63  }
0xcb: {  	_ =	swait.ge [sflag:s11], $0x80  }
0xcc: {  	[sflag:s11] =	ssyncset.done $0x0  }
0xcd: {  	s29 =	simm.s32 $0x6280;
	[sflag:s11] =	ssyncadd.s32 $0xFFFFFF80  }
0xce: {  	[tilespmem:s10], [sflag:$0x12] =	stream.indirect.gather [hbm4b:s26+s22], $0x20, s29, s22, $0xb8;
	[tilespmem:$0xA680] =	vst v63  }
0xcf: {  	_ =	swait.ge [sflag:s9], $0xFA0  }
0xd0: {  	[sflag:s9] =	ssyncset.done $0x0  }
0xd1: {  	s10 =	simm.s32 $0xB;
	[sflag:s9] =	ssyncadd.s32 $0xFFFFF060  }
0xd2: {  	_ =	swait.ge [sflag:s10], $0x80  }
0xd3: {  	[sflag:s10] =	ssyncset.done $0x0  }
0xd4: {  	s29 =	simm.s32 $0x6500;
	[sflag:s10] =	ssyncadd.s32 $0xFFFFFF80  }
0xd5: {  	[spmem:s1] =	stream.indirect.scatter.add.bf16 [tilespmem:s8], [sflag:$0x15], $0x20, s29, s22, $0xb8;
	[tilespmem:$0xA680] =	vst v63  }
0xd6: {  	_ =	swait.ge [sflag:s24], $0xFA0  }
0xd7: {  	[sflag:s24] =	ssyncset.done $0x0  }
0xd8: {  	s2 =	sadd.s32 @!p0 $0xA0, s20;
	s29 =	simm.s32 @!p0 $0x6100;
	[sflag:s24] =	ssyncadd.s32 $0xFFFFF060  }
0xd9: {  	[tilespmem:s29], [sflag:$0x3] =	stream.linear.gather @!p0 [hbm4b:s2+s19], $0x80, $0x38;
	[tilespmem:$0xA680] =	vst v63  }
0xda: {  	s10 =	simm.s32 $0x7;
	s2 =	sadd.s32 @!p0 $0xA0, s25;
	s29 =	simm.s32 @!p0 $0x6500  }
0xdb: {  	[tilespmem:s29], [sflag:$0xB] =	stream.linear.gather @!p0 [hbm4b:s2+s19], $0x80, $0x38;
	[tilespmem:$0xA680] =	vst v63  }
0xdc: {  	_ =	swait.ge [sflag:s10], $0x80  }
0xdd: {  	[sflag:s10] =	ssyncset.done $0x0  }
0xde: {  	[sflag:s10] =	ssyncadd.s32 $0xFFFFFF80  }
0xdf: {  	[tilespmem:s8], [sflag:$0x13] =	stream.indirect.gather [hbm4b:s26+s22], $0x20, s30, s22, $0xb8;
	[tilespmem:$0xA680] =	vst v63  }
0xe0: {  	_ =	swait.ge [sflag:s12], $0xFA0  }
0xe1: {  	[sflag:s12] =	ssyncset.done $0x0  }
0xe2: {  	[sflag:s12] =	ssyncadd.s32 $0xFFFFF060  }
0xe3: {  	_ =	swait.ge [sflag:s13], $0x80  }
0xe4: {  	[sflag:s13] =	ssyncset.done $0x0  }
0xe5: {  	s29 =	simm.s32 $0x6580;
	[sflag:s13] =	ssyncadd.s32 $0xFFFFFF80  }
0xe6: {  	[spmem:s1] =	stream.indirect.scatter.add.bf16 [tilespmem:s21], [sflag:$0x15], $0x20, s29, s22, $0xb8;
	[tilespmem:$0xA680] =	vst v63  }
0xe7: {  	_ =	swait.ge [sflag:s24], $0xFA0  }
0xe8: {  	[sflag:s24] =	ssyncset.done $0x0  }
0xe9: {  	s2 =	sadd.s32 @!p0 $0xB0, s20;
	s29 =	simm.s32 @!p0 $0x6180;
	[sflag:s24] =	ssyncadd.s32 $0xFFFFF060  }
0xea: {  	[tilespmem:s29], [sflag:$0x4] =	stream.linear.gather @!p0 [hbm4b:s2+s19], $0x80, $0x38;
	[tilespmem:$0xA680] =	vst v63  }
0xeb: {  	s2 =	sadd.s32 @!p0 $0xB0, s25;
	s29 =	simm.s32 @!p0 $0x6580  }
0xec: {  	[tilespmem:s29], [sflag:$0xC] =	stream.linear.gather @!p0 [hbm4b:s2+s19], $0x80, $0x38;
	[tilespmem:$0xA680] =	vst v63  }
0xed: {  	_ =	swait.ge [sflag:s14], $0x80  }
0xee: {  	[sflag:s14] =	ssyncset.done $0x0  }
0xef: {  	[sflag:s14] =	ssyncadd.s32 $0xFFFFFF80  }
0xf0: {  	[tilespmem:s21], [sflag:$0x14] =	stream.indirect.gather [hbm4b:s26+s22], $0x20, s31, s22, $0xb8;
	[tilespmem:$0xA680] =	vst v63  }
0xf1: {  	_ =	swait.ge [sflag:s28], $0xFA0  }
0xf2: {  	[sflag:s28] =	ssyncset.done $0x0  }
0xf3: {  	[sflag:s28] =	ssyncadd.s32 $0xFFFFF060  }
0xf4: {  	_ =	swait.ge [sflag:s15], $0x80  }
0xf5: {  	[sflag:s15] =	ssyncset.done $0x0  }
0xf6: {  	s30 =	simm.s32 $0x6600;
	[sflag:s15] =	ssyncadd.s32 $0xFFFFFF80  }
0xf7: {  	[spmem:s1] =	stream.indirect.scatter.add.bf16 [tilespmem:s7], [sflag:$0x15], $0x20, s30, s22, $0xb8;
	[tilespmem:$0xA680] =	vst v63  }
0xf8: {  	_ =	swait.ge [sflag:s24], $0xFA0  }
0xf9: {  	[sflag:s24] =	ssyncset.done $0x0  }
0xfa: {  	s2 =	simm.s32 @p0 $0x12;
	[sflag:s24] =	ssyncadd.s32 $0xFFFFF060  }
0xfb: {  	_ =	swait.ge @p0 [sflag:s2], $0xFA0  }
0xfc: {  	[sflag:s2] =	ssyncset.done @p0 $0x0  }
0xfd: {  	[sflag:s2] =	ssyncadd.s32 @p0 $0xFFFFF060;
	s2 =	simm.s32 @p0 $0xE  }
0xfe: {  	_ =	swait.ge @p0 [sflag:s2], $0x80  }
0xff: {  	s29 =	simm.s32 @p0 $0x6680;
	[sflag:s2] =	ssyncset.done @p0 $0x0  }
0x100: {  	s30 =	simm.s32 @p0 $0x77A0;
	[sflag:s2] =	ssyncadd.s32 @p0 $0xFFFFFF80;
	s2 =	simm.s32 @p0 $0x7D  }
0x101: {  	[spmem:s1] =	stream.indirect.scatter.add.bf16 @p0 [tilespmem:s30], [sflag:$0x15], $0x20, s29, s2, $0xb8;
	[tilespmem:$0xA680] =	vst v63  }
0x102: {  	s2 =	simm.s32 @p0 $0x15  }
0x103: {  	_ =	swait.ge @p0 [sflag:s2], $0xFA0  }
0x104: {  	[sflag:s2] =	ssyncset.done @p0 $0x0  }
0x105: {  	s29 =	simm.s32 @!p0 $0x6200;
	[sflag:s2] =	ssyncadd.s32 @p0 $0xFFFFF060;
	s2 =	sadd.s32 @!p0 $0xC0, s20  }
0x106: {  	[tilespmem:s29], [sflag:$0x5] =	stream.linear.gather @!p0 [hbm4b:s2+s19], $0x80, $0x38;
	[tilespmem:$0xA680] =	vst v63  }
0x107: {  	s2 =	sadd.s32 @!p0 $0xC0, s25;
	s29 =	simm.s32 @!p0 $0x6600  }
0x108: {  	[tilespmem:s29], [sflag:$0xD] =	stream.linear.gather @!p0 [hbm4b:s2+s19], $0x80, $0x38;
	[tilespmem:$0xA680] =	vst v63  }
0x109: {  	s2 =	simm.s32 @!p0 $0x1  }
0x10a: {  	_ =	swait.ge @!p0 [sflag:s2], $0x80  }
0x10b: {  	[sflag:s2] =	ssyncset.done @!p0 $0x0  }
0x10c: {  	s29 =	simm.s32 @!p0 $0x6800;
	[sflag:s2] =	ssyncadd.s32 @!p0 $0xFFFFFF80;
	s2 =	simm.s32 @!p0 $0x7D  }
0x10d: {  	[tilespmem:s29], [sflag:$0x11] =	stream.indirect.gather @!p0 [hbm4b:s26+s2], $0x20, s23, s2, $0xb8;
	[tilespmem:$0xA680] =	vst v63  }
0x10e: {  	s23 =	simm.s32 @!p0 $0x12  }
0x10f: {  	_ =	swait.ge @!p0 [sflag:s23], $0xFA0  }
0x110: {  	[sflag:s23] =	ssyncset.done @!p0 $0x0  }
0x111: {  	[sflag:s23] =	ssyncadd.s32 @!p0 $0xFFFFF060;
	s23 =	simm.s32 @!p0 $0xE  }
0x112: {  	_ =	swait.ge @!p0 [sflag:s23], $0x80  }
0x113: {  	s30 =	simm.s32 @!p0 $0x15;
	[sflag:s23] =	ssyncset.done @!p0 $0x0  }
0x114: {  	s29 =	simm.s32 @!p0 $0x77A0;
	[sflag:s23] =	ssyncadd.s32 @!p0 $0xFFFFFF80;
	s23 =	simm.s32 @!p0 $0x6680  }
0x115: {  	[spmem:s1] =	stream.indirect.scatter.add.bf16 @!p0 [tilespmem:s29], [sflag:$0x15], $0x20, s23, s2, $0xb8;
	[tilespmem:$0xA680] =	vst v63  }
0x116: {  	_ =	swait.ge @!p0 [sflag:s30], $0xFA0  }
0x117: {  	[sflag:s30] =	ssyncset.done @!p0 $0x0  }
0x118: {  	s20 =	sadd.s32 @!p0 $0xD0, s20;
	[sflag:s30] =	ssyncadd.s32 @!p0 $0xFFFFF060;
	s30 =	simm.s32 @!p0 $0x6280  }
0x119: {  	[tilespmem:s30], [sflag:$0x6] =	stream.linear.gather @!p0 [hbm4b:s20+s19], $0x80, $0x38;
	[tilespmem:$0xA680] =	vst v63  }
0x11a: {  	s20 =	sadd.s32 @!p0 $0xD0, s25  }
0x11b: {  	[tilespmem:s23], [sflag:$0xE] =	stream.linear.gather @!p0 [hbm4b:s20+s19], $0x80, $0x38;
	[tilespmem:$0xA680] =	vst v63  }
0x11c: {  	s19 =	simm.s32 @!p0 $0x2  }
0x11d: {  	_ =	swait.ge @!p0 [sflag:s19], $0x80  }
0x11e: {  	[sflag:s19] =	ssyncset.done @!p0 $0x0  }
0x11f: {  	[sflag:s19] =	ssyncadd.s32 @!p0 $0xFFFFFF80  }
0x120: {  	[tilespmem:s29], [sflag:$0x12] =	stream.indirect.gather @!p0 [hbm4b:s26+s2], $0x20, s4, s2, $0xb8;
	[tilespmem:$0xA680] =	vst v63  }
0x121: {  	_ =	swait.ge [sflag:s9], $0xFA0  }
0x122: {  	[sflag:s9] =	ssyncset.done $0x0  }
0x123: {  	[sflag:s9] =	ssyncadd.s32 $0xFFFFF060  }
0x124: {  	_ =	swait.ge [sflag:s16], $0x80  }
0x125: {  	[sflag:s16] =	ssyncset.done $0x0  }
.Ltmp2:
0x126: {  	[sflag:s16] =	ssyncadd.s32 $0xFFFFFF80;
	(pc) =	sbr.rel @p0 .LBB2_4-.Ltmp2, $4  }
0x127: {  	[spmem:s1] =	stream.indirect.scatter.add.bf16 [tilespmem:s8], [sflag:$0x15], $0x20, s0, s22, $0xb8;
	[tilespmem:$0xA680] =	vst v63  }
0x128: {  	s11 =	simm.s32 $0x77A0;
	_ =	swait.ge [sflag:s24], $0xFA0  }
0x129: {  	s10 =	simm.s32 $0x6800;
	s31 =	simm.s32 $0x6300;
	[sflag:s24] =	ssyncset.done $0x0  }
0x12a: {  	s7 =	simm.s32 $0x6380;
	s0 =	simm.s32 $0x6700;
	[sflag:s24] =	ssyncadd.s32 $0xFFFFF060  }
0x12b: {  	s2 =	sadd.s32 s18, s5  }
0x12c: {  	s29 =	sadd.s32 s18, s6;
	s4 =	sadd.s32 $0xE0, s2  }
0x12d: {  	[tilespmem:s31], [sflag:$0x7] =	stream.linear.gather [hbm4b:s4+s3], $0x80, $0x38;
	[tilespmem:$0xA680] =	vst v63  }
0x12e: {  	s10 =	simm.s32 $0x3;
	s19 =	sadd.s32 $0xE0, s29  }
0x12f: {  	[tilespmem:s0], [sflag:$0xF] =	stream.linear.gather [hbm4b:s19+s3], $0x80, $0x38;
	[tilespmem:$0xA680] =	vst v63  }
0x130: {  	_ =	swait.ge [sflag:s10], $0x80  }
0x131: {  	[sflag:s10] =	ssyncset.done $0x0  }
0x132: {  	s11 =	simm.s32 $0x6100;
	[sflag:s10] =	ssyncadd.s32 $0xFFFFFF80  }
0x133: {  	[tilespmem:s8], [sflag:$0x13] =	stream.indirect.gather [hbm4b:s26+s22], $0x20, s11, s22, $0xb8;
	[tilespmem:$0xA680] =	vst v63  }
0x134: {  	_ =	swait.ge [sflag:s12], $0xFA0  }
0x135: {  	[sflag:s12] =	ssyncset.done $0x0  }
0x136: {  	[sflag:s12] =	ssyncadd.s32 $0xFFFFF060  }
0x137: {  	_ =	swait.ge [sflag:s17], $0x80  }
0x138: {  	[sflag:s17] =	ssyncset.done $0x0  }
0x139: {  	s20 =	simm.s32 $0x6780;
	[sflag:s17] =	ssyncadd.s32 $0xFFFFFF80  }
0x13a: {  	[spmem:s1] =	stream.indirect.scatter.add.bf16 [tilespmem:s21], [sflag:$0x15], $0x20, s20, s22, $0xb8;
	[tilespmem:$0xA680] =	vst v63  }
0x13b: {  	_ =	swait.ge [sflag:s24], $0xFA0  }
0x13c: {  	[sflag:s24] =	ssyncset.done $0x0  }
0x13d: {  	s2 =	sadd.s32 $0xF0, s2;
	[sflag:s24] =	ssyncadd.s32 $0xFFFFF060  }
0x13e: {  	[tilespmem:s7], [sflag:$0x8] =	stream.linear.gather [hbm4b:s2+s3], $0x80, $0x38;
	[tilespmem:$0xA680] =	vst v63  }
0x13f: {  	s23 =	sadd.s32 $0xF0, s29  }
0x140: {  	[tilespmem:s20], [sflag:$0x10] =	stream.linear.gather [hbm4b:s23+s3], $0x80, $0x38;
	[tilespmem:$0xA680] =	vst v63  }
.Ltmp3:
0x141: {  	s25 =	simm.s32 $0x4;
	(pc) =	sbr.rel .LBB2_2-.Ltmp3, $4  }
0x142: {  	s18 =	sadd.s32 $0x80, s18;
	_ =	swait.ge [sflag:s25], $0x80  }
0x143: {  	s30 =	simm.s32 $0x6300;
	s29 =	simm.s32 $0x6180;
	[sflag:s25] =	ssyncset.done $0x0  }
0x144: {  	s31 =	simm.s32 $0x6380;
	s0 =	simm.s32 $0x6700;
	[sflag:s25] =	ssyncadd.s32 $0xFFFFFF80  }
0x145: {  	[tilespmem:s21], [sflag:$0x14] =	stream.indirect.gather [hbm4b:s26+s22], $0x20, s29, s22, $0xb8;
	[tilespmem:$0xA680] =	vst v63  }
.LBB2_5:
0x146: {  	_ =	sfence.sel $0x180000  }
0x147: {  	[bflag:$0x0] =	sbarrier.arrive $0xFFFF  }
0x148: {  	_ =	strace $0x9000004A  }
0x149: {  	s0 =	stileid.u32;
	[bflag:$0x2] =	sbarrier.arrive $0xFFFF  }
0x14a: {  	p0 =	sne.s32 s0, $0x0;
	s0 =	rddreg [dreg:$0x3]  }
0x14b: {  	s0 =	sadd.s32 @!p0 $0x100000, s0  }
0x14c: {  	[sflag:s0] =	ssyncadd.tile.s32 @!p0 $0x1;
	_ =	shalt  }
.Lfunc_end2:
_tile_overlayer_lowered:
.L_overlay_start_2:
0x14d: {  	(tag) =	ssettag $0x2  }
0x14e: {  	s0 =	rddreg [dreg:$0x0];
	s2 =	stileid.u32  }
0x14f: {  	s1 =	rddreg [dreg:$0x1];
	p0 =	sne.s32 s2, $0x0  }
0x150: {  	s3 =	rddreg [dreg:$0x2];
	[bflag:$0x3] =	sbarrier.arrive $0xFFFF;
	s2 =	simm.s32 @!p0 $0x1C15  }
0x151: {  	[timem:s3], [sflag:s2] =	dma.local @!p0 [hbm:s0], s1  }
0x152: {  	s0 =	simm.s32 @!p0 $0x15  }
0x153: {  	_ =	swait.ge @!p0 [sflag:s0], s1  }
0x154: {  	s1 =	ssub.s32 @!p0 $0x0, s1;
	[sflag:s0] =	ssyncset.done @!p0 $0x0  }
0x155: {  	[sflag:s0] =	ssyncadd.s32 @!p0 s1  }
0x156: {  	[bflag:$0x3] =	sbarrier.arrive $0xFFFF  }
0x157: {  	_ =	shalt  }

</sc_bundles>
